<compile_context>
chip_gen: v7x
topology: tpu7x:2x2x1
jax: 0.10.2.dev20260603
libtpu: 0.0.44.dev20260713+nightly
codegen_flags: <defaults>
</compile_context>

<pallas_src>
import functools

import jax
import jax.numpy as jnp
from jax import lax
from jax.experimental import pallas as pl
from jax.experimental.pallas import tpu as pltpu
from jax.experimental.pallas import tpu_sc as plsc

TOPK = 300
H = 512
W_ = 512
C = 96
NTAP = 9
HW = H * W_
BS = 16384


def _contract_body(w_ref, f_ref, g_ref):
    fb = f_ref[...].astype(jnp.bfloat16)
    g = jax.lax.dot_general(
        w_ref[...], fb, (((1,), (0,)), ((), ())),
        preferred_element_type=jnp.float32,
    )
    g_ref[...] = g[:NTAP, :]


def _stencil_body(g_ref, s_ref, p_ref):
    zrow = jnp.zeros((1, W_), jnp.float32)
    zcol = jnp.zeros((H, 1), jnp.float32)

    def shift(src, dy, dx):
        if dy == 0:
            src = jnp.concatenate([zrow, src[: H - 1, :]], axis=0)
        elif dy == 2:
            src = jnp.concatenate([src[1:, :], zrow], axis=0)
        if dx == 0:
            src = jnp.concatenate([zcol, src[:, : W_ - 1]], axis=1)
        elif dx == 2:
            src = jnp.concatenate([src[:, 1:], zcol], axis=1)
        return src

    acc = None
    for t in range(NTAP):
        dy, dx = t // 3, t % 3
        s = shift(g_ref[t], dy, dx)
        acc = s if acc is None else acc + s
    bv = s_ref[0]
    gv = s_ref[1]
    betav = s_ref[2]
    sq = s_ref[3]
    y = gv * (acc + bv) / sq + betav
    p_ref[...] = jax.nn.sigmoid(y)


def _conv_sigmoid(feature, W, b, gamma, beta):
    N = feature.shape[0]
    wb = W.astype(jnp.bfloat16)[0]
    wmat = wb.reshape(C, NTAP).T
    wmat = jnp.concatenate(
        [wmat, jnp.zeros((16 - NTAP, C), jnp.bfloat16)], axis=0
    )
    f_flat = feature.reshape(N, C, HW)

    g = pl.pallas_call(
        _contract_body,
        grid=(N, HW // BS),
        in_specs=[
            pl.BlockSpec((16, C), lambda n, j: (0, 0)),
            pl.BlockSpec((None, C, BS), lambda n, j: (n, 0, j)),
        ],
        out_specs=pl.BlockSpec((None, NTAP, BS), lambda n, j: (n, 0, j)),
        out_shape=jax.ShapeDtypeStruct((N, NTAP, HW), jnp.float32),
    )(wmat, f_flat)

    scal = jnp.concatenate(
        [
            b.astype(jnp.float32),
            gamma.astype(jnp.float32),
            beta.astype(jnp.float32),
            jnp.sqrt(jnp.float32(1.0 + 1e-5))[None],
        ]
    )

    g4 = g.reshape(N, NTAP, H, W_)
    p = pl.pallas_call(
        _stencil_body,
        grid=(N,),
        in_specs=[
            pl.BlockSpec((None, NTAP, H, W_), lambda n: (n, 0, 0, 0)),
            pl.BlockSpec(memory_space=pltpu.SMEM),
        ],
        out_specs=pl.BlockSpec((None, None, H, W_), lambda n: (n, 0, 0, 0)),
        out_shape=jax.ShapeDtypeStruct((N, 1, H, W_), jnp.float32),
    )(g4, scal)
    return p



L = 16
NSUB = 16
CHUNK = HW // NSUB
NVEC = CHUNK // L
NBIN = 4096
NGRP = NBIN // L
SLABW = NBIN // NSUB
CAP_W = 512
CAP_G = 1024
OUTP = 320


def _sc_topk_body(p_hbm, oval_hbm, oidx_hbm,
                  chunk, hist, slab, comb_l, ck, ci, cnt_stage, cnt_l,
                  ak, ai, lv, li, zi, seqi,
                  sh16, comb0, comb1, comb2, shcnt, shsl_k, shsl_i,
                  shck, shci, shv, shi):
    n = lax.axis_index("c")
    sid = lax.axis_index("s")
    base = pl.multiple_of(n * HW + sid * CHUNK, CHUNK)
    iota = lax.iota(jnp.int32, L)
    zero_iv = jnp.zeros((L,), jnp.int32)
    one_iv = jnp.ones((L,), jnp.int32)

    def zero_ref(ref, nvec, val):
        def f(i, _):
            ref[pl.ds(i * L, L)] = val
            return 0
        lax.fori_loop(0, nvec, f, 0)

    zero_ref(ck, CAP_W // L, zero_iv)
    zero_ref(ci, CAP_W // L, zero_iv)
    zero_ref(ak, CAP_G // L, zero_iv)
    zero_ref(ai, CAP_G // L, zero_iv)
    zero_ref(lv, OUTP // L, zero_iv)
    zero_ref(li, OUTP // L, zero_iv)
    zero_ref(zi, OUTP // L, zero_iv)

    def fill_seq(i, _):
        seqi[pl.ds(i * L, L)] = iota + i * L
        return 0
    lax.fori_loop(0, OUTP // L, fill_seq, 0)

    pltpu.sync_copy(p_hbm.at[pl.ds(base, CHUNK)], chunk)

    def hist_pass(comb_sh, bin_fn, k_need):
        zero_ref(hist, NGRP, zero_iv)

        def acc(i, _):
            key = chunk[pl.ds(i * L, L)]
            bins, msk = bin_fn(key)
            plsc.addupdate_scatter(hist, [bins], one_iv, mask=msk)
            return 0
        lax.fori_loop(0, NVEC, acc, 0)

        pltpu.sync_copy(hist, sh16.at[sid])
        plsc.subcore_barrier()
        pltpu.sync_copy(sh16.at[:, pl.ds(sid * SLABW, SLABW)], slab)

        def mrg(j, _):
            a = jnp.zeros((L,), jnp.int32)
            for r in range(NSUB):
                a = a + slab[r, pl.ds(j * L, L)]
            comb_l[pl.ds(j * L, L)] = a
            return 0
        lax.fori_loop(0, SLABW // L, mrg, 0)
        pltpu.sync_copy(comb_l.at[pl.ds(0, SLABW)],
                        comb_sh.at[pl.ds(sid * SLABW, SLABW)])
        plsc.subcore_barrier()
        pltpu.sync_copy(comb_sh, comb_l)

        def scan(t, carry):
            cum, gsel, kloc = carry
            g = NGRP - 1 - t
            s = jnp.sum(comb_l[pl.ds(g * L, L)])
            newcum = cum + s
            hit = jnp.logical_and(cum < k_need, newcum >= k_need)
            gsel = jnp.where(hit, g, gsel)
            kloc = jnp.where(hit, k_need - cum, kloc)
            return (newcum, gsel, kloc)
        _, gsel, kloc = lax.fori_loop(0, NGRP, scan, (0, 0, 1))

        hv = comb_l[pl.ds(pl.multiple_of(gsel * L, L), L)]
        suf = lax.rev(plsc.cumsum(lax.rev(hv, (0,))), (0,))
        ge = suf >= kloc
        boff_v = plsc.all_reduce_population_count(ge) - 1
        above = jnp.sum(jnp.where(iota > boff_v, hv, 0))
        k_next = kloc - above
        b_v = jnp.full((L,), gsel * L, jnp.int32) + boff_v
        return b_v, k_next

    b0_v, k1 = hist_pass(
        comb0,
        lambda key: (lax.shift_right_logical(key, 19), None),
        300)
    b1_v, k2 = hist_pass(
        comb1,
        lambda key: (
            jnp.bitwise_and(lax.shift_right_logical(key, 7), 0xFFF),
            lax.shift_right_logical(key, 19) == b0_v),
        k1)
    pref2_v = jnp.bitwise_or(lax.shift_left(b0_v, 12), b1_v)
    b2_v, _ = hist_pass(
        comb2,
        lambda key: (
            jnp.bitwise_and(key, 0x7F),
            lax.shift_right_logical(key, 7) == pref2_v),
        k2)
    t_v = jnp.bitwise_or(
        jnp.bitwise_or(lax.shift_left(b0_v, 19), lax.shift_left(b1_v, 7)),
        b2_v)

    def extract(i, off):
        key = chunk[pl.ds(i * L, L)]
        m = jnp.logical_and(key >= t_v, off < CAP_W - L)
        pc = plsc.all_reduce_population_count(m)[0]
        pos = off + plsc.cumsum(jnp.where(m, 1, 0)) - 1
        plsc.store_scatter(ck, [pos], key, mask=m)
        gidx = sid * CHUNK + i * L + iota
        plsc.store_scatter(ci, [pos], gidx, mask=m)
        return off + pc
    off = lax.fori_loop(0, NVEC, extract, 0)
    cw16 = jnp.bitwise_and(off + (L - 1), ~(L - 1))

    cnt_stage[pl.ds(0, L)] = jnp.where(iota == 0, cw16, 0)
    pltpu.sync_copy(cnt_stage, shcnt.at[sid, pl.ds(0, L)])

    def slabwr(t, _):
        pltpu.sync_copy(ck.at[pl.ds(t * L, L)],
                        shsl_k.at[sid, pl.ds(t * L, L)])
        pltpu.sync_copy(ci.at[pl.ds(t * L, L)],
                        shsl_i.at[sid, pl.ds(t * L, L)])
        return 0
    lax.fori_loop(0, cw16 // L, slabwr, 0)

    @pl.when(sid == 0)
    def _():
        pltpu.sync_copy(zi, shv)
        pltpu.sync_copy(zi, shi)
    plsc.subcore_barrier()
    pltpu.sync_copy(shcnt, cnt_l)

    def tots(w, tot):
        rv = cnt_l[w, pl.ds(0, L)]
        return tot + rv[0]
    c_tot = jnp.minimum(lax.fori_loop(0, NSUB, tots, 0), CAP_G)

    @pl.when(sid == 0)
    def _():
        def outer(w, dst):
            rv = cnt_l[w, pl.ds(0, L)]
            cwk = rv[0]

            def inner(t, dst2):
                @pl.when(dst2 < CAP_G)
                def _():
                    d = pl.multiple_of(dst2, L)
                    pltpu.sync_copy(shsl_k.at[w, pl.ds(t * L, L)],
                                    ak.at[pl.ds(d, L)])
                    pltpu.sync_copy(shsl_i.at[w, pl.ds(t * L, L)],
                                    ai.at[pl.ds(d, L)])
                return dst2 + L
            return lax.fori_loop(0, cwk // L, inner, dst)
        lax.fori_loop(0, NSUB, outer, 0)
        pltpu.sync_copy(ak, shck)
        pltpu.sync_copy(ai, shci)
    plsc.subcore_barrier()

    pltpu.sync_copy(shck, ak)
    pltpu.sync_copy(shci, ai)
    c_tot_v = jnp.full((L,), c_tot, jnp.int32)
    for v in range(CAP_G // (NSUB * L)):
        slotbase = pl.multiple_of(sid * L + v * (NSUB * L), L)
        slots = jnp.full((L,), slotbase, jnp.int32) + iota
        valid = slots < c_tot_v
        km = jnp.where(valid, ak[pl.ds(slotbase, L)], 0)
        im = jnp.where(valid, ai[pl.ds(slotbase, L)], 0)

        def rankjv(jv, r):
            kvec = ak[pl.ds(jv * L, L)]
            ivec = ai[pl.ds(jv * L, L)]
            for lane in range(L):
                kjv = jnp.full((L,), kvec[lane], jnp.int32)
                ijv = jnp.full((L,), ivec[lane], jnp.int32)
                gt = kjv > km
                eq = jnp.logical_and(kjv == km, ijv < im)
                r = r + jnp.where(jnp.logical_or(gt, eq), 1, 0)
            return r
        r = lax.fori_loop(0, c_tot // L, rankjv, zero_iv)
        sel = jnp.logical_and(r < TOPK, valid)
        plsc.store_scatter(lv, [r], km, mask=sel)
        plsc.store_scatter(li, [r], im, mask=sel)

    pltpu.sync_copy(lv, shv.at[seqi], add=True)
    pltpu.sync_copy(li, shi.at[seqi], add=True)
    plsc.subcore_barrier()

    @pl.when(sid == 0)
    def _():
        pltpu.sync_copy(shv, lv)
        pltpu.sync_copy(lv, oval_hbm.at[pl.ds(pl.multiple_of(n * OUTP, L), OUTP)])
        pltpu.sync_copy(shi, li)
        pltpu.sync_copy(li, oidx_hbm.at[pl.ds(pl.multiple_of(n * OUTP, L), OUTP)])


def _sc_topk(p_flat, nbatch):
    mesh = plsc.VectorSubcoreMesh(core_axis_name="c", subcore_axis_name="s")
    i32 = jnp.int32
    out_type = [
        jax.ShapeDtypeStruct((nbatch * OUTP,), i32),
        jax.ShapeDtypeStruct((nbatch * OUTP,), i32),
    ]
    scratch = [
        pltpu.VMEM((CHUNK,), i32),
        pltpu.VMEM((NBIN,), i32),
        pltpu.VMEM((NSUB, SLABW), i32),
        pltpu.VMEM((NBIN,), i32),
        pltpu.VMEM((CAP_W,), i32),
        pltpu.VMEM((CAP_W,), i32),
        pltpu.VMEM((L,), i32),
        pltpu.VMEM((NSUB, 128), i32),
        pltpu.VMEM((CAP_G,), i32),
        pltpu.VMEM((CAP_G,), i32),
        pltpu.VMEM((OUTP,), i32),
        pltpu.VMEM((OUTP,), i32),
        pltpu.VMEM((OUTP,), i32),
        pltpu.VMEM((OUTP,), i32),
        pltpu.VMEM_SHARED((NSUB, NBIN), i32),
        pltpu.VMEM_SHARED((NBIN,), i32),
        pltpu.VMEM_SHARED((NBIN,), i32),
        pltpu.VMEM_SHARED((NBIN,), i32),
        pltpu.VMEM_SHARED((NSUB, 128), i32),
        pltpu.VMEM_SHARED((NSUB, CAP_W), i32),
        pltpu.VMEM_SHARED((NSUB, CAP_W), i32),
        pltpu.VMEM_SHARED((CAP_G,), i32),
        pltpu.VMEM_SHARED((CAP_G,), i32),
        pltpu.VMEM_SHARED((OUTP,), i32),
        pltpu.VMEM_SHARED((OUTP,), i32),
    ]
    fn = functools.partial(
        pl.kernel, mesh=mesh, out_type=out_type, scratch_types=scratch,
        compiler_params=pltpu.CompilerParams(needs_layout_passes=False),
    )(_sc_topk_body)
    return fn(p_flat)


def kernel(feature, W, b, gamma, beta):
    p = _conv_sigmoid(feature, W, b, gamma, beta)
    N = p.shape[0]
    p_keys = jax.lax.bitcast_convert_type(p.reshape(-1), jnp.int32)
    keys, idxs = _sc_topk(p_keys, N)
    values = jax.lax.bitcast_convert_type(
        keys.reshape(N, OUTP)[:, :TOPK], jnp.float32)
    indices = idxs.reshape(N, OUTP)[:, :TOPK]
    xy = jnp.stack(
        (
            (indices // W_).astype(jnp.float32) / float(H),
            (indices % W_).astype(jnp.float32) / float(W_),
        ),
        axis=-1,
    )
    return (p, values, xy, indices)

# --- scband reference (transcript-rebuilt; emitter-appended) ---
"""Pipeline reference for scband-sparse-rep-points-head-60979945669322 (READ-ONLY COPY).

The authoritative reference and input builder live on the scoring server;
editing this copy changes nothing except your own understanding.
"""

import jax, jax.numpy as jnp
import numpy as np

TOPK = 300


def setup_inputs(seed: int = 0) -> dict:
    key = jax.random.key(seed)
    k1, k2 = jax.random.split(key, 2)
    feature = jax.random.normal(k1, (2, 96, 512, 512), dtype=jnp.float32)
    # Conv2d(channel=96 -> 1, kernel 3x3, padding=1) parameters
    W = jax.random.normal(k2, (1, 96, 3, 3), dtype=jnp.float32) * 0.05
    b = jnp.zeros((1,), dtype=jnp.float32)
    # BatchNorm2d(1) affine params (eval mode: running_mean=0, running_var=1)
    gamma = jnp.ones((1,), dtype=jnp.float32)
    beta = jnp.zeros((1,), dtype=jnp.float32)
    return {"feature": feature, "W": W, "b": b, "gamma": gamma, "beta": beta}


def reference(feature, W, b, gamma, beta):
    # ObjectnessHead.forward: conv -> batchnorm (eval) -> sigmoid
    y = jax.lax.conv_general_dilated(
        feature, W,
        window_strides=(1, 1),
        padding="SAME",
        dimension_numbers=("NCHW", "OIHW", "NCHW"),
    )
    y = y + b[None, :, None, None]
    eps = 1e-5
    y = gamma[None, :, None, None] * (y - 0.0) / jnp.sqrt(1.0 + eps) + beta[None, :, None, None]
    p = jax.nn.sigmoid(y)  # (N, 1, H, W)

    # ObjectnessHead.get_xy: top-k over flattened spatial map
    psq = p[:, 0, :, :]
    N, h, w = psq.shape
    flat = psq.reshape(N, -1)
    values, indices = jax.lax.top_k(flat, TOPK)
    xy = jnp.stack(
        (
            (indices // w).astype(jnp.float32) / float(h),
            (indices % w).astype(jnp.float32) / float(w),
        ),
        axis=-1,
    )  # (N, k, 2)
    return (p, values, xy, indices)

if __name__ == "__main__":
    import jax
    _d = setup_inputs()
    print(jax.jit(kernel)(*tuple(_d.values())))

</pallas_src>

<mosaic_0001>
#map = affine_map<(d0, d1) -> (0)>
module attributes {stable_mosaic.version = 14 : i64} {
  func.func @_sc_topk_body(%arg0: i32, %arg1: i32, %arg2: memref<524288xi32, #tpu.memory_space<hbm>>, %arg3: memref<640xi32, #tpu.memory_space<hbm>>, %arg4: memref<640xi32, #tpu.memory_space<hbm>>, %arg5: memref<16384xi32, #tpu.memory_space<vmem>>, %arg6: memref<4096xi32, #tpu.memory_space<vmem>>, %arg7: memref<16x256xi32, #tpu.memory_space<vmem>>, %arg8: memref<4096xi32, #tpu.memory_space<vmem>>, %arg9: memref<512xi32, #tpu.memory_space<vmem>>, %arg10: memref<512xi32, #tpu.memory_space<vmem>>, %arg11: memref<16xi32, #tpu.memory_space<vmem>>, %arg12: memref<16x128xi32, #tpu.memory_space<vmem>>, %arg13: memref<1024xi32, #tpu.memory_space<vmem>>, %arg14: memref<1024xi32, #tpu.memory_space<vmem>>, %arg15: memref<320xi32, #tpu.memory_space<vmem>>, %arg16: memref<320xi32, #tpu.memory_space<vmem>>, %arg17: memref<320xi32, #tpu.memory_space<vmem>>, %arg18: memref<320xi32, #tpu.memory_space<vmem>>, %arg19: memref<16x4096xi32, #tpu.memory_space<vmem_shared>>, %arg20: memref<4096xi32, #tpu.memory_space<vmem_shared>>, %arg21: memref<4096xi32, #tpu.memory_space<vmem_shared>>, %arg22: memref<4096xi32, #tpu.memory_space<vmem_shared>>, %arg23: memref<16x128xi32, #tpu.memory_space<vmem_shared>>, %arg24: memref<16x512xi32, #tpu.memory_space<vmem_shared>>, %arg25: memref<16x512xi32, #tpu.memory_space<vmem_shared>>, %arg26: memref<1024xi32, #tpu.memory_space<vmem_shared>>, %arg27: memref<1024xi32, #tpu.memory_space<vmem_shared>>, %arg28: memref<320xi32, #tpu.memory_space<vmem_shared>>, %arg29: memref<320xi32, #tpu.memory_space<vmem_shared>>) attributes {dimension_semantics = [#tpu.dimension_semantics<core_parallel>, #tpu.dimension_semantics<subcore_parallel>], iteration_bounds = array<i64: 2, 16>, scalar_prefetch = 0 : i64, scratch_operands = 25 : i64, tpu.core_type = #tpu.core_type<sc_vector_subcore>, window_params = [{transform_indices = #map}, {transform_indices = #map}, {transform_indices = #map}]} {
    %mul3A = arith.constant 262144 : i32
    %mul3A_0 = arith.muli %arg0, %mul3A : i32
    %mul3A_1 = arith.constant 16384 : i32
    %mul3A_2 = arith.muli %arg1, %mul3A_1 : i32
    %add3A = arith.addi %mul3A_0, %mul3A_2 : i32
    %multiple_of3A = tpu.assume_multiple %add3A, 16384 : i32
    %iota3A = tpu.iota {dimensions = array<i32: 0>} : vector<16xi32>
    %broadcast_in_dim3A = arith.constant 0 : i32
    %broadcast_in_dim3A_3 = vector.broadcast %broadcast_in_dim3A : i32 to vector<16xi32>
    %broadcast_in_dim3A_4 = arith.constant 1 : i32
    %broadcast_in_dim3A_5 = vector.broadcast %broadcast_in_dim3A_4 : i32 to vector<16xi32>
    %scan3A = arith.constant 0 : i32
    %scan3A_6 = arith.constant 0 : i32
    %scan3A_7 = arith.constant 32 : i32
    %scan3A_8 = arith.addi %scan3A_6, %scan3A_7 : i32
    %scan3A_9 = arith.constant 1 : i32
    %scan3A_10 = scf.for %scan3A_579 = %scan3A_6 to %scan3A_8 step %scan3A_9 iter_args(%scan3A_580 = %scan3A) -> (i32)  : i32 {
      %mul3A_581 = arith.constant 16 : i32
      %mul3A_582 = arith.muli %scan3A_579, %mul3A_581 : i32
      %swap3A_583 = arith.index_cast %mul3A_582 : i32 to index
      %swap3A_584 = tpu.vector_load %arg9[%swap3A_583] {strides = array<i32>} : memref<512xi32, #tpu.memory_space<vmem>>, vector<16xi32>,
      tpu.vector_store %arg9[%swap3A_583], %broadcast_in_dim3A_3 {strides = array<i32>} : memref<512xi32, #tpu.memory_space<vmem>>, vector<16xi32>,
      %scan3A_585 = arith.constant 0 : i32
      scf.yield %scan3A_585 : i32
    }
    %scan3A_11 = arith.constant 32 : i32
    %scan3A_12 = arith.constant 0 : i32
    %scan3A_13 = arith.constant 0 : i32
    %scan3A_14 = arith.constant 32 : i32
    %scan3A_15 = arith.addi %scan3A_13, %scan3A_14 : i32
    %scan3A_16 = arith.constant 1 : i32
    %scan3A_17 = scf.for %scan3A_579 = %scan3A_13 to %scan3A_15 step %scan3A_16 iter_args(%scan3A_580 = %scan3A_12) -> (i32)  : i32 {
      %mul3A_581 = arith.constant 16 : i32
      %mul3A_582 = arith.muli %scan3A_579, %mul3A_581 : i32
      %swap3A_583 = arith.index_cast %mul3A_582 : i32 to index
      %swap3A_584 = tpu.vector_load %arg10[%swap3A_583] {strides = array<i32>} : memref<512xi32, #tpu.memory_space<vmem>>, vector<16xi32>,
      tpu.vector_store %arg10[%swap3A_583], %broadcast_in_dim3A_3 {strides = array<i32>} : memref<512xi32, #tpu.memory_space<vmem>>, vector<16xi32>,
      %scan3A_585 = arith.constant 0 : i32
      scf.yield %scan3A_585 : i32
    }
    %scan3A_18 = arith.constant 32 : i32
    %scan3A_19 = arith.constant 0 : i32
    %scan3A_20 = arith.constant 0 : i32
    %scan3A_21 = arith.constant 64 : i32
    %scan3A_22 = arith.addi %scan3A_20, %scan3A_21 : i32
    %scan3A_23 = arith.constant 1 : i32
    %scan3A_24 = scf.for %scan3A_579 = %scan3A_20 to %scan3A_22 step %scan3A_23 iter_args(%scan3A_580 = %scan3A_19) -> (i32)  : i32 {
      %mul3A_581 = arith.constant 16 : i32
      %mul3A_582 = arith.muli %scan3A_579, %mul3A_581 : i32
      %swap3A_583 = arith.index_cast %mul3A_582 : i32 to index
      %swap3A_584 = tpu.vector_load %arg13[%swap3A_583] {strides = array<i32>} : memref<1024xi32, #tpu.memory_space<vmem>>, vector<16xi32>,
      tpu.vector_store %arg13[%swap3A_583], %broadcast_in_dim3A_3 {strides = array<i32>} : memref<1024xi32, #tpu.memory_space<vmem>>, vector<16xi32>,
      %scan3A_585 = arith.constant 0 : i32
      scf.yield %scan3A_585 : i32
    }
    %scan3A_25 = arith.constant 64 : i32
    %scan3A_26 = arith.constant 0 : i32
    %scan3A_27 = arith.constant 0 : i32
    %scan3A_28 = arith.constant 64 : i32
    %scan3A_29 = arith.addi %scan3A_27, %scan3A_28 : i32
    %scan3A_30 = arith.constant 1 : i32
    %scan3A_31 = scf.for %scan3A_579 = %scan3A_27 to %scan3A_29 step %scan3A_30 iter_args(%scan3A_580 = %scan3A_26) -> (i32)  : i32 {
      %mul3A_581 = arith.constant 16 : i32
      %mul3A_582 = arith.muli %scan3A_579, %mul3A_581 : i32
      %swap3A_583 = arith.index_cast %mul3A_582 : i32 to index
      %swap3A_584 = tpu.vector_load %arg14[%swap3A_583] {strides = array<i32>} : memref<1024xi32, #tpu.memory_space<vmem>>, vector<16xi32>,
      tpu.vector_store %arg14[%swap3A_583], %broadcast_in_dim3A_3 {strides = array<i32>} : memref<1024xi32, #tpu.memory_space<vmem>>, vector<16xi32>,
      %scan3A_585 = arith.constant 0 : i32
      scf.yield %scan3A_585 : i32
    }
    %scan3A_32 = arith.constant 64 : i32
    %scan3A_33 = arith.constant 0 : i32
    %scan3A_34 = arith.constant 0 : i32
    %scan3A_35 = arith.constant 20 : i32
    %scan3A_36 = arith.addi %scan3A_34, %scan3A_35 : i32
    %scan3A_37 = arith.constant 1 : i32
    %scan3A_38 = scf.for %scan3A_579 = %scan3A_34 to %scan3A_36 step %scan3A_37 iter_args(%scan3A_580 = %scan3A_33) -> (i32)  : i32 {
      %mul3A_581 = arith.constant 16 : i32
      %mul3A_582 = arith.muli %scan3A_579, %mul3A_581 : i32
      %swap3A_583 = arith.index_cast %mul3A_582 : i32 to index
      %swap3A_584 = tpu.vector_load %arg15[%swap3A_583] {strides = array<i32>} : memref<320xi32, #tpu.memory_space<vmem>>, vector<16xi32>,
      tpu.vector_store %arg15[%swap3A_583], %broadcast_in_dim3A_3 {strides = array<i32>} : memref<320xi32, #tpu.memory_space<vmem>>, vector<16xi32>,
      %scan3A_585 = arith.constant 0 : i32
      scf.yield %scan3A_585 : i32
    }
    %scan3A_39 = arith.constant 20 : i32
    %scan3A_40 = arith.constant 0 : i32
    %scan3A_41 = arith.constant 0 : i32
    %scan3A_42 = arith.constant 20 : i32
    %scan3A_43 = arith.addi %scan3A_41, %scan3A_42 : i32
    %scan3A_44 = arith.constant 1 : i32
    %scan3A_45 = scf.for %scan3A_579 = %scan3A_41 to %scan3A_43 step %scan3A_44 iter_args(%scan3A_580 = %scan3A_40) -> (i32)  : i32 {
      %mul3A_581 = arith.constant 16 : i32
      %mul3A_582 = arith.muli %scan3A_579, %mul3A_581 : i32
      %swap3A_583 = arith.index_cast %mul3A_582 : i32 to index
      %swap3A_584 = tpu.vector_load %arg16[%swap3A_583] {strides = array<i32>} : memref<320xi32, #tpu.memory_space<vmem>>, vector<16xi32>,
      tpu.vector_store %arg16[%swap3A_583], %broadcast_in_dim3A_3 {strides = array<i32>} : memref<320xi32, #tpu.memory_space<vmem>>, vector<16xi32>,
      %scan3A_585 = arith.constant 0 : i32
      scf.yield %scan3A_585 : i32
    }
    %scan3A_46 = arith.constant 20 : i32
    %scan3A_47 = arith.constant 0 : i32
    %scan3A_48 = arith.constant 0 : i32
    %scan3A_49 = arith.constant 20 : i32
    %scan3A_50 = arith.addi %scan3A_48, %scan3A_49 : i32
    %scan3A_51 = arith.constant 1 : i32
    %scan3A_52 = scf.for %scan3A_579 = %scan3A_48 to %scan3A_50 step %scan3A_51 iter_args(%scan3A_580 = %scan3A_47) -> (i32)  : i32 {
      %mul3A_581 = arith.constant 16 : i32
      %mul3A_582 = arith.muli %scan3A_579, %mul3A_581 : i32
      %swap3A_583 = arith.index_cast %mul3A_582 : i32 to index
      %swap3A_584 = tpu.vector_load %arg17[%swap3A_583] {strides = array<i32>} : memref<320xi32, #tpu.memory_space<vmem>>, vector<16xi32>,
      tpu.vector_store %arg17[%swap3A_583], %broadcast_in_dim3A_3 {strides = array<i32>} : memref<320xi32, #tpu.memory_space<vmem>>, vector<16xi32>,
      %scan3A_585 = arith.constant 0 : i32
      scf.yield %scan3A_585 : i32
    }
    %scan3A_53 = arith.constant 20 : i32
    %scan3A_54 = arith.constant 0 : i32
    %scan3A_55 = arith.constant 0 : i32
    %scan3A_56 = arith.constant 20 : i32
    %scan3A_57 = arith.addi %scan3A_55, %scan3A_56 : i32
    %scan3A_58 = arith.constant 1 : i32
    %scan3A_59 = scf.for %scan3A_579 = %scan3A_55 to %scan3A_57 step %scan3A_58 iter_args(%scan3A_580 = %scan3A_54) -> (i32)  : i32 {
      %mul3A_581 = arith.constant 16 : i32
      %mul3A_582 = arith.muli %scan3A_579, %mul3A_581 : i32
      %add3A_583 = vector.broadcast %mul3A_582 : i32 to vector<16xi32>
      %add3A_584 = arith.addi %iota3A, %add3A_583 : vector<16xi32>
      %mul3A_585 = arith.constant 16 : i32
      %mul3A_586 = arith.muli %scan3A_579, %mul3A_585 : i32
      %swap3A_587 = arith.index_cast %mul3A_586 : i32 to index
      %swap3A_588 = tpu.vector_load %arg18[%swap3A_587] {strides = array<i32>} : memref<320xi32, #tpu.memory_space<vmem>>, vector<16xi32>,
      tpu.vector_store %arg18[%swap3A_587], %add3A_584 {strides = array<i32>} : memref<320xi32, #tpu.memory_space<vmem>>, vector<16xi32>,
      %scan3A_589 = arith.constant 0 : i32
      scf.yield %scan3A_589 : i32
    }
    %scan3A_60 = arith.constant 20 : i32
    "tpu.region"() ({
      %run_scoped3A = tpu.sem_alloc : memref<!tpu.dma_semaphore, #tpu.memory_space<semaphore_mem>>
      %dma_start3A = tpu.memref_slice %arg2[%multiple_of3A] : memref<524288xi32, #tpu.memory_space<hbm>> -> memref<16384xi32, #tpu.memory_space<hbm>>
      %dma_start3A_579 = tpu.memref_slice %arg2[%multiple_of3A] : memref<524288xi32, #tpu.memory_space<hbm>> -> memref<16384xi32, #tpu.memory_space<hbm>>
      tpu.enqueue_dma source(%dma_start3A_579 : memref<16384xi32, #tpu.memory_space<hbm>>) target(%arg5 : memref<16384xi32, #tpu.memory_space<vmem>>) target_semaphore(%run_scoped3A : memref<!tpu.dma_semaphore, #tpu.memory_space<semaphore_mem>>)
      %dma_wait3A = tpu.memref_slice %arg2[%multiple_of3A] : memref<524288xi32, #tpu.memory_space<hbm>> -> memref<16384xi32, #tpu.memory_space<hbm>>
      %dma_wait3A_580 = tpu.memref_slice %arg2[%multiple_of3A] : memref<524288xi32, #tpu.memory_space<hbm>> -> memref<16384xi32, #tpu.memory_space<hbm>>
      tpu.wait_dma2 semaphore(%run_scoped3A : memref<!tpu.dma_semaphore, #tpu.memory_space<semaphore_mem>>) src(%dma_wait3A_580 : memref<16384xi32, #tpu.memory_space<hbm>>) dst(%arg5 : memref<16384xi32, #tpu.memory_space<vmem>>)
      tpu.yield
    }) : () -> ()
    %scan3A_61 = arith.constant 0 : i32
    %scan3A_62 = arith.constant 0 : i32
    %scan3A_63 = arith.constant 256 : i32
    %scan3A_64 = arith.addi %scan3A_62, %scan3A_63 : i32
    %scan3A_65 = arith.constant 1 : i32
    %scan3A_66 = scf.for %scan3A_579 = %scan3A_62 to %scan3A_64 step %scan3A_65 iter_args(%scan3A_580 = %scan3A_61) -> (i32)  : i32 {
      %mul3A_581 = arith.constant 16 : i32
      %mul3A_582 = arith.muli %scan3A_579, %mul3A_581 : i32
      %swap3A_583 = arith.index_cast %mul3A_582 : i32 to index
      %swap3A_584 = tpu.vector_load %arg6[%swap3A_583] {strides = array<i32>} : memref<4096xi32, #tpu.memory_space<vmem>>, vector<16xi32>,
      tpu.vector_store %arg6[%swap3A_583], %broadcast_in_dim3A_3 {strides = array<i32>} : memref<4096xi32, #tpu.memory_space<vmem>>, vector<16xi32>,
      %scan3A_585 = arith.constant 0 : i32
      scf.yield %scan3A_585 : i32
    }
    %scan3A_67 = arith.constant 256 : i32
    %scan3A_68 = arith.constant 0 : i32
    %scan3A_69 = arith.constant 0 : i32
    %scan3A_70 = arith.constant 1024 : i32
    %scan3A_71 = arith.addi %scan3A_69, %scan3A_70 : i32
    %scan3A_72 = arith.constant 1 : i32
    %scan3A_73 = scf.for %scan3A_579 = %scan3A_69 to %scan3A_71 step %scan3A_72 iter_args(%scan3A_580 = %scan3A_68) -> (i32)  : i32 {
      %mul3A_581 = arith.constant 16 : i32
      %mul3A_582 = arith.muli %scan3A_579, %mul3A_581 : i32
      %get3A_583 = arith.index_cast %mul3A_582 : i32 to index
      %get3A_584 = tpu.vector_load %arg5[%get3A_583] {strides = array<i32>} : memref<16384xi32, #tpu.memory_space<vmem>>, vector<16xi32>,
      %shift_right_logical3A = arith.constant 19 : i32
      %shift_right_logical3A_585 = vector.broadcast %shift_right_logical3A : i32 to vector<16xi32>
      %shift_right_logical3A_586 = arith.shrui %get3A_584, %shift_right_logical3A_585 : vector<16xi32>
      tpu.vector_store_idx %arg6[%shift_right_logical3A_586], %broadcast_in_dim3A_5 {add = true} : memref<4096xi32, #tpu.memory_space<vmem>>[vector<16xi32>], vector<16xi32>,
      %scan3A_587 = arith.constant 0 : i32
      scf.yield %scan3A_587 : i32
    }
    %scan3A_74 = arith.constant 1024 : i32
    "tpu.region"() ({
      %run_scoped3A = tpu.sem_alloc : memref<!tpu.dma_semaphore, #tpu.memory_space<semaphore_mem>>
      %dma_start3A = arith.constant 0 : i32
      %dma_start3A_579 = tpu.memref_slice %arg19[%arg1, %dma_start3A] : memref<16x4096xi32, #tpu.memory_space<vmem_shared>> -> memref<1x4096xi32, #tpu.memory_space<vmem_shared>>
      %dma_start3A_580 = tpu.memref_squeeze %dma_start3A_579 : memref<1x4096xi32, #tpu.memory_space<vmem_shared>> -> memref<4096xi32, #tpu.memory_space<vmem_shared>>
      %dma_start3A_581 = arith.constant 0 : i32
      %dma_start3A_582 = tpu.memref_slice %arg19[%arg1, %dma_start3A_581] : memref<16x4096xi32, #tpu.memory_space<vmem_shared>> -> memref<1x4096xi32, #tpu.memory_space<vmem_shared>>
      %dma_start3A_583 = tpu.memref_squeeze %dma_start3A_582 : memref<1x4096xi32, #tpu.memory_space<vmem_shared>> -> memref<4096xi32, #tpu.memory_space<vmem_shared>>
      tpu.enqueue_dma source(%arg6 : memref<4096xi32, #tpu.memory_space<vmem>>) target(%dma_start3A_583 : memref<4096xi32, #tpu.memory_space<vmem_shared>>) target_semaphore(%run_scoped3A : memref<!tpu.dma_semaphore, #tpu.memory_space<semaphore_mem>>)
      %dma_wait3A = arith.constant 0 : i32
      %dma_wait3A_584 = tpu.memref_slice %arg19[%arg1, %dma_wait3A] : memref<16x4096xi32, #tpu.memory_space<vmem_shared>> -> memref<1x4096xi32, #tpu.memory_space<vmem_shared>>
      %dma_wait3A_585 = tpu.memref_squeeze %dma_wait3A_584 : memref<1x4096xi32, #tpu.memory_space<vmem_shared>> -> memref<4096xi32, #tpu.memory_space<vmem_shared>>
      %dma_wait3A_586 = arith.constant 0 : i32
      %dma_wait3A_587 = tpu.memref_slice %arg19[%arg1, %dma_wait3A_586] : memref<16x4096xi32, #tpu.memory_space<vmem_shared>> -> memref<1x4096xi32, #tpu.memory_space<vmem_shared>>
      %dma_wait3A_588 = tpu.memref_squeeze %dma_wait3A_587 : memref<1x4096xi32, #tpu.memory_space<vmem_shared>> -> memref<4096xi32, #tpu.memory_space<vmem_shared>>
      tpu.wait_dma2 semaphore(%run_scoped3A : memref<!tpu.dma_semaphore, #tpu.memory_space<semaphore_mem>>) src(%arg6 : memref<4096xi32, #tpu.memory_space<vmem>>) dst(%dma_wait3A_588 : memref<4096xi32, #tpu.memory_space<vmem_shared>>)
      tpu.yield
    }) : () -> ()
    %barrier3A = arith.constant 0 : index
    tpu.barrier barrier_id(%barrier3A)
    %mul3A_75 = arith.constant 256 : i32
    %mul3A_76 = arith.muli %arg1, %mul3A_75 : i32
    "tpu.region"() ({
      %run_scoped3A = tpu.sem_alloc : memref<!tpu.dma_semaphore, #tpu.memory_space<semaphore_mem>>
      %dma_start3A = arith.constant 0 : i32
      %dma_start3A_579 = tpu.memref_slice %arg19[%dma_start3A, %mul3A_76] : memref<16x4096xi32, #tpu.memory_space<vmem_shared>> -> memref<16x256xi32, #tpu.memory_space<vmem_shared>>
      %dma_start3A_580 = arith.constant 0 : i32
      %dma_start3A_581 = tpu.memref_slice %arg19[%dma_start3A_580, %mul3A_76] : memref<16x4096xi32, #tpu.memory_space<vmem_shared>> -> memref<16x256xi32, #tpu.memory_space<vmem_shared>>
      tpu.enqueue_dma source(%dma_start3A_581 : memref<16x256xi32, #tpu.memory_space<vmem_shared>>) target(%arg7 : memref<16x256xi32, #tpu.memory_space<vmem>>) target_semaphore(%run_scoped3A : memref<!tpu.dma_semaphore, #tpu.memory_space<semaphore_mem>>)
      %dma_wait3A = arith.constant 0 : i32
      %dma_wait3A_582 = tpu.memref_slice %arg19[%dma_wait3A, %mul3A_76] : memref<16x4096xi32, #tpu.memory_space<vmem_shared>> -> memref<16x256xi32, #tpu.memory_space<vmem_shared>>
      %dma_wait3A_583 = arith.constant 0 : i32
      %dma_wait3A_584 = tpu.memref_slice %arg19[%dma_wait3A_583, %mul3A_76] : memref<16x4096xi32, #tpu.memory_space<vmem_shared>> -> memref<16x256xi32, #tpu.memory_space<vmem_shared>>
      tpu.wait_dma2 semaphore(%run_scoped3A : memref<!tpu.dma_semaphore, #tpu.memory_space<semaphore_mem>>) src(%dma_wait3A_584 : memref<16x256xi32, #tpu.memory_space<vmem_shared>>) dst(%arg7 : memref<16x256xi32, #tpu.memory_space<vmem>>)
      tpu.yield
    }) : () -> ()
    %scan3A_77 = arith.constant 0 : i32
    %scan3A_78 = arith.constant 0 : i32
    %scan3A_79 = arith.constant 16 : i32
    %scan3A_80 = arith.addi %scan3A_78, %scan3A_79 : i32
    %scan3A_81 = arith.constant 1 : i32
    %scan3A_82 = scf.for %scan3A_579 = %scan3A_78 to %scan3A_80 step %scan3A_81 iter_args(%scan3A_580 = %scan3A_77) -> (i32)  : i32 {
      %broadcast_in_dim3A_581 = arith.constant 0 : i32
      %broadcast_in_dim3A_582 = vector.broadcast %broadcast_in_dim3A_581 : i32 to vector<16xi32>
      %mul3A_583 = arith.constant 16 : i32
      %mul3A_584 = arith.muli %scan3A_579, %mul3A_583 : i32
      %get3A_585 = arith.constant 0 : i32
      %get3A_586 = arith.index_cast %get3A_585 : i32 to index
      %get3A_587 = arith.index_cast %mul3A_584 : i32 to index
      %get3A_588 = tpu.vector_load %arg7[%get3A_586, %get3A_587] {strides = array<i32>} : memref<16x256xi32, #tpu.memory_space<vmem>>, vector<16xi32>,
      %add3A_589 = arith.addi %broadcast_in_dim3A_582, %get3A_588 : vector<16xi32>
      %mul3A_590 = arith.constant 16 : i32
      %mul3A_591 = arith.muli %scan3A_579, %mul3A_590 : i32
      %get3A_592 = arith.constant 1 : i32
      %get3A_593 = arith.index_cast %get3A_592 : i32 to index
      %get3A_594 = arith.index_cast %mul3A_591 : i32 to index
      %get3A_595 = tpu.vector_load %arg7[%get3A_593, %get3A_594] {strides = array<i32>} : memref<16x256xi32, #tpu.memory_space<vmem>>, vector<16xi32>,
      %add3A_596 = arith.addi %add3A_589, %get3A_595 : vector<16xi32>
      %mul3A_597 = arith.constant 16 : i32
      %mul3A_598 = arith.muli %scan3A_579, %mul3A_597 : i32
      %get3A_599 = arith.constant 2 : i32
      %get3A_600 = arith.index_cast %get3A_599 : i32 to index
      %get3A_601 = arith.index_cast %mul3A_598 : i32 to index
      %get3A_602 = tpu.vector_load %arg7[%get3A_600, %get3A_601] {strides = array<i32>} : memref<16x256xi32, #tpu.memory_space<vmem>>, vector<16xi32>,
      %add3A_603 = arith.addi %add3A_596, %get3A_602 : vector<16xi32>
      %mul3A_604 = arith.constant 16 : i32
      %mul3A_605 = arith.muli %scan3A_579, %mul3A_604 : i32
      %get3A_606 = arith.constant 3 : i32
      %get3A_607 = arith.index_cast %get3A_606 : i32 to index
      %get3A_608 = arith.index_cast %mul3A_605 : i32 to index
      %get3A_609 = tpu.vector_load %arg7[%get3A_607, %get3A_608] {strides = array<i32>} : memref<16x256xi32, #tpu.memory_space<vmem>>, vector<16xi32>,
      %add3A_610 = arith.addi %add3A_603, %get3A_609 : vector<16xi32>
      %mul3A_611 = arith.constant 16 : i32
      %mul3A_612 = arith.muli %scan3A_579, %mul3A_611 : i32
      %get3A_613 = arith.constant 4 : i32
      %get3A_614 = arith.index_cast %get3A_613 : i32 to index
      %get3A_615 = arith.index_cast %mul3A_612 : i32 to index
      %get3A_616 = tpu.vector_load %arg7[%get3A_614, %get3A_615] {strides = array<i32>} : memref<16x256xi32, #tpu.memory_space<vmem>>, vector<16xi32>,
      %add3A_617 = arith.addi %add3A_610, %get3A_616 : vector<16xi32>
      %mul3A_618 = arith.constant 16 : i32
      %mul3A_619 = arith.muli %scan3A_579, %mul3A_618 : i32
      %get3A_620 = arith.constant 5 : i32
      %get3A_621 = arith.index_cast %get3A_620 : i32 to index
      %get3A_622 = arith.index_cast %mul3A_619 : i32 to index
      %get3A_623 = tpu.vector_load %arg7[%get3A_621, %get3A_622] {strides = array<i32>} : memref<16x256xi32, #tpu.memory_space<vmem>>, vector<16xi32>,
      %add3A_624 = arith.addi %add3A_617, %get3A_623 : vector<16xi32>
      %mul3A_625 = arith.constant 16 : i32
      %mul3A_626 = arith.muli %scan3A_579, %mul3A_625 : i32
      %get3A_627 = arith.constant 6 : i32
      %get3A_628 = arith.index_cast %get3A_627 : i32 to index
      %get3A_629 = arith.index_cast %mul3A_626 : i32 to index
      %get3A_630 = tpu.vector_load %arg7[%get3A_628, %get3A_629] {strides = array<i32>} : memref<16x256xi32, #tpu.memory_space<vmem>>, vector<16xi32>,
      %add3A_631 = arith.addi %add3A_624, %get3A_630 : vector<16xi32>
      %mul3A_632 = arith.constant 16 : i32
      %mul3A_633 = arith.muli %scan3A_579, %mul3A_632 : i32
      %get3A_634 = arith.constant 7 : i32
      %get3A_635 = arith.index_cast %get3A_634 : i32 to index
      %get3A_636 = arith.index_cast %mul3A_633 : i32 to index
      %get3A_637 = tpu.vector_load %arg7[%get3A_635, %get3A_636] {strides = array<i32>} : memref<16x256xi32, #tpu.memory_space<vmem>>, vector<16xi32>,
      %add3A_638 = arith.addi %add3A_631, %get3A_637 : vector<16xi32>
      %mul3A_639 = arith.constant 16 : i32
      %mul3A_640 = arith.muli %scan3A_579, %mul3A_639 : i32
      %get3A_641 = arith.constant 8 : i32
      %get3A_642 = arith.index_cast %get3A_641 : i32 to index
      %get3A_643 = arith.index_cast %mul3A_640 : i32 to index
      %get3A_644 = tpu.vector_load %arg7[%get3A_642, %get3A_643] {strides = array<i32>} : memref<16x256xi32, #tpu.memory_space<vmem>>, vector<16xi32>,
      %add3A_645 = arith.addi %add3A_638, %get3A_644 : vector<16xi32>
      %mul3A_646 = arith.constant 16 : i32
      %mul3A_647 = arith.muli %scan3A_579, %mul3A_646 : i32
      %get3A_648 = arith.constant 9 : i32
      %get3A_649 = arith.index_cast %get3A_648 : i32 to index
      %get3A_650 = arith.index_cast %mul3A_647 : i32 to index
      %get3A_651 = tpu.vector_load %arg7[%get3A_649, %get3A_650] {strides = array<i32>} : memref<16x256xi32, #tpu.memory_space<vmem>>, vector<16xi32>,
      %add3A_652 = arith.addi %add3A_645, %get3A_651 : vector<16xi32>
      %mul3A_653 = arith.constant 16 : i32
      %mul3A_654 = arith.muli %scan3A_579, %mul3A_653 : i32
      %get3A_655 = arith.constant 10 : i32
      %get3A_656 = arith.index_cast %get3A_655 : i32 to index
      %get3A_657 = arith.index_cast %mul3A_654 : i32 to index
      %get3A_658 = tpu.vector_load %arg7[%get3A_656, %get3A_657] {strides = array<i32>} : memref<16x256xi32, #tpu.memory_space<vmem>>, vector<16xi32>,
      %add3A_659 = arith.addi %add3A_652, %get3A_658 : vector<16xi32>
      %mul3A_660 = arith.constant 16 : i32
      %mul3A_661 = arith.muli %scan3A_579, %mul3A_660 : i32
      %get3A_662 = arith.constant 11 : i32
      %get3A_663 = arith.index_cast %get3A_662 : i32 to index
      %get3A_664 = arith.index_cast %mul3A_661 : i32 to index
      %get3A_665 = tpu.vector_load %arg7[%get3A_663, %get3A_664] {strides = array<i32>} : memref<16x256xi32, #tpu.memory_space<vmem>>, vector<16xi32>,
      %add3A_666 = arith.addi %add3A_659, %get3A_665 : vector<16xi32>
      %mul3A_667 = arith.constant 16 : i32
      %mul3A_668 = arith.muli %scan3A_579, %mul3A_667 : i32
      %get3A_669 = arith.constant 12 : i32
      %get3A_670 = arith.index_cast %get3A_669 : i32 to index
      %get3A_671 = arith.index_cast %mul3A_668 : i32 to index
      %get3A_672 = tpu.vector_load %arg7[%get3A_670, %get3A_671] {strides = array<i32>} : memref<16x256xi32, #tpu.memory_space<vmem>>, vector<16xi32>,
      %add3A_673 = arith.addi %add3A_666, %get3A_672 : vector<16xi32>
      %mul3A_674 = arith.constant 16 : i32
      %mul3A_675 = arith.muli %scan3A_579, %mul3A_674 : i32
      %get3A_676 = arith.constant 13 : i32
      %get3A_677 = arith.index_cast %get3A_676 : i32 to index
      %get3A_678 = arith.index_cast %mul3A_675 : i32 to index
      %get3A_679 = tpu.vector_load %arg7[%get3A_677, %get3A_678] {strides = array<i32>} : memref<16x256xi32, #tpu.memory_space<vmem>>, vector<16xi32>,
      %add3A_680 = arith.addi %add3A_673, %get3A_679 : vector<16xi32>
      %mul3A_681 = arith.constant 16 : i32
      %mul3A_682 = arith.muli %scan3A_579, %mul3A_681 : i32
      %get3A_683 = arith.constant 14 : i32
      %get3A_684 = arith.index_cast %get3A_683 : i32 to index
      %get3A_685 = arith.index_cast %mul3A_682 : i32 to index
      %get3A_686 = tpu.vector_load %arg7[%get3A_684, %get3A_685] {strides = array<i32>} : memref<16x256xi32, #tpu.memory_space<vmem>>, vector<16xi32>,
      %add3A_687 = arith.addi %add3A_680, %get3A_686 : vector<16xi32>
      %mul3A_688 = arith.constant 16 : i32
      %mul3A_689 = arith.muli %scan3A_579, %mul3A_688 : i32
      %get3A_690 = arith.constant 15 : i32
      %get3A_691 = arith.index_cast %get3A_690 : i32 to index
      %get3A_692 = arith.index_cast %mul3A_689 : i32 to index
      %get3A_693 = tpu.vector_load %arg7[%get3A_691, %get3A_692] {strides = array<i32>} : memref<16x256xi32, #tpu.memory_space<vmem>>, vector<16xi32>,
      %add3A_694 = arith.addi %add3A_687, %get3A_693 : vector<16xi32>
      %mul3A_695 = arith.constant 16 : i32
      %mul3A_696 = arith.muli %scan3A_579, %mul3A_695 : i32
      %swap3A_697 = arith.index_cast %mul3A_696 : i32 to index
      %swap3A_698 = tpu.vector_load %arg8[%swap3A_697] {strides = array<i32>} : memref<4096xi32, #tpu.memory_space<vmem>>, vector<16xi32>,
      tpu.vector_store %arg8[%swap3A_697], %add3A_694 {strides = array<i32>} : memref<4096xi32, #tpu.memory_space<vmem>>, vector<16xi32>,
      %scan3A_699 = arith.constant 0 : i32
      scf.yield %scan3A_699 : i32
    }
    %scan3A_83 = arith.constant 16 : i32
    %mul3A_84 = arith.constant 256 : i32
    %mul3A_85 = arith.muli %arg1, %mul3A_84 : i32
    "tpu.region"() ({
      %run_scoped3A = tpu.sem_alloc : memref<!tpu.dma_semaphore, #tpu.memory_space<semaphore_mem>>
      %dma_start3A = arith.constant 0 : i32
      %dma_start3A_579 = tpu.memref_slice %arg8[%dma_start3A] : memref<4096xi32, #tpu.memory_space<vmem>> -> memref<256xi32, #tpu.memory_space<vmem>>
      %dma_start3A_580 = tpu.memref_slice %arg20[%mul3A_85] : memref<4096xi32, #tpu.memory_space<vmem_shared>> -> memref<256xi32, #tpu.memory_space<vmem_shared>>
      %dma_start3A_581 = tpu.memref_slice %arg20[%mul3A_85] : memref<4096xi32, #tpu.memory_space<vmem_shared>> -> memref<256xi32, #tpu.memory_space<vmem_shared>>
      %dma_start3A_582 = arith.constant 0 : i32
      %dma_start3A_583 = tpu.memref_slice %arg8[%dma_start3A_582] : memref<4096xi32, #tpu.memory_space<vmem>> -> memref<256xi32, #tpu.memory_space<vmem>>
      tpu.enqueue_dma source(%dma_start3A_583 : memref<256xi32, #tpu.memory_space<vmem>>) target(%dma_start3A_581 : memref<256xi32, #tpu.memory_space<vmem_shared>>) target_semaphore(%run_scoped3A : memref<!tpu.dma_semaphore, #tpu.memory_space<semaphore_mem>>)
      %dma_wait3A = arith.constant 0 : i32
      %dma_wait3A_584 = tpu.memref_slice %arg8[%dma_wait3A] : memref<4096xi32, #tpu.memory_space<vmem>> -> memref<256xi32, #tpu.memory_space<vmem>>
      %dma_wait3A_585 = tpu.memref_slice %arg20[%mul3A_85] : memref<4096xi32, #tpu.memory_space<vmem_shared>> -> memref<256xi32, #tpu.memory_space<vmem_shared>>
      %dma_wait3A_586 = tpu.memref_slice %arg20[%mul3A_85] : memref<4096xi32, #tpu.memory_space<vmem_shared>> -> memref<256xi32, #tpu.memory_space<vmem_shared>>
      %dma_wait3A_587 = arith.constant 0 : i32
      %dma_wait3A_588 = tpu.memref_slice %arg8[%dma_wait3A_587] : memref<4096xi32, #tpu.memory_space<vmem>> -> memref<256xi32, #tpu.memory_space<vmem>>
      tpu.wait_dma2 semaphore(%run_scoped3A : memref<!tpu.dma_semaphore, #tpu.memory_space<semaphore_mem>>) src(%dma_wait3A_588 : memref<256xi32, #tpu.memory_space<vmem>>) dst(%dma_wait3A_586 : memref<256xi32, #tpu.memory_space<vmem_shared>>)
      tpu.yield
    }) : () -> ()
    %barrier3A_86 = arith.constant 0 : index
    tpu.barrier barrier_id(%barrier3A_86)
    "tpu.region"() ({
      %run_scoped3A = tpu.sem_alloc : memref<!tpu.dma_semaphore, #tpu.memory_space<semaphore_mem>>
      tpu.enqueue_dma source(%arg20 : memref<4096xi32, #tpu.memory_space<vmem_shared>>) target(%arg8 : memref<4096xi32, #tpu.memory_space<vmem>>) target_semaphore(%run_scoped3A : memref<!tpu.dma_semaphore, #tpu.memory_space<semaphore_mem>>)
      tpu.wait_dma2 semaphore(%run_scoped3A : memref<!tpu.dma_semaphore, #tpu.memory_space<semaphore_mem>>) src(%arg20 : memref<4096xi32, #tpu.memory_space<vmem_shared>>) dst(%arg8 : memref<4096xi32, #tpu.memory_space<vmem>>)
      tpu.yield
    }) : () -> ()
    %scan3A_87 = arith.constant 0 : i32
    %scan3A_88 = arith.constant 0 : i32
    %scan3A_89 = arith.constant 1 : i32
    %scan3A_90 = arith.constant 0 : i32
    %scan3A_91 = arith.constant 256 : i32
    %scan3A_92 = arith.addi %scan3A_90, %scan3A_91 : i32
    %scan3A_93 = arith.constant 1 : i32
    %scan3A_94:3 = scf.for %scan3A_579 = %scan3A_90 to %scan3A_92 step %scan3A_93 iter_args(%scan3A_580 = %scan3A_87, %scan3A_581 = %scan3A_88, %scan3A_582 = %scan3A_89) -> (i32, i32, i32)  : i32 {
      %sub3A_583 = arith.constant 255 : i32
      %sub3A_584 = arith.subi %sub3A_583, %scan3A_579 : i32
      %mul3A_585 = arith.constant 16 : i32
      %mul3A_586 = arith.muli %sub3A_584, %mul3A_585 : i32
      %get3A_587 = arith.index_cast %mul3A_586 : i32 to index
      %get3A_588 = tpu.vector_load %arg8[%get3A_587] {strides = array<i32>} : memref<4096xi32, #tpu.memory_space<vmem>>, vector<16xi32>,
      %reduce_sum3A_589 = arith.constant true
      %reduce_sum3A_590 = vector.broadcast %reduce_sum3A_589 : i1 to vector<16xi1>
      %reduce_sum3A_591 = tpu.scan <sum>, %get3A_588 masked %reduce_sum3A_590 : vector<16xi32>, vector<16xi1> -> vector<16xi32>
      %reduce_sum3A_592 = vector.extract %reduce_sum3A_591[15] : i32 from vector<16xi32>
      %add3A_593 = arith.addi %scan3A_580, %reduce_sum3A_592 : i32
      %lt3A_594 = arith.constant 300 : i32
      %lt3A_595 = arith.cmpi slt, %scan3A_580, %lt3A_594 : i32
      %ge3A_596 = arith.constant 300 : i32
      %ge3A_597 = arith.cmpi sge, %add3A_593, %ge3A_596 : i32
      %and3A_598 = arith.andi %lt3A_595, %ge3A_597 : i1
      %select_n3A_599 = arith.select %and3A_598, %sub3A_584, %scan3A_581 : i32
      %sub3A_600 = arith.constant 300 : i32
      %sub3A_601 = arith.subi %sub3A_600, %scan3A_580 : i32
      %select_n3A_602 = arith.select %and3A_598, %sub3A_601, %scan3A_582 : i32
      scf.yield %add3A_593, %select_n3A_599, %select_n3A_602 : i32, i32, i32
    }
    %scan3A_95 = arith.constant 256 : i32
    %mul3A_96 = arith.constant 16 : i32
    %mul3A_97 = arith.muli %scan3A_94#1, %mul3A_96 : i32
    %multiple_of3A_98 = tpu.assume_multiple %mul3A_97, 16 : i32
    %get3A = arith.index_cast %multiple_of3A_98 : i32 to index
    %get3A_99 = tpu.vector_load %arg8[%get3A] {strides = array<i32>} : memref<4096xi32, #tpu.memory_space<vmem>>, vector<16xi32>,
    %rev3A = arith.constant 15 : i32
    %rev3A_100 = vector.broadcast %rev3A : i32 to vector<16xi32>
    %rev3A_101 = tpu.iota {dimensions = array<i32: 0>} : vector<16xi32>
    %rev3A_102 = arith.subi %rev3A_100, %rev3A_101 : vector<16xi32>
    %rev3A_103 = tpu.dynamic_gather %get3A_99[%rev3A_102] in [0] : vector<16xi32>, vector<16xi32> -> vector<16xi32>
    %broadcast_in_dim3A_104 = arith.constant true
    %broadcast_in_dim3A_105 = vector.broadcast %broadcast_in_dim3A_104 : i1 to vector<16xi1>
    %masked_cumsum3A = tpu.scan <sum>, %rev3A_103 masked %broadcast_in_dim3A_105 : vector<16xi32>, vector<16xi1> -> vector<16xi32>
    %rev3A_106 = arith.constant 15 : i32
    %rev3A_107 = vector.broadcast %rev3A_106 : i32 to vector<16xi32>
    %rev3A_108 = tpu.iota {dimensions = array<i32: 0>} : vector<16xi32>
    %rev3A_109 = arith.subi %rev3A_107, %rev3A_108 : vector<16xi32>
    %rev3A_110 = tpu.dynamic_gather %masked_cumsum3A[%rev3A_109] in [0] : vector<16xi32>, vector<16xi32> -> vector<16xi32>
    %ge3A = vector.broadcast %scan3A_94#2 : i32 to vector<16xi32>
    %ge3A_111 = arith.cmpi sge, %rev3A_110, %ge3A : vector<16xi32>
    %all_reduce_population_count3A = tpu.all_reduce %ge3A_111 {dim = 0 : i64, kind = #tpu.reduction_kind<sum>} : vector<16xi1> -> vector<16xi32>
    %sub3A = arith.constant 1 : i32
    %sub3A_112 = vector.broadcast %sub3A : i32 to vector<16xi32>
    %sub3A_113 = arith.subi %all_reduce_population_count3A, %sub3A_112 : vector<16xi32>
    %gt3A = arith.cmpi sgt, %iota3A, %sub3A_113 : vector<16xi32>
    %jit3A = arith.constant 0 : i32
    %broadcast_in_dim3A_114 = vector.broadcast %jit3A : i32 to vector<16xi32>
    %select_n3A = arith.select %gt3A, %get3A_99, %broadcast_in_dim3A_114 : vector<16xi1>, vector<16xi32>
    %reduce_sum3A = arith.constant true
    %reduce_sum3A_115 = vector.broadcast %reduce_sum3A : i1 to vector<16xi1>
    %reduce_sum3A_116 = tpu.scan <sum>, %select_n3A masked %reduce_sum3A_115 : vector<16xi32>, vector<16xi1> -> vector<16xi32>
    %reduce_sum3A_117 = vector.extract %reduce_sum3A_116[15] : i32 from vector<16xi32>
    %sub3A_118 = arith.subi %scan3A_94#2, %reduce_sum3A_117 : i32
    %mul3A_119 = arith.constant 16 : i32
    %mul3A_120 = arith.muli %scan3A_94#1, %mul3A_119 : i32
    %broadcast_in_dim3A_121 = vector.broadcast %mul3A_120 : i32 to vector<16xi32>
    %add3A_122 = arith.addi %broadcast_in_dim3A_121, %sub3A_113 : vector<16xi32>
    %scan3A_123 = arith.constant 0 : i32
    %scan3A_124 = arith.constant 0 : i32
    %scan3A_125 = arith.constant 256 : i32
    %scan3A_126 = arith.addi %scan3A_124, %scan3A_125 : i32
    %scan3A_127 = arith.constant 1 : i32
    %scan3A_128 = scf.for %scan3A_579 = %scan3A_124 to %scan3A_126 step %scan3A_127 iter_args(%scan3A_580 = %scan3A_123) -> (i32)  : i32 {
      %mul3A_581 = arith.constant 16 : i32
      %mul3A_582 = arith.muli %scan3A_579, %mul3A_581 : i32
      %swap3A_583 = arith.index_cast %mul3A_582 : i32 to index
      %swap3A_584 = tpu.vector_load %arg6[%swap3A_583] {strides = array<i32>} : memref<4096xi32, #tpu.memory_space<vmem>>, vector<16xi32>,
      tpu.vector_store %arg6[%swap3A_583], %broadcast_in_dim3A_3 {strides = array<i32>} : memref<4096xi32, #tpu.memory_space<vmem>>, vector<16xi32>,
      %scan3A_585 = arith.constant 0 : i32
      scf.yield %scan3A_585 : i32
    }
    %scan3A_129 = arith.constant 256 : i32
    %scan3A_130 = arith.constant 0 : i32
    %scan3A_131 = arith.constant 0 : i32
    %scan3A_132 = arith.constant 1024 : i32
    %scan3A_133 = arith.addi %scan3A_131, %scan3A_132 : i32
    %scan3A_134 = arith.constant 1 : i32
    %scan3A_135 = scf.for %scan3A_579 = %scan3A_131 to %scan3A_133 step %scan3A_134 iter_args(%scan3A_580 = %scan3A_130) -> (i32)  : i32 {
      %mul3A_581 = arith.constant 16 : i32
      %mul3A_582 = arith.muli %scan3A_579, %mul3A_581 : i32
      %get3A_583 = arith.index_cast %mul3A_582 : i32 to index
      %get3A_584 = tpu.vector_load %arg5[%get3A_583] {strides = array<i32>} : memref<16384xi32, #tpu.memory_space<vmem>>, vector<16xi32>,
      %shift_right_logical3A = arith.constant 7 : i32
      %shift_right_logical3A_585 = vector.broadcast %shift_right_logical3A : i32 to vector<16xi32>
      %shift_right_logical3A_586 = arith.shrui %get3A_584, %shift_right_logical3A_585 : vector<16xi32>
      %and3A_587 = arith.constant 4095 : i32
      %and3A_588 = vector.broadcast %and3A_587 : i32 to vector<16xi32>
      %and3A_589 = arith.andi %shift_right_logical3A_586, %and3A_588 : vector<16xi32>
      %shift_right_logical3A_590 = arith.constant 19 : i32
      %shift_right_logical3A_591 = vector.broadcast %shift_right_logical3A_590 : i32 to vector<16xi32>
      %shift_right_logical3A_592 = arith.shrui %get3A_584, %shift_right_logical3A_591 : vector<16xi32>
      %eq3A_593 = arith.cmpi eq, %shift_right_logical3A_592, %add3A_122 : vector<16xi32>
      tpu.vector_store_idx %arg6[%and3A_589], %broadcast_in_dim3A_5 masked %eq3A_593 {add = true} : memref<4096xi32, #tpu.memory_space<vmem>>[vector<16xi32>], vector<16xi32>, vector<16xi1>
      %scan3A_594 = arith.constant 0 : i32
      scf.yield %scan3A_594 : i32
    }
    %scan3A_136 = arith.constant 1024 : i32
    "tpu.region"() ({
      %run_scoped3A = tpu.sem_alloc : memref<!tpu.dma_semaphore, #tpu.memory_space<semaphore_mem>>
      %dma_start3A = arith.constant 0 : i32
      %dma_start3A_579 = tpu.memref_slice %arg19[%arg1, %dma_start3A] : memref<16x4096xi32, #tpu.memory_space<vmem_shared>> -> memref<1x4096xi32, #tpu.memory_space<vmem_shared>>
      %dma_start3A_580 = tpu.memref_squeeze %dma_start3A_579 : memref<1x4096xi32, #tpu.memory_space<vmem_shared>> -> memref<4096xi32, #tpu.memory_space<vmem_shared>>
      %dma_start3A_581 = arith.constant 0 : i32
      %dma_start3A_582 = tpu.memref_slice %arg19[%arg1, %dma_start3A_581] : memref<16x4096xi32, #tpu.memory_space<vmem_shared>> -> memref<1x4096xi32, #tpu.memory_space<vmem_shared>>
      %dma_start3A_583 = tpu.memref_squeeze %dma_start3A_582 : memref<1x4096xi32, #tpu.memory_space<vmem_shared>> -> memref<4096xi32, #tpu.memory_space<vmem_shared>>
      tpu.enqueue_dma source(%arg6 : memref<4096xi32, #tpu.memory_space<vmem>>) target(%dma_start3A_583 : memref<4096xi32, #tpu.memory_space<vmem_shared>>) target_semaphore(%run_scoped3A : memref<!tpu.dma_semaphore, #tpu.memory_space<semaphore_mem>>)
      %dma_wait3A = arith.constant 0 : i32
      %dma_wait3A_584 = tpu.memref_slice %arg19[%arg1, %dma_wait3A] : memref<16x4096xi32, #tpu.memory_space<vmem_shared>> -> memref<1x4096xi32, #tpu.memory_space<vmem_shared>>
      %dma_wait3A_585 = tpu.memref_squeeze %dma_wait3A_584 : memref<1x4096xi32, #tpu.memory_space<vmem_shared>> -> memref<4096xi32, #tpu.memory_space<vmem_shared>>
      %dma_wait3A_586 = arith.constant 0 : i32
      %dma_wait3A_587 = tpu.memref_slice %arg19[%arg1, %dma_wait3A_586] : memref<16x4096xi32, #tpu.memory_space<vmem_shared>> -> memref<1x4096xi32, #tpu.memory_space<vmem_shared>>
      %dma_wait3A_588 = tpu.memref_squeeze %dma_wait3A_587 : memref<1x4096xi32, #tpu.memory_space<vmem_shared>> -> memref<4096xi32, #tpu.memory_space<vmem_shared>>
      tpu.wait_dma2 semaphore(%run_scoped3A : memref<!tpu.dma_semaphore, #tpu.memory_space<semaphore_mem>>) src(%arg6 : memref<4096xi32, #tpu.memory_space<vmem>>) dst(%dma_wait3A_588 : memref<4096xi32, #tpu.memory_space<vmem_shared>>)
      tpu.yield
    }) : () -> ()
    %barrier3A_137 = arith.constant 0 : index
    tpu.barrier barrier_id(%barrier3A_137)
    %mul3A_138 = arith.constant 256 : i32
    %mul3A_139 = arith.muli %arg1, %mul3A_138 : i32
    "tpu.region"() ({
      %run_scoped3A = tpu.sem_alloc : memref<!tpu.dma_semaphore, #tpu.memory_space<semaphore_mem>>
      %dma_start3A = arith.constant 0 : i32
      %dma_start3A_579 = tpu.memref_slice %arg19[%dma_start3A, %mul3A_139] : memref<16x4096xi32, #tpu.memory_space<vmem_shared>> -> memref<16x256xi32, #tpu.memory_space<vmem_shared>>
      %dma_start3A_580 = arith.constant 0 : i32
      %dma_start3A_581 = tpu.memref_slice %arg19[%dma_start3A_580, %mul3A_139] : memref<16x4096xi32, #tpu.memory_space<vmem_shared>> -> memref<16x256xi32, #tpu.memory_space<vmem_shared>>
      tpu.enqueue_dma source(%dma_start3A_581 : memref<16x256xi32, #tpu.memory_space<vmem_shared>>) target(%arg7 : memref<16x256xi32, #tpu.memory_space<vmem>>) target_semaphore(%run_scoped3A : memref<!tpu.dma_semaphore, #tpu.memory_space<semaphore_mem>>)
      %dma_wait3A = arith.constant 0 : i32
      %dma_wait3A_582 = tpu.memref_slice %arg19[%dma_wait3A, %mul3A_139] : memref<16x4096xi32, #tpu.memory_space<vmem_shared>> -> memref<16x256xi32, #tpu.memory_space<vmem_shared>>
      %dma_wait3A_583 = arith.constant 0 : i32
      %dma_wait3A_584 = tpu.memref_slice %arg19[%dma_wait3A_583, %mul3A_139] : memref<16x4096xi32, #tpu.memory_space<vmem_shared>> -> memref<16x256xi32, #tpu.memory_space<vmem_shared>>
      tpu.wait_dma2 semaphore(%run_scoped3A : memref<!tpu.dma_semaphore, #tpu.memory_space<semaphore_mem>>) src(%dma_wait3A_584 : memref<16x256xi32, #tpu.memory_space<vmem_shared>>) dst(%arg7 : memref<16x256xi32, #tpu.memory_space<vmem>>)
      tpu.yield
    }) : () -> ()
    %scan3A_140 = arith.constant 0 : i32
    %scan3A_141 = arith.constant 0 : i32
    %scan3A_142 = arith.constant 16 : i32
    %scan3A_143 = arith.addi %scan3A_141, %scan3A_142 : i32
    %scan3A_144 = arith.constant 1 : i32
    %scan3A_145 = scf.for %scan3A_579 = %scan3A_141 to %scan3A_143 step %scan3A_144 iter_args(%scan3A_580 = %scan3A_140) -> (i32)  : i32 {
      %broadcast_in_dim3A_581 = arith.constant 0 : i32
      %broadcast_in_dim3A_582 = vector.broadcast %broadcast_in_dim3A_581 : i32 to vector<16xi32>
      %mul3A_583 = arith.constant 16 : i32
      %mul3A_584 = arith.muli %scan3A_579, %mul3A_583 : i32
      %get3A_585 = arith.constant 0 : i32
      %get3A_586 = arith.index_cast %get3A_585 : i32 to index
      %get3A_587 = arith.index_cast %mul3A_584 : i32 to index
      %get3A_588 = tpu.vector_load %arg7[%get3A_586, %get3A_587] {strides = array<i32>} : memref<16x256xi32, #tpu.memory_space<vmem>>, vector<16xi32>,
      %add3A_589 = arith.addi %broadcast_in_dim3A_582, %get3A_588 : vector<16xi32>
      %mul3A_590 = arith.constant 16 : i32
      %mul3A_591 = arith.muli %scan3A_579, %mul3A_590 : i32
      %get3A_592 = arith.constant 1 : i32
      %get3A_593 = arith.index_cast %get3A_592 : i32 to index
      %get3A_594 = arith.index_cast %mul3A_591 : i32 to index
      %get3A_595 = tpu.vector_load %arg7[%get3A_593, %get3A_594] {strides = array<i32>} : memref<16x256xi32, #tpu.memory_space<vmem>>, vector<16xi32>,
      %add3A_596 = arith.addi %add3A_589, %get3A_595 : vector<16xi32>
      %mul3A_597 = arith.constant 16 : i32
      %mul3A_598 = arith.muli %scan3A_579, %mul3A_597 : i32
      %get3A_599 = arith.constant 2 : i32
      %get3A_600 = arith.index_cast %get3A_599 : i32 to index
      %get3A_601 = arith.index_cast %mul3A_598 : i32 to index
      %get3A_602 = tpu.vector_load %arg7[%get3A_600, %get3A_601] {strides = array<i32>} : memref<16x256xi32, #tpu.memory_space<vmem>>, vector<16xi32>,
      %add3A_603 = arith.addi %add3A_596, %get3A_602 : vector<16xi32>
      %mul3A_604 = arith.constant 16 : i32
      %mul3A_605 = arith.muli %scan3A_579, %mul3A_604 : i32
      %get3A_606 = arith.constant 3 : i32
      %get3A_607 = arith.index_cast %get3A_606 : i32 to index
      %get3A_608 = arith.index_cast %mul3A_605 : i32 to index
      %get3A_609 = tpu.vector_load %arg7[%get3A_607, %get3A_608] {strides = array<i32>} : memref<16x256xi32, #tpu.memory_space<vmem>>, vector<16xi32>,
      %add3A_610 = arith.addi %add3A_603, %get3A_609 : vector<16xi32>
      %mul3A_611 = arith.constant 16 : i32
      %mul3A_612 = arith.muli %scan3A_579, %mul3A_611 : i32
      %get3A_613 = arith.constant 4 : i32
      %get3A_614 = arith.index_cast %get3A_613 : i32 to index
      %get3A_615 = arith.index_cast %mul3A_612 : i32 to index
      %get3A_616 = tpu.vector_load %arg7[%get3A_614, %get3A_615] {strides = array<i32>} : memref<16x256xi32, #tpu.memory_space<vmem>>, vector<16xi32>,
      %add3A_617 = arith.addi %add3A_610, %get3A_616 : vector<16xi32>
      %mul3A_618 = arith.constant 16 : i32
      %mul3A_619 = arith.muli %scan3A_579, %mul3A_618 : i32
      %get3A_620 = arith.constant 5 : i32
      %get3A_621 = arith.index_cast %get3A_620 : i32 to index
      %get3A_622 = arith.index_cast %mul3A_619 : i32 to index
      %get3A_623 = tpu.vector_load %arg7[%get3A_621, %get3A_622] {strides = array<i32>} : memref<16x256xi32, #tpu.memory_space<vmem>>, vector<16xi32>,
      %add3A_624 = arith.addi %add3A_617, %get3A_623 : vector<16xi32>
      %mul3A_625 = arith.constant 16 : i32
      %mul3A_626 = arith.muli %scan3A_579, %mul3A_625 : i32
      %get3A_627 = arith.constant 6 : i32
      %get3A_628 = arith.index_cast %get3A_627 : i32 to index
      %get3A_629 = arith.index_cast %mul3A_626 : i32 to index
      %get3A_630 = tpu.vector_load %arg7[%get3A_628, %get3A_629] {strides = array<i32>} : memref<16x256xi32, #tpu.memory_space<vmem>>, vector<16xi32>,
      %add3A_631 = arith.addi %add3A_624, %get3A_630 : vector<16xi32>
      %mul3A_632 = arith.constant 16 : i32
      %mul3A_633 = arith.muli %scan3A_579, %mul3A_632 : i32
      %get3A_634 = arith.constant 7 : i32
      %get3A_635 = arith.index_cast %get3A_634 : i32 to index
      %get3A_636 = arith.index_cast %mul3A_633 : i32 to index
      %get3A_637 = tpu.vector_load %arg7[%get3A_635, %get3A_636] {strides = array<i32>} : memref<16x256xi32, #tpu.memory_space<vmem>>, vector<16xi32>,
      %add3A_638 = arith.addi %add3A_631, %get3A_637 : vector<16xi32>
      %mul3A_639 = arith.constant 16 : i32
      %mul3A_640 = arith.muli %scan3A_579, %mul3A_639 : i32
      %get3A_641 = arith.constant 8 : i32
      %get3A_642 = arith.index_cast %get3A_641 : i32 to index
      %get3A_643 = arith.index_cast %mul3A_640 : i32 to index
      %get3A_644 = tpu.vector_load %arg7[%get3A_642, %get3A_643] {strides = array<i32>} : memref<16x256xi32, #tpu.memory_space<vmem>>, vector<16xi32>,
      %add3A_645 = arith.addi %add3A_638, %get3A_644 : vector<16xi32>
      %mul3A_646 = arith.constant 16 : i32
      %mul3A_647 = arith.muli %scan3A_579, %mul3A_646 : i32
      %get3A_648 = arith.constant 9 : i32
      %get3A_649 = arith.index_cast %get3A_648 : i32 to index
      %get3A_650 = arith.index_cast %mul3A_647 : i32 to index
      %get3A_651 = tpu.vector_load %arg7[%get3A_649, %get3A_650] {strides = array<i32>} : memref<16x256xi32, #tpu.memory_space<vmem>>, vector<16xi32>,
      %add3A_652 = arith.addi %add3A_645, %get3A_651 : vector<16xi32>
      %mul3A_653 = arith.constant 16 : i32
      %mul3A_654 = arith.muli %scan3A_579, %mul3A_653 : i32
      %get3A_655 = arith.constant 10 : i32
      %get3A_656 = arith.index_cast %get3A_655 : i32 to index
      %get3A_657 = arith.index_cast %mul3A_654 : i32 to index
      %get3A_658 = tpu.vector_load %arg7[%get3A_656, %get3A_657] {strides = array<i32>} : memref<16x256xi32, #tpu.memory_space<vmem>>, vector<16xi32>,
      %add3A_659 = arith.addi %add3A_652, %get3A_658 : vector<16xi32>
      %mul3A_660 = arith.constant 16 : i32
      %mul3A_661 = arith.muli %scan3A_579, %mul3A_660 : i32
      %get3A_662 = arith.constant 11 : i32
      %get3A_663 = arith.index_cast %get3A_662 : i32 to index
      %get3A_664 = arith.index_cast %mul3A_661 : i32 to index
      %get3A_665 = tpu.vector_load %arg7[%get3A_663, %get3A_664] {strides = array<i32>} : memref<16x256xi32, #tpu.memory_space<vmem>>, vector<16xi32>,
      %add3A_666 = arith.addi %add3A_659, %get3A_665 : vector<16xi32>
      %mul3A_667 = arith.constant 16 : i32
      %mul3A_668 = arith.muli %scan3A_579, %mul3A_667 : i32
      %get3A_669 = arith.constant 12 : i32
      %get3A_670 = arith.index_cast %get3A_669 : i32 to index
      %get3A_671 = arith.index_cast %mul3A_668 : i32 to index
      %get3A_672 = tpu.vector_load %arg7[%get3A_670, %get3A_671] {strides = array<i32>} : memref<16x256xi32, #tpu.memory_space<vmem>>, vector<16xi32>,
      %add3A_673 = arith.addi %add3A_666, %get3A_672 : vector<16xi32>
      %mul3A_674 = arith.constant 16 : i32
      %mul3A_675 = arith.muli %scan3A_579, %mul3A_674 : i32
      %get3A_676 = arith.constant 13 : i32
      %get3A_677 = arith.index_cast %get3A_676 : i32 to index
      %get3A_678 = arith.index_cast %mul3A_675 : i32 to index
      %get3A_679 = tpu.vector_load %arg7[%get3A_677, %get3A_678] {strides = array<i32>} : memref<16x256xi32, #tpu.memory_space<vmem>>, vector<16xi32>,
      %add3A_680 = arith.addi %add3A_673, %get3A_679 : vector<16xi32>
      %mul3A_681 = arith.constant 16 : i32
      %mul3A_682 = arith.muli %scan3A_579, %mul3A_681 : i32
      %get3A_683 = arith.constant 14 : i32
      %get3A_684 = arith.index_cast %get3A_683 : i32 to index
      %get3A_685 = arith.index_cast %mul3A_682 : i32 to index
      %get3A_686 = tpu.vector_load %arg7[%get3A_684, %get3A_685] {strides = array<i32>} : memref<16x256xi32, #tpu.memory_space<vmem>>, vector<16xi32>,
      %add3A_687 = arith.addi %add3A_680, %get3A_686 : vector<16xi32>
      %mul3A_688 = arith.constant 16 : i32
      %mul3A_689 = arith.muli %scan3A_579, %mul3A_688 : i32
      %get3A_690 = arith.constant 15 : i32
      %get3A_691 = arith.index_cast %get3A_690 : i32 to index
      %get3A_692 = arith.index_cast %mul3A_689 : i32 to index
      %get3A_693 = tpu.vector_load %arg7[%get3A_691, %get3A_692] {strides = array<i32>} : memref<16x256xi32, #tpu.memory_space<vmem>>, vector<16xi32>,
      %add3A_694 = arith.addi %add3A_687, %get3A_693 : vector<16xi32>
      %mul3A_695 = arith.constant 16 : i32
      %mul3A_696 = arith.muli %scan3A_579, %mul3A_695 : i32
      %swap3A_697 = arith.index_cast %mul3A_696 : i32 to index
      %swap3A_698 = tpu.vector_load %arg8[%swap3A_697] {strides = array<i32>} : memref<4096xi32, #tpu.memory_space<vmem>>, vector<16xi32>,
      tpu.vector_store %arg8[%swap3A_697], %add3A_694 {strides = array<i32>} : memref<4096xi32, #tpu.memory_space<vmem>>, vector<16xi32>,
      %scan3A_699 = arith.constant 0 : i32
      scf.yield %scan3A_699 : i32
    }
    %scan3A_146 = arith.constant 16 : i32
    %mul3A_147 = arith.constant 256 : i32
    %mul3A_148 = arith.muli %arg1, %mul3A_147 : i32
    "tpu.region"() ({
      %run_scoped3A = tpu.sem_alloc : memref<!tpu.dma_semaphore, #tpu.memory_space<semaphore_mem>>
      %dma_start3A = arith.constant 0 : i32
      %dma_start3A_579 = tpu.memref_slice %arg8[%dma_start3A] : memref<4096xi32, #tpu.memory_space<vmem>> -> memref<256xi32, #tpu.memory_space<vmem>>
      %dma_start3A_580 = tpu.memref_slice %arg21[%mul3A_148] : memref<4096xi32, #tpu.memory_space<vmem_shared>> -> memref<256xi32, #tpu.memory_space<vmem_shared>>
      %dma_start3A_581 = tpu.memref_slice %arg21[%mul3A_148] : memref<4096xi32, #tpu.memory_space<vmem_shared>> -> memref<256xi32, #tpu.memory_space<vmem_shared>>
      %dma_start3A_582 = arith.constant 0 : i32
      %dma_start3A_583 = tpu.memref_slice %arg8[%dma_start3A_582] : memref<4096xi32, #tpu.memory_space<vmem>> -> memref<256xi32, #tpu.memory_space<vmem>>
      tpu.enqueue_dma source(%dma_start3A_583 : memref<256xi32, #tpu.memory_space<vmem>>) target(%dma_start3A_581 : memref<256xi32, #tpu.memory_space<vmem_shared>>) target_semaphore(%run_scoped3A : memref<!tpu.dma_semaphore, #tpu.memory_space<semaphore_mem>>)
      %dma_wait3A = arith.constant 0 : i32
      %dma_wait3A_584 = tpu.memref_slice %arg8[%dma_wait3A] : memref<4096xi32, #tpu.memory_space<vmem>> -> memref<256xi32, #tpu.memory_space<vmem>>
      %dma_wait3A_585 = tpu.memref_slice %arg21[%mul3A_148] : memref<4096xi32, #tpu.memory_space<vmem_shared>> -> memref<256xi32, #tpu.memory_space<vmem_shared>>
      %dma_wait3A_586 = tpu.memref_slice %arg21[%mul3A_148] : memref<4096xi32, #tpu.memory_space<vmem_shared>> -> memref<256xi32, #tpu.memory_space<vmem_shared>>
      %dma_wait3A_587 = arith.constant 0 : i32
      %dma_wait3A_588 = tpu.memref_slice %arg8[%dma_wait3A_587] : memref<4096xi32, #tpu.memory_space<vmem>> -> memref<256xi32, #tpu.memory_space<vmem>>
      tpu.wait_dma2 semaphore(%run_scoped3A : memref<!tpu.dma_semaphore, #tpu.memory_space<semaphore_mem>>) src(%dma_wait3A_588 : memref<256xi32, #tpu.memory_space<vmem>>) dst(%dma_wait3A_586 : memref<256xi32, #tpu.memory_space<vmem_shared>>)
      tpu.yield
    }) : () -> ()
    %barrier3A_149 = arith.constant 0 : index
    tpu.barrier barrier_id(%barrier3A_149)
    "tpu.region"() ({
      %run_scoped3A = tpu.sem_alloc : memref<!tpu.dma_semaphore, #tpu.memory_space<semaphore_mem>>
      tpu.enqueue_dma source(%arg21 : memref<4096xi32, #tpu.memory_space<vmem_shared>>) target(%arg8 : memref<4096xi32, #tpu.memory_space<vmem>>) target_semaphore(%run_scoped3A : memref<!tpu.dma_semaphore, #tpu.memory_space<semaphore_mem>>)
      tpu.wait_dma2 semaphore(%run_scoped3A : memref<!tpu.dma_semaphore, #tpu.memory_space<semaphore_mem>>) src(%arg21 : memref<4096xi32, #tpu.memory_space<vmem_shared>>) dst(%arg8 : memref<4096xi32, #tpu.memory_space<vmem>>)
      tpu.yield
    }) : () -> ()
    %scan3A_150 = arith.constant 0 : i32
    %scan3A_151 = arith.constant 0 : i32
    %scan3A_152 = arith.constant 1 : i32
    %scan3A_153 = arith.constant 0 : i32
    %scan3A_154 = arith.constant 256 : i32
    %scan3A_155 = arith.addi %scan3A_153, %scan3A_154 : i32
    %scan3A_156 = arith.constant 1 : i32
    %scan3A_157:3 = scf.for %scan3A_579 = %scan3A_153 to %scan3A_155 step %scan3A_156 iter_args(%scan3A_580 = %scan3A_150, %scan3A_581 = %scan3A_151, %scan3A_582 = %scan3A_152) -> (i32, i32, i32)  : i32 {
      %sub3A_583 = arith.constant 255 : i32
      %sub3A_584 = arith.subi %sub3A_583, %scan3A_579 : i32
      %mul3A_585 = arith.constant 16 : i32
      %mul3A_586 = arith.muli %sub3A_584, %mul3A_585 : i32
      %get3A_587 = arith.index_cast %mul3A_586 : i32 to index
      %get3A_588 = tpu.vector_load %arg8[%get3A_587] {strides = array<i32>} : memref<4096xi32, #tpu.memory_space<vmem>>, vector<16xi32>,
      %reduce_sum3A_589 = arith.constant true
      %reduce_sum3A_590 = vector.broadcast %reduce_sum3A_589 : i1 to vector<16xi1>
      %reduce_sum3A_591 = tpu.scan <sum>, %get3A_588 masked %reduce_sum3A_590 : vector<16xi32>, vector<16xi1> -> vector<16xi32>
      %reduce_sum3A_592 = vector.extract %reduce_sum3A_591[15] : i32 from vector<16xi32>
      %add3A_593 = arith.addi %scan3A_580, %reduce_sum3A_592 : i32
      %lt3A_594 = arith.cmpi slt, %scan3A_580, %sub3A_118 : i32
      %ge3A_595 = arith.cmpi sge, %add3A_593, %sub3A_118 : i32
      %and3A_596 = arith.andi %lt3A_594, %ge3A_595 : i1
      %select_n3A_597 = arith.select %and3A_596, %sub3A_584, %scan3A_581 : i32
      %sub3A_598 = arith.subi %sub3A_118, %scan3A_580 : i32
      %select_n3A_599 = arith.select %and3A_596, %sub3A_598, %scan3A_582 : i32
      scf.yield %add3A_593, %select_n3A_597, %select_n3A_599 : i32, i32, i32
    }
    %scan3A_158 = arith.constant 256 : i32
    %mul3A_159 = arith.constant 16 : i32
    %mul3A_160 = arith.muli %scan3A_157#1, %mul3A_159 : i32
    %multiple_of3A_161 = tpu.assume_multiple %mul3A_160, 16 : i32
    %get3A_162 = arith.index_cast %multiple_of3A_161 : i32 to index
    %get3A_163 = tpu.vector_load %arg8[%get3A_162] {strides = array<i32>} : memref<4096xi32, #tpu.memory_space<vmem>>, vector<16xi32>,
    %rev3A_164 = arith.constant 15 : i32
    %rev3A_165 = vector.broadcast %rev3A_164 : i32 to vector<16xi32>
    %rev3A_166 = tpu.iota {dimensions = array<i32: 0>} : vector<16xi32>
    %rev3A_167 = arith.subi %rev3A_165, %rev3A_166 : vector<16xi32>
    %rev3A_168 = tpu.dynamic_gather %get3A_163[%rev3A_167] in [0] : vector<16xi32>, vector<16xi32> -> vector<16xi32>
    %broadcast_in_dim3A_169 = arith.constant true
    %broadcast_in_dim3A_170 = vector.broadcast %broadcast_in_dim3A_169 : i1 to vector<16xi1>
    %masked_cumsum3A_171 = tpu.scan <sum>, %rev3A_168 masked %broadcast_in_dim3A_170 : vector<16xi32>, vector<16xi1> -> vector<16xi32>
    %rev3A_172 = arith.constant 15 : i32
    %rev3A_173 = vector.broadcast %rev3A_172 : i32 to vector<16xi32>
    %rev3A_174 = tpu.iota {dimensions = array<i32: 0>} : vector<16xi32>
    %rev3A_175 = arith.subi %rev3A_173, %rev3A_174 : vector<16xi32>
    %rev3A_176 = tpu.dynamic_gather %masked_cumsum3A_171[%rev3A_175] in [0] : vector<16xi32>, vector<16xi32> -> vector<16xi32>
    %ge3A_177 = vector.broadcast %scan3A_157#2 : i32 to vector<16xi32>
    %ge3A_178 = arith.cmpi sge, %rev3A_176, %ge3A_177 : vector<16xi32>
    %all_reduce_population_count3A_179 = tpu.all_reduce %ge3A_178 {dim = 0 : i64, kind = #tpu.reduction_kind<sum>} : vector<16xi1> -> vector<16xi32>
    %sub3A_180 = arith.constant 1 : i32
    %sub3A_181 = vector.broadcast %sub3A_180 : i32 to vector<16xi32>
    %sub3A_182 = arith.subi %all_reduce_population_count3A_179, %sub3A_181 : vector<16xi32>
    %gt3A_183 = arith.cmpi sgt, %iota3A, %sub3A_182 : vector<16xi32>
    %jit3A_184 = arith.constant 0 : i32
    %broadcast_in_dim3A_185 = vector.broadcast %jit3A_184 : i32 to vector<16xi32>
    %select_n3A_186 = arith.select %gt3A_183, %get3A_163, %broadcast_in_dim3A_185 : vector<16xi1>, vector<16xi32>
    %reduce_sum3A_187 = arith.constant true
    %reduce_sum3A_188 = vector.broadcast %reduce_sum3A_187 : i1 to vector<16xi1>
    %reduce_sum3A_189 = tpu.scan <sum>, %select_n3A_186 masked %reduce_sum3A_188 : vector<16xi32>, vector<16xi1> -> vector<16xi32>
    %reduce_sum3A_190 = vector.extract %reduce_sum3A_189[15] : i32 from vector<16xi32>
    %sub3A_191 = arith.subi %scan3A_157#2, %reduce_sum3A_190 : i32
    %mul3A_192 = arith.constant 16 : i32
    %mul3A_193 = arith.muli %scan3A_157#1, %mul3A_192 : i32
    %broadcast_in_dim3A_194 = vector.broadcast %mul3A_193 : i32 to vector<16xi32>
    %add3A_195 = arith.addi %broadcast_in_dim3A_194, %sub3A_182 : vector<16xi32>
    %shift_left3A = arith.constant 12 : i32
    %shift_left3A_196 = vector.broadcast %shift_left3A : i32 to vector<16xi32>
    %shift_left3A_197 = arith.shli %add3A_122, %shift_left3A_196 : vector<16xi32>
    %or3A = arith.ori %shift_left3A_197, %add3A_195 : vector<16xi32>
    %scan3A_198 = arith.constant 0 : i32
    %scan3A_199 = arith.constant 0 : i32
    %scan3A_200 = arith.constant 256 : i32
    %scan3A_201 = arith.addi %scan3A_199, %scan3A_200 : i32
    %scan3A_202 = arith.constant 1 : i32
    %scan3A_203 = scf.for %scan3A_579 = %scan3A_199 to %scan3A_201 step %scan3A_202 iter_args(%scan3A_580 = %scan3A_198) -> (i32)  : i32 {
      %mul3A_581 = arith.constant 16 : i32
      %mul3A_582 = arith.muli %scan3A_579, %mul3A_581 : i32
      %swap3A_583 = arith.index_cast %mul3A_582 : i32 to index
      %swap3A_584 = tpu.vector_load %arg6[%swap3A_583] {strides = array<i32>} : memref<4096xi32, #tpu.memory_space<vmem>>, vector<16xi32>,
      tpu.vector_store %arg6[%swap3A_583], %broadcast_in_dim3A_3 {strides = array<i32>} : memref<4096xi32, #tpu.memory_space<vmem>>, vector<16xi32>,
      %scan3A_585 = arith.constant 0 : i32
      scf.yield %scan3A_585 : i32
    }
    %scan3A_204 = arith.constant 256 : i32
    %scan3A_205 = arith.constant 0 : i32
    %scan3A_206 = arith.constant 0 : i32
    %scan3A_207 = arith.constant 1024 : i32
    %scan3A_208 = arith.addi %scan3A_206, %scan3A_207 : i32
    %scan3A_209 = arith.constant 1 : i32
    %scan3A_210 = scf.for %scan3A_579 = %scan3A_206 to %scan3A_208 step %scan3A_209 iter_args(%scan3A_580 = %scan3A_205) -> (i32)  : i32 {
      %mul3A_581 = arith.constant 16 : i32
      %mul3A_582 = arith.muli %scan3A_579, %mul3A_581 : i32
      %get3A_583 = arith.index_cast %mul3A_582 : i32 to index
      %get3A_584 = tpu.vector_load %arg5[%get3A_583] {strides = array<i32>} : memref<16384xi32, #tpu.memory_space<vmem>>, vector<16xi32>,
      %and3A_585 = arith.constant 127 : i32
      %and3A_586 = vector.broadcast %and3A_585 : i32 to vector<16xi32>
      %and3A_587 = arith.andi %get3A_584, %and3A_586 : vector<16xi32>
      %shift_right_logical3A = arith.constant 7 : i32
      %shift_right_logical3A_588 = vector.broadcast %shift_right_logical3A : i32 to vector<16xi32>
      %shift_right_logical3A_589 = arith.shrui %get3A_584, %shift_right_logical3A_588 : vector<16xi32>
      %eq3A_590 = arith.cmpi eq, %shift_right_logical3A_589, %or3A : vector<16xi32>
      tpu.vector_store_idx %arg6[%and3A_587], %broadcast_in_dim3A_5 masked %eq3A_590 {add = true} : memref<4096xi32, #tpu.memory_space<vmem>>[vector<16xi32>], vector<16xi32>, vector<16xi1>
      %scan3A_591 = arith.constant 0 : i32
      scf.yield %scan3A_591 : i32
    }
    %scan3A_211 = arith.constant 1024 : i32
    "tpu.region"() ({
      %run_scoped3A = tpu.sem_alloc : memref<!tpu.dma_semaphore, #tpu.memory_space<semaphore_mem>>
      %dma_start3A = arith.constant 0 : i32
      %dma_start3A_579 = tpu.memref_slice %arg19[%arg1, %dma_start3A] : memref<16x4096xi32, #tpu.memory_space<vmem_shared>> -> memref<1x4096xi32, #tpu.memory_space<vmem_shared>>
      %dma_start3A_580 = tpu.memref_squeeze %dma_start3A_579 : memref<1x4096xi32, #tpu.memory_space<vmem_shared>> -> memref<4096xi32, #tpu.memory_space<vmem_shared>>
      %dma_start3A_581 = arith.constant 0 : i32
      %dma_start3A_582 = tpu.memref_slice %arg19[%arg1, %dma_start3A_581] : memref<16x4096xi32, #tpu.memory_space<vmem_shared>> -> memref<1x4096xi32, #tpu.memory_space<vmem_shared>>
      %dma_start3A_583 = tpu.memref_squeeze %dma_start3A_582 : memref<1x4096xi32, #tpu.memory_space<vmem_shared>> -> memref<4096xi32, #tpu.memory_space<vmem_shared>>
      tpu.enqueue_dma source(%arg6 : memref<4096xi32, #tpu.memory_space<vmem>>) target(%dma_start3A_583 : memref<4096xi32, #tpu.memory_space<vmem_shared>>) target_semaphore(%run_scoped3A : memref<!tpu.dma_semaphore, #tpu.memory_space<semaphore_mem>>)
      %dma_wait3A = arith.constant 0 : i32
      %dma_wait3A_584 = tpu.memref_slice %arg19[%arg1, %dma_wait3A] : memref<16x4096xi32, #tpu.memory_space<vmem_shared>> -> memref<1x4096xi32, #tpu.memory_space<vmem_shared>>
      %dma_wait3A_585 = tpu.memref_squeeze %dma_wait3A_584 : memref<1x4096xi32, #tpu.memory_space<vmem_shared>> -> memref<4096xi32, #tpu.memory_space<vmem_shared>>
      %dma_wait3A_586 = arith.constant 0 : i32
      %dma_wait3A_587 = tpu.memref_slice %arg19[%arg1, %dma_wait3A_586] : memref<16x4096xi32, #tpu.memory_space<vmem_shared>> -> memref<1x4096xi32, #tpu.memory_space<vmem_shared>>
      %dma_wait3A_588 = tpu.memref_squeeze %dma_wait3A_587 : memref<1x4096xi32, #tpu.memory_space<vmem_shared>> -> memref<4096xi32, #tpu.memory_space<vmem_shared>>
      tpu.wait_dma2 semaphore(%run_scoped3A : memref<!tpu.dma_semaphore, #tpu.memory_space<semaphore_mem>>) src(%arg6 : memref<4096xi32, #tpu.memory_space<vmem>>) dst(%dma_wait3A_588 : memref<4096xi32, #tpu.memory_space<vmem_shared>>)
      tpu.yield
    }) : () -> ()
    %barrier3A_212 = arith.constant 0 : index
    tpu.barrier barrier_id(%barrier3A_212)
    %mul3A_213 = arith.constant 256 : i32
    %mul3A_214 = arith.muli %arg1, %mul3A_213 : i32
    "tpu.region"() ({
      %run_scoped3A = tpu.sem_alloc : memref<!tpu.dma_semaphore, #tpu.memory_space<semaphore_mem>>
      %dma_start3A = arith.constant 0 : i32
      %dma_start3A_579 = tpu.memref_slice %arg19[%dma_start3A, %mul3A_214] : memref<16x4096xi32, #tpu.memory_space<vmem_shared>> -> memref<16x256xi32, #tpu.memory_space<vmem_shared>>
      %dma_start3A_580 = arith.constant 0 : i32
      %dma_start3A_581 = tpu.memref_slice %arg19[%dma_start3A_580, %mul3A_214] : memref<16x4096xi32, #tpu.memory_space<vmem_shared>> -> memref<16x256xi32, #tpu.memory_space<vmem_shared>>
      tpu.enqueue_dma source(%dma_start3A_581 : memref<16x256xi32, #tpu.memory_space<vmem_shared>>) target(%arg7 : memref<16x256xi32, #tpu.memory_space<vmem>>) target_semaphore(%run_scoped3A : memref<!tpu.dma_semaphore, #tpu.memory_space<semaphore_mem>>)
      %dma_wait3A = arith.constant 0 : i32
      %dma_wait3A_582 = tpu.memref_slice %arg19[%dma_wait3A, %mul3A_214] : memref<16x4096xi32, #tpu.memory_space<vmem_shared>> -> memref<16x256xi32, #tpu.memory_space<vmem_shared>>
      %dma_wait3A_583 = arith.constant 0 : i32
      %dma_wait3A_584 = tpu.memref_slice %arg19[%dma_wait3A_583, %mul3A_214] : memref<16x4096xi32, #tpu.memory_space<vmem_shared>> -> memref<16x256xi32, #tpu.memory_space<vmem_shared>>
      tpu.wait_dma2 semaphore(%run_scoped3A : memref<!tpu.dma_semaphore, #tpu.memory_space<semaphore_mem>>) src(%dma_wait3A_584 : memref<16x256xi32, #tpu.memory_space<vmem_shared>>) dst(%arg7 : memref<16x256xi32, #tpu.memory_space<vmem>>)
      tpu.yield
    }) : () -> ()
    %scan3A_215 = arith.constant 0 : i32
    %scan3A_216 = arith.constant 0 : i32
    %scan3A_217 = arith.constant 16 : i32
    %scan3A_218 = arith.addi %scan3A_216, %scan3A_217 : i32
    %scan3A_219 = arith.constant 1 : i32
    %scan3A_220 = scf.for %scan3A_579 = %scan3A_216 to %scan3A_218 step %scan3A_219 iter_args(%scan3A_580 = %scan3A_215) -> (i32)  : i32 {
      %broadcast_in_dim3A_581 = arith.constant 0 : i32
      %broadcast_in_dim3A_582 = vector.broadcast %broadcast_in_dim3A_581 : i32 to vector<16xi32>
      %mul3A_583 = arith.constant 16 : i32
      %mul3A_584 = arith.muli %scan3A_579, %mul3A_583 : i32
      %get3A_585 = arith.constant 0 : i32
      %get3A_586 = arith.index_cast %get3A_585 : i32 to index
      %get3A_587 = arith.index_cast %mul3A_584 : i32 to index
      %get3A_588 = tpu.vector_load %arg7[%get3A_586, %get3A_587] {strides = array<i32>} : memref<16x256xi32, #tpu.memory_space<vmem>>, vector<16xi32>,
      %add3A_589 = arith.addi %broadcast_in_dim3A_582, %get3A_588 : vector<16xi32>
      %mul3A_590 = arith.constant 16 : i32
      %mul3A_591 = arith.muli %scan3A_579, %mul3A_590 : i32
      %get3A_592 = arith.constant 1 : i32
      %get3A_593 = arith.index_cast %get3A_592 : i32 to index
      %get3A_594 = arith.index_cast %mul3A_591 : i32 to index
      %get3A_595 = tpu.vector_load %arg7[%get3A_593, %get3A_594] {strides = array<i32>} : memref<16x256xi32, #tpu.memory_space<vmem>>, vector<16xi32>,
      %add3A_596 = arith.addi %add3A_589, %get3A_595 : vector<16xi32>
      %mul3A_597 = arith.constant 16 : i32
      %mul3A_598 = arith.muli %scan3A_579, %mul3A_597 : i32
      %get3A_599 = arith.constant 2 : i32
      %get3A_600 = arith.index_cast %get3A_599 : i32 to index
      %get3A_601 = arith.index_cast %mul3A_598 : i32 to index
      %get3A_602 = tpu.vector_load %arg7[%get3A_600, %get3A_601] {strides = array<i32>} : memref<16x256xi32, #tpu.memory_space<vmem>>, vector<16xi32>,
      %add3A_603 = arith.addi %add3A_596, %get3A_602 : vector<16xi32>
      %mul3A_604 = arith.constant 16 : i32
      %mul3A_605 = arith.muli %scan3A_579, %mul3A_604 : i32
      %get3A_606 = arith.constant 3 : i32
      %get3A_607 = arith.index_cast %get3A_606 : i32 to index
      %get3A_608 = arith.index_cast %mul3A_605 : i32 to index
      %get3A_609 = tpu.vector_load %arg7[%get3A_607, %get3A_608] {strides = array<i32>} : memref<16x256xi32, #tpu.memory_space<vmem>>, vector<16xi32>,
      %add3A_610 = arith.addi %add3A_603, %get3A_609 : vector<16xi32>
      %mul3A_611 = arith.constant 16 : i32
      %mul3A_612 = arith.muli %scan3A_579, %mul3A_611 : i32
      %get3A_613 = arith.constant 4 : i32
      %get3A_614 = arith.index_cast %get3A_613 : i32 to index
      %get3A_615 = arith.index_cast %mul3A_612 : i32 to index
      %get3A_616 = tpu.vector_load %arg7[%get3A_614, %get3A_615] {strides = array<i32>} : memref<16x256xi32, #tpu.memory_space<vmem>>, vector<16xi32>,
      %add3A_617 = arith.addi %add3A_610, %get3A_616 : vector<16xi32>
      %mul3A_618 = arith.constant 16 : i32
      %mul3A_619 = arith.muli %scan3A_579, %mul3A_618 : i32
      %get3A_620 = arith.constant 5 : i32
      %get3A_621 = arith.index_cast %get3A_620 : i32 to index
      %get3A_622 = arith.index_cast %mul3A_619 : i32 to index
      %get3A_623 = tpu.vector_load %arg7[%get3A_621, %get3A_622] {strides = array<i32>} : memref<16x256xi32, #tpu.memory_space<vmem>>, vector<16xi32>,
      %add3A_624 = arith.addi %add3A_617, %get3A_623 : vector<16xi32>
      %mul3A_625 = arith.constant 16 : i32
      %mul3A_626 = arith.muli %scan3A_579, %mul3A_625 : i32
      %get3A_627 = arith.constant 6 : i32
      %get3A_628 = arith.index_cast %get3A_627 : i32 to index
      %get3A_629 = arith.index_cast %mul3A_626 : i32 to index
      %get3A_630 = tpu.vector_load %arg7[%get3A_628, %get3A_629] {strides = array<i32>} : memref<16x256xi32, #tpu.memory_space<vmem>>, vector<16xi32>,
      %add3A_631 = arith.addi %add3A_624, %get3A_630 : vector<16xi32>
      %mul3A_632 = arith.constant 16 : i32
      %mul3A_633 = arith.muli %scan3A_579, %mul3A_632 : i32
      %get3A_634 = arith.constant 7 : i32
      %get3A_635 = arith.index_cast %get3A_634 : i32 to index
      %get3A_636 = arith.index_cast %mul3A_633 : i32 to index
      %get3A_637 = tpu.vector_load %arg7[%get3A_635, %get3A_636] {strides = array<i32>} : memref<16x256xi32, #tpu.memory_space<vmem>>, vector<16xi32>,
      %add3A_638 = arith.addi %add3A_631, %get3A_637 : vector<16xi32>
      %mul3A_639 = arith.constant 16 : i32
      %mul3A_640 = arith.muli %scan3A_579, %mul3A_639 : i32
      %get3A_641 = arith.constant 8 : i32
      %get3A_642 = arith.index_cast %get3A_641 : i32 to index
      %get3A_643 = arith.index_cast %mul3A_640 : i32 to index
      %get3A_644 = tpu.vector_load %arg7[%get3A_642, %get3A_643] {strides = array<i32>} : memref<16x256xi32, #tpu.memory_space<vmem>>, vector<16xi32>,
      %add3A_645 = arith.addi %add3A_638, %get3A_644 : vector<16xi32>
      %mul3A_646 = arith.constant 16 : i32
      %mul3A_647 = arith.muli %scan3A_579, %mul3A_646 : i32
      %get3A_648 = arith.constant 9 : i32
      %get3A_649 = arith.index_cast %get3A_648 : i32 to index
      %get3A_650 = arith.index_cast %mul3A_647 : i32 to index
      %get3A_651 = tpu.vector_load %arg7[%get3A_649, %get3A_650] {strides = array<i32>} : memref<16x256xi32, #tpu.memory_space<vmem>>, vector<16xi32>,
      %add3A_652 = arith.addi %add3A_645, %get3A_651 : vector<16xi32>
      %mul3A_653 = arith.constant 16 : i32
      %mul3A_654 = arith.muli %scan3A_579, %mul3A_653 : i32
      %get3A_655 = arith.constant 10 : i32
      %get3A_656 = arith.index_cast %get3A_655 : i32 to index
      %get3A_657 = arith.index_cast %mul3A_654 : i32 to index
      %get3A_658 = tpu.vector_load %arg7[%get3A_656, %get3A_657] {strides = array<i32>} : memref<16x256xi32, #tpu.memory_space<vmem>>, vector<16xi32>,
      %add3A_659 = arith.addi %add3A_652, %get3A_658 : vector<16xi32>
      %mul3A_660 = arith.constant 16 : i32
      %mul3A_661 = arith.muli %scan3A_579, %mul3A_660 : i32
      %get3A_662 = arith.constant 11 : i32
      %get3A_663 = arith.index_cast %get3A_662 : i32 to index
      %get3A_664 = arith.index_cast %mul3A_661 : i32 to index
      %get3A_665 = tpu.vector_load %arg7[%get3A_663, %get3A_664] {strides = array<i32>} : memref<16x256xi32, #tpu.memory_space<vmem>>, vector<16xi32>,
      %add3A_666 = arith.addi %add3A_659, %get3A_665 : vector<16xi32>
      %mul3A_667 = arith.constant 16 : i32
      %mul3A_668 = arith.muli %scan3A_579, %mul3A_667 : i32
      %get3A_669 = arith.constant 12 : i32
      %get3A_670 = arith.index_cast %get3A_669 : i32 to index
      %get3A_671 = arith.index_cast %mul3A_668 : i32 to index
      %get3A_672 = tpu.vector_load %arg7[%get3A_670, %get3A_671] {strides = array<i32>} : memref<16x256xi32, #tpu.memory_space<vmem>>, vector<16xi32>,
      %add3A_673 = arith.addi %add3A_666, %get3A_672 : vector<16xi32>
      %mul3A_674 = arith.constant 16 : i32
      %mul3A_675 = arith.muli %scan3A_579, %mul3A_674 : i32
      %get3A_676 = arith.constant 13 : i32
      %get3A_677 = arith.index_cast %get3A_676 : i32 to index
      %get3A_678 = arith.index_cast %mul3A_675 : i32 to index
      %get3A_679 = tpu.vector_load %arg7[%get3A_677, %get3A_678] {strides = array<i32>} : memref<16x256xi32, #tpu.memory_space<vmem>>, vector<16xi32>,
      %add3A_680 = arith.addi %add3A_673, %get3A_679 : vector<16xi32>
      %mul3A_681 = arith.constant 16 : i32
      %mul3A_682 = arith.muli %scan3A_579, %mul3A_681 : i32
      %get3A_683 = arith.constant 14 : i32
      %get3A_684 = arith.index_cast %get3A_683 : i32 to index
      %get3A_685 = arith.index_cast %mul3A_682 : i32 to index
      %get3A_686 = tpu.vector_load %arg7[%get3A_684, %get3A_685] {strides = array<i32>} : memref<16x256xi32, #tpu.memory_space<vmem>>, vector<16xi32>,
      %add3A_687 = arith.addi %add3A_680, %get3A_686 : vector<16xi32>
      %mul3A_688 = arith.constant 16 : i32
      %mul3A_689 = arith.muli %scan3A_579, %mul3A_688 : i32
      %get3A_690 = arith.constant 15 : i32
      %get3A_691 = arith.index_cast %get3A_690 : i32 to index
      %get3A_692 = arith.index_cast %mul3A_689 : i32 to index
      %get3A_693 = tpu.vector_load %arg7[%get3A_691, %get3A_692] {strides = array<i32>} : memref<16x256xi32, #tpu.memory_space<vmem>>, vector<16xi32>,
      %add3A_694 = arith.addi %add3A_687, %get3A_693 : vector<16xi32>
      %mul3A_695 = arith.constant 16 : i32
      %mul3A_696 = arith.muli %scan3A_579, %mul3A_695 : i32
      %swap3A_697 = arith.index_cast %mul3A_696 : i32 to index
      %swap3A_698 = tpu.vector_load %arg8[%swap3A_697] {strides = array<i32>} : memref<4096xi32, #tpu.memory_space<vmem>>, vector<16xi32>,
      tpu.vector_store %arg8[%swap3A_697], %add3A_694 {strides = array<i32>} : memref<4096xi32, #tpu.memory_space<vmem>>, vector<16xi32>,
      %scan3A_699 = arith.constant 0 : i32
      scf.yield %scan3A_699 : i32
    }
    %scan3A_221 = arith.constant 16 : i32
    %mul3A_222 = arith.constant 256 : i32
    %mul3A_223 = arith.muli %arg1, %mul3A_222 : i32
    "tpu.region"() ({
      %run_scoped3A = tpu.sem_alloc : memref<!tpu.dma_semaphore, #tpu.memory_space<semaphore_mem>>
      %dma_start3A = arith.constant 0 : i32
      %dma_start3A_579 = tpu.memref_slice %arg8[%dma_start3A] : memref<4096xi32, #tpu.memory_space<vmem>> -> memref<256xi32, #tpu.memory_space<vmem>>
      %dma_start3A_580 = tpu.memref_slice %arg22[%mul3A_223] : memref<4096xi32, #tpu.memory_space<vmem_shared>> -> memref<256xi32, #tpu.memory_space<vmem_shared>>
      %dma_start3A_581 = tpu.memref_slice %arg22[%mul3A_223] : memref<4096xi32, #tpu.memory_space<vmem_shared>> -> memref<256xi32, #tpu.memory_space<vmem_shared>>
      %dma_start3A_582 = arith.constant 0 : i32
      %dma_start3A_583 = tpu.memref_slice %arg8[%dma_start3A_582] : memref<4096xi32, #tpu.memory_space<vmem>> -> memref<256xi32, #tpu.memory_space<vmem>>
      tpu.enqueue_dma source(%dma_start3A_583 : memref<256xi32, #tpu.memory_space<vmem>>) target(%dma_start3A_581 : memref<256xi32, #tpu.memory_space<vmem_shared>>) target_semaphore(%run_scoped3A : memref<!tpu.dma_semaphore, #tpu.memory_space<semaphore_mem>>)
      %dma_wait3A = arith.constant 0 : i32
      %dma_wait3A_584 = tpu.memref_slice %arg8[%dma_wait3A] : memref<4096xi32, #tpu.memory_space<vmem>> -> memref<256xi32, #tpu.memory_space<vmem>>
      %dma_wait3A_585 = tpu.memref_slice %arg22[%mul3A_223] : memref<4096xi32, #tpu.memory_space<vmem_shared>> -> memref<256xi32, #tpu.memory_space<vmem_shared>>
      %dma_wait3A_586 = tpu.memref_slice %arg22[%mul3A_223] : memref<4096xi32, #tpu.memory_space<vmem_shared>> -> memref<256xi32, #tpu.memory_space<vmem_shared>>
      %dma_wait3A_587 = arith.constant 0 : i32
      %dma_wait3A_588 = tpu.memref_slice %arg8[%dma_wait3A_587] : memref<4096xi32, #tpu.memory_space<vmem>> -> memref<256xi32, #tpu.memory_space<vmem>>
      tpu.wait_dma2 semaphore(%run_scoped3A : memref<!tpu.dma_semaphore, #tpu.memory_space<semaphore_mem>>) src(%dma_wait3A_588 : memref<256xi32, #tpu.memory_space<vmem>>) dst(%dma_wait3A_586 : memref<256xi32, #tpu.memory_space<vmem_shared>>)
      tpu.yield
    }) : () -> ()
    %barrier3A_224 = arith.constant 0 : index
    tpu.barrier barrier_id(%barrier3A_224)
    "tpu.region"() ({
      %run_scoped3A = tpu.sem_alloc : memref<!tpu.dma_semaphore, #tpu.memory_space<semaphore_mem>>
      tpu.enqueue_dma source(%arg22 : memref<4096xi32, #tpu.memory_space<vmem_shared>>) target(%arg8 : memref<4096xi32, #tpu.memory_space<vmem>>) target_semaphore(%run_scoped3A : memref<!tpu.dma_semaphore, #tpu.memory_space<semaphore_mem>>)
      tpu.wait_dma2 semaphore(%run_scoped3A : memref<!tpu.dma_semaphore, #tpu.memory_space<semaphore_mem>>) src(%arg22 : memref<4096xi32, #tpu.memory_space<vmem_shared>>) dst(%arg8 : memref<4096xi32, #tpu.memory_space<vmem>>)
      tpu.yield
    }) : () -> ()
    %scan3A_225 = arith.constant 0 : i32
    %scan3A_226 = arith.constant 0 : i32
    %scan3A_227 = arith.constant 1 : i32
    %scan3A_228 = arith.constant 0 : i32
    %scan3A_229 = arith.constant 256 : i32
    %scan3A_230 = arith.addi %scan3A_228, %scan3A_229 : i32
    %scan3A_231 = arith.constant 1 : i32
    %scan3A_232:3 = scf.for %scan3A_579 = %scan3A_228 to %scan3A_230 step %scan3A_231 iter_args(%scan3A_580 = %scan3A_225, %scan3A_581 = %scan3A_226, %scan3A_582 = %scan3A_227) -> (i32, i32, i32)  : i32 {
      %sub3A_583 = arith.constant 255 : i32
      %sub3A_584 = arith.subi %sub3A_583, %scan3A_579 : i32
      %mul3A_585 = arith.constant 16 : i32
      %mul3A_586 = arith.muli %sub3A_584, %mul3A_585 : i32
      %get3A_587 = arith.index_cast %mul3A_586 : i32 to index
      %get3A_588 = tpu.vector_load %arg8[%get3A_587] {strides = array<i32>} : memref<4096xi32, #tpu.memory_space<vmem>>, vector<16xi32>,
      %reduce_sum3A_589 = arith.constant true
      %reduce_sum3A_590 = vector.broadcast %reduce_sum3A_589 : i1 to vector<16xi1>
      %reduce_sum3A_591 = tpu.scan <sum>, %get3A_588 masked %reduce_sum3A_590 : vector<16xi32>, vector<16xi1> -> vector<16xi32>
      %reduce_sum3A_592 = vector.extract %reduce_sum3A_591[15] : i32 from vector<16xi32>
      %add3A_593 = arith.addi %scan3A_580, %reduce_sum3A_592 : i32
      %lt3A_594 = arith.cmpi slt, %scan3A_580, %sub3A_191 : i32
      %ge3A_595 = arith.cmpi sge, %add3A_593, %sub3A_191 : i32
      %and3A_596 = arith.andi %lt3A_594, %ge3A_595 : i1
      %select_n3A_597 = arith.select %and3A_596, %sub3A_584, %scan3A_581 : i32
      %sub3A_598 = arith.subi %sub3A_191, %scan3A_580 : i32
      %select_n3A_599 = arith.select %and3A_596, %sub3A_598, %scan3A_582 : i32
      scf.yield %add3A_593, %select_n3A_597, %select_n3A_599 : i32, i32, i32
    }
    %scan3A_233 = arith.constant 256 : i32
    %mul3A_234 = arith.constant 16 : i32
    %mul3A_235 = arith.muli %scan3A_232#1, %mul3A_234 : i32
    %multiple_of3A_236 = tpu.assume_multiple %mul3A_235, 16 : i32
    %get3A_237 = arith.index_cast %multiple_of3A_236 : i32 to index
    %get3A_238 = tpu.vector_load %arg8[%get3A_237] {strides = array<i32>} : memref<4096xi32, #tpu.memory_space<vmem>>, vector<16xi32>,
    %rev3A_239 = arith.constant 15 : i32
    %rev3A_240 = vector.broadcast %rev3A_239 : i32 to vector<16xi32>
    %rev3A_241 = tpu.iota {dimensions = array<i32: 0>} : vector<16xi32>
    %rev3A_242 = arith.subi %rev3A_240, %rev3A_241 : vector<16xi32>
    %rev3A_243 = tpu.dynamic_gather %get3A_238[%rev3A_242] in [0] : vector<16xi32>, vector<16xi32> -> vector<16xi32>
    %broadcast_in_dim3A_244 = arith.constant true
    %broadcast_in_dim3A_245 = vector.broadcast %broadcast_in_dim3A_244 : i1 to vector<16xi1>
    %masked_cumsum3A_246 = tpu.scan <sum>, %rev3A_243 masked %broadcast_in_dim3A_245 : vector<16xi32>, vector<16xi1> -> vector<16xi32>
    %rev3A_247 = arith.constant 15 : i32
    %rev3A_248 = vector.broadcast %rev3A_247 : i32 to vector<16xi32>
    %rev3A_249 = tpu.iota {dimensions = array<i32: 0>} : vector<16xi32>
    %rev3A_250 = arith.subi %rev3A_248, %rev3A_249 : vector<16xi32>
    %rev3A_251 = tpu.dynamic_gather %masked_cumsum3A_246[%rev3A_250] in [0] : vector<16xi32>, vector<16xi32> -> vector<16xi32>
    %ge3A_252 = vector.broadcast %scan3A_232#2 : i32 to vector<16xi32>
    %ge3A_253 = arith.cmpi sge, %rev3A_251, %ge3A_252 : vector<16xi32>
    %all_reduce_population_count3A_254 = tpu.all_reduce %ge3A_253 {dim = 0 : i64, kind = #tpu.reduction_kind<sum>} : vector<16xi1> -> vector<16xi32>
    %sub3A_255 = arith.constant 1 : i32
    %sub3A_256 = vector.broadcast %sub3A_255 : i32 to vector<16xi32>
    %sub3A_257 = arith.subi %all_reduce_population_count3A_254, %sub3A_256 : vector<16xi32>
    %gt3A_258 = arith.cmpi sgt, %iota3A, %sub3A_257 : vector<16xi32>
    %jit3A_259 = arith.constant 0 : i32
    %broadcast_in_dim3A_260 = vector.broadcast %jit3A_259 : i32 to vector<16xi32>
    %select_n3A_261 = arith.select %gt3A_258, %get3A_238, %broadcast_in_dim3A_260 : vector<16xi1>, vector<16xi32>
    %reduce_sum3A_262 = arith.constant true
    %reduce_sum3A_263 = vector.broadcast %reduce_sum3A_262 : i1 to vector<16xi1>
    %reduce_sum3A_264 = tpu.scan <sum>, %select_n3A_261 masked %reduce_sum3A_263 : vector<16xi32>, vector<16xi1> -> vector<16xi32>
    %reduce_sum3A_265 = vector.extract %reduce_sum3A_264[15] : i32 from vector<16xi32>
    %sub3A_266 = arith.subi %scan3A_232#2, %reduce_sum3A_265 : i32
    %mul3A_267 = arith.constant 16 : i32
    %mul3A_268 = arith.muli %scan3A_232#1, %mul3A_267 : i32
    %broadcast_in_dim3A_269 = vector.broadcast %mul3A_268 : i32 to vector<16xi32>
    %add3A_270 = arith.addi %broadcast_in_dim3A_269, %sub3A_257 : vector<16xi32>
    %shift_left3A_271 = arith.constant 19 : i32
    %shift_left3A_272 = vector.broadcast %shift_left3A_271 : i32 to vector<16xi32>
    %shift_left3A_273 = arith.shli %add3A_122, %shift_left3A_272 : vector<16xi32>
    %shift_left3A_274 = arith.constant 7 : i32
    %shift_left3A_275 = vector.broadcast %shift_left3A_274 : i32 to vector<16xi32>
    %shift_left3A_276 = arith.shli %add3A_195, %shift_left3A_275 : vector<16xi32>
    %or3A_277 = arith.ori %shift_left3A_273, %shift_left3A_276 : vector<16xi32>
    %or3A_278 = arith.ori %or3A_277, %add3A_270 : vector<16xi32>
    %scan3A_279 = arith.constant 0 : i32
    %scan3A_280 = arith.constant 0 : i32
    %scan3A_281 = arith.constant 1024 : i32
    %scan3A_282 = arith.addi %scan3A_280, %scan3A_281 : i32
    %scan3A_283 = arith.constant 1 : i32
    %scan3A_284 = scf.for %scan3A_579 = %scan3A_280 to %scan3A_282 step %scan3A_283 iter_args(%scan3A_580 = %scan3A_279) -> (i32)  : i32 {
      %mul3A_581 = arith.constant 16 : i32
      %mul3A_582 = arith.muli %scan3A_579, %mul3A_581 : i32
      %get3A_583 = arith.index_cast %mul3A_582 : i32 to index
      %get3A_584 = tpu.vector_load %arg5[%get3A_583] {strides = array<i32>} : memref<16384xi32, #tpu.memory_space<vmem>>, vector<16xi32>,
      %ge3A_585 = arith.cmpi sge, %get3A_584, %or3A_278 : vector<16xi32>
      %lt3A_586 = arith.constant 496 : i32
      %lt3A_587 = arith.cmpi slt, %scan3A_580, %lt3A_586 : i32
      %and3A_588 = vector.broadcast %lt3A_587 : i1 to vector<16xi1>
      %and3A_589 = arith.andi %ge3A_585, %and3A_588 : vector<16xi1>
      %all_reduce_population_count3A_590 = tpu.all_reduce %and3A_589 {dim = 0 : i64, kind = #tpu.reduction_kind<sum>} : vector<16xi1> -> vector<16xi32>
      %slice3A = vector.extract_strided_slice %all_reduce_population_count3A_590 {offsets = [0], sizes = [1], strides = [1]} : vector<16xi32> to vector<1xi32>
      %squeeze3A = vector.extract %slice3A[0] : i32 from vector<1xi32>
      %jit3A_591 = arith.constant 1 : i32
      %jit3A_592 = arith.constant 0 : i32
      %broadcast_in_dim3A_593 = vector.broadcast %jit3A_591 : i32 to vector<16xi32>
      %broadcast_in_dim3A_594 = vector.broadcast %jit3A_592 : i32 to vector<16xi32>
      %select_n3A_595 = arith.select %and3A_589, %broadcast_in_dim3A_593, %broadcast_in_dim3A_594 : vector<16xi1>, vector<16xi32>
      %broadcast_in_dim3A_596 = arith.constant true
      %broadcast_in_dim3A_597 = vector.broadcast %broadcast_in_dim3A_596 : i1 to vector<16xi1>
      %masked_cumsum3A_598 = tpu.scan <sum>, %select_n3A_595 masked %broadcast_in_dim3A_597 : vector<16xi32>, vector<16xi1> -> vector<16xi32>
      %add3A_599 = vector.broadcast %scan3A_580 : i32 to vector<16xi32>
      %add3A_600 = arith.addi %add3A_599, %masked_cumsum3A_598 : vector<16xi32>
      %sub3A_601 = arith.constant 1 : i32
      %sub3A_602 = vector.broadcast %sub3A_601 : i32 to vector<16xi32>
      %sub3A_603 = arith.subi %add3A_600, %sub3A_602 : vector<16xi32>
      tpu.vector_store_idx %arg9[%sub3A_603], %get3A_584 masked %and3A_589 : memref<512xi32, #tpu.memory_space<vmem>>[vector<16xi32>], vector<16xi32>, vector<16xi1>
      %mul3A_604 = arith.constant 16384 : i32
      %mul3A_605 = arith.muli %arg1, %mul3A_604 : i32
      %mul3A_606 = arith.constant 16 : i32
      %mul3A_607 = arith.muli %scan3A_579, %mul3A_606 : i32
      %add3A_608 = arith.addi %mul3A_605, %mul3A_607 : i32
      %add3A_609 = vector.broadcast %add3A_608 : i32 to vector<16xi32>
      %add3A_610 = arith.addi %add3A_609, %iota3A : vector<16xi32>
      tpu.vector_store_idx %arg10[%sub3A_603], %add3A_610 masked %and3A_589 : memref<512xi32, #tpu.memory_space<vmem>>[vector<16xi32>], vector<16xi32>, vector<16xi1>
      %add3A_611 = arith.addi %scan3A_580, %squeeze3A : i32
      scf.yield %add3A_611 : i32
    }
    %scan3A_285 = arith.constant 1024 : i32
    %add3A_286 = arith.constant 15 : i32
    %add3A_287 = arith.addi %scan3A_284, %add3A_286 : i32
    %and3A = arith.constant -16 : i32
    %and3A_288 = arith.andi %add3A_287, %and3A : i32
    %eq3A = arith.constant 0 : i32
    %eq3A_289 = vector.broadcast %eq3A : i32 to vector<16xi32>
    %eq3A_290 = arith.cmpi eq, %iota3A, %eq3A_289 : vector<16xi32>
    %jit3A_291 = arith.constant 0 : i32
    %broadcast_in_dim3A_292 = vector.broadcast %and3A_288 : i32 to vector<16xi32>
    %broadcast_in_dim3A_293 = vector.broadcast %jit3A_291 : i32 to vector<16xi32>
    %select_n3A_294 = arith.select %eq3A_290, %broadcast_in_dim3A_292, %broadcast_in_dim3A_293 : vector<16xi1>, vector<16xi32>
    %swap3A = arith.constant 0 : index
    %swap3A_295 = tpu.vector_load %arg11[%swap3A] {strides = array<i32>} : memref<16xi32, #tpu.memory_space<vmem>>, vector<16xi32>,
    tpu.vector_store %arg11[%swap3A], %select_n3A_294 {strides = array<i32>} : memref<16xi32, #tpu.memory_space<vmem>>, vector<16xi32>,
    "tpu.region"() ({
      %run_scoped3A = tpu.sem_alloc : memref<!tpu.dma_semaphore, #tpu.memory_space<semaphore_mem>>
      %dma_start3A = arith.constant 0 : i32
      %dma_start3A_579 = tpu.memref_slice %arg23[%arg1, %dma_start3A] : memref<16x128xi32, #tpu.memory_space<vmem_shared>> -> memref<1x16xi32, #tpu.memory_space<vmem_shared>>
      %dma_start3A_580 = tpu.memref_squeeze %dma_start3A_579 : memref<1x16xi32, #tpu.memory_space<vmem_shared>> -> memref<16xi32, #tpu.memory_space<vmem_shared>>
      %dma_start3A_581 = arith.constant 0 : i32
      %dma_start3A_582 = tpu.memref_slice %arg23[%arg1, %dma_start3A_581] : memref<16x128xi32, #tpu.memory_space<vmem_shared>> -> memref<1x16xi32, #tpu.memory_space<vmem_shared>>
      %dma_start3A_583 = tpu.memref_squeeze %dma_start3A_582 : memref<1x16xi32, #tpu.memory_space<vmem_shared>> -> memref<16xi32, #tpu.memory_space<vmem_shared>>
      tpu.enqueue_dma source(%arg11 : memref<16xi32, #tpu.memory_space<vmem>>) target(%dma_start3A_583 : memref<16xi32, #tpu.memory_space<vmem_shared>>) target_semaphore(%run_scoped3A : memref<!tpu.dma_semaphore, #tpu.memory_space<semaphore_mem>>)
      %dma_wait3A = arith.constant 0 : i32
      %dma_wait3A_584 = tpu.memref_slice %arg23[%arg1, %dma_wait3A] : memref<16x128xi32, #tpu.memory_space<vmem_shared>> -> memref<1x16xi32, #tpu.memory_space<vmem_shared>>
      %dma_wait3A_585 = tpu.memref_squeeze %dma_wait3A_584 : memref<1x16xi32, #tpu.memory_space<vmem_shared>> -> memref<16xi32, #tpu.memory_space<vmem_shared>>
      %dma_wait3A_586 = arith.constant 0 : i32
      %dma_wait3A_587 = tpu.memref_slice %arg23[%arg1, %dma_wait3A_586] : memref<16x128xi32, #tpu.memory_space<vmem_shared>> -> memref<1x16xi32, #tpu.memory_space<vmem_shared>>
      %dma_wait3A_588 = tpu.memref_squeeze %dma_wait3A_587 : memref<1x16xi32, #tpu.memory_space<vmem_shared>> -> memref<16xi32, #tpu.memory_space<vmem_shared>>
      tpu.wait_dma2 semaphore(%run_scoped3A : memref<!tpu.dma_semaphore, #tpu.memory_space<semaphore_mem>>) src(%arg11 : memref<16xi32, #tpu.memory_space<vmem>>) dst(%dma_wait3A_588 : memref<16xi32, #tpu.memory_space<vmem_shared>>)
      tpu.yield
    }) : () -> ()
    %jit3A_296 = arith.constant 16 : i32
    %div3A = arith.divsi %and3A_288, %jit3A_296 : i32
    %sign3A = arith.constant 0 : i32
    %sign3A_297 = arith.cmpi sgt, %and3A_288, %sign3A : i32
    %sign3A_298 = arith.extui %sign3A_297 : i1 to i32
    %sign3A_299 = arith.constant 0 : i32
    %sign3A_300 = arith.cmpi slt, %and3A_288, %sign3A_299 : i32
    %sign3A_301 = arith.extui %sign3A_300 : i1 to i32
    %sign3A_302 = arith.subi %sign3A_298, %sign3A_301 : i32
    %sign3A_303 = arith.constant 0 : i32
    %sign3A_304 = arith.cmpi sgt, %jit3A_296, %sign3A_303 : i32
    %sign3A_305 = arith.extui %sign3A_304 : i1 to i32
    %sign3A_306 = arith.constant 0 : i32
    %sign3A_307 = arith.cmpi slt, %jit3A_296, %sign3A_306 : i32
    %sign3A_308 = arith.extui %sign3A_307 : i1 to i32
    %sign3A_309 = arith.subi %sign3A_305, %sign3A_308 : i32
    %ne3A = arith.cmpi ne, %sign3A_302, %sign3A_309 : i32
    %rem3A = arith.remsi %and3A_288, %jit3A_296 : i32
    %ne3A_310 = arith.constant 0 : i32
    %ne3A_311 = arith.cmpi ne, %rem3A, %ne3A_310 : i32
    %and3A_312 = arith.andi %ne3A, %ne3A_311 : i1
    %sub3A_313 = arith.constant 1 : i32
    %sub3A_314 = arith.subi %div3A, %sub3A_313 : i32
    %select_n3A_315 = arith.select %and3A_312, %sub3A_314, %div3A : i32
    %while3A = arith.constant 0 : i32
    %while3A_316 = arith.constant 0 : i32
    %while3A_317 = arith.subi %select_n3A_315, %while3A : i32
    %while3A_318 = arith.addi %while3A, %while3A_317 : i32
    %while3A_319 = arith.constant 1 : i32
    %while3A_320 = arith.divsi %while3A_317, %while3A_319 : i32
    %while3A_321 = arith.muli %while3A_320, %while3A_319 : i32
    %while3A_322 = arith.addi %while3A, %while3A_321 : i32
    %while3A_323 = arith.constant 1 : i32
    %while3A_324 = scf.for %while3A_579 = %while3A to %while3A_322 step %while3A_323 iter_args(%while3A_580 = %while3A_316) -> (i32)  : i32 {
      %mul3A_581 = arith.constant 16 : i32
      %mul3A_582 = arith.muli %while3A_579, %mul3A_581 : i32
      %mul3A_583 = arith.constant 16 : i32
      %mul3A_584 = arith.muli %while3A_579, %mul3A_583 : i32
      "tpu.region"() ({
        %run_scoped3A = tpu.sem_alloc : memref<!tpu.dma_semaphore, #tpu.memory_space<semaphore_mem>>
        %dma_start3A = tpu.memref_slice %arg9[%mul3A_582] : memref<512xi32, #tpu.memory_space<vmem>> -> memref<16xi32, #tpu.memory_space<vmem>>
        %dma_start3A_590 = tpu.memref_slice %arg24[%arg1, %mul3A_584] : memref<16x512xi32, #tpu.memory_space<vmem_shared>> -> memref<1x16xi32, #tpu.memory_space<vmem_shared>>
        %dma_start3A_591 = tpu.memref_squeeze %dma_start3A_590 : memref<1x16xi32, #tpu.memory_space<vmem_shared>> -> memref<16xi32, #tpu.memory_space<vmem_shared>>
        %dma_start3A_592 = tpu.memref_slice %arg24[%arg1, %mul3A_584] : memref<16x512xi32, #tpu.memory_space<vmem_shared>> -> memref<1x16xi32, #tpu.memory_space<vmem_shared>>
        %dma_start3A_593 = tpu.memref_squeeze %dma_start3A_592 : memref<1x16xi32, #tpu.memory_space<vmem_shared>> -> memref<16xi32, #tpu.memory_space<vmem_shared>>
        %dma_start3A_594 = tpu.memref_slice %arg9[%mul3A_582] : memref<512xi32, #tpu.memory_space<vmem>> -> memref<16xi32, #tpu.memory_space<vmem>>
        tpu.enqueue_dma source(%dma_start3A_594 : memref<16xi32, #tpu.memory_space<vmem>>) target(%dma_start3A_593 : memref<16xi32, #tpu.memory_space<vmem_shared>>) target_semaphore(%run_scoped3A : memref<!tpu.dma_semaphore, #tpu.memory_space<semaphore_mem>>)
        %dma_wait3A = tpu.memref_slice %arg9[%mul3A_582] : memref<512xi32, #tpu.memory_space<vmem>> -> memref<16xi32, #tpu.memory_space<vmem>>
        %dma_wait3A_595 = tpu.memref_slice %arg24[%arg1, %mul3A_584] : memref<16x512xi32, #tpu.memory_space<vmem_shared>> -> memref<1x16xi32, #tpu.memory_space<vmem_shared>>
        %dma_wait3A_596 = tpu.memref_squeeze %dma_wait3A_595 : memref<1x16xi32, #tpu.memory_space<vmem_shared>> -> memref<16xi32, #tpu.memory_space<vmem_shared>>
        %dma_wait3A_597 = tpu.memref_slice %arg24[%arg1, %mul3A_584] : memref<16x512xi32, #tpu.memory_space<vmem_shared>> -> memref<1x16xi32, #tpu.memory_space<vmem_shared>>
        %dma_wait3A_598 = tpu.memref_squeeze %dma_wait3A_597 : memref<1x16xi32, #tpu.memory_space<vmem_shared>> -> memref<16xi32, #tpu.memory_space<vmem_shared>>
        %dma_wait3A_599 = tpu.memref_slice %arg9[%mul3A_582] : memref<512xi32, #tpu.memory_space<vmem>> -> memref<16xi32, #tpu.memory_space<vmem>>
        tpu.wait_dma2 semaphore(%run_scoped3A : memref<!tpu.dma_semaphore, #tpu.memory_space<semaphore_mem>>) src(%dma_wait3A_599 : memref<16xi32, #tpu.memory_space<vmem>>) dst(%dma_wait3A_598 : memref<16xi32, #tpu.memory_space<vmem_shared>>)
        tpu.yield
      }) : () -> ()
      %mul3A_585 = arith.constant 16 : i32
      %mul3A_586 = arith.muli %while3A_579, %mul3A_585 : i32
      %mul3A_587 = arith.constant 16 : i32
      %mul3A_588 = arith.muli %while3A_579, %mul3A_587 : i32
      "tpu.region"() ({
        %run_scoped3A = tpu.sem_alloc : memref<!tpu.dma_semaphore, #tpu.memory_space<semaphore_mem>>
        %dma_start3A = tpu.memref_slice %arg10[%mul3A_586] : memref<512xi32, #tpu.memory_space<vmem>> -> memref<16xi32, #tpu.memory_space<vmem>>
        %dma_start3A_590 = tpu.memref_slice %arg25[%arg1, %mul3A_588] : memref<16x512xi32, #tpu.memory_space<vmem_shared>> -> memref<1x16xi32, #tpu.memory_space<vmem_shared>>
        %dma_start3A_591 = tpu.memref_squeeze %dma_start3A_590 : memref<1x16xi32, #tpu.memory_space<vmem_shared>> -> memref<16xi32, #tpu.memory_space<vmem_shared>>
        %dma_start3A_592 = tpu.memref_slice %arg25[%arg1, %mul3A_588] : memref<16x512xi32, #tpu.memory_space<vmem_shared>> -> memref<1x16xi32, #tpu.memory_space<vmem_shared>>
        %dma_start3A_593 = tpu.memref_squeeze %dma_start3A_592 : memref<1x16xi32, #tpu.memory_space<vmem_shared>> -> memref<16xi32, #tpu.memory_space<vmem_shared>>
        %dma_start3A_594 = tpu.memref_slice %arg10[%mul3A_586] : memref<512xi32, #tpu.memory_space<vmem>> -> memref<16xi32, #tpu.memory_space<vmem>>
        tpu.enqueue_dma source(%dma_start3A_594 : memref<16xi32, #tpu.memory_space<vmem>>) target(%dma_start3A_593 : memref<16xi32, #tpu.memory_space<vmem_shared>>) target_semaphore(%run_scoped3A : memref<!tpu.dma_semaphore, #tpu.memory_space<semaphore_mem>>)
        %dma_wait3A = tpu.memref_slice %arg10[%mul3A_586] : memref<512xi32, #tpu.memory_space<vmem>> -> memref<16xi32, #tpu.memory_space<vmem>>
        %dma_wait3A_595 = tpu.memref_slice %arg25[%arg1, %mul3A_588] : memref<16x512xi32, #tpu.memory_space<vmem_shared>> -> memref<1x16xi32, #tpu.memory_space<vmem_shared>>
        %dma_wait3A_596 = tpu.memref_squeeze %dma_wait3A_595 : memref<1x16xi32, #tpu.memory_space<vmem_shared>> -> memref<16xi32, #tpu.memory_space<vmem_shared>>
        %dma_wait3A_597 = tpu.memref_slice %arg25[%arg1, %mul3A_588] : memref<16x512xi32, #tpu.memory_space<vmem_shared>> -> memref<1x16xi32, #tpu.memory_space<vmem_shared>>
        %dma_wait3A_598 = tpu.memref_squeeze %dma_wait3A_597 : memref<1x16xi32, #tpu.memory_space<vmem_shared>> -> memref<16xi32, #tpu.memory_space<vmem_shared>>
        %dma_wait3A_599 = tpu.memref_slice %arg10[%mul3A_586] : memref<512xi32, #tpu.memory_space<vmem>> -> memref<16xi32, #tpu.memory_space<vmem>>
        tpu.wait_dma2 semaphore(%run_scoped3A : memref<!tpu.dma_semaphore, #tpu.memory_space<semaphore_mem>>) src(%dma_wait3A_599 : memref<16xi32, #tpu.memory_space<vmem>>) dst(%dma_wait3A_598 : memref<16xi32, #tpu.memory_space<vmem_shared>>)
        tpu.yield
      }) : () -> ()
      %while3A_589 = arith.constant 0 : i32
      scf.yield %while3A_589 : i32
    }
    %while3A_325 = arith.constant 1 : i32
    %while3A_326 = scf.for %while3A_579 = %while3A_322 to %while3A_318 step %while3A_325 iter_args(%while3A_580 = %while3A_324) -> (i32)  : i32 {
      %mul3A_581 = arith.constant 16 : i32
      %mul3A_582 = arith.muli %while3A_579, %mul3A_581 : i32
      %mul3A_583 = arith.constant 16 : i32
      %mul3A_584 = arith.muli %while3A_579, %mul3A_583 : i32
      "tpu.region"() ({
        %run_scoped3A = tpu.sem_alloc : memref<!tpu.dma_semaphore, #tpu.memory_space<semaphore_mem>>
        %dma_start3A = tpu.memref_slice %arg9[%mul3A_582] : memref<512xi32, #tpu.memory_space<vmem>> -> memref<16xi32, #tpu.memory_space<vmem>>
        %dma_start3A_590 = tpu.memref_slice %arg24[%arg1, %mul3A_584] : memref<16x512xi32, #tpu.memory_space<vmem_shared>> -> memref<1x16xi32, #tpu.memory_space<vmem_shared>>
        %dma_start3A_591 = tpu.memref_squeeze %dma_start3A_590 : memref<1x16xi32, #tpu.memory_space<vmem_shared>> -> memref<16xi32, #tpu.memory_space<vmem_shared>>
        %dma_start3A_592 = tpu.memref_slice %arg24[%arg1, %mul3A_584] : memref<16x512xi32, #tpu.memory_space<vmem_shared>> -> memref<1x16xi32, #tpu.memory_space<vmem_shared>>
        %dma_start3A_593 = tpu.memref_squeeze %dma_start3A_592 : memref<1x16xi32, #tpu.memory_space<vmem_shared>> -> memref<16xi32, #tpu.memory_space<vmem_shared>>
        %dma_start3A_594 = tpu.memref_slice %arg9[%mul3A_582] : memref<512xi32, #tpu.memory_space<vmem>> -> memref<16xi32, #tpu.memory_space<vmem>>
        tpu.enqueue_dma source(%dma_start3A_594 : memref<16xi32, #tpu.memory_space<vmem>>) target(%dma_start3A_593 : memref<16xi32, #tpu.memory_space<vmem_shared>>) target_semaphore(%run_scoped3A : memref<!tpu.dma_semaphore, #tpu.memory_space<semaphore_mem>>)
        %dma_wait3A = tpu.memref_slice %arg9[%mul3A_582] : memref<512xi32, #tpu.memory_space<vmem>> -> memref<16xi32, #tpu.memory_space<vmem>>
        %dma_wait3A_595 = tpu.memref_slice %arg24[%arg1, %mul3A_584] : memref<16x512xi32, #tpu.memory_space<vmem_shared>> -> memref<1x16xi32, #tpu.memory_space<vmem_shared>>
        %dma_wait3A_596 = tpu.memref_squeeze %dma_wait3A_595 : memref<1x16xi32, #tpu.memory_space<vmem_shared>> -> memref<16xi32, #tpu.memory_space<vmem_shared>>
        %dma_wait3A_597 = tpu.memref_slice %arg24[%arg1, %mul3A_584] : memref<16x512xi32, #tpu.memory_space<vmem_shared>> -> memref<1x16xi32, #tpu.memory_space<vmem_shared>>
        %dma_wait3A_598 = tpu.memref_squeeze %dma_wait3A_597 : memref<1x16xi32, #tpu.memory_space<vmem_shared>> -> memref<16xi32, #tpu.memory_space<vmem_shared>>
        %dma_wait3A_599 = tpu.memref_slice %arg9[%mul3A_582] : memref<512xi32, #tpu.memory_space<vmem>> -> memref<16xi32, #tpu.memory_space<vmem>>
        tpu.wait_dma2 semaphore(%run_scoped3A : memref<!tpu.dma_semaphore, #tpu.memory_space<semaphore_mem>>) src(%dma_wait3A_599 : memref<16xi32, #tpu.memory_space<vmem>>) dst(%dma_wait3A_598 : memref<16xi32, #tpu.memory_space<vmem_shared>>)
        tpu.yield
      }) : () -> ()
      %mul3A_585 = arith.constant 16 : i32
      %mul3A_586 = arith.muli %while3A_579, %mul3A_585 : i32
      %mul3A_587 = arith.constant 16 : i32
      %mul3A_588 = arith.muli %while3A_579, %mul3A_587 : i32
      "tpu.region"() ({
        %run_scoped3A = tpu.sem_alloc : memref<!tpu.dma_semaphore, #tpu.memory_space<semaphore_mem>>
        %dma_start3A = tpu.memref_slice %arg10[%mul3A_586] : memref<512xi32, #tpu.memory_space<vmem>> -> memref<16xi32, #tpu.memory_space<vmem>>
        %dma_start3A_590 = tpu.memref_slice %arg25[%arg1, %mul3A_588] : memref<16x512xi32, #tpu.memory_space<vmem_shared>> -> memref<1x16xi32, #tpu.memory_space<vmem_shared>>
        %dma_start3A_591 = tpu.memref_squeeze %dma_start3A_590 : memref<1x16xi32, #tpu.memory_space<vmem_shared>> -> memref<16xi32, #tpu.memory_space<vmem_shared>>
        %dma_start3A_592 = tpu.memref_slice %arg25[%arg1, %mul3A_588] : memref<16x512xi32, #tpu.memory_space<vmem_shared>> -> memref<1x16xi32, #tpu.memory_space<vmem_shared>>
        %dma_start3A_593 = tpu.memref_squeeze %dma_start3A_592 : memref<1x16xi32, #tpu.memory_space<vmem_shared>> -> memref<16xi32, #tpu.memory_space<vmem_shared>>
        %dma_start3A_594 = tpu.memref_slice %arg10[%mul3A_586] : memref<512xi32, #tpu.memory_space<vmem>> -> memref<16xi32, #tpu.memory_space<vmem>>
        tpu.enqueue_dma source(%dma_start3A_594 : memref<16xi32, #tpu.memory_space<vmem>>) target(%dma_start3A_593 : memref<16xi32, #tpu.memory_space<vmem_shared>>) target_semaphore(%run_scoped3A : memref<!tpu.dma_semaphore, #tpu.memory_space<semaphore_mem>>)
        %dma_wait3A = tpu.memref_slice %arg10[%mul3A_586] : memref<512xi32, #tpu.memory_space<vmem>> -> memref<16xi32, #tpu.memory_space<vmem>>
        %dma_wait3A_595 = tpu.memref_slice %arg25[%arg1, %mul3A_588] : memref<16x512xi32, #tpu.memory_space<vmem_shared>> -> memref<1x16xi32, #tpu.memory_space<vmem_shared>>
        %dma_wait3A_596 = tpu.memref_squeeze %dma_wait3A_595 : memref<1x16xi32, #tpu.memory_space<vmem_shared>> -> memref<16xi32, #tpu.memory_space<vmem_shared>>
        %dma_wait3A_597 = tpu.memref_slice %arg25[%arg1, %mul3A_588] : memref<16x512xi32, #tpu.memory_space<vmem_shared>> -> memref<1x16xi32, #tpu.memory_space<vmem_shared>>
        %dma_wait3A_598 = tpu.memref_squeeze %dma_wait3A_597 : memref<1x16xi32, #tpu.memory_space<vmem_shared>> -> memref<16xi32, #tpu.memory_space<vmem_shared>>
        %dma_wait3A_599 = tpu.memref_slice %arg10[%mul3A_586] : memref<512xi32, #tpu.memory_space<vmem>> -> memref<16xi32, #tpu.memory_space<vmem>>
        tpu.wait_dma2 semaphore(%run_scoped3A : memref<!tpu.dma_semaphore, #tpu.memory_space<semaphore_mem>>) src(%dma_wait3A_599 : memref<16xi32, #tpu.memory_space<vmem>>) dst(%dma_wait3A_598 : memref<16xi32, #tpu.memory_space<vmem_shared>>)
        tpu.yield
      }) : () -> ()
      %while3A_589 = arith.constant 0 : i32
      scf.yield %while3A_589 : i32
    }
    %eq3A_327 = arith.constant 0 : i32
    %eq3A_328 = arith.cmpi eq, %arg1, %eq3A_327 : i32
    %convert_element_type3A = arith.extui %eq3A_328 : i1 to i32
    %cond3A = arith.constant 0 : i32
    %cond3A_329 = arith.cmpi ne, %convert_element_type3A, %cond3A : i32
    scf.if %cond3A_329 {
      "tpu.region"() ({
        %run_scoped3A = tpu.sem_alloc : memref<!tpu.dma_semaphore, #tpu.memory_space<semaphore_mem>>
        tpu.enqueue_dma source(%arg17 : memref<320xi32, #tpu.memory_space<vmem>>) target(%arg28 : memref<320xi32, #tpu.memory_space<vmem_shared>>) target_semaphore(%run_scoped3A : memref<!tpu.dma_semaphore, #tpu.memory_space<semaphore_mem>>)
        tpu.wait_dma2 semaphore(%run_scoped3A : memref<!tpu.dma_semaphore, #tpu.memory_space<semaphore_mem>>) src(%arg17 : memref<320xi32, #tpu.memory_space<vmem>>) dst(%arg28 : memref<320xi32, #tpu.memory_space<vmem_shared>>)
        tpu.yield
      }) : () -> ()
      "tpu.region"() ({
        %run_scoped3A = tpu.sem_alloc : memref<!tpu.dma_semaphore, #tpu.memory_space<semaphore_mem>>
        tpu.enqueue_dma source(%arg17 : memref<320xi32, #tpu.memory_space<vmem>>) target(%arg29 : memref<320xi32, #tpu.memory_space<vmem_shared>>) target_semaphore(%run_scoped3A : memref<!tpu.dma_semaphore, #tpu.memory_space<semaphore_mem>>)
        tpu.wait_dma2 semaphore(%run_scoped3A : memref<!tpu.dma_semaphore, #tpu.memory_space<semaphore_mem>>) src(%arg17 : memref<320xi32, #tpu.memory_space<vmem>>) dst(%arg29 : memref<320xi32, #tpu.memory_space<vmem_shared>>)
        tpu.yield
      }) : () -> ()
    } else {
    }
    %barrier3A_330 = arith.constant 0 : index
    tpu.barrier barrier_id(%barrier3A_330)
    "tpu.region"() ({
      %run_scoped3A = tpu.sem_alloc : memref<!tpu.dma_semaphore, #tpu.memory_space<semaphore_mem>>
      tpu.enqueue_dma source(%arg23 : memref<16x128xi32, #tpu.memory_space<vmem_shared>>) target(%arg12 : memref<16x128xi32, #tpu.memory_space<vmem>>) target_semaphore(%run_scoped3A : memref<!tpu.dma_semaphore, #tpu.memory_space<semaphore_mem>>)
      tpu.wait_dma2 semaphore(%run_scoped3A : memref<!tpu.dma_semaphore, #tpu.memory_space<semaphore_mem>>) src(%arg23 : memref<16x128xi32, #tpu.memory_space<vmem_shared>>) dst(%arg12 : memref<16x128xi32, #tpu.memory_space<vmem>>)
      tpu.yield
    }) : () -> ()
    %scan3A_331 = arith.constant 0 : i32
    %scan3A_332 = arith.constant 0 : i32
    %scan3A_333 = arith.constant 16 : i32
    %scan3A_334 = arith.addi %scan3A_332, %scan3A_333 : i32
    %scan3A_335 = arith.constant 1 : i32
    %scan3A_336 = scf.for %scan3A_579 = %scan3A_332 to %scan3A_334 step %scan3A_335 iter_args(%scan3A_580 = %scan3A_331) -> (i32)  : i32 {
      %get3A_581 = arith.index_cast %scan3A_579 : i32 to index
      %get3A_582 = arith.constant 0 : index
      %get3A_583 = tpu.vector_load %arg12[%get3A_581, %get3A_582] {strides = array<i32>} : memref<16x128xi32, #tpu.memory_space<vmem>>, vector<16xi32>,
      %slice3A = vector.extract_strided_slice %get3A_583 {offsets = [0], sizes = [1], strides = [1]} : vector<16xi32> to vector<1xi32>
      %squeeze3A = vector.extract %slice3A[0] : i32 from vector<1xi32>
      %add3A_584 = arith.addi %scan3A_580, %squeeze3A : i32
      scf.yield %add3A_584 : i32
    }
    %scan3A_337 = arith.constant 16 : i32
    %min3A = arith.constant 1024 : i32
    %min3A_338 = arith.minsi %scan3A_336, %min3A : i32
    %eq3A_339 = arith.constant 0 : i32
    %eq3A_340 = arith.cmpi eq, %arg1, %eq3A_339 : i32
    %convert_element_type3A_341 = arith.extui %eq3A_340 : i1 to i32
    %cond3A_342 = arith.constant 0 : i32
    %cond3A_343 = arith.cmpi ne, %convert_element_type3A_341, %cond3A_342 : i32
    scf.if %cond3A_343 {
      %scan3A_579 = arith.constant 0 : i32
      %scan3A_580 = arith.constant 0 : i32
      %scan3A_581 = arith.constant 16 : i32
      %scan3A_582 = arith.addi %scan3A_580, %scan3A_581 : i32
      %scan3A_583 = arith.constant 1 : i32
      %scan3A_584 = scf.for %scan3A_586 = %scan3A_580 to %scan3A_582 step %scan3A_583 iter_args(%scan3A_587 = %scan3A_579) -> (i32)  : i32 {
        %get3A_588 = arith.index_cast %scan3A_586 : i32 to index
        %get3A_589 = arith.constant 0 : index
        %get3A_590 = tpu.vector_load %arg12[%get3A_588, %get3A_589] {strides = array<i32>} : memref<16x128xi32, #tpu.memory_space<vmem>>, vector<16xi32>,
        %slice3A = vector.extract_strided_slice %get3A_590 {offsets = [0], sizes = [1], strides = [1]} : vector<16xi32> to vector<1xi32>
        %squeeze3A = vector.extract %slice3A[0] : i32 from vector<1xi32>
        %jit3A_591 = arith.constant 16 : i32
        %div3A_592 = arith.divsi %squeeze3A, %jit3A_591 : i32
        %sign3A_593 = arith.constant 0 : i32
        %sign3A_594 = arith.cmpi sgt, %squeeze3A, %sign3A_593 : i32
        %sign3A_595 = arith.extui %sign3A_594 : i1 to i32
        %sign3A_596 = arith.constant 0 : i32
        %sign3A_597 = arith.cmpi slt, %squeeze3A, %sign3A_596 : i32
        %sign3A_598 = arith.extui %sign3A_597 : i1 to i32
        %sign3A_599 = arith.subi %sign3A_595, %sign3A_598 : i32
        %sign3A_600 = arith.constant 0 : i32
        %sign3A_601 = arith.cmpi sgt, %jit3A_591, %sign3A_600 : i32
        %sign3A_602 = arith.extui %sign3A_601 : i1 to i32
        %sign3A_603 = arith.constant 0 : i32
        %sign3A_604 = arith.cmpi slt, %jit3A_591, %sign3A_603 : i32
        %sign3A_605 = arith.extui %sign3A_604 : i1 to i32
        %sign3A_606 = arith.subi %sign3A_602, %sign3A_605 : i32
        %ne3A_607 = arith.cmpi ne, %sign3A_599, %sign3A_606 : i32
        %rem3A_608 = arith.remsi %squeeze3A, %jit3A_591 : i32
        %ne3A_609 = arith.constant 0 : i32
        %ne3A_610 = arith.cmpi ne, %rem3A_608, %ne3A_609 : i32
        %and3A_611 = arith.andi %ne3A_607, %ne3A_610 : i1
        %sub3A_612 = arith.constant 1 : i32
        %sub3A_613 = arith.subi %div3A_592, %sub3A_612 : i32
        %select_n3A_614 = arith.select %and3A_611, %sub3A_613, %div3A_592 : i32
        %while3A_615 = arith.constant 0 : i32
        %while3A_616 = arith.subi %select_n3A_614, %while3A_615 : i32
        %while3A_617 = arith.addi %while3A_615, %while3A_616 : i32
        %while3A_618 = arith.constant 1 : i32
        %while3A_619 = arith.divsi %while3A_616, %while3A_618 : i32
        %while3A_620 = arith.muli %while3A_619, %while3A_618 : i32
        %while3A_621 = arith.addi %while3A_615, %while3A_620 : i32
        %while3A_622 = arith.constant 1 : i32
        %while3A_623 = scf.for %while3A_626 = %while3A_615 to %while3A_621 step %while3A_622 iter_args(%while3A_627 = %scan3A_587) -> (i32)  : i32 {
          %lt3A_628 = arith.constant 1024 : i32
          %lt3A_629 = arith.cmpi slt, %while3A_627, %lt3A_628 : i32
          %convert_element_type3A_630 = arith.extui %lt3A_629 : i1 to i32
          %cond3A_631 = arith.constant 0 : i32
          %cond3A_632 = arith.cmpi ne, %convert_element_type3A_630, %cond3A_631 : i32
          scf.if %cond3A_632 {
            %multiple_of3A_635 = tpu.assume_multiple %while3A_627, 16 : i32
            %mul3A_636 = arith.constant 16 : i32
            %mul3A_637 = arith.muli %while3A_626, %mul3A_636 : i32
            "tpu.region"() ({
              %run_scoped3A = tpu.sem_alloc : memref<!tpu.dma_semaphore, #tpu.memory_space<semaphore_mem>>
              %dma_start3A = tpu.memref_slice %arg13[%multiple_of3A_635] : memref<1024xi32, #tpu.memory_space<vmem>> -> memref<16xi32, #tpu.memory_space<vmem>>
              %dma_start3A_640 = tpu.memref_slice %arg24[%scan3A_586, %mul3A_637] : memref<16x512xi32, #tpu.memory_space<vmem_shared>> -> memref<1x16xi32, #tpu.memory_space<vmem_shared>>
              %dma_start3A_641 = tpu.memref_squeeze %dma_start3A_640 : memref<1x16xi32, #tpu.memory_space<vmem_shared>> -> memref<16xi32, #tpu.memory_space<vmem_shared>>
              %dma_start3A_642 = tpu.memref_slice %arg13[%multiple_of3A_635] : memref<1024xi32, #tpu.memory_space<vmem>> -> memref<16xi32, #tpu.memory_space<vmem>>
              %dma_start3A_643 = tpu.memref_slice %arg24[%scan3A_586, %mul3A_637] : memref<16x512xi32, #tpu.memory_space<vmem_shared>> -> memref<1x16xi32, #tpu.memory_space<vmem_shared>>
              %dma_start3A_644 = tpu.memref_squeeze %dma_start3A_643 : memref<1x16xi32, #tpu.memory_space<vmem_shared>> -> memref<16xi32, #tpu.memory_space<vmem_shared>>
              tpu.enqueue_dma source(%dma_start3A_644 : memref<16xi32, #tpu.memory_space<vmem_shared>>) target(%dma_start3A_642 : memref<16xi32, #tpu.memory_space<vmem>>) target_semaphore(%run_scoped3A : memref<!tpu.dma_semaphore, #tpu.memory_space<semaphore_mem>>)
              %dma_wait3A = tpu.memref_slice %arg13[%multiple_of3A_635] : memref<1024xi32, #tpu.memory_space<vmem>> -> memref<16xi32, #tpu.memory_space<vmem>>
              %dma_wait3A_645 = tpu.memref_slice %arg24[%scan3A_586, %mul3A_637] : memref<16x512xi32, #tpu.memory_space<vmem_shared>> -> memref<1x16xi32, #tpu.memory_space<vmem_shared>>
              %dma_wait3A_646 = tpu.memref_squeeze %dma_wait3A_645 : memref<1x16xi32, #tpu.memory_space<vmem_shared>> -> memref<16xi32, #tpu.memory_space<vmem_shared>>
              %dma_wait3A_647 = tpu.memref_slice %arg13[%multiple_of3A_635] : memref<1024xi32, #tpu.memory_space<vmem>> -> memref<16xi32, #tpu.memory_space<vmem>>
              %dma_wait3A_648 = tpu.memref_slice %arg24[%scan3A_586, %mul3A_637] : memref<16x512xi32, #tpu.memory_space<vmem_shared>> -> memref<1x16xi32, #tpu.memory_space<vmem_shared>>
              %dma_wait3A_649 = tpu.memref_squeeze %dma_wait3A_648 : memref<1x16xi32, #tpu.memory_space<vmem_shared>> -> memref<16xi32, #tpu.memory_space<vmem_shared>>
              tpu.wait_dma2 semaphore(%run_scoped3A : memref<!tpu.dma_semaphore, #tpu.memory_space<semaphore_mem>>) src(%dma_wait3A_649 : memref<16xi32, #tpu.memory_space<vmem_shared>>) dst(%dma_wait3A_647 : memref<16xi32, #tpu.memory_space<vmem>>)
              tpu.yield
            }) : () -> ()
            %mul3A_638 = arith.constant 16 : i32
            %mul3A_639 = arith.muli %while3A_626, %mul3A_638 : i32
            "tpu.region"() ({
              %run_scoped3A = tpu.sem_alloc : memref<!tpu.dma_semaphore, #tpu.memory_space<semaphore_mem>>
              %dma_start3A = tpu.memref_slice %arg14[%multiple_of3A_635] : memref<1024xi32, #tpu.memory_space<vmem>> -> memref<16xi32, #tpu.memory_space<vmem>>
              %dma_start3A_640 = tpu.memref_slice %arg25[%scan3A_586, %mul3A_639] : memref<16x512xi32, #tpu.memory_space<vmem_shared>> -> memref<1x16xi32, #tpu.memory_space<vmem_shared>>
              %dma_start3A_641 = tpu.memref_squeeze %dma_start3A_640 : memref<1x16xi32, #tpu.memory_space<vmem_shared>> -> memref<16xi32, #tpu.memory_space<vmem_shared>>
              %dma_start3A_642 = tpu.memref_slice %arg14[%multiple_of3A_635] : memref<1024xi32, #tpu.memory_space<vmem>> -> memref<16xi32, #tpu.memory_space<vmem>>
              %dma_start3A_643 = tpu.memref_slice %arg25[%scan3A_586, %mul3A_639] : memref<16x512xi32, #tpu.memory_space<vmem_shared>> -> memref<1x16xi32, #tpu.memory_space<vmem_shared>>
              %dma_start3A_644 = tpu.memref_squeeze %dma_start3A_643 : memref<1x16xi32, #tpu.memory_space<vmem_shared>> -> memref<16xi32, #tpu.memory_space<vmem_shared>>
              tpu.enqueue_dma source(%dma_start3A_644 : memref<16xi32, #tpu.memory_space<vmem_shared>>) target(%dma_start3A_642 : memref<16xi32, #tpu.memory_space<vmem>>) target_semaphore(%run_scoped3A : memref<!tpu.dma_semaphore, #tpu.memory_space<semaphore_mem>>)
              %dma_wait3A = tpu.memref_slice %arg14[%multiple_of3A_635] : memref<1024xi32, #tpu.memory_space<vmem>> -> memref<16xi32, #tpu.memory_space<vmem>>
              %dma_wait3A_645 = tpu.memref_slice %arg25[%scan3A_586, %mul3A_639] : memref<16x512xi32, #tpu.memory_space<vmem_shared>> -> memref<1x16xi32, #tpu.memory_space<vmem_shared>>
              %dma_wait3A_646 = tpu.memref_squeeze %dma_wait3A_645 : memref<1x16xi32, #tpu.memory_space<vmem_shared>> -> memref<16xi32, #tpu.memory_space<vmem_shared>>
              %dma_wait3A_647 = tpu.memref_slice %arg14[%multiple_of3A_635] : memref<1024xi32, #tpu.memory_space<vmem>> -> memref<16xi32, #tpu.memory_space<vmem>>
              %dma_wait3A_648 = tpu.memref_slice %arg25[%scan3A_586, %mul3A_639] : memref<16x512xi32, #tpu.memory_space<vmem_shared>> -> memref<1x16xi32, #tpu.memory_space<vmem_shared>>
              %dma_wait3A_649 = tpu.memref_squeeze %dma_wait3A_648 : memref<1x16xi32, #tpu.memory_space<vmem_shared>> -> memref<16xi32, #tpu.memory_space<vmem_shared>>
              tpu.wait_dma2 semaphore(%run_scoped3A : memref<!tpu.dma_semaphore, #tpu.memory_space<semaphore_mem>>) src(%dma_wait3A_649 : memref<16xi32, #tpu.memory_space<vmem_shared>>) dst(%dma_wait3A_647 : memref<16xi32, #tpu.memory_space<vmem>>)
              tpu.yield
            }) : () -> ()
          } else {
          }
          %add3A_633 = arith.constant 16 : i32
          %add3A_634 = arith.addi %while3A_627, %add3A_633 : i32
          scf.yield %add3A_634 : i32
        }
        %while3A_624 = arith.constant 1 : i32
        %while3A_625 = scf.for %while3A_626 = %while3A_621 to %while3A_617 step %while3A_624 iter_args(%while3A_627 = %while3A_623) -> (i32)  : i32 {
          %lt3A_628 = arith.constant 1024 : i32
          %lt3A_629 = arith.cmpi slt, %while3A_627, %lt3A_628 : i32
          %convert_element_type3A_630 = arith.extui %lt3A_629 : i1 to i32
          %cond3A_631 = arith.constant 0 : i32
          %cond3A_632 = arith.cmpi ne, %convert_element_type3A_630, %cond3A_631 : i32
          scf.if %cond3A_632 {
            %multiple_of3A_635 = tpu.assume_multiple %while3A_627, 16 : i32
            %mul3A_636 = arith.constant 16 : i32
            %mul3A_637 = arith.muli %while3A_626, %mul3A_636 : i32
            "tpu.region"() ({
              %run_scoped3A = tpu.sem_alloc : memref<!tpu.dma_semaphore, #tpu.memory_space<semaphore_mem>>
              %dma_start3A = tpu.memref_slice %arg13[%multiple_of3A_635] : memref<1024xi32, #tpu.memory_space<vmem>> -> memref<16xi32, #tpu.memory_space<vmem>>
              %dma_start3A_640 = tpu.memref_slice %arg24[%scan3A_586, %mul3A_637] : memref<16x512xi32, #tpu.memory_space<vmem_shared>> -> memref<1x16xi32, #tpu.memory_space<vmem_shared>>
              %dma_start3A_641 = tpu.memref_squeeze %dma_start3A_640 : memref<1x16xi32, #tpu.memory_space<vmem_shared>> -> memref<16xi32, #tpu.memory_space<vmem_shared>>
              %dma_start3A_642 = tpu.memref_slice %arg13[%multiple_of3A_635] : memref<1024xi32, #tpu.memory_space<vmem>> -> memref<16xi32, #tpu.memory_space<vmem>>
              %dma_start3A_643 = tpu.memref_slice %arg24[%scan3A_586, %mul3A_637] : memref<16x512xi32, #tpu.memory_space<vmem_shared>> -> memref<1x16xi32, #tpu.memory_space<vmem_shared>>
              %dma_start3A_644 = tpu.memref_squeeze %dma_start3A_643 : memref<1x16xi32, #tpu.memory_space<vmem_shared>> -> memref<16xi32, #tpu.memory_space<vmem_shared>>
              tpu.enqueue_dma source(%dma_start3A_644 : memref<16xi32, #tpu.memory_space<vmem_shared>>) target(%dma_start3A_642 : memref<16xi32, #tpu.memory_space<vmem>>) target_semaphore(%run_scoped3A : memref<!tpu.dma_semaphore, #tpu.memory_space<semaphore_mem>>)
              %dma_wait3A = tpu.memref_slice %arg13[%multiple_of3A_635] : memref<1024xi32, #tpu.memory_space<vmem>> -> memref<16xi32, #tpu.memory_space<vmem>>
              %dma_wait3A_645 = tpu.memref_slice %arg24[%scan3A_586, %mul3A_637] : memref<16x512xi32, #tpu.memory_space<vmem_shared>> -> memref<1x16xi32, #tpu.memory_space<vmem_shared>>
              %dma_wait3A_646 = tpu.memref_squeeze %dma_wait3A_645 : memref<1x16xi32, #tpu.memory_space<vmem_shared>> -> memref<16xi32, #tpu.memory_space<vmem_shared>>
              %dma_wait3A_647 = tpu.memref_slice %arg13[%multiple_of3A_635] : memref<1024xi32, #tpu.memory_space<vmem>> -> memref<16xi32, #tpu.memory_space<vmem>>
              %dma_wait3A_648 = tpu.memref_slice %arg24[%scan3A_586, %mul3A_637] : memref<16x512xi32, #tpu.memory_space<vmem_shared>> -> memref<1x16xi32, #tpu.memory_space<vmem_shared>>
              %dma_wait3A_649 = tpu.memref_squeeze %dma_wait3A_648 : memref<1x16xi32, #tpu.memory_space<vmem_shared>> -> memref<16xi32, #tpu.memory_space<vmem_shared>>
              tpu.wait_dma2 semaphore(%run_scoped3A : memref<!tpu.dma_semaphore, #tpu.memory_space<semaphore_mem>>) src(%dma_wait3A_649 : memref<16xi32, #tpu.memory_space<vmem_shared>>) dst(%dma_wait3A_647 : memref<16xi32, #tpu.memory_space<vmem>>)
              tpu.yield
            }) : () -> ()
            %mul3A_638 = arith.constant 16 : i32
            %mul3A_639 = arith.muli %while3A_626, %mul3A_638 : i32
            "tpu.region"() ({
              %run_scoped3A = tpu.sem_alloc : memref<!tpu.dma_semaphore, #tpu.memory_space<semaphore_mem>>
              %dma_start3A = tpu.memref_slice %arg14[%multiple_of3A_635] : memref<1024xi32, #tpu.memory_space<vmem>> -> memref<16xi32, #tpu.memory_space<vmem>>
              %dma_start3A_640 = tpu.memref_slice %arg25[%scan3A_586, %mul3A_639] : memref<16x512xi32, #tpu.memory_space<vmem_shared>> -> memref<1x16xi32, #tpu.memory_space<vmem_shared>>
              %dma_start3A_641 = tpu.memref_squeeze %dma_start3A_640 : memref<1x16xi32, #tpu.memory_space<vmem_shared>> -> memref<16xi32, #tpu.memory_space<vmem_shared>>
              %dma_start3A_642 = tpu.memref_slice %arg14[%multiple_of3A_635] : memref<1024xi32, #tpu.memory_space<vmem>> -> memref<16xi32, #tpu.memory_space<vmem>>
              %dma_start3A_643 = tpu.memref_slice %arg25[%scan3A_586, %mul3A_639] : memref<16x512xi32, #tpu.memory_space<vmem_shared>> -> memref<1x16xi32, #tpu.memory_space<vmem_shared>>
              %dma_start3A_644 = tpu.memref_squeeze %dma_start3A_643 : memref<1x16xi32, #tpu.memory_space<vmem_shared>> -> memref<16xi32, #tpu.memory_space<vmem_shared>>
              tpu.enqueue_dma source(%dma_start3A_644 : memref<16xi32, #tpu.memory_space<vmem_shared>>) target(%dma_start3A_642 : memref<16xi32, #tpu.memory_space<vmem>>) target_semaphore(%run_scoped3A : memref<!tpu.dma_semaphore, #tpu.memory_space<semaphore_mem>>)
              %dma_wait3A = tpu.memref_slice %arg14[%multiple_of3A_635] : memref<1024xi32, #tpu.memory_space<vmem>> -> memref<16xi32, #tpu.memory_space<vmem>>
              %dma_wait3A_645 = tpu.memref_slice %arg25[%scan3A_586, %mul3A_639] : memref<16x512xi32, #tpu.memory_space<vmem_shared>> -> memref<1x16xi32, #tpu.memory_space<vmem_shared>>
              %dma_wait3A_646 = tpu.memref_squeeze %dma_wait3A_645 : memref<1x16xi32, #tpu.memory_space<vmem_shared>> -> memref<16xi32, #tpu.memory_space<vmem_shared>>
              %dma_wait3A_647 = tpu.memref_slice %arg14[%multiple_of3A_635] : memref<1024xi32, #tpu.memory_space<vmem>> -> memref<16xi32, #tpu.memory_space<vmem>>
              %dma_wait3A_648 = tpu.memref_slice %arg25[%scan3A_586, %mul3A_639] : memref<16x512xi32, #tpu.memory_space<vmem_shared>> -> memref<1x16xi32, #tpu.memory_space<vmem_shared>>
              %dma_wait3A_649 = tpu.memref_squeeze %dma_wait3A_648 : memref<1x16xi32, #tpu.memory_space<vmem_shared>> -> memref<16xi32, #tpu.memory_space<vmem_shared>>
              tpu.wait_dma2 semaphore(%run_scoped3A : memref<!tpu.dma_semaphore, #tpu.memory_space<semaphore_mem>>) src(%dma_wait3A_649 : memref<16xi32, #tpu.memory_space<vmem_shared>>) dst(%dma_wait3A_647 : memref<16xi32, #tpu.memory_space<vmem>>)
              tpu.yield
            }) : () -> ()
          } else {
          }
          %add3A_633 = arith.constant 16 : i32
          %add3A_634 = arith.addi %while3A_627, %add3A_633 : i32
          scf.yield %add3A_634 : i32
        }
        scf.yield %while3A_625 : i32
      }
      %scan3A_585 = arith.constant 16 : i32
      "tpu.region"() ({
        %run_scoped3A = tpu.sem_alloc : memref<!tpu.dma_semaphore, #tpu.memory_space<semaphore_mem>>
        tpu.enqueue_dma source(%arg13 : memref<1024xi32, #tpu.memory_space<vmem>>) target(%arg26 : memref<1024xi32, #tpu.memory_space<vmem_shared>>) target_semaphore(%run_scoped3A : memref<!tpu.dma_semaphore, #tpu.memory_space<semaphore_mem>>)
        tpu.wait_dma2 semaphore(%run_scoped3A : memref<!tpu.dma_semaphore, #tpu.memory_space<semaphore_mem>>) src(%arg13 : memref<1024xi32, #tpu.memory_space<vmem>>) dst(%arg26 : memref<1024xi32, #tpu.memory_space<vmem_shared>>)
        tpu.yield
      }) : () -> ()
      "tpu.region"() ({
        %run_scoped3A = tpu.sem_alloc : memref<!tpu.dma_semaphore, #tpu.memory_space<semaphore_mem>>
        tpu.enqueue_dma source(%arg14 : memref<1024xi32, #tpu.memory_space<vmem>>) target(%arg27 : memref<1024xi32, #tpu.memory_space<vmem_shared>>) target_semaphore(%run_scoped3A : memref<!tpu.dma_semaphore, #tpu.memory_space<semaphore_mem>>)
        tpu.wait_dma2 semaphore(%run_scoped3A : memref<!tpu.dma_semaphore, #tpu.memory_space<semaphore_mem>>) src(%arg14 : memref<1024xi32, #tpu.memory_space<vmem>>) dst(%arg27 : memref<1024xi32, #tpu.memory_space<vmem_shared>>)
        tpu.yield
      }) : () -> ()
    } else {
    }
    %barrier3A_344 = arith.constant 0 : index
    tpu.barrier barrier_id(%barrier3A_344)
    "tpu.region"() ({
      %run_scoped3A = tpu.sem_alloc : memref<!tpu.dma_semaphore, #tpu.memory_space<semaphore_mem>>
      tpu.enqueue_dma source(%arg26 : memref<1024xi32, #tpu.memory_space<vmem_shared>>) target(%arg13 : memref<1024xi32, #tpu.memory_space<vmem>>) target_semaphore(%run_scoped3A : memref<!tpu.dma_semaphore, #tpu.memory_space<semaphore_mem>>)
      tpu.wait_dma2 semaphore(%run_scoped3A : memref<!tpu.dma_semaphore, #tpu.memory_space<semaphore_mem>>) src(%arg26 : memref<1024xi32, #tpu.memory_space<vmem_shared>>) dst(%arg13 : memref<1024xi32, #tpu.memory_space<vmem>>)
      tpu.yield
    }) : () -> ()
    "tpu.region"() ({
      %run_scoped3A = tpu.sem_alloc : memref<!tpu.dma_semaphore, #tpu.memory_space<semaphore_mem>>
      tpu.enqueue_dma source(%arg27 : memref<1024xi32, #tpu.memory_space<vmem_shared>>) target(%arg14 : memref<1024xi32, #tpu.memory_space<vmem>>) target_semaphore(%run_scoped3A : memref<!tpu.dma_semaphore, #tpu.memory_space<semaphore_mem>>)
      tpu.wait_dma2 semaphore(%run_scoped3A : memref<!tpu.dma_semaphore, #tpu.memory_space<semaphore_mem>>) src(%arg27 : memref<1024xi32, #tpu.memory_space<vmem_shared>>) dst(%arg14 : memref<1024xi32, #tpu.memory_space<vmem>>)
      tpu.yield
    }) : () -> ()
    %broadcast_in_dim3A_345 = vector.broadcast %min3A_338 : i32 to vector<16xi32>
    %mul3A_346 = arith.constant 16 : i32
    %mul3A_347 = arith.muli %arg1, %mul3A_346 : i32
    %add3A_348 = arith.constant 0 : i32
    %add3A_349 = arith.addi %mul3A_347, %add3A_348 : i32
    %multiple_of3A_350 = tpu.assume_multiple %add3A_349, 16 : i32
    %broadcast_in_dim3A_351 = vector.broadcast %multiple_of3A_350 : i32 to vector<16xi32>
    %add3A_352 = arith.addi %broadcast_in_dim3A_351, %iota3A : vector<16xi32>
    %lt3A = arith.cmpi slt, %add3A_352, %broadcast_in_dim3A_345 : vector<16xi32>
    %get3A_353 = arith.index_cast %multiple_of3A_350 : i32 to index
    %get3A_354 = tpu.vector_load %arg13[%get3A_353] {strides = array<i32>} : memref<1024xi32, #tpu.memory_space<vmem>>, vector<16xi32>,
    %jit3A_355 = arith.constant 0 : i32
    %broadcast_in_dim3A_356 = vector.broadcast %jit3A_355 : i32 to vector<16xi32>
    %select_n3A_357 = arith.select %lt3A, %get3A_354, %broadcast_in_dim3A_356 : vector<16xi1>, vector<16xi32>
    %get3A_358 = arith.index_cast %multiple_of3A_350 : i32 to index
    %get3A_359 = tpu.vector_load %arg14[%get3A_358] {strides = array<i32>} : memref<1024xi32, #tpu.memory_space<vmem>>, vector<16xi32>,
    %jit3A_360 = arith.constant 0 : i32
    %broadcast_in_dim3A_361 = vector.broadcast %jit3A_360 : i32 to vector<16xi32>
    %select_n3A_362 = arith.select %lt3A, %get3A_359, %broadcast_in_dim3A_361 : vector<16xi1>, vector<16xi32>
    %jit3A_363 = arith.constant 16 : i32
    %div3A_364 = arith.divsi %min3A_338, %jit3A_363 : i32
    %sign3A_365 = arith.constant 0 : i32
    %sign3A_366 = arith.cmpi sgt, %min3A_338, %sign3A_365 : i32
    %sign3A_367 = arith.extui %sign3A_366 : i1 to i32
    %sign3A_368 = arith.constant 0 : i32
    %sign3A_369 = arith.cmpi slt, %min3A_338, %sign3A_368 : i32
    %sign3A_370 = arith.extui %sign3A_369 : i1 to i32
    %sign3A_371 = arith.subi %sign3A_367, %sign3A_370 : i32
    %sign3A_372 = arith.constant 0 : i32
    %sign3A_373 = arith.cmpi sgt, %jit3A_363, %sign3A_372 : i32
    %sign3A_374 = arith.extui %sign3A_373 : i1 to i32
    %sign3A_375 = arith.constant 0 : i32
    %sign3A_376 = arith.cmpi slt, %jit3A_363, %sign3A_375 : i32
    %sign3A_377 = arith.extui %sign3A_376 : i1 to i32
    %sign3A_378 = arith.subi %sign3A_374, %sign3A_377 : i32
    %ne3A_379 = arith.cmpi ne, %sign3A_371, %sign3A_378 : i32
    %rem3A_380 = arith.remsi %min3A_338, %jit3A_363 : i32
    %ne3A_381 = arith.constant 0 : i32
    %ne3A_382 = arith.cmpi ne, %rem3A_380, %ne3A_381 : i32
    %and3A_383 = arith.andi %ne3A_379, %ne3A_382 : i1
    %sub3A_384 = arith.constant 1 : i32
    %sub3A_385 = arith.subi %div3A_364, %sub3A_384 : i32
    %select_n3A_386 = arith.select %and3A_383, %sub3A_385, %div3A_364 : i32
    %while3A_387 = arith.constant 0 : i32
    %while3A_388 = arith.subi %select_n3A_386, %while3A_387 : i32
    %while3A_389 = arith.addi %while3A_387, %while3A_388 : i32
    %while3A_390 = arith.constant 1 : i32
    %while3A_391 = arith.divsi %while3A_388, %while3A_390 : i32
    %while3A_392 = arith.muli %while3A_391, %while3A_390 : i32
    %while3A_393 = arith.addi %while3A_387, %while3A_392 : i32
    %while3A_394 = arith.constant 1 : i32
    %while3A_395 = scf.for %while3A_579 = %while3A_387 to %while3A_393 step %while3A_394 iter_args(%while3A_580 = %broadcast_in_dim3A_3) -> (vector<16xi32>)  : i32 {
      %mul3A_581 = arith.constant 16 : i32
      %mul3A_582 = arith.muli %while3A_579, %mul3A_581 : i32
      %get3A_583 = arith.index_cast %mul3A_582 : i32 to index
      %get3A_584 = tpu.vector_load %arg13[%get3A_583] {strides = array<i32>} : memref<1024xi32, #tpu.memory_space<vmem>>, vector<16xi32>,
      %mul3A_585 = arith.constant 16 : i32
      %mul3A_586 = arith.muli %while3A_579, %mul3A_585 : i32
      %get3A_587 = arith.index_cast %mul3A_586 : i32 to index
      %get3A_588 = tpu.vector_load %arg14[%get3A_587] {strides = array<i32>} : memref<1024xi32, #tpu.memory_space<vmem>>, vector<16xi32>,
      %slice3A = vector.extract_strided_slice %get3A_584 {offsets = [0], sizes = [1], strides = [1]} : vector<16xi32> to vector<1xi32>
      %squeeze3A = vector.extract %slice3A[0] : i32 from vector<1xi32>
      %broadcast_in_dim3A_589 = vector.broadcast %squeeze3A : i32 to vector<16xi32>
      %slice3A_590 = vector.extract_strided_slice %get3A_588 {offsets = [0], sizes = [1], strides = [1]} : vector<16xi32> to vector<1xi32>
      %squeeze3A_591 = vector.extract %slice3A_590[0] : i32 from vector<1xi32>
      %broadcast_in_dim3A_592 = vector.broadcast %squeeze3A_591 : i32 to vector<16xi32>
      %gt3A_593 = arith.cmpi sgt, %broadcast_in_dim3A_589, %select_n3A_357 : vector<16xi32>
      %eq3A_594 = arith.cmpi eq, %broadcast_in_dim3A_589, %select_n3A_357 : vector<16xi32>
      %lt3A_595 = arith.cmpi slt, %broadcast_in_dim3A_592, %select_n3A_362 : vector<16xi32>
      %and3A_596 = arith.andi %eq3A_594, %lt3A_595 : vector<16xi1>
      %or3A_597 = arith.ori %gt3A_593, %and3A_596 : vector<16xi1>
      %jit3A_598 = arith.constant 1 : i32
      %jit3A_599 = arith.constant 0 : i32
      %broadcast_in_dim3A_600 = vector.broadcast %jit3A_598 : i32 to vector<16xi32>
      %broadcast_in_dim3A_601 = vector.broadcast %jit3A_599 : i32 to vector<16xi32>
      %select_n3A_602 = arith.select %or3A_597, %broadcast_in_dim3A_600, %broadcast_in_dim3A_601 : vector<16xi1>, vector<16xi32>
      %add3A_603 = arith.addi %while3A_580, %select_n3A_602 : vector<16xi32>
      %slice3A_604 = vector.extract_strided_slice %get3A_584 {offsets = [1], sizes = [1], strides = [1]} : vector<16xi32> to vector<1xi32>
      %squeeze3A_605 = vector.extract %slice3A_604[0] : i32 from vector<1xi32>
      %broadcast_in_dim3A_606 = vector.broadcast %squeeze3A_605 : i32 to vector<16xi32>
      %slice3A_607 = vector.extract_strided_slice %get3A_588 {offsets = [1], sizes = [1], strides = [1]} : vector<16xi32> to vector<1xi32>
      %squeeze3A_608 = vector.extract %slice3A_607[0] : i32 from vector<1xi32>
      %broadcast_in_dim3A_609 = vector.broadcast %squeeze3A_608 : i32 to vector<16xi32>
      %gt3A_610 = arith.cmpi sgt, %broadcast_in_dim3A_606, %select_n3A_357 : vector<16xi32>
      %eq3A_611 = arith.cmpi eq, %broadcast_in_dim3A_606, %select_n3A_357 : vector<16xi32>
      %lt3A_612 = arith.cmpi slt, %broadcast_in_dim3A_609, %select_n3A_362 : vector<16xi32>
      %and3A_613 = arith.andi %eq3A_611, %lt3A_612 : vector<16xi1>
      %or3A_614 = arith.ori %gt3A_610, %and3A_613 : vector<16xi1>
      %jit3A_615 = arith.constant 1 : i32
      %jit3A_616 = arith.constant 0 : i32
      %broadcast_in_dim3A_617 = vector.broadcast %jit3A_615 : i32 to vector<16xi32>
      %broadcast_in_dim3A_618 = vector.broadcast %jit3A_616 : i32 to vector<16xi32>
      %select_n3A_619 = arith.select %or3A_614, %broadcast_in_dim3A_617, %broadcast_in_dim3A_618 : vector<16xi1>, vector<16xi32>
      %add3A_620 = arith.addi %add3A_603, %select_n3A_619 : vector<16xi32>
      %slice3A_621 = vector.extract_strided_slice %get3A_584 {offsets = [2], sizes = [1], strides = [1]} : vector<16xi32> to vector<1xi32>
      %squeeze3A_622 = vector.extract %slice3A_621[0] : i32 from vector<1xi32>
      %broadcast_in_dim3A_623 = vector.broadcast %squeeze3A_622 : i32 to vector<16xi32>
      %slice3A_624 = vector.extract_strided_slice %get3A_588 {offsets = [2], sizes = [1], strides = [1]} : vector<16xi32> to vector<1xi32>
      %squeeze3A_625 = vector.extract %slice3A_624[0] : i32 from vector<1xi32>
      %broadcast_in_dim3A_626 = vector.broadcast %squeeze3A_625 : i32 to vector<16xi32>
      %gt3A_627 = arith.cmpi sgt, %broadcast_in_dim3A_623, %select_n3A_357 : vector<16xi32>
      %eq3A_628 = arith.cmpi eq, %broadcast_in_dim3A_623, %select_n3A_357 : vector<16xi32>
      %lt3A_629 = arith.cmpi slt, %broadcast_in_dim3A_626, %select_n3A_362 : vector<16xi32>
      %and3A_630 = arith.andi %eq3A_628, %lt3A_629 : vector<16xi1>
      %or3A_631 = arith.ori %gt3A_627, %and3A_630 : vector<16xi1>
      %jit3A_632 = arith.constant 1 : i32
      %jit3A_633 = arith.constant 0 : i32
      %broadcast_in_dim3A_634 = vector.broadcast %jit3A_632 : i32 to vector<16xi32>
      %broadcast_in_dim3A_635 = vector.broadcast %jit3A_633 : i32 to vector<16xi32>
      %select_n3A_636 = arith.select %or3A_631, %broadcast_in_dim3A_634, %broadcast_in_dim3A_635 : vector<16xi1>, vector<16xi32>
      %add3A_637 = arith.addi %add3A_620, %select_n3A_636 : vector<16xi32>
      %slice3A_638 = vector.extract_strided_slice %get3A_584 {offsets = [3], sizes = [1], strides = [1]} : vector<16xi32> to vector<1xi32>
      %squeeze3A_639 = vector.extract %slice3A_638[0] : i32 from vector<1xi32>
      %broadcast_in_dim3A_640 = vector.broadcast %squeeze3A_639 : i32 to vector<16xi32>
      %slice3A_641 = vector.extract_strided_slice %get3A_588 {offsets = [3], sizes = [1], strides = [1]} : vector<16xi32> to vector<1xi32>
      %squeeze3A_642 = vector.extract %slice3A_641[0] : i32 from vector<1xi32>
      %broadcast_in_dim3A_643 = vector.broadcast %squeeze3A_642 : i32 to vector<16xi32>
      %gt3A_644 = arith.cmpi sgt, %broadcast_in_dim3A_640, %select_n3A_357 : vector<16xi32>
      %eq3A_645 = arith.cmpi eq, %broadcast_in_dim3A_640, %select_n3A_357 : vector<16xi32>
      %lt3A_646 = arith.cmpi slt, %broadcast_in_dim3A_643, %select_n3A_362 : vector<16xi32>
      %and3A_647 = arith.andi %eq3A_645, %lt3A_646 : vector<16xi1>
      %or3A_648 = arith.ori %gt3A_644, %and3A_647 : vector<16xi1>
      %jit3A_649 = arith.constant 1 : i32
      %jit3A_650 = arith.constant 0 : i32
      %broadcast_in_dim3A_651 = vector.broadcast %jit3A_649 : i32 to vector<16xi32>
      %broadcast_in_dim3A_652 = vector.broadcast %jit3A_650 : i32 to vector<16xi32>
      %select_n3A_653 = arith.select %or3A_648, %broadcast_in_dim3A_651, %broadcast_in_dim3A_652 : vector<16xi1>, vector<16xi32>
      %add3A_654 = arith.addi %add3A_637, %select_n3A_653 : vector<16xi32>
      %slice3A_655 = vector.extract_strided_slice %get3A_584 {offsets = [4], sizes = [1], strides = [1]} : vector<16xi32> to vector<1xi32>
      %squeeze3A_656 = vector.extract %slice3A_655[0] : i32 from vector<1xi32>
      %broadcast_in_dim3A_657 = vector.broadcast %squeeze3A_656 : i32 to vector<16xi32>
      %slice3A_658 = vector.extract_strided_slice %get3A_588 {offsets = [4], sizes = [1], strides = [1]} : vector<16xi32> to vector<1xi32>
      %squeeze3A_659 = vector.extract %slice3A_658[0] : i32 from vector<1xi32>
      %broadcast_in_dim3A_660 = vector.broadcast %squeeze3A_659 : i32 to vector<16xi32>
      %gt3A_661 = arith.cmpi sgt, %broadcast_in_dim3A_657, %select_n3A_357 : vector<16xi32>
      %eq3A_662 = arith.cmpi eq, %broadcast_in_dim3A_657, %select_n3A_357 : vector<16xi32>
      %lt3A_663 = arith.cmpi slt, %broadcast_in_dim3A_660, %select_n3A_362 : vector<16xi32>
      %and3A_664 = arith.andi %eq3A_662, %lt3A_663 : vector<16xi1>
      %or3A_665 = arith.ori %gt3A_661, %and3A_664 : vector<16xi1>
      %jit3A_666 = arith.constant 1 : i32
      %jit3A_667 = arith.constant 0 : i32
      %broadcast_in_dim3A_668 = vector.broadcast %jit3A_666 : i32 to vector<16xi32>
      %broadcast_in_dim3A_669 = vector.broadcast %jit3A_667 : i32 to vector<16xi32>
      %select_n3A_670 = arith.select %or3A_665, %broadcast_in_dim3A_668, %broadcast_in_dim3A_669 : vector<16xi1>, vector<16xi32>
      %add3A_671 = arith.addi %add3A_654, %select_n3A_670 : vector<16xi32>
      %slice3A_672 = vector.extract_strided_slice %get3A_584 {offsets = [5], sizes = [1], strides = [1]} : vector<16xi32> to vector<1xi32>
      %squeeze3A_673 = vector.extract %slice3A_672[0] : i32 from vector<1xi32>
      %broadcast_in_dim3A_674 = vector.broadcast %squeeze3A_673 : i32 to vector<16xi32>
      %slice3A_675 = vector.extract_strided_slice %get3A_588 {offsets = [5], sizes = [1], strides = [1]} : vector<16xi32> to vector<1xi32>
      %squeeze3A_676 = vector.extract %slice3A_675[0] : i32 from vector<1xi32>
      %broadcast_in_dim3A_677 = vector.broadcast %squeeze3A_676 : i32 to vector<16xi32>
      %gt3A_678 = arith.cmpi sgt, %broadcast_in_dim3A_674, %select_n3A_357 : vector<16xi32>
      %eq3A_679 = arith.cmpi eq, %broadcast_in_dim3A_674, %select_n3A_357 : vector<16xi32>
      %lt3A_680 = arith.cmpi slt, %broadcast_in_dim3A_677, %select_n3A_362 : vector<16xi32>
      %and3A_681 = arith.andi %eq3A_679, %lt3A_680 : vector<16xi1>
      %or3A_682 = arith.ori %gt3A_678, %and3A_681 : vector<16xi1>
      %jit3A_683 = arith.constant 1 : i32
      %jit3A_684 = arith.constant 0 : i32
      %broadcast_in_dim3A_685 = vector.broadcast %jit3A_683 : i32 to vector<16xi32>
      %broadcast_in_dim3A_686 = vector.broadcast %jit3A_684 : i32 to vector<16xi32>
      %select_n3A_687 = arith.select %or3A_682, %broadcast_in_dim3A_685, %broadcast_in_dim3A_686 : vector<16xi1>, vector<16xi32>
      %add3A_688 = arith.addi %add3A_671, %select_n3A_687 : vector<16xi32>
      %slice3A_689 = vector.extract_strided_slice %get3A_584 {offsets = [6], sizes = [1], strides = [1]} : vector<16xi32> to vector<1xi32>
      %squeeze3A_690 = vector.extract %slice3A_689[0] : i32 from vector<1xi32>
      %broadcast_in_dim3A_691 = vector.broadcast %squeeze3A_690 : i32 to vector<16xi32>
      %slice3A_692 = vector.extract_strided_slice %get3A_588 {offsets = [6], sizes = [1], strides = [1]} : vector<16xi32> to vector<1xi32>
      %squeeze3A_693 = vector.extract %slice3A_692[0] : i32 from vector<1xi32>
      %broadcast_in_dim3A_694 = vector.broadcast %squeeze3A_693 : i32 to vector<16xi32>
      %gt3A_695 = arith.cmpi sgt, %broadcast_in_dim3A_691, %select_n3A_357 : vector<16xi32>
      %eq3A_696 = arith.cmpi eq, %broadcast_in_dim3A_691, %select_n3A_357 : vector<16xi32>
      %lt3A_697 = arith.cmpi slt, %broadcast_in_dim3A_694, %select_n3A_362 : vector<16xi32>
      %and3A_698 = arith.andi %eq3A_696, %lt3A_697 : vector<16xi1>
      %or3A_699 = arith.ori %gt3A_695, %and3A_698 : vector<16xi1>
      %jit3A_700 = arith.constant 1 : i32
      %jit3A_701 = arith.constant 0 : i32
      %broadcast_in_dim3A_702 = vector.broadcast %jit3A_700 : i32 to vector<16xi32>
      %broadcast_in_dim3A_703 = vector.broadcast %jit3A_701 : i32 to vector<16xi32>
      %select_n3A_704 = arith.select %or3A_699, %broadcast_in_dim3A_702, %broadcast_in_dim3A_703 : vector<16xi1>, vector<16xi32>
      %add3A_705 = arith.addi %add3A_688, %select_n3A_704 : vector<16xi32>
      %slice3A_706 = vector.extract_strided_slice %get3A_584 {offsets = [7], sizes = [1], strides = [1]} : vector<16xi32> to vector<1xi32>
      %squeeze3A_707 = vector.extract %slice3A_706[0] : i32 from vector<1xi32>
      %broadcast_in_dim3A_708 = vector.broadcast %squeeze3A_707 : i32 to vector<16xi32>
      %slice3A_709 = vector.extract_strided_slice %get3A_588 {offsets = [7], sizes = [1], strides = [1]} : vector<16xi32> to vector<1xi32>
      %squeeze3A_710 = vector.extract %slice3A_709[0] : i32 from vector<1xi32>
      %broadcast_in_dim3A_711 = vector.broadcast %squeeze3A_710 : i32 to vector<16xi32>
      %gt3A_712 = arith.cmpi sgt, %broadcast_in_dim3A_708, %select_n3A_357 : vector<16xi32>
      %eq3A_713 = arith.cmpi eq, %broadcast_in_dim3A_708, %select_n3A_357 : vector<16xi32>
      %lt3A_714 = arith.cmpi slt, %broadcast_in_dim3A_711, %select_n3A_362 : vector<16xi32>
      %and3A_715 = arith.andi %eq3A_713, %lt3A_714 : vector<16xi1>
      %or3A_716 = arith.ori %gt3A_712, %and3A_715 : vector<16xi1>
      %jit3A_717 = arith.constant 1 : i32
      %jit3A_718 = arith.constant 0 : i32
      %broadcast_in_dim3A_719 = vector.broadcast %jit3A_717 : i32 to vector<16xi32>
      %broadcast_in_dim3A_720 = vector.broadcast %jit3A_718 : i32 to vector<16xi32>
      %select_n3A_721 = arith.select %or3A_716, %broadcast_in_dim3A_719, %broadcast_in_dim3A_720 : vector<16xi1>, vector<16xi32>
      %add3A_722 = arith.addi %add3A_705, %select_n3A_721 : vector<16xi32>
      %slice3A_723 = vector.extract_strided_slice %get3A_584 {offsets = [8], sizes = [1], strides = [1]} : vector<16xi32> to vector<1xi32>
      %squeeze3A_724 = vector.extract %slice3A_723[0] : i32 from vector<1xi32>
      %broadcast_in_dim3A_725 = vector.broadcast %squeeze3A_724 : i32 to vector<16xi32>
      %slice3A_726 = vector.extract_strided_slice %get3A_588 {offsets = [8], sizes = [1], strides = [1]} : vector<16xi32> to vector<1xi32>
      %squeeze3A_727 = vector.extract %slice3A_726[0] : i32 from vector<1xi32>
      %broadcast_in_dim3A_728 = vector.broadcast %squeeze3A_727 : i32 to vector<16xi32>
      %gt3A_729 = arith.cmpi sgt, %broadcast_in_dim3A_725, %select_n3A_357 : vector<16xi32>
      %eq3A_730 = arith.cmpi eq, %broadcast_in_dim3A_725, %select_n3A_357 : vector<16xi32>
      %lt3A_731 = arith.cmpi slt, %broadcast_in_dim3A_728, %select_n3A_362 : vector<16xi32>
      %and3A_732 = arith.andi %eq3A_730, %lt3A_731 : vector<16xi1>
      %or3A_733 = arith.ori %gt3A_729, %and3A_732 : vector<16xi1>
      %jit3A_734 = arith.constant 1 : i32
      %jit3A_735 = arith.constant 0 : i32
      %broadcast_in_dim3A_736 = vector.broadcast %jit3A_734 : i32 to vector<16xi32>
      %broadcast_in_dim3A_737 = vector.broadcast %jit3A_735 : i32 to vector<16xi32>
      %select_n3A_738 = arith.select %or3A_733, %broadcast_in_dim3A_736, %broadcast_in_dim3A_737 : vector<16xi1>, vector<16xi32>
      %add3A_739 = arith.addi %add3A_722, %select_n3A_738 : vector<16xi32>
      %slice3A_740 = vector.extract_strided_slice %get3A_584 {offsets = [9], sizes = [1], strides = [1]} : vector<16xi32> to vector<1xi32>
      %squeeze3A_741 = vector.extract %slice3A_740[0] : i32 from vector<1xi32>
      %broadcast_in_dim3A_742 = vector.broadcast %squeeze3A_741 : i32 to vector<16xi32>
      %slice3A_743 = vector.extract_strided_slice %get3A_588 {offsets = [9], sizes = [1], strides = [1]} : vector<16xi32> to vector<1xi32>
      %squeeze3A_744 = vector.extract %slice3A_743[0] : i32 from vector<1xi32>
      %broadcast_in_dim3A_745 = vector.broadcast %squeeze3A_744 : i32 to vector<16xi32>
      %gt3A_746 = arith.cmpi sgt, %broadcast_in_dim3A_742, %select_n3A_357 : vector<16xi32>
      %eq3A_747 = arith.cmpi eq, %broadcast_in_dim3A_742, %select_n3A_357 : vector<16xi32>
      %lt3A_748 = arith.cmpi slt, %broadcast_in_dim3A_745, %select_n3A_362 : vector<16xi32>
      %and3A_749 = arith.andi %eq3A_747, %lt3A_748 : vector<16xi1>
      %or3A_750 = arith.ori %gt3A_746, %and3A_749 : vector<16xi1>
      %jit3A_751 = arith.constant 1 : i32
      %jit3A_752 = arith.constant 0 : i32
      %broadcast_in_dim3A_753 = vector.broadcast %jit3A_751 : i32 to vector<16xi32>
      %broadcast_in_dim3A_754 = vector.broadcast %jit3A_752 : i32 to vector<16xi32>
      %select_n3A_755 = arith.select %or3A_750, %broadcast_in_dim3A_753, %broadcast_in_dim3A_754 : vector<16xi1>, vector<16xi32>
      %add3A_756 = arith.addi %add3A_739, %select_n3A_755 : vector<16xi32>
      %slice3A_757 = vector.extract_strided_slice %get3A_584 {offsets = [10], sizes = [1], strides = [1]} : vector<16xi32> to vector<1xi32>
      %squeeze3A_758 = vector.extract %slice3A_757[0] : i32 from vector<1xi32>
      %broadcast_in_dim3A_759 = vector.broadcast %squeeze3A_758 : i32 to vector<16xi32>
      %slice3A_760 = vector.extract_strided_slice %get3A_588 {offsets = [10], sizes = [1], strides = [1]} : vector<16xi32> to vector<1xi32>
      %squeeze3A_761 = vector.extract %slice3A_760[0] : i32 from vector<1xi32>
      %broadcast_in_dim3A_762 = vector.broadcast %squeeze3A_761 : i32 to vector<16xi32>
      %gt3A_763 = arith.cmpi sgt, %broadcast_in_dim3A_759, %select_n3A_357 : vector<16xi32>
      %eq3A_764 = arith.cmpi eq, %broadcast_in_dim3A_759, %select_n3A_357 : vector<16xi32>
      %lt3A_765 = arith.cmpi slt, %broadcast_in_dim3A_762, %select_n3A_362 : vector<16xi32>
      %and3A_766 = arith.andi %eq3A_764, %lt3A_765 : vector<16xi1>
      %or3A_767 = arith.ori %gt3A_763, %and3A_766 : vector<16xi1>
      %jit3A_768 = arith.constant 1 : i32
      %jit3A_769 = arith.constant 0 : i32
      %broadcast_in_dim3A_770 = vector.broadcast %jit3A_768 : i32 to vector<16xi32>
      %broadcast_in_dim3A_771 = vector.broadcast %jit3A_769 : i32 to vector<16xi32>
      %select_n3A_772 = arith.select %or3A_767, %broadcast_in_dim3A_770, %broadcast_in_dim3A_771 : vector<16xi1>, vector<16xi32>
      %add3A_773 = arith.addi %add3A_756, %select_n3A_772 : vector<16xi32>
      %slice3A_774 = vector.extract_strided_slice %get3A_584 {offsets = [11], sizes = [1], strides = [1]} : vector<16xi32> to vector<1xi32>
      %squeeze3A_775 = vector.extract %slice3A_774[0] : i32 from vector<1xi32>
      %broadcast_in_dim3A_776 = vector.broadcast %squeeze3A_775 : i32 to vector<16xi32>
      %slice3A_777 = vector.extract_strided_slice %get3A_588 {offsets = [11], sizes = [1], strides = [1]} : vector<16xi32> to vector<1xi32>
      %squeeze3A_778 = vector.extract %slice3A_777[0] : i32 from vector<1xi32>
      %broadcast_in_dim3A_779 = vector.broadcast %squeeze3A_778 : i32 to vector<16xi32>
      %gt3A_780 = arith.cmpi sgt, %broadcast_in_dim3A_776, %select_n3A_357 : vector<16xi32>
      %eq3A_781 = arith.cmpi eq, %broadcast_in_dim3A_776, %select_n3A_357 : vector<16xi32>
      %lt3A_782 = arith.cmpi slt, %broadcast_in_dim3A_779, %select_n3A_362 : vector<16xi32>
      %and3A_783 = arith.andi %eq3A_781, %lt3A_782 : vector<16xi1>
      %or3A_784 = arith.ori %gt3A_780, %and3A_783 : vector<16xi1>
      %jit3A_785 = arith.constant 1 : i32
      %jit3A_786 = arith.constant 0 : i32
      %broadcast_in_dim3A_787 = vector.broadcast %jit3A_785 : i32 to vector<16xi32>
      %broadcast_in_dim3A_788 = vector.broadcast %jit3A_786 : i32 to vector<16xi32>
      %select_n3A_789 = arith.select %or3A_784, %broadcast_in_dim3A_787, %broadcast_in_dim3A_788 : vector<16xi1>, vector<16xi32>
      %add3A_790 = arith.addi %add3A_773, %select_n3A_789 : vector<16xi32>
      %slice3A_791 = vector.extract_strided_slice %get3A_584 {offsets = [12], sizes = [1], strides = [1]} : vector<16xi32> to vector<1xi32>
      %squeeze3A_792 = vector.extract %slice3A_791[0] : i32 from vector<1xi32>
      %broadcast_in_dim3A_793 = vector.broadcast %squeeze3A_792 : i32 to vector<16xi32>
      %slice3A_794 = vector.extract_strided_slice %get3A_588 {offsets = [12], sizes = [1], strides = [1]} : vector<16xi32> to vector<1xi32>
      %squeeze3A_795 = vector.extract %slice3A_794[0] : i32 from vector<1xi32>
      %broadcast_in_dim3A_796 = vector.broadcast %squeeze3A_795 : i32 to vector<16xi32>
      %gt3A_797 = arith.cmpi sgt, %broadcast_in_dim3A_793, %select_n3A_357 : vector<16xi32>
      %eq3A_798 = arith.cmpi eq, %broadcast_in_dim3A_793, %select_n3A_357 : vector<16xi32>
      %lt3A_799 = arith.cmpi slt, %broadcast_in_dim3A_796, %select_n3A_362 : vector<16xi32>
      %and3A_800 = arith.andi %eq3A_798, %lt3A_799 : vector<16xi1>
      %or3A_801 = arith.ori %gt3A_797, %and3A_800 : vector<16xi1>
      %jit3A_802 = arith.constant 1 : i32
      %jit3A_803 = arith.constant 0 : i32
      %broadcast_in_dim3A_804 = vector.broadcast %jit3A_802 : i32 to vector<16xi32>
      %broadcast_in_dim3A_805 = vector.broadcast %jit3A_803 : i32 to vector<16xi32>
      %select_n3A_806 = arith.select %or3A_801, %broadcast_in_dim3A_804, %broadcast_in_dim3A_805 : vector<16xi1>, vector<16xi32>
      %add3A_807 = arith.addi %add3A_790, %select_n3A_806 : vector<16xi32>
      %slice3A_808 = vector.extract_strided_slice %get3A_584 {offsets = [13], sizes = [1], strides = [1]} : vector<16xi32> to vector<1xi32>
      %squeeze3A_809 = vector.extract %slice3A_808[0] : i32 from vector<1xi32>
      %broadcast_in_dim3A_810 = vector.broadcast %squeeze3A_809 : i32 to vector<16xi32>
      %slice3A_811 = vector.extract_strided_slice %get3A_588 {offsets = [13], sizes = [1], strides = [1]} : vector<16xi32> to vector<1xi32>
      %squeeze3A_812 = vector.extract %slice3A_811[0] : i32 from vector<1xi32>
      %broadcast_in_dim3A_813 = vector.broadcast %squeeze3A_812 : i32 to vector<16xi32>
      %gt3A_814 = arith.cmpi sgt, %broadcast_in_dim3A_810, %select_n3A_357 : vector<16xi32>
      %eq3A_815 = arith.cmpi eq, %broadcast_in_dim3A_810, %select_n3A_357 : vector<16xi32>
      %lt3A_816 = arith.cmpi slt, %broadcast_in_dim3A_813, %select_n3A_362 : vector<16xi32>
      %and3A_817 = arith.andi %eq3A_815, %lt3A_816 : vector<16xi1>
      %or3A_818 = arith.ori %gt3A_814, %and3A_817 : vector<16xi1>
      %jit3A_819 = arith.constant 1 : i32
      %jit3A_820 = arith.constant 0 : i32
      %broadcast_in_dim3A_821 = vector.broadcast %jit3A_819 : i32 to vector<16xi32>
      %broadcast_in_dim3A_822 = vector.broadcast %jit3A_820 : i32 to vector<16xi32>
      %select_n3A_823 = arith.select %or3A_818, %broadcast_in_dim3A_821, %broadcast_in_dim3A_822 : vector<16xi1>, vector<16xi32>
      %add3A_824 = arith.addi %add3A_807, %select_n3A_823 : vector<16xi32>
      %slice3A_825 = vector.extract_strided_slice %get3A_584 {offsets = [14], sizes = [1], strides = [1]} : vector<16xi32> to vector<1xi32>
      %squeeze3A_826 = vector.extract %slice3A_825[0] : i32 from vector<1xi32>
      %broadcast_in_dim3A_827 = vector.broadcast %squeeze3A_826 : i32 to vector<16xi32>
      %slice3A_828 = vector.extract_strided_slice %get3A_588 {offsets = [14], sizes = [1], strides = [1]} : vector<16xi32> to vector<1xi32>
      %squeeze3A_829 = vector.extract %slice3A_828[0] : i32 from vector<1xi32>
      %broadcast_in_dim3A_830 = vector.broadcast %squeeze3A_829 : i32 to vector<16xi32>
      %gt3A_831 = arith.cmpi sgt, %broadcast_in_dim3A_827, %select_n3A_357 : vector<16xi32>
      %eq3A_832 = arith.cmpi eq, %broadcast_in_dim3A_827, %select_n3A_357 : vector<16xi32>
      %lt3A_833 = arith.cmpi slt, %broadcast_in_dim3A_830, %select_n3A_362 : vector<16xi32>
      %and3A_834 = arith.andi %eq3A_832, %lt3A_833 : vector<16xi1>
      %or3A_835 = arith.ori %gt3A_831, %and3A_834 : vector<16xi1>
      %jit3A_836 = arith.constant 1 : i32
      %jit3A_837 = arith.constant 0 : i32
      %broadcast_in_dim3A_838 = vector.broadcast %jit3A_836 : i32 to vector<16xi32>
      %broadcast_in_dim3A_839 = vector.broadcast %jit3A_837 : i32 to vector<16xi32>
      %select_n3A_840 = arith.select %or3A_835, %broadcast_in_dim3A_838, %broadcast_in_dim3A_839 : vector<16xi1>, vector<16xi32>
      %add3A_841 = arith.addi %add3A_824, %select_n3A_840 : vector<16xi32>
      %slice3A_842 = vector.extract_strided_slice %get3A_584 {offsets = [15], sizes = [1], strides = [1]} : vector<16xi32> to vector<1xi32>
      %squeeze3A_843 = vector.extract %slice3A_842[0] : i32 from vector<1xi32>
      %broadcast_in_dim3A_844 = vector.broadcast %squeeze3A_843 : i32 to vector<16xi32>
      %slice3A_845 = vector.extract_strided_slice %get3A_588 {offsets = [15], sizes = [1], strides = [1]} : vector<16xi32> to vector<1xi32>
      %squeeze3A_846 = vector.extract %slice3A_845[0] : i32 from vector<1xi32>
      %broadcast_in_dim3A_847 = vector.broadcast %squeeze3A_846 : i32 to vector<16xi32>
      %gt3A_848 = arith.cmpi sgt, %broadcast_in_dim3A_844, %select_n3A_357 : vector<16xi32>
      %eq3A_849 = arith.cmpi eq, %broadcast_in_dim3A_844, %select_n3A_357 : vector<16xi32>
      %lt3A_850 = arith.cmpi slt, %broadcast_in_dim3A_847, %select_n3A_362 : vector<16xi32>
      %and3A_851 = arith.andi %eq3A_849, %lt3A_850 : vector<16xi1>
      %or3A_852 = arith.ori %gt3A_848, %and3A_851 : vector<16xi1>
      %jit3A_853 = arith.constant 1 : i32
      %jit3A_854 = arith.constant 0 : i32
      %broadcast_in_dim3A_855 = vector.broadcast %jit3A_853 : i32 to vector<16xi32>
      %broadcast_in_dim3A_856 = vector.broadcast %jit3A_854 : i32 to vector<16xi32>
      %select_n3A_857 = arith.select %or3A_852, %broadcast_in_dim3A_855, %broadcast_in_dim3A_856 : vector<16xi1>, vector<16xi32>
      %add3A_858 = arith.addi %add3A_841, %select_n3A_857 : vector<16xi32>
      scf.yield %add3A_858 : vector<16xi32>
    }
    %while3A_396 = arith.constant 1 : i32
    %while3A_397 = scf.for %while3A_579 = %while3A_393 to %while3A_389 step %while3A_396 iter_args(%while3A_580 = %while3A_395) -> (vector<16xi32>)  : i32 {
      %mul3A_581 = arith.constant 16 : i32
      %mul3A_582 = arith.muli %while3A_579, %mul3A_581 : i32
      %get3A_583 = arith.index_cast %mul3A_582 : i32 to index
      %get3A_584 = tpu.vector_load %arg13[%get3A_583] {strides = array<i32>} : memref<1024xi32, #tpu.memory_space<vmem>>, vector<16xi32>,
      %mul3A_585 = arith.constant 16 : i32
      %mul3A_586 = arith.muli %while3A_579, %mul3A_585 : i32
      %get3A_587 = arith.index_cast %mul3A_586 : i32 to index
      %get3A_588 = tpu.vector_load %arg14[%get3A_587] {strides = array<i32>} : memref<1024xi32, #tpu.memory_space<vmem>>, vector<16xi32>,
      %slice3A = vector.extract_strided_slice %get3A_584 {offsets = [0], sizes = [1], strides = [1]} : vector<16xi32> to vector<1xi32>
      %squeeze3A = vector.extract %slice3A[0] : i32 from vector<1xi32>
      %broadcast_in_dim3A_589 = vector.broadcast %squeeze3A : i32 to vector<16xi32>
      %slice3A_590 = vector.extract_strided_slice %get3A_588 {offsets = [0], sizes = [1], strides = [1]} : vector<16xi32> to vector<1xi32>
      %squeeze3A_591 = vector.extract %slice3A_590[0] : i32 from vector<1xi32>
      %broadcast_in_dim3A_592 = vector.broadcast %squeeze3A_591 : i32 to vector<16xi32>
      %gt3A_593 = arith.cmpi sgt, %broadcast_in_dim3A_589, %select_n3A_357 : vector<16xi32>
      %eq3A_594 = arith.cmpi eq, %broadcast_in_dim3A_589, %select_n3A_357 : vector<16xi32>
      %lt3A_595 = arith.cmpi slt, %broadcast_in_dim3A_592, %select_n3A_362 : vector<16xi32>
      %and3A_596 = arith.andi %eq3A_594, %lt3A_595 : vector<16xi1>
      %or3A_597 = arith.ori %gt3A_593, %and3A_596 : vector<16xi1>
      %jit3A_598 = arith.constant 1 : i32
      %jit3A_599 = arith.constant 0 : i32
      %broadcast_in_dim3A_600 = vector.broadcast %jit3A_598 : i32 to vector<16xi32>
      %broadcast_in_dim3A_601 = vector.broadcast %jit3A_599 : i32 to vector<16xi32>
      %select_n3A_602 = arith.select %or3A_597, %broadcast_in_dim3A_600, %broadcast_in_dim3A_601 : vector<16xi1>, vector<16xi32>
      %add3A_603 = arith.addi %while3A_580, %select_n3A_602 : vector<16xi32>
      %slice3A_604 = vector.extract_strided_slice %get3A_584 {offsets = [1], sizes = [1], strides = [1]} : vector<16xi32> to vector<1xi32>
      %squeeze3A_605 = vector.extract %slice3A_604[0] : i32 from vector<1xi32>
      %broadcast_in_dim3A_606 = vector.broadcast %squeeze3A_605 : i32 to vector<16xi32>
      %slice3A_607 = vector.extract_strided_slice %get3A_588 {offsets = [1], sizes = [1], strides = [1]} : vector<16xi32> to vector<1xi32>
      %squeeze3A_608 = vector.extract %slice3A_607[0] : i32 from vector<1xi32>
      %broadcast_in_dim3A_609 = vector.broadcast %squeeze3A_608 : i32 to vector<16xi32>
      %gt3A_610 = arith.cmpi sgt, %broadcast_in_dim3A_606, %select_n3A_357 : vector<16xi32>
      %eq3A_611 = arith.cmpi eq, %broadcast_in_dim3A_606, %select_n3A_357 : vector<16xi32>
      %lt3A_612 = arith.cmpi slt, %broadcast_in_dim3A_609, %select_n3A_362 : vector<16xi32>
      %and3A_613 = arith.andi %eq3A_611, %lt3A_612 : vector<16xi1>
      %or3A_614 = arith.ori %gt3A_610, %and3A_613 : vector<16xi1>
      %jit3A_615 = arith.constant 1 : i32
      %jit3A_616 = arith.constant 0 : i32
      %broadcast_in_dim3A_617 = vector.broadcast %jit3A_615 : i32 to vector<16xi32>
      %broadcast_in_dim3A_618 = vector.broadcast %jit3A_616 : i32 to vector<16xi32>
      %select_n3A_619 = arith.select %or3A_614, %broadcast_in_dim3A_617, %broadcast_in_dim3A_618 : vector<16xi1>, vector<16xi32>
      %add3A_620 = arith.addi %add3A_603, %select_n3A_619 : vector<16xi32>
      %slice3A_621 = vector.extract_strided_slice %get3A_584 {offsets = [2], sizes = [1], strides = [1]} : vector<16xi32> to vector<1xi32>
      %squeeze3A_622 = vector.extract %slice3A_621[0] : i32 from vector<1xi32>
      %broadcast_in_dim3A_623 = vector.broadcast %squeeze3A_622 : i32 to vector<16xi32>
      %slice3A_624 = vector.extract_strided_slice %get3A_588 {offsets = [2], sizes = [1], strides = [1]} : vector<16xi32> to vector<1xi32>
      %squeeze3A_625 = vector.extract %slice3A_624[0] : i32 from vector<1xi32>
      %broadcast_in_dim3A_626 = vector.broadcast %squeeze3A_625 : i32 to vector<16xi32>
      %gt3A_627 = arith.cmpi sgt, %broadcast_in_dim3A_623, %select_n3A_357 : vector<16xi32>
      %eq3A_628 = arith.cmpi eq, %broadcast_in_dim3A_623, %select_n3A_357 : vector<16xi32>
      %lt3A_629 = arith.cmpi slt, %broadcast_in_dim3A_626, %select_n3A_362 : vector<16xi32>
      %and3A_630 = arith.andi %eq3A_628, %lt3A_629 : vector<16xi1>
      %or3A_631 = arith.ori %gt3A_627, %and3A_630 : vector<16xi1>
      %jit3A_632 = arith.constant 1 : i32
      %jit3A_633 = arith.constant 0 : i32
      %broadcast_in_dim3A_634 = vector.broadcast %jit3A_632 : i32 to vector<16xi32>
      %broadcast_in_dim3A_635 = vector.broadcast %jit3A_633 : i32 to vector<16xi32>
      %select_n3A_636 = arith.select %or3A_631, %broadcast_in_dim3A_634, %broadcast_in_dim3A_635 : vector<16xi1>, vector<16xi32>
      %add3A_637 = arith.addi %add3A_620, %select_n3A_636 : vector<16xi32>
      %slice3A_638 = vector.extract_strided_slice %get3A_584 {offsets = [3], sizes = [1], strides = [1]} : vector<16xi32> to vector<1xi32>
      %squeeze3A_639 = vector.extract %slice3A_638[0] : i32 from vector<1xi32>
      %broadcast_in_dim3A_640 = vector.broadcast %squeeze3A_639 : i32 to vector<16xi32>
      %slice3A_641 = vector.extract_strided_slice %get3A_588 {offsets = [3], sizes = [1], strides = [1]} : vector<16xi32> to vector<1xi32>
      %squeeze3A_642 = vector.extract %slice3A_641[0] : i32 from vector<1xi32>
      %broadcast_in_dim3A_643 = vector.broadcast %squeeze3A_642 : i32 to vector<16xi32>
      %gt3A_644 = arith.cmpi sgt, %broadcast_in_dim3A_640, %select_n3A_357 : vector<16xi32>
      %eq3A_645 = arith.cmpi eq, %broadcast_in_dim3A_640, %select_n3A_357 : vector<16xi32>
      %lt3A_646 = arith.cmpi slt, %broadcast_in_dim3A_643, %select_n3A_362 : vector<16xi32>
      %and3A_647 = arith.andi %eq3A_645, %lt3A_646 : vector<16xi1>
      %or3A_648 = arith.ori %gt3A_644, %and3A_647 : vector<16xi1>
      %jit3A_649 = arith.constant 1 : i32
      %jit3A_650 = arith.constant 0 : i32
      %broadcast_in_dim3A_651 = vector.broadcast %jit3A_649 : i32 to vector<16xi32>
      %broadcast_in_dim3A_652 = vector.broadcast %jit3A_650 : i32 to vector<16xi32>
      %select_n3A_653 = arith.select %or3A_648, %broadcast_in_dim3A_651, %broadcast_in_dim3A_652 : vector<16xi1>, vector<16xi32>
      %add3A_654 = arith.addi %add3A_637, %select_n3A_653 : vector<16xi32>
      %slice3A_655 = vector.extract_strided_slice %get3A_584 {offsets = [4], sizes = [1], strides = [1]} : vector<16xi32> to vector<1xi32>
      %squeeze3A_656 = vector.extract %slice3A_655[0] : i32 from vector<1xi32>
      %broadcast_in_dim3A_657 = vector.broadcast %squeeze3A_656 : i32 to vector<16xi32>
      %slice3A_658 = vector.extract_strided_slice %get3A_588 {offsets = [4], sizes = [1], strides = [1]} : vector<16xi32> to vector<1xi32>
      %squeeze3A_659 = vector.extract %slice3A_658[0] : i32 from vector<1xi32>
      %broadcast_in_dim3A_660 = vector.broadcast %squeeze3A_659 : i32 to vector<16xi32>
      %gt3A_661 = arith.cmpi sgt, %broadcast_in_dim3A_657, %select_n3A_357 : vector<16xi32>
      %eq3A_662 = arith.cmpi eq, %broadcast_in_dim3A_657, %select_n3A_357 : vector<16xi32>
      %lt3A_663 = arith.cmpi slt, %broadcast_in_dim3A_660, %select_n3A_362 : vector<16xi32>
      %and3A_664 = arith.andi %eq3A_662, %lt3A_663 : vector<16xi1>
      %or3A_665 = arith.ori %gt3A_661, %and3A_664 : vector<16xi1>
      %jit3A_666 = arith.constant 1 : i32
      %jit3A_667 = arith.constant 0 : i32
      %broadcast_in_dim3A_668 = vector.broadcast %jit3A_666 : i32 to vector<16xi32>
      %broadcast_in_dim3A_669 = vector.broadcast %jit3A_667 : i32 to vector<16xi32>
      %select_n3A_670 = arith.select %or3A_665, %broadcast_in_dim3A_668, %broadcast_in_dim3A_669 : vector<16xi1>, vector<16xi32>
      %add3A_671 = arith.addi %add3A_654, %select_n3A_670 : vector<16xi32>
      %slice3A_672 = vector.extract_strided_slice %get3A_584 {offsets = [5], sizes = [1], strides = [1]} : vector<16xi32> to vector<1xi32>
      %squeeze3A_673 = vector.extract %slice3A_672[0] : i32 from vector<1xi32>
      %broadcast_in_dim3A_674 = vector.broadcast %squeeze3A_673 : i32 to vector<16xi32>
      %slice3A_675 = vector.extract_strided_slice %get3A_588 {offsets = [5], sizes = [1], strides = [1]} : vector<16xi32> to vector<1xi32>
      %squeeze3A_676 = vector.extract %slice3A_675[0] : i32 from vector<1xi32>
      %broadcast_in_dim3A_677 = vector.broadcast %squeeze3A_676 : i32 to vector<16xi32>
      %gt3A_678 = arith.cmpi sgt, %broadcast_in_dim3A_674, %select_n3A_357 : vector<16xi32>
      %eq3A_679 = arith.cmpi eq, %broadcast_in_dim3A_674, %select_n3A_357 : vector<16xi32>
      %lt3A_680 = arith.cmpi slt, %broadcast_in_dim3A_677, %select_n3A_362 : vector<16xi32>
      %and3A_681 = arith.andi %eq3A_679, %lt3A_680 : vector<16xi1>
      %or3A_682 = arith.ori %gt3A_678, %and3A_681 : vector<16xi1>
      %jit3A_683 = arith.constant 1 : i32
      %jit3A_684 = arith.constant 0 : i32
      %broadcast_in_dim3A_685 = vector.broadcast %jit3A_683 : i32 to vector<16xi32>
      %broadcast_in_dim3A_686 = vector.broadcast %jit3A_684 : i32 to vector<16xi32>
      %select_n3A_687 = arith.select %or3A_682, %broadcast_in_dim3A_685, %broadcast_in_dim3A_686 : vector<16xi1>, vector<16xi32>
      %add3A_688 = arith.addi %add3A_671, %select_n3A_687 : vector<16xi32>
      %slice3A_689 = vector.extract_strided_slice %get3A_584 {offsets = [6], sizes = [1], strides = [1]} : vector<16xi32> to vector<1xi32>
      %squeeze3A_690 = vector.extract %slice3A_689[0] : i32 from vector<1xi32>
      %broadcast_in_dim3A_691 = vector.broadcast %squeeze3A_690 : i32 to vector<16xi32>
      %slice3A_692 = vector.extract_strided_slice %get3A_588 {offsets = [6], sizes = [1], strides = [1]} : vector<16xi32> to vector<1xi32>
      %squeeze3A_693 = vector.extract %slice3A_692[0] : i32 from vector<1xi32>
      %broadcast_in_dim3A_694 = vector.broadcast %squeeze3A_693 : i32 to vector<16xi32>
      %gt3A_695 = arith.cmpi sgt, %broadcast_in_dim3A_691, %select_n3A_357 : vector<16xi32>
      %eq3A_696 = arith.cmpi eq, %broadcast_in_dim3A_691, %select_n3A_357 : vector<16xi32>
      %lt3A_697 = arith.cmpi slt, %broadcast_in_dim3A_694, %select_n3A_362 : vector<16xi32>
      %and3A_698 = arith.andi %eq3A_696, %lt3A_697 : vector<16xi1>
      %or3A_699 = arith.ori %gt3A_695, %and3A_698 : vector<16xi1>
      %jit3A_700 = arith.constant 1 : i32
      %jit3A_701 = arith.constant 0 : i32
      %broadcast_in_dim3A_702 = vector.broadcast %jit3A_700 : i32 to vector<16xi32>
      %broadcast_in_dim3A_703 = vector.broadcast %jit3A_701 : i32 to vector<16xi32>
      %select_n3A_704 = arith.select %or3A_699, %broadcast_in_dim3A_702, %broadcast_in_dim3A_703 : vector<16xi1>, vector<16xi32>
      %add3A_705 = arith.addi %add3A_688, %select_n3A_704 : vector<16xi32>
      %slice3A_706 = vector.extract_strided_slice %get3A_584 {offsets = [7], sizes = [1], strides = [1]} : vector<16xi32> to vector<1xi32>
      %squeeze3A_707 = vector.extract %slice3A_706[0] : i32 from vector<1xi32>
      %broadcast_in_dim3A_708 = vector.broadcast %squeeze3A_707 : i32 to vector<16xi32>
      %slice3A_709 = vector.extract_strided_slice %get3A_588 {offsets = [7], sizes = [1], strides = [1]} : vector<16xi32> to vector<1xi32>
      %squeeze3A_710 = vector.extract %slice3A_709[0] : i32 from vector<1xi32>
      %broadcast_in_dim3A_711 = vector.broadcast %squeeze3A_710 : i32 to vector<16xi32>
      %gt3A_712 = arith.cmpi sgt, %broadcast_in_dim3A_708, %select_n3A_357 : vector<16xi32>
      %eq3A_713 = arith.cmpi eq, %broadcast_in_dim3A_708, %select_n3A_357 : vector<16xi32>
      %lt3A_714 = arith.cmpi slt, %broadcast_in_dim3A_711, %select_n3A_362 : vector<16xi32>
      %and3A_715 = arith.andi %eq3A_713, %lt3A_714 : vector<16xi1>
      %or3A_716 = arith.ori %gt3A_712, %and3A_715 : vector<16xi1>
      %jit3A_717 = arith.constant 1 : i32
      %jit3A_718 = arith.constant 0 : i32
      %broadcast_in_dim3A_719 = vector.broadcast %jit3A_717 : i32 to vector<16xi32>
      %broadcast_in_dim3A_720 = vector.broadcast %jit3A_718 : i32 to vector<16xi32>
      %select_n3A_721 = arith.select %or3A_716, %broadcast_in_dim3A_719, %broadcast_in_dim3A_720 : vector<16xi1>, vector<16xi32>
      %add3A_722 = arith.addi %add3A_705, %select_n3A_721 : vector<16xi32>
      %slice3A_723 = vector.extract_strided_slice %get3A_584 {offsets = [8], sizes = [1], strides = [1]} : vector<16xi32> to vector<1xi32>
      %squeeze3A_724 = vector.extract %slice3A_723[0] : i32 from vector<1xi32>
      %broadcast_in_dim3A_725 = vector.broadcast %squeeze3A_724 : i32 to vector<16xi32>
      %slice3A_726 = vector.extract_strided_slice %get3A_588 {offsets = [8], sizes = [1], strides = [1]} : vector<16xi32> to vector<1xi32>
      %squeeze3A_727 = vector.extract %slice3A_726[0] : i32 from vector<1xi32>
      %broadcast_in_dim3A_728 = vector.broadcast %squeeze3A_727 : i32 to vector<16xi32>
      %gt3A_729 = arith.cmpi sgt, %broadcast_in_dim3A_725, %select_n3A_357 : vector<16xi32>
      %eq3A_730 = arith.cmpi eq, %broadcast_in_dim3A_725, %select_n3A_357 : vector<16xi32>
      %lt3A_731 = arith.cmpi slt, %broadcast_in_dim3A_728, %select_n3A_362 : vector<16xi32>
      %and3A_732 = arith.andi %eq3A_730, %lt3A_731 : vector<16xi1>
      %or3A_733 = arith.ori %gt3A_729, %and3A_732 : vector<16xi1>
      %jit3A_734 = arith.constant 1 : i32
      %jit3A_735 = arith.constant 0 : i32
      %broadcast_in_dim3A_736 = vector.broadcast %jit3A_734 : i32 to vector<16xi32>
      %broadcast_in_dim3A_737 = vector.broadcast %jit3A_735 : i32 to vector<16xi32>
      %select_n3A_738 = arith.select %or3A_733, %broadcast_in_dim3A_736, %broadcast_in_dim3A_737 : vector<16xi1>, vector<16xi32>
      %add3A_739 = arith.addi %add3A_722, %select_n3A_738 : vector<16xi32>
      %slice3A_740 = vector.extract_strided_slice %get3A_584 {offsets = [9], sizes = [1], strides = [1]} : vector<16xi32> to vector<1xi32>
      %squeeze3A_741 = vector.extract %slice3A_740[0] : i32 from vector<1xi32>
      %broadcast_in_dim3A_742 = vector.broadcast %squeeze3A_741 : i32 to vector<16xi32>
      %slice3A_743 = vector.extract_strided_slice %get3A_588 {offsets = [9], sizes = [1], strides = [1]} : vector<16xi32> to vector<1xi32>
      %squeeze3A_744 = vector.extract %slice3A_743[0] : i32 from vector<1xi32>
      %broadcast_in_dim3A_745 = vector.broadcast %squeeze3A_744 : i32 to vector<16xi32>
      %gt3A_746 = arith.cmpi sgt, %broadcast_in_dim3A_742, %select_n3A_357 : vector<16xi32>
      %eq3A_747 = arith.cmpi eq, %broadcast_in_dim3A_742, %select_n3A_357 : vector<16xi32>
      %lt3A_748 = arith.cmpi slt, %broadcast_in_dim3A_745, %select_n3A_362 : vector<16xi32>
      %and3A_749 = arith.andi %eq3A_747, %lt3A_748 : vector<16xi1>
      %or3A_750 = arith.ori %gt3A_746, %and3A_749 : vector<16xi1>
      %jit3A_751 = arith.constant 1 : i32
      %jit3A_752 = arith.constant 0 : i32
      %broadcast_in_dim3A_753 = vector.broadcast %jit3A_751 : i32 to vector<16xi32>
      %broadcast_in_dim3A_754 = vector.broadcast %jit3A_752 : i32 to vector<16xi32>
      %select_n3A_755 = arith.select %or3A_750, %broadcast_in_dim3A_753, %broadcast_in_dim3A_754 : vector<16xi1>, vector<16xi32>
      %add3A_756 = arith.addi %add3A_739, %select_n3A_755 : vector<16xi32>
      %slice3A_757 = vector.extract_strided_slice %get3A_584 {offsets = [10], sizes = [1], strides = [1]} : vector<16xi32> to vector<1xi32>
      %squeeze3A_758 = vector.extract %slice3A_757[0] : i32 from vector<1xi32>
      %broadcast_in_dim3A_759 = vector.broadcast %squeeze3A_758 : i32 to vector<16xi32>
      %slice3A_760 = vector.extract_strided_slice %get3A_588 {offsets = [10], sizes = [1], strides = [1]} : vector<16xi32> to vector<1xi32>
      %squeeze3A_761 = vector.extract %slice3A_760[0] : i32 from vector<1xi32>
      %broadcast_in_dim3A_762 = vector.broadcast %squeeze3A_761 : i32 to vector<16xi32>
      %gt3A_763 = arith.cmpi sgt, %broadcast_in_dim3A_759, %select_n3A_357 : vector<16xi32>
      %eq3A_764 = arith.cmpi eq, %broadcast_in_dim3A_759, %select_n3A_357 : vector<16xi32>
      %lt3A_765 = arith.cmpi slt, %broadcast_in_dim3A_762, %select_n3A_362 : vector<16xi32>
      %and3A_766 = arith.andi %eq3A_764, %lt3A_765 : vector<16xi1>
      %or3A_767 = arith.ori %gt3A_763, %and3A_766 : vector<16xi1>
      %jit3A_768 = arith.constant 1 : i32
      %jit3A_769 = arith.constant 0 : i32
      %broadcast_in_dim3A_770 = vector.broadcast %jit3A_768 : i32 to vector<16xi32>
      %broadcast_in_dim3A_771 = vector.broadcast %jit3A_769 : i32 to vector<16xi32>
      %select_n3A_772 = arith.select %or3A_767, %broadcast_in_dim3A_770, %broadcast_in_dim3A_771 : vector<16xi1>, vector<16xi32>
      %add3A_773 = arith.addi %add3A_756, %select_n3A_772 : vector<16xi32>
      %slice3A_774 = vector.extract_strided_slice %get3A_584 {offsets = [11], sizes = [1], strides = [1]} : vector<16xi32> to vector<1xi32>
      %squeeze3A_775 = vector.extract %slice3A_774[0] : i32 from vector<1xi32>
      %broadcast_in_dim3A_776 = vector.broadcast %squeeze3A_775 : i32 to vector<16xi32>
      %slice3A_777 = vector.extract_strided_slice %get3A_588 {offsets = [11], sizes = [1], strides = [1]} : vector<16xi32> to vector<1xi32>
      %squeeze3A_778 = vector.extract %slice3A_777[0] : i32 from vector<1xi32>
      %broadcast_in_dim3A_779 = vector.broadcast %squeeze3A_778 : i32 to vector<16xi32>
      %gt3A_780 = arith.cmpi sgt, %broadcast_in_dim3A_776, %select_n3A_357 : vector<16xi32>
      %eq3A_781 = arith.cmpi eq, %broadcast_in_dim3A_776, %select_n3A_357 : vector<16xi32>
      %lt3A_782 = arith.cmpi slt, %broadcast_in_dim3A_779, %select_n3A_362 : vector<16xi32>
      %and3A_783 = arith.andi %eq3A_781, %lt3A_782 : vector<16xi1>
      %or3A_784 = arith.ori %gt3A_780, %and3A_783 : vector<16xi1>
      %jit3A_785 = arith.constant 1 : i32
      %jit3A_786 = arith.constant 0 : i32
      %broadcast_in_dim3A_787 = vector.broadcast %jit3A_785 : i32 to vector<16xi32>
      %broadcast_in_dim3A_788 = vector.broadcast %jit3A_786 : i32 to vector<16xi32>
      %select_n3A_789 = arith.select %or3A_784, %broadcast_in_dim3A_787, %broadcast_in_dim3A_788 : vector<16xi1>, vector<16xi32>
      %add3A_790 = arith.addi %add3A_773, %select_n3A_789 : vector<16xi32>
      %slice3A_791 = vector.extract_strided_slice %get3A_584 {offsets = [12], sizes = [1], strides = [1]} : vector<16xi32> to vector<1xi32>
      %squeeze3A_792 = vector.extract %slice3A_791[0] : i32 from vector<1xi32>
      %broadcast_in_dim3A_793 = vector.broadcast %squeeze3A_792 : i32 to vector<16xi32>
      %slice3A_794 = vector.extract_strided_slice %get3A_588 {offsets = [12], sizes = [1], strides = [1]} : vector<16xi32> to vector<1xi32>
      %squeeze3A_795 = vector.extract %slice3A_794[0] : i32 from vector<1xi32>
      %broadcast_in_dim3A_796 = vector.broadcast %squeeze3A_795 : i32 to vector<16xi32>
      %gt3A_797 = arith.cmpi sgt, %broadcast_in_dim3A_793, %select_n3A_357 : vector<16xi32>
      %eq3A_798 = arith.cmpi eq, %broadcast_in_dim3A_793, %select_n3A_357 : vector<16xi32>
      %lt3A_799 = arith.cmpi slt, %broadcast_in_dim3A_796, %select_n3A_362 : vector<16xi32>
      %and3A_800 = arith.andi %eq3A_798, %lt3A_799 : vector<16xi1>
      %or3A_801 = arith.ori %gt3A_797, %and3A_800 : vector<16xi1>
      %jit3A_802 = arith.constant 1 : i32
      %jit3A_803 = arith.constant 0 : i32
      %broadcast_in_dim3A_804 = vector.broadcast %jit3A_802 : i32 to vector<16xi32>
      %broadcast_in_dim3A_805 = vector.broadcast %jit3A_803 : i32 to vector<16xi32>
      %select_n3A_806 = arith.select %or3A_801, %broadcast_in_dim3A_804, %broadcast_in_dim3A_805 : vector<16xi1>, vector<16xi32>
      %add3A_807 = arith.addi %add3A_790, %select_n3A_806 : vector<16xi32>
      %slice3A_808 = vector.extract_strided_slice %get3A_584 {offsets = [13], sizes = [1], strides = [1]} : vector<16xi32> to vector<1xi32>
      %squeeze3A_809 = vector.extract %slice3A_808[0] : i32 from vector<1xi32>
      %broadcast_in_dim3A_810 = vector.broadcast %squeeze3A_809 : i32 to vector<16xi32>
      %slice3A_811 = vector.extract_strided_slice %get3A_588 {offsets = [13], sizes = [1], strides = [1]} : vector<16xi32> to vector<1xi32>
      %squeeze3A_812 = vector.extract %slice3A_811[0] : i32 from vector<1xi32>
      %broadcast_in_dim3A_813 = vector.broadcast %squeeze3A_812 : i32 to vector<16xi32>
      %gt3A_814 = arith.cmpi sgt, %broadcast_in_dim3A_810, %select_n3A_357 : vector<16xi32>
      %eq3A_815 = arith.cmpi eq, %broadcast_in_dim3A_810, %select_n3A_357 : vector<16xi32>
      %lt3A_816 = arith.cmpi slt, %broadcast_in_dim3A_813, %select_n3A_362 : vector<16xi32>
      %and3A_817 = arith.andi %eq3A_815, %lt3A_816 : vector<16xi1>
      %or3A_818 = arith.ori %gt3A_814, %and3A_817 : vector<16xi1>
      %jit3A_819 = arith.constant 1 : i32
      %jit3A_820 = arith.constant 0 : i32
      %broadcast_in_dim3A_821 = vector.broadcast %jit3A_819 : i32 to vector<16xi32>
      %broadcast_in_dim3A_822 = vector.broadcast %jit3A_820 : i32 to vector<16xi32>
      %select_n3A_823 = arith.select %or3A_818, %broadcast_in_dim3A_821, %broadcast_in_dim3A_822 : vector<16xi1>, vector<16xi32>
      %add3A_824 = arith.addi %add3A_807, %select_n3A_823 : vector<16xi32>
      %slice3A_825 = vector.extract_strided_slice %get3A_584 {offsets = [14], sizes = [1], strides = [1]} : vector<16xi32> to vector<1xi32>
      %squeeze3A_826 = vector.extract %slice3A_825[0] : i32 from vector<1xi32>
      %broadcast_in_dim3A_827 = vector.broadcast %squeeze3A_826 : i32 to vector<16xi32>
      %slice3A_828 = vector.extract_strided_slice %get3A_588 {offsets = [14], sizes = [1], strides = [1]} : vector<16xi32> to vector<1xi32>
      %squeeze3A_829 = vector.extract %slice3A_828[0] : i32 from vector<1xi32>
      %broadcast_in_dim3A_830 = vector.broadcast %squeeze3A_829 : i32 to vector<16xi32>
      %gt3A_831 = arith.cmpi sgt, %broadcast_in_dim3A_827, %select_n3A_357 : vector<16xi32>
      %eq3A_832 = arith.cmpi eq, %broadcast_in_dim3A_827, %select_n3A_357 : vector<16xi32>
      %lt3A_833 = arith.cmpi slt, %broadcast_in_dim3A_830, %select_n3A_362 : vector<16xi32>
      %and3A_834 = arith.andi %eq3A_832, %lt3A_833 : vector<16xi1>
      %or3A_835 = arith.ori %gt3A_831, %and3A_834 : vector<16xi1>
      %jit3A_836 = arith.constant 1 : i32
      %jit3A_837 = arith.constant 0 : i32
      %broadcast_in_dim3A_838 = vector.broadcast %jit3A_836 : i32 to vector<16xi32>
      %broadcast_in_dim3A_839 = vector.broadcast %jit3A_837 : i32 to vector<16xi32>
      %select_n3A_840 = arith.select %or3A_835, %broadcast_in_dim3A_838, %broadcast_in_dim3A_839 : vector<16xi1>, vector<16xi32>
      %add3A_841 = arith.addi %add3A_824, %select_n3A_840 : vector<16xi32>
      %slice3A_842 = vector.extract_strided_slice %get3A_584 {offsets = [15], sizes = [1], strides = [1]} : vector<16xi32> to vector<1xi32>
      %squeeze3A_843 = vector.extract %slice3A_842[0] : i32 from vector<1xi32>
      %broadcast_in_dim3A_844 = vector.broadcast %squeeze3A_843 : i32 to vector<16xi32>
      %slice3A_845 = vector.extract_strided_slice %get3A_588 {offsets = [15], sizes = [1], strides = [1]} : vector<16xi32> to vector<1xi32>
      %squeeze3A_846 = vector.extract %slice3A_845[0] : i32 from vector<1xi32>
      %broadcast_in_dim3A_847 = vector.broadcast %squeeze3A_846 : i32 to vector<16xi32>
      %gt3A_848 = arith.cmpi sgt, %broadcast_in_dim3A_844, %select_n3A_357 : vector<16xi32>
      %eq3A_849 = arith.cmpi eq, %broadcast_in_dim3A_844, %select_n3A_357 : vector<16xi32>
      %lt3A_850 = arith.cmpi slt, %broadcast_in_dim3A_847, %select_n3A_362 : vector<16xi32>
      %and3A_851 = arith.andi %eq3A_849, %lt3A_850 : vector<16xi1>
      %or3A_852 = arith.ori %gt3A_848, %and3A_851 : vector<16xi1>
      %jit3A_853 = arith.constant 1 : i32
      %jit3A_854 = arith.constant 0 : i32
      %broadcast_in_dim3A_855 = vector.broadcast %jit3A_853 : i32 to vector<16xi32>
      %broadcast_in_dim3A_856 = vector.broadcast %jit3A_854 : i32 to vector<16xi32>
      %select_n3A_857 = arith.select %or3A_852, %broadcast_in_dim3A_855, %broadcast_in_dim3A_856 : vector<16xi1>, vector<16xi32>
      %add3A_858 = arith.addi %add3A_841, %select_n3A_857 : vector<16xi32>
      scf.yield %add3A_858 : vector<16xi32>
    }
    %lt3A_398 = arith.constant 300 : i32
    %lt3A_399 = vector.broadcast %lt3A_398 : i32 to vector<16xi32>
    %lt3A_400 = arith.cmpi slt, %while3A_397, %lt3A_399 : vector<16xi32>
    %and3A_401 = arith.andi %lt3A_400, %lt3A : vector<16xi1>
    tpu.vector_store_idx %arg15[%while3A_397], %select_n3A_357 masked %and3A_401 : memref<320xi32, #tpu.memory_space<vmem>>[vector<16xi32>], vector<16xi32>, vector<16xi1>
    tpu.vector_store_idx %arg16[%while3A_397], %select_n3A_362 masked %and3A_401 : memref<320xi32, #tpu.memory_space<vmem>>[vector<16xi32>], vector<16xi32>, vector<16xi1>
    %mul3A_402 = arith.constant 16 : i32
    %mul3A_403 = arith.muli %arg1, %mul3A_402 : i32
    %add3A_404 = arith.constant 256 : i32
    %add3A_405 = arith.addi %mul3A_403, %add3A_404 : i32
    %multiple_of3A_406 = tpu.assume_multiple %add3A_405, 16 : i32
    %broadcast_in_dim3A_407 = vector.broadcast %multiple_of3A_406 : i32 to vector<16xi32>
    %add3A_408 = arith.addi %broadcast_in_dim3A_407, %iota3A : vector<16xi32>
    %lt3A_409 = arith.cmpi slt, %add3A_408, %broadcast_in_dim3A_345 : vector<16xi32>
    %get3A_410 = arith.index_cast %multiple_of3A_406 : i32 to index
    %get3A_411 = tpu.vector_load %arg13[%get3A_410] {strides = array<i32>} : memref<1024xi32, #tpu.memory_space<vmem>>, vector<16xi32>,
    %jit3A_412 = arith.constant 0 : i32
    %broadcast_in_dim3A_413 = vector.broadcast %jit3A_412 : i32 to vector<16xi32>
    %select_n3A_414 = arith.select %lt3A_409, %get3A_411, %broadcast_in_dim3A_413 : vector<16xi1>, vector<16xi32>
    %get3A_415 = arith.index_cast %multiple_of3A_406 : i32 to index
    %get3A_416 = tpu.vector_load %arg14[%get3A_415] {strides = array<i32>} : memref<1024xi32, #tpu.memory_space<vmem>>, vector<16xi32>,
    %jit3A_417 = arith.constant 0 : i32
    %broadcast_in_dim3A_418 = vector.broadcast %jit3A_417 : i32 to vector<16xi32>
    %select_n3A_419 = arith.select %lt3A_409, %get3A_416, %broadcast_in_dim3A_418 : vector<16xi1>, vector<16xi32>
    %jit3A_420 = arith.constant 16 : i32
    %div3A_421 = arith.divsi %min3A_338, %jit3A_420 : i32
    %sign3A_422 = arith.constant 0 : i32
    %sign3A_423 = arith.cmpi sgt, %min3A_338, %sign3A_422 : i32
    %sign3A_424 = arith.extui %sign3A_423 : i1 to i32
    %sign3A_425 = arith.constant 0 : i32
    %sign3A_426 = arith.cmpi slt, %min3A_338, %sign3A_425 : i32
    %sign3A_427 = arith.extui %sign3A_426 : i1 to i32
    %sign3A_428 = arith.subi %sign3A_424, %sign3A_427 : i32
    %sign3A_429 = arith.constant 0 : i32
    %sign3A_430 = arith.cmpi sgt, %jit3A_420, %sign3A_429 : i32
    %sign3A_431 = arith.extui %sign3A_430 : i1 to i32
    %sign3A_432 = arith.constant 0 : i32
    %sign3A_433 = arith.cmpi slt, %jit3A_420, %sign3A_432 : i32
    %sign3A_434 = arith.extui %sign3A_433 : i1 to i32
    %sign3A_435 = arith.subi %sign3A_431, %sign3A_434 : i32
    %ne3A_436 = arith.cmpi ne, %sign3A_428, %sign3A_435 : i32
    %rem3A_437 = arith.remsi %min3A_338, %jit3A_420 : i32
    %ne3A_438 = arith.constant 0 : i32
    %ne3A_439 = arith.cmpi ne, %rem3A_437, %ne3A_438 : i32
    %and3A_440 = arith.andi %ne3A_436, %ne3A_439 : i1
    %sub3A_441 = arith.constant 1 : i32
    %sub3A_442 = arith.subi %div3A_421, %sub3A_441 : i32
    %select_n3A_443 = arith.select %and3A_440, %sub3A_442, %div3A_421 : i32
    %while3A_444 = arith.constant 0 : i32
    %while3A_445 = arith.subi %select_n3A_443, %while3A_444 : i32
    %while3A_446 = arith.addi %while3A_444, %while3A_445 : i32
    %while3A_447 = arith.constant 1 : i32
    %while3A_448 = arith.divsi %while3A_445, %while3A_447 : i32
    %while3A_449 = arith.muli %while3A_448, %while3A_447 : i32
    %while3A_450 = arith.addi %while3A_444, %while3A_449 : i32
    %while3A_451 = arith.constant 1 : i32
    %while3A_452 = scf.for %while3A_579 = %while3A_444 to %while3A_450 step %while3A_451 iter_args(%while3A_580 = %broadcast_in_dim3A_3) -> (vector<16xi32>)  : i32 {
      %mul3A_581 = arith.constant 16 : i32
      %mul3A_582 = arith.muli %while3A_579, %mul3A_581 : i32
      %get3A_583 = arith.index_cast %mul3A_582 : i32 to index
      %get3A_584 = tpu.vector_load %arg13[%get3A_583] {strides = array<i32>} : memref<1024xi32, #tpu.memory_space<vmem>>, vector<16xi32>,
      %mul3A_585 = arith.constant 16 : i32
      %mul3A_586 = arith.muli %while3A_579, %mul3A_585 : i32
      %get3A_587 = arith.index_cast %mul3A_586 : i32 to index
      %get3A_588 = tpu.vector_load %arg14[%get3A_587] {strides = array<i32>} : memref<1024xi32, #tpu.memory_space<vmem>>, vector<16xi32>,
      %slice3A = vector.extract_strided_slice %get3A_584 {offsets = [0], sizes = [1], strides = [1]} : vector<16xi32> to vector<1xi32>
      %squeeze3A = vector.extract %slice3A[0] : i32 from vector<1xi32>
      %broadcast_in_dim3A_589 = vector.broadcast %squeeze3A : i32 to vector<16xi32>
      %slice3A_590 = vector.extract_strided_slice %get3A_588 {offsets = [0], sizes = [1], strides = [1]} : vector<16xi32> to vector<1xi32>
      %squeeze3A_591 = vector.extract %slice3A_590[0] : i32 from vector<1xi32>
      %broadcast_in_dim3A_592 = vector.broadcast %squeeze3A_591 : i32 to vector<16xi32>
      %gt3A_593 = arith.cmpi sgt, %broadcast_in_dim3A_589, %select_n3A_414 : vector<16xi32>
      %eq3A_594 = arith.cmpi eq, %broadcast_in_dim3A_589, %select_n3A_414 : vector<16xi32>
      %lt3A_595 = arith.cmpi slt, %broadcast_in_dim3A_592, %select_n3A_419 : vector<16xi32>
      %and3A_596 = arith.andi %eq3A_594, %lt3A_595 : vector<16xi1>
      %or3A_597 = arith.ori %gt3A_593, %and3A_596 : vector<16xi1>
      %jit3A_598 = arith.constant 1 : i32
      %jit3A_599 = arith.constant 0 : i32
      %broadcast_in_dim3A_600 = vector.broadcast %jit3A_598 : i32 to vector<16xi32>
      %broadcast_in_dim3A_601 = vector.broadcast %jit3A_599 : i32 to vector<16xi32>
      %select_n3A_602 = arith.select %or3A_597, %broadcast_in_dim3A_600, %broadcast_in_dim3A_601 : vector<16xi1>, vector<16xi32>
      %add3A_603 = arith.addi %while3A_580, %select_n3A_602 : vector<16xi32>
      %slice3A_604 = vector.extract_strided_slice %get3A_584 {offsets = [1], sizes = [1], strides = [1]} : vector<16xi32> to vector<1xi32>
      %squeeze3A_605 = vector.extract %slice3A_604[0] : i32 from vector<1xi32>
      %broadcast_in_dim3A_606 = vector.broadcast %squeeze3A_605 : i32 to vector<16xi32>
      %slice3A_607 = vector.extract_strided_slice %get3A_588 {offsets = [1], sizes = [1], strides = [1]} : vector<16xi32> to vector<1xi32>
      %squeeze3A_608 = vector.extract %slice3A_607[0] : i32 from vector<1xi32>
      %broadcast_in_dim3A_609 = vector.broadcast %squeeze3A_608 : i32 to vector<16xi32>
      %gt3A_610 = arith.cmpi sgt, %broadcast_in_dim3A_606, %select_n3A_414 : vector<16xi32>
      %eq3A_611 = arith.cmpi eq, %broadcast_in_dim3A_606, %select_n3A_414 : vector<16xi32>
      %lt3A_612 = arith.cmpi slt, %broadcast_in_dim3A_609, %select_n3A_419 : vector<16xi32>
      %and3A_613 = arith.andi %eq3A_611, %lt3A_612 : vector<16xi1>
      %or3A_614 = arith.ori %gt3A_610, %and3A_613 : vector<16xi1>
      %jit3A_615 = arith.constant 1 : i32
      %jit3A_616 = arith.constant 0 : i32
      %broadcast_in_dim3A_617 = vector.broadcast %jit3A_615 : i32 to vector<16xi32>
      %broadcast_in_dim3A_618 = vector.broadcast %jit3A_616 : i32 to vector<16xi32>
      %select_n3A_619 = arith.select %or3A_614, %broadcast_in_dim3A_617, %broadcast_in_dim3A_618 : vector<16xi1>, vector<16xi32>
      %add3A_620 = arith.addi %add3A_603, %select_n3A_619 : vector<16xi32>
      %slice3A_621 = vector.extract_strided_slice %get3A_584 {offsets = [2], sizes = [1], strides = [1]} : vector<16xi32> to vector<1xi32>
      %squeeze3A_622 = vector.extract %slice3A_621[0] : i32 from vector<1xi32>
      %broadcast_in_dim3A_623 = vector.broadcast %squeeze3A_622 : i32 to vector<16xi32>
      %slice3A_624 = vector.extract_strided_slice %get3A_588 {offsets = [2], sizes = [1], strides = [1]} : vector<16xi32> to vector<1xi32>
      %squeeze3A_625 = vector.extract %slice3A_624[0] : i32 from vector<1xi32>
      %broadcast_in_dim3A_626 = vector.broadcast %squeeze3A_625 : i32 to vector<16xi32>
      %gt3A_627 = arith.cmpi sgt, %broadcast_in_dim3A_623, %select_n3A_414 : vector<16xi32>
      %eq3A_628 = arith.cmpi eq, %broadcast_in_dim3A_623, %select_n3A_414 : vector<16xi32>
      %lt3A_629 = arith.cmpi slt, %broadcast_in_dim3A_626, %select_n3A_419 : vector<16xi32>
      %and3A_630 = arith.andi %eq3A_628, %lt3A_629 : vector<16xi1>
      %or3A_631 = arith.ori %gt3A_627, %and3A_630 : vector<16xi1>
      %jit3A_632 = arith.constant 1 : i32
      %jit3A_633 = arith.constant 0 : i32
      %broadcast_in_dim3A_634 = vector.broadcast %jit3A_632 : i32 to vector<16xi32>
      %broadcast_in_dim3A_635 = vector.broadcast %jit3A_633 : i32 to vector<16xi32>
      %select_n3A_636 = arith.select %or3A_631, %broadcast_in_dim3A_634, %broadcast_in_dim3A_635 : vector<16xi1>, vector<16xi32>
      %add3A_637 = arith.addi %add3A_620, %select_n3A_636 : vector<16xi32>
      %slice3A_638 = vector.extract_strided_slice %get3A_584 {offsets = [3], sizes = [1], strides = [1]} : vector<16xi32> to vector<1xi32>
      %squeeze3A_639 = vector.extract %slice3A_638[0] : i32 from vector<1xi32>
      %broadcast_in_dim3A_640 = vector.broadcast %squeeze3A_639 : i32 to vector<16xi32>
      %slice3A_641 = vector.extract_strided_slice %get3A_588 {offsets = [3], sizes = [1], strides = [1]} : vector<16xi32> to vector<1xi32>
      %squeeze3A_642 = vector.extract %slice3A_641[0] : i32 from vector<1xi32>
      %broadcast_in_dim3A_643 = vector.broadcast %squeeze3A_642 : i32 to vector<16xi32>
      %gt3A_644 = arith.cmpi sgt, %broadcast_in_dim3A_640, %select_n3A_414 : vector<16xi32>
      %eq3A_645 = arith.cmpi eq, %broadcast_in_dim3A_640, %select_n3A_414 : vector<16xi32>
      %lt3A_646 = arith.cmpi slt, %broadcast_in_dim3A_643, %select_n3A_419 : vector<16xi32>
      %and3A_647 = arith.andi %eq3A_645, %lt3A_646 : vector<16xi1>
      %or3A_648 = arith.ori %gt3A_644, %and3A_647 : vector<16xi1>
      %jit3A_649 = arith.constant 1 : i32
      %jit3A_650 = arith.constant 0 : i32
      %broadcast_in_dim3A_651 = vector.broadcast %jit3A_649 : i32 to vector<16xi32>
      %broadcast_in_dim3A_652 = vector.broadcast %jit3A_650 : i32 to vector<16xi32>
      %select_n3A_653 = arith.select %or3A_648, %broadcast_in_dim3A_651, %broadcast_in_dim3A_652 : vector<16xi1>, vector<16xi32>
      %add3A_654 = arith.addi %add3A_637, %select_n3A_653 : vector<16xi32>
      %slice3A_655 = vector.extract_strided_slice %get3A_584 {offsets = [4], sizes = [1], strides = [1]} : vector<16xi32> to vector<1xi32>
      %squeeze3A_656 = vector.extract %slice3A_655[0] : i32 from vector<1xi32>
      %broadcast_in_dim3A_657 = vector.broadcast %squeeze3A_656 : i32 to vector<16xi32>
      %slice3A_658 = vector.extract_strided_slice %get3A_588 {offsets = [4], sizes = [1], strides = [1]} : vector<16xi32> to vector<1xi32>
      %squeeze3A_659 = vector.extract %slice3A_658[0] : i32 from vector<1xi32>
      %broadcast_in_dim3A_660 = vector.broadcast %squeeze3A_659 : i32 to vector<16xi32>
      %gt3A_661 = arith.cmpi sgt, %broadcast_in_dim3A_657, %select_n3A_414 : vector<16xi32>
      %eq3A_662 = arith.cmpi eq, %broadcast_in_dim3A_657, %select_n3A_414 : vector<16xi32>
      %lt3A_663 = arith.cmpi slt, %broadcast_in_dim3A_660, %select_n3A_419 : vector<16xi32>
      %and3A_664 = arith.andi %eq3A_662, %lt3A_663 : vector<16xi1>
      %or3A_665 = arith.ori %gt3A_661, %and3A_664 : vector<16xi1>
      %jit3A_666 = arith.constant 1 : i32
      %jit3A_667 = arith.constant 0 : i32
      %broadcast_in_dim3A_668 = vector.broadcast %jit3A_666 : i32 to vector<16xi32>
      %broadcast_in_dim3A_669 = vector.broadcast %jit3A_667 : i32 to vector<16xi32>
      %select_n3A_670 = arith.select %or3A_665, %broadcast_in_dim3A_668, %broadcast_in_dim3A_669 : vector<16xi1>, vector<16xi32>
      %add3A_671 = arith.addi %add3A_654, %select_n3A_670 : vector<16xi32>
      %slice3A_672 = vector.extract_strided_slice %get3A_584 {offsets = [5], sizes = [1], strides = [1]} : vector<16xi32> to vector<1xi32>
      %squeeze3A_673 = vector.extract %slice3A_672[0] : i32 from vector<1xi32>
      %broadcast_in_dim3A_674 = vector.broadcast %squeeze3A_673 : i32 to vector<16xi32>
      %slice3A_675 = vector.extract_strided_slice %get3A_588 {offsets = [5], sizes = [1], strides = [1]} : vector<16xi32> to vector<1xi32>
      %squeeze3A_676 = vector.extract %slice3A_675[0] : i32 from vector<1xi32>
      %broadcast_in_dim3A_677 = vector.broadcast %squeeze3A_676 : i32 to vector<16xi32>
      %gt3A_678 = arith.cmpi sgt, %broadcast_in_dim3A_674, %select_n3A_414 : vector<16xi32>
      %eq3A_679 = arith.cmpi eq, %broadcast_in_dim3A_674, %select_n3A_414 : vector<16xi32>
      %lt3A_680 = arith.cmpi slt, %broadcast_in_dim3A_677, %select_n3A_419 : vector<16xi32>
      %and3A_681 = arith.andi %eq3A_679, %lt3A_680 : vector<16xi1>
      %or3A_682 = arith.ori %gt3A_678, %and3A_681 : vector<16xi1>
      %jit3A_683 = arith.constant 1 : i32
      %jit3A_684 = arith.constant 0 : i32
      %broadcast_in_dim3A_685 = vector.broadcast %jit3A_683 : i32 to vector<16xi32>
      %broadcast_in_dim3A_686 = vector.broadcast %jit3A_684 : i32 to vector<16xi32>
      %select_n3A_687 = arith.select %or3A_682, %broadcast_in_dim3A_685, %broadcast_in_dim3A_686 : vector<16xi1>, vector<16xi32>
      %add3A_688 = arith.addi %add3A_671, %select_n3A_687 : vector<16xi32>
      %slice3A_689 = vector.extract_strided_slice %get3A_584 {offsets = [6], sizes = [1], strides = [1]} : vector<16xi32> to vector<1xi32>
      %squeeze3A_690 = vector.extract %slice3A_689[0] : i32 from vector<1xi32>
      %broadcast_in_dim3A_691 = vector.broadcast %squeeze3A_690 : i32 to vector<16xi32>
      %slice3A_692 = vector.extract_strided_slice %get3A_588 {offsets = [6], sizes = [1], strides = [1]} : vector<16xi32> to vector<1xi32>
      %squeeze3A_693 = vector.extract %slice3A_692[0] : i32 from vector<1xi32>
      %broadcast_in_dim3A_694 = vector.broadcast %squeeze3A_693 : i32 to vector<16xi32>
      %gt3A_695 = arith.cmpi sgt, %broadcast_in_dim3A_691, %select_n3A_414 : vector<16xi32>
      %eq3A_696 = arith.cmpi eq, %broadcast_in_dim3A_691, %select_n3A_414 : vector<16xi32>
      %lt3A_697 = arith.cmpi slt, %broadcast_in_dim3A_694, %select_n3A_419 : vector<16xi32>
      %and3A_698 = arith.andi %eq3A_696, %lt3A_697 : vector<16xi1>
      %or3A_699 = arith.ori %gt3A_695, %and3A_698 : vector<16xi1>
      %jit3A_700 = arith.constant 1 : i32
      %jit3A_701 = arith.constant 0 : i32
      %broadcast_in_dim3A_702 = vector.broadcast %jit3A_700 : i32 to vector<16xi32>
      %broadcast_in_dim3A_703 = vector.broadcast %jit3A_701 : i32 to vector<16xi32>
      %select_n3A_704 = arith.select %or3A_699, %broadcast_in_dim3A_702, %broadcast_in_dim3A_703 : vector<16xi1>, vector<16xi32>
      %add3A_705 = arith.addi %add3A_688, %select_n3A_704 : vector<16xi32>
      %slice3A_706 = vector.extract_strided_slice %get3A_584 {offsets = [7], sizes = [1], strides = [1]} : vector<16xi32> to vector<1xi32>
      %squeeze3A_707 = vector.extract %slice3A_706[0] : i32 from vector<1xi32>
      %broadcast_in_dim3A_708 = vector.broadcast %squeeze3A_707 : i32 to vector<16xi32>
      %slice3A_709 = vector.extract_strided_slice %get3A_588 {offsets = [7], sizes = [1], strides = [1]} : vector<16xi32> to vector<1xi32>
      %squeeze3A_710 = vector.extract %slice3A_709[0] : i32 from vector<1xi32>
      %broadcast_in_dim3A_711 = vector.broadcast %squeeze3A_710 : i32 to vector<16xi32>
      %gt3A_712 = arith.cmpi sgt, %broadcast_in_dim3A_708, %select_n3A_414 : vector<16xi32>
      %eq3A_713 = arith.cmpi eq, %broadcast_in_dim3A_708, %select_n3A_414 : vector<16xi32>
      %lt3A_714 = arith.cmpi slt, %broadcast_in_dim3A_711, %select_n3A_419 : vector<16xi32>
      %and3A_715 = arith.andi %eq3A_713, %lt3A_714 : vector<16xi1>
      %or3A_716 = arith.ori %gt3A_712, %and3A_715 : vector<16xi1>
      %jit3A_717 = arith.constant 1 : i32
      %jit3A_718 = arith.constant 0 : i32
      %broadcast_in_dim3A_719 = vector.broadcast %jit3A_717 : i32 to vector<16xi32>
      %broadcast_in_dim3A_720 = vector.broadcast %jit3A_718 : i32 to vector<16xi32>
      %select_n3A_721 = arith.select %or3A_716, %broadcast_in_dim3A_719, %broadcast_in_dim3A_720 : vector<16xi1>, vector<16xi32>
      %add3A_722 = arith.addi %add3A_705, %select_n3A_721 : vector<16xi32>
      %slice3A_723 = vector.extract_strided_slice %get3A_584 {offsets = [8], sizes = [1], strides = [1]} : vector<16xi32> to vector<1xi32>
      %squeeze3A_724 = vector.extract %slice3A_723[0] : i32 from vector<1xi32>
      %broadcast_in_dim3A_725 = vector.broadcast %squeeze3A_724 : i32 to vector<16xi32>
      %slice3A_726 = vector.extract_strided_slice %get3A_588 {offsets = [8], sizes = [1], strides = [1]} : vector<16xi32> to vector<1xi32>
      %squeeze3A_727 = vector.extract %slice3A_726[0] : i32 from vector<1xi32>
      %broadcast_in_dim3A_728 = vector.broadcast %squeeze3A_727 : i32 to vector<16xi32>
      %gt3A_729 = arith.cmpi sgt, %broadcast_in_dim3A_725, %select_n3A_414 : vector<16xi32>
      %eq3A_730 = arith.cmpi eq, %broadcast_in_dim3A_725, %select_n3A_414 : vector<16xi32>
      %lt3A_731 = arith.cmpi slt, %broadcast_in_dim3A_728, %select_n3A_419 : vector<16xi32>
      %and3A_732 = arith.andi %eq3A_730, %lt3A_731 : vector<16xi1>
      %or3A_733 = arith.ori %gt3A_729, %and3A_732 : vector<16xi1>
      %jit3A_734 = arith.constant 1 : i32
      %jit3A_735 = arith.constant 0 : i32
      %broadcast_in_dim3A_736 = vector.broadcast %jit3A_734 : i32 to vector<16xi32>
      %broadcast_in_dim3A_737 = vector.broadcast %jit3A_735 : i32 to vector<16xi32>
      %select_n3A_738 = arith.select %or3A_733, %broadcast_in_dim3A_736, %broadcast_in_dim3A_737 : vector<16xi1>, vector<16xi32>
      %add3A_739 = arith.addi %add3A_722, %select_n3A_738 : vector<16xi32>
      %slice3A_740 = vector.extract_strided_slice %get3A_584 {offsets = [9], sizes = [1], strides = [1]} : vector<16xi32> to vector<1xi32>
      %squeeze3A_741 = vector.extract %slice3A_740[0] : i32 from vector<1xi32>
      %broadcast_in_dim3A_742 = vector.broadcast %squeeze3A_741 : i32 to vector<16xi32>
      %slice3A_743 = vector.extract_strided_slice %get3A_588 {offsets = [9], sizes = [1], strides = [1]} : vector<16xi32> to vector<1xi32>
      %squeeze3A_744 = vector.extract %slice3A_743[0] : i32 from vector<1xi32>
      %broadcast_in_dim3A_745 = vector.broadcast %squeeze3A_744 : i32 to vector<16xi32>
      %gt3A_746 = arith.cmpi sgt, %broadcast_in_dim3A_742, %select_n3A_414 : vector<16xi32>
      %eq3A_747 = arith.cmpi eq, %broadcast_in_dim3A_742, %select_n3A_414 : vector<16xi32>
      %lt3A_748 = arith.cmpi slt, %broadcast_in_dim3A_745, %select_n3A_419 : vector<16xi32>
      %and3A_749 = arith.andi %eq3A_747, %lt3A_748 : vector<16xi1>
      %or3A_750 = arith.ori %gt3A_746, %and3A_749 : vector<16xi1>
      %jit3A_751 = arith.constant 1 : i32
      %jit3A_752 = arith.constant 0 : i32
      %broadcast_in_dim3A_753 = vector.broadcast %jit3A_751 : i32 to vector<16xi32>
      %broadcast_in_dim3A_754 = vector.broadcast %jit3A_752 : i32 to vector<16xi32>
      %select_n3A_755 = arith.select %or3A_750, %broadcast_in_dim3A_753, %broadcast_in_dim3A_754 : vector<16xi1>, vector<16xi32>
      %add3A_756 = arith.addi %add3A_739, %select_n3A_755 : vector<16xi32>
      %slice3A_757 = vector.extract_strided_slice %get3A_584 {offsets = [10], sizes = [1], strides = [1]} : vector<16xi32> to vector<1xi32>
      %squeeze3A_758 = vector.extract %slice3A_757[0] : i32 from vector<1xi32>
      %broadcast_in_dim3A_759 = vector.broadcast %squeeze3A_758 : i32 to vector<16xi32>
      %slice3A_760 = vector.extract_strided_slice %get3A_588 {offsets = [10], sizes = [1], strides = [1]} : vector<16xi32> to vector<1xi32>
      %squeeze3A_761 = vector.extract %slice3A_760[0] : i32 from vector<1xi32>
      %broadcast_in_dim3A_762 = vector.broadcast %squeeze3A_761 : i32 to vector<16xi32>
      %gt3A_763 = arith.cmpi sgt, %broadcast_in_dim3A_759, %select_n3A_414 : vector<16xi32>
      %eq3A_764 = arith.cmpi eq, %broadcast_in_dim3A_759, %select_n3A_414 : vector<16xi32>
      %lt3A_765 = arith.cmpi slt, %broadcast_in_dim3A_762, %select_n3A_419 : vector<16xi32>
      %and3A_766 = arith.andi %eq3A_764, %lt3A_765 : vector<16xi1>
      %or3A_767 = arith.ori %gt3A_763, %and3A_766 : vector<16xi1>
      %jit3A_768 = arith.constant 1 : i32
      %jit3A_769 = arith.constant 0 : i32
      %broadcast_in_dim3A_770 = vector.broadcast %jit3A_768 : i32 to vector<16xi32>
      %broadcast_in_dim3A_771 = vector.broadcast %jit3A_769 : i32 to vector<16xi32>
      %select_n3A_772 = arith.select %or3A_767, %broadcast_in_dim3A_770, %broadcast_in_dim3A_771 : vector<16xi1>, vector<16xi32>
      %add3A_773 = arith.addi %add3A_756, %select_n3A_772 : vector<16xi32>
      %slice3A_774 = vector.extract_strided_slice %get3A_584 {offsets = [11], sizes = [1], strides = [1]} : vector<16xi32> to vector<1xi32>
      %squeeze3A_775 = vector.extract %slice3A_774[0] : i32 from vector<1xi32>
      %broadcast_in_dim3A_776 = vector.broadcast %squeeze3A_775 : i32 to vector<16xi32>
      %slice3A_777 = vector.extract_strided_slice %get3A_588 {offsets = [11], sizes = [1], strides = [1]} : vector<16xi32> to vector<1xi32>
      %squeeze3A_778 = vector.extract %slice3A_777[0] : i32 from vector<1xi32>
      %broadcast_in_dim3A_779 = vector.broadcast %squeeze3A_778 : i32 to vector<16xi32>
      %gt3A_780 = arith.cmpi sgt, %broadcast_in_dim3A_776, %select_n3A_414 : vector<16xi32>
      %eq3A_781 = arith.cmpi eq, %broadcast_in_dim3A_776, %select_n3A_414 : vector<16xi32>
      %lt3A_782 = arith.cmpi slt, %broadcast_in_dim3A_779, %select_n3A_419 : vector<16xi32>
      %and3A_783 = arith.andi %eq3A_781, %lt3A_782 : vector<16xi1>
      %or3A_784 = arith.ori %gt3A_780, %and3A_783 : vector<16xi1>
      %jit3A_785 = arith.constant 1 : i32
      %jit3A_786 = arith.constant 0 : i32
      %broadcast_in_dim3A_787 = vector.broadcast %jit3A_785 : i32 to vector<16xi32>
      %broadcast_in_dim3A_788 = vector.broadcast %jit3A_786 : i32 to vector<16xi32>
      %select_n3A_789 = arith.select %or3A_784, %broadcast_in_dim3A_787, %broadcast_in_dim3A_788 : vector<16xi1>, vector<16xi32>
      %add3A_790 = arith.addi %add3A_773, %select_n3A_789 : vector<16xi32>
      %slice3A_791 = vector.extract_strided_slice %get3A_584 {offsets = [12], sizes = [1], strides = [1]} : vector<16xi32> to vector<1xi32>
      %squeeze3A_792 = vector.extract %slice3A_791[0] : i32 from vector<1xi32>
      %broadcast_in_dim3A_793 = vector.broadcast %squeeze3A_792 : i32 to vector<16xi32>
      %slice3A_794 = vector.extract_strided_slice %get3A_588 {offsets = [12], sizes = [1], strides = [1]} : vector<16xi32> to vector<1xi32>
      %squeeze3A_795 = vector.extract %slice3A_794[0] : i32 from vector<1xi32>
      %broadcast_in_dim3A_796 = vector.broadcast %squeeze3A_795 : i32 to vector<16xi32>
      %gt3A_797 = arith.cmpi sgt, %broadcast_in_dim3A_793, %select_n3A_414 : vector<16xi32>
      %eq3A_798 = arith.cmpi eq, %broadcast_in_dim3A_793, %select_n3A_414 : vector<16xi32>
      %lt3A_799 = arith.cmpi slt, %broadcast_in_dim3A_796, %select_n3A_419 : vector<16xi32>
      %and3A_800 = arith.andi %eq3A_798, %lt3A_799 : vector<16xi1>
      %or3A_801 = arith.ori %gt3A_797, %and3A_800 : vector<16xi1>
      %jit3A_802 = arith.constant 1 : i32
      %jit3A_803 = arith.constant 0 : i32
      %broadcast_in_dim3A_804 = vector.broadcast %jit3A_802 : i32 to vector<16xi32>
      %broadcast_in_dim3A_805 = vector.broadcast %jit3A_803 : i32 to vector<16xi32>
      %select_n3A_806 = arith.select %or3A_801, %broadcast_in_dim3A_804, %broadcast_in_dim3A_805 : vector<16xi1>, vector<16xi32>
      %add3A_807 = arith.addi %add3A_790, %select_n3A_806 : vector<16xi32>
      %slice3A_808 = vector.extract_strided_slice %get3A_584 {offsets = [13], sizes = [1], strides = [1]} : vector<16xi32> to vector<1xi32>
      %squeeze3A_809 = vector.extract %slice3A_808[0] : i32 from vector<1xi32>
      %broadcast_in_dim3A_810 = vector.broadcast %squeeze3A_809 : i32 to vector<16xi32>
      %slice3A_811 = vector.extract_strided_slice %get3A_588 {offsets = [13], sizes = [1], strides = [1]} : vector<16xi32> to vector<1xi32>
      %squeeze3A_812 = vector.extract %slice3A_811[0] : i32 from vector<1xi32>
      %broadcast_in_dim3A_813 = vector.broadcast %squeeze3A_812 : i32 to vector<16xi32>
      %gt3A_814 = arith.cmpi sgt, %broadcast_in_dim3A_810, %select_n3A_414 : vector<16xi32>
      %eq3A_815 = arith.cmpi eq, %broadcast_in_dim3A_810, %select_n3A_414 : vector<16xi32>
      %lt3A_816 = arith.cmpi slt, %broadcast_in_dim3A_813, %select_n3A_419 : vector<16xi32>
      %and3A_817 = arith.andi %eq3A_815, %lt3A_816 : vector<16xi1>
      %or3A_818 = arith.ori %gt3A_814, %and3A_817 : vector<16xi1>
      %jit3A_819 = arith.constant 1 : i32
      %jit3A_820 = arith.constant 0 : i32
      %broadcast_in_dim3A_821 = vector.broadcast %jit3A_819 : i32 to vector<16xi32>
      %broadcast_in_dim3A_822 = vector.broadcast %jit3A_820 : i32 to vector<16xi32>
      %select_n3A_823 = arith.select %or3A_818, %broadcast_in_dim3A_821, %broadcast_in_dim3A_822 : vector<16xi1>, vector<16xi32>
      %add3A_824 = arith.addi %add3A_807, %select_n3A_823 : vector<16xi32>
      %slice3A_825 = vector.extract_strided_slice %get3A_584 {offsets = [14], sizes = [1], strides = [1]} : vector<16xi32> to vector<1xi32>
      %squeeze3A_826 = vector.extract %slice3A_825[0] : i32 from vector<1xi32>
      %broadcast_in_dim3A_827 = vector.broadcast %squeeze3A_826 : i32 to vector<16xi32>
      %slice3A_828 = vector.extract_strided_slice %get3A_588 {offsets = [14], sizes = [1], strides = [1]} : vector<16xi32> to vector<1xi32>
      %squeeze3A_829 = vector.extract %slice3A_828[0] : i32 from vector<1xi32>
      %broadcast_in_dim3A_830 = vector.broadcast %squeeze3A_829 : i32 to vector<16xi32>
      %gt3A_831 = arith.cmpi sgt, %broadcast_in_dim3A_827, %select_n3A_414 : vector<16xi32>
      %eq3A_832 = arith.cmpi eq, %broadcast_in_dim3A_827, %select_n3A_414 : vector<16xi32>
      %lt3A_833 = arith.cmpi slt, %broadcast_in_dim3A_830, %select_n3A_419 : vector<16xi32>
      %and3A_834 = arith.andi %eq3A_832, %lt3A_833 : vector<16xi1>
      %or3A_835 = arith.ori %gt3A_831, %and3A_834 : vector<16xi1>
      %jit3A_836 = arith.constant 1 : i32
      %jit3A_837 = arith.constant 0 : i32
      %broadcast_in_dim3A_838 = vector.broadcast %jit3A_836 : i32 to vector<16xi32>
      %broadcast_in_dim3A_839 = vector.broadcast %jit3A_837 : i32 to vector<16xi32>
      %select_n3A_840 = arith.select %or3A_835, %broadcast_in_dim3A_838, %broadcast_in_dim3A_839 : vector<16xi1>, vector<16xi32>
      %add3A_841 = arith.addi %add3A_824, %select_n3A_840 : vector<16xi32>
      %slice3A_842 = vector.extract_strided_slice %get3A_584 {offsets = [15], sizes = [1], strides = [1]} : vector<16xi32> to vector<1xi32>
      %squeeze3A_843 = vector.extract %slice3A_842[0] : i32 from vector<1xi32>
      %broadcast_in_dim3A_844 = vector.broadcast %squeeze3A_843 : i32 to vector<16xi32>
      %slice3A_845 = vector.extract_strided_slice %get3A_588 {offsets = [15], sizes = [1], strides = [1]} : vector<16xi32> to vector<1xi32>
      %squeeze3A_846 = vector.extract %slice3A_845[0] : i32 from vector<1xi32>
      %broadcast_in_dim3A_847 = vector.broadcast %squeeze3A_846 : i32 to vector<16xi32>
      %gt3A_848 = arith.cmpi sgt, %broadcast_in_dim3A_844, %select_n3A_414 : vector<16xi32>
      %eq3A_849 = arith.cmpi eq, %broadcast_in_dim3A_844, %select_n3A_414 : vector<16xi32>
      %lt3A_850 = arith.cmpi slt, %broadcast_in_dim3A_847, %select_n3A_419 : vector<16xi32>
      %and3A_851 = arith.andi %eq3A_849, %lt3A_850 : vector<16xi1>
      %or3A_852 = arith.ori %gt3A_848, %and3A_851 : vector<16xi1>
      %jit3A_853 = arith.constant 1 : i32
      %jit3A_854 = arith.constant 0 : i32
      %broadcast_in_dim3A_855 = vector.broadcast %jit3A_853 : i32 to vector<16xi32>
      %broadcast_in_dim3A_856 = vector.broadcast %jit3A_854 : i32 to vector<16xi32>
      %select_n3A_857 = arith.select %or3A_852, %broadcast_in_dim3A_855, %broadcast_in_dim3A_856 : vector<16xi1>, vector<16xi32>
      %add3A_858 = arith.addi %add3A_841, %select_n3A_857 : vector<16xi32>
      scf.yield %add3A_858 : vector<16xi32>
    }
    %while3A_453 = arith.constant 1 : i32
    %while3A_454 = scf.for %while3A_579 = %while3A_450 to %while3A_446 step %while3A_453 iter_args(%while3A_580 = %while3A_452) -> (vector<16xi32>)  : i32 {
      %mul3A_581 = arith.constant 16 : i32
      %mul3A_582 = arith.muli %while3A_579, %mul3A_581 : i32
      %get3A_583 = arith.index_cast %mul3A_582 : i32 to index
      %get3A_584 = tpu.vector_load %arg13[%get3A_583] {strides = array<i32>} : memref<1024xi32, #tpu.memory_space<vmem>>, vector<16xi32>,
      %mul3A_585 = arith.constant 16 : i32
      %mul3A_586 = arith.muli %while3A_579, %mul3A_585 : i32
      %get3A_587 = arith.index_cast %mul3A_586 : i32 to index
      %get3A_588 = tpu.vector_load %arg14[%get3A_587] {strides = array<i32>} : memref<1024xi32, #tpu.memory_space<vmem>>, vector<16xi32>,
      %slice3A = vector.extract_strided_slice %get3A_584 {offsets = [0], sizes = [1], strides = [1]} : vector<16xi32> to vector<1xi32>
      %squeeze3A = vector.extract %slice3A[0] : i32 from vector<1xi32>
      %broadcast_in_dim3A_589 = vector.broadcast %squeeze3A : i32 to vector<16xi32>
      %slice3A_590 = vector.extract_strided_slice %get3A_588 {offsets = [0], sizes = [1], strides = [1]} : vector<16xi32> to vector<1xi32>
      %squeeze3A_591 = vector.extract %slice3A_590[0] : i32 from vector<1xi32>
      %broadcast_in_dim3A_592 = vector.broadcast %squeeze3A_591 : i32 to vector<16xi32>
      %gt3A_593 = arith.cmpi sgt, %broadcast_in_dim3A_589, %select_n3A_414 : vector<16xi32>
      %eq3A_594 = arith.cmpi eq, %broadcast_in_dim3A_589, %select_n3A_414 : vector<16xi32>
      %lt3A_595 = arith.cmpi slt, %broadcast_in_dim3A_592, %select_n3A_419 : vector<16xi32>
      %and3A_596 = arith.andi %eq3A_594, %lt3A_595 : vector<16xi1>
      %or3A_597 = arith.ori %gt3A_593, %and3A_596 : vector<16xi1>
      %jit3A_598 = arith.constant 1 : i32
      %jit3A_599 = arith.constant 0 : i32
      %broadcast_in_dim3A_600 = vector.broadcast %jit3A_598 : i32 to vector<16xi32>
      %broadcast_in_dim3A_601 = vector.broadcast %jit3A_599 : i32 to vector<16xi32>
      %select_n3A_602 = arith.select %or3A_597, %broadcast_in_dim3A_600, %broadcast_in_dim3A_601 : vector<16xi1>, vector<16xi32>
      %add3A_603 = arith.addi %while3A_580, %select_n3A_602 : vector<16xi32>
      %slice3A_604 = vector.extract_strided_slice %get3A_584 {offsets = [1], sizes = [1], strides = [1]} : vector<16xi32> to vector<1xi32>
      %squeeze3A_605 = vector.extract %slice3A_604[0] : i32 from vector<1xi32>
      %broadcast_in_dim3A_606 = vector.broadcast %squeeze3A_605 : i32 to vector<16xi32>
      %slice3A_607 = vector.extract_strided_slice %get3A_588 {offsets = [1], sizes = [1], strides = [1]} : vector<16xi32> to vector<1xi32>
      %squeeze3A_608 = vector.extract %slice3A_607[0] : i32 from vector<1xi32>
      %broadcast_in_dim3A_609 = vector.broadcast %squeeze3A_608 : i32 to vector<16xi32>
      %gt3A_610 = arith.cmpi sgt, %broadcast_in_dim3A_606, %select_n3A_414 : vector<16xi32>
      %eq3A_611 = arith.cmpi eq, %broadcast_in_dim3A_606, %select_n3A_414 : vector<16xi32>
      %lt3A_612 = arith.cmpi slt, %broadcast_in_dim3A_609, %select_n3A_419 : vector<16xi32>
      %and3A_613 = arith.andi %eq3A_611, %lt3A_612 : vector<16xi1>
      %or3A_614 = arith.ori %gt3A_610, %and3A_613 : vector<16xi1>
      %jit3A_615 = arith.constant 1 : i32
      %jit3A_616 = arith.constant 0 : i32
      %broadcast_in_dim3A_617 = vector.broadcast %jit3A_615 : i32 to vector<16xi32>
      %broadcast_in_dim3A_618 = vector.broadcast %jit3A_616 : i32 to vector<16xi32>
      %select_n3A_619 = arith.select %or3A_614, %broadcast_in_dim3A_617, %broadcast_in_dim3A_618 : vector<16xi1>, vector<16xi32>
      %add3A_620 = arith.addi %add3A_603, %select_n3A_619 : vector<16xi32>
      %slice3A_621 = vector.extract_strided_slice %get3A_584 {offsets = [2], sizes = [1], strides = [1]} : vector<16xi32> to vector<1xi32>
      %squeeze3A_622 = vector.extract %slice3A_621[0] : i32 from vector<1xi32>
      %broadcast_in_dim3A_623 = vector.broadcast %squeeze3A_622 : i32 to vector<16xi32>
      %slice3A_624 = vector.extract_strided_slice %get3A_588 {offsets = [2], sizes = [1], strides = [1]} : vector<16xi32> to vector<1xi32>
      %squeeze3A_625 = vector.extract %slice3A_624[0] : i32 from vector<1xi32>
      %broadcast_in_dim3A_626 = vector.broadcast %squeeze3A_625 : i32 to vector<16xi32>
      %gt3A_627 = arith.cmpi sgt, %broadcast_in_dim3A_623, %select_n3A_414 : vector<16xi32>
      %eq3A_628 = arith.cmpi eq, %broadcast_in_dim3A_623, %select_n3A_414 : vector<16xi32>
      %lt3A_629 = arith.cmpi slt, %broadcast_in_dim3A_626, %select_n3A_419 : vector<16xi32>
      %and3A_630 = arith.andi %eq3A_628, %lt3A_629 : vector<16xi1>
      %or3A_631 = arith.ori %gt3A_627, %and3A_630 : vector<16xi1>
      %jit3A_632 = arith.constant 1 : i32
      %jit3A_633 = arith.constant 0 : i32
      %broadcast_in_dim3A_634 = vector.broadcast %jit3A_632 : i32 to vector<16xi32>
      %broadcast_in_dim3A_635 = vector.broadcast %jit3A_633 : i32 to vector<16xi32>
      %select_n3A_636 = arith.select %or3A_631, %broadcast_in_dim3A_634, %broadcast_in_dim3A_635 : vector<16xi1>, vector<16xi32>
      %add3A_637 = arith.addi %add3A_620, %select_n3A_636 : vector<16xi32>
      %slice3A_638 = vector.extract_strided_slice %get3A_584 {offsets = [3], sizes = [1], strides = [1]} : vector<16xi32> to vector<1xi32>
      %squeeze3A_639 = vector.extract %slice3A_638[0] : i32 from vector<1xi32>
      %broadcast_in_dim3A_640 = vector.broadcast %squeeze3A_639 : i32 to vector<16xi32>
      %slice3A_641 = vector.extract_strided_slice %get3A_588 {offsets = [3], sizes = [1], strides = [1]} : vector<16xi32> to vector<1xi32>
      %squeeze3A_642 = vector.extract %slice3A_641[0] : i32 from vector<1xi32>
      %broadcast_in_dim3A_643 = vector.broadcast %squeeze3A_642 : i32 to vector<16xi32>
      %gt3A_644 = arith.cmpi sgt, %broadcast_in_dim3A_640, %select_n3A_414 : vector<16xi32>
      %eq3A_645 = arith.cmpi eq, %broadcast_in_dim3A_640, %select_n3A_414 : vector<16xi32>
      %lt3A_646 = arith.cmpi slt, %broadcast_in_dim3A_643, %select_n3A_419 : vector<16xi32>
      %and3A_647 = arith.andi %eq3A_645, %lt3A_646 : vector<16xi1>
      %or3A_648 = arith.ori %gt3A_644, %and3A_647 : vector<16xi1>
      %jit3A_649 = arith.constant 1 : i32
      %jit3A_650 = arith.constant 0 : i32
      %broadcast_in_dim3A_651 = vector.broadcast %jit3A_649 : i32 to vector<16xi32>
      %broadcast_in_dim3A_652 = vector.broadcast %jit3A_650 : i32 to vector<16xi32>
      %select_n3A_653 = arith.select %or3A_648, %broadcast_in_dim3A_651, %broadcast_in_dim3A_652 : vector<16xi1>, vector<16xi32>
      %add3A_654 = arith.addi %add3A_637, %select_n3A_653 : vector<16xi32>
      %slice3A_655 = vector.extract_strided_slice %get3A_584 {offsets = [4], sizes = [1], strides = [1]} : vector<16xi32> to vector<1xi32>
      %squeeze3A_656 = vector.extract %slice3A_655[0] : i32 from vector<1xi32>
      %broadcast_in_dim3A_657 = vector.broadcast %squeeze3A_656 : i32 to vector<16xi32>
      %slice3A_658 = vector.extract_strided_slice %get3A_588 {offsets = [4], sizes = [1], strides = [1]} : vector<16xi32> to vector<1xi32>
      %squeeze3A_659 = vector.extract %slice3A_658[0] : i32 from vector<1xi32>
      %broadcast_in_dim3A_660 = vector.broadcast %squeeze3A_659 : i32 to vector<16xi32>
      %gt3A_661 = arith.cmpi sgt, %broadcast_in_dim3A_657, %select_n3A_414 : vector<16xi32>
      %eq3A_662 = arith.cmpi eq, %broadcast_in_dim3A_657, %select_n3A_414 : vector<16xi32>
      %lt3A_663 = arith.cmpi slt, %broadcast_in_dim3A_660, %select_n3A_419 : vector<16xi32>
      %and3A_664 = arith.andi %eq3A_662, %lt3A_663 : vector<16xi1>
      %or3A_665 = arith.ori %gt3A_661, %and3A_664 : vector<16xi1>
      %jit3A_666 = arith.constant 1 : i32
      %jit3A_667 = arith.constant 0 : i32
      %broadcast_in_dim3A_668 = vector.broadcast %jit3A_666 : i32 to vector<16xi32>
      %broadcast_in_dim3A_669 = vector.broadcast %jit3A_667 : i32 to vector<16xi32>
      %select_n3A_670 = arith.select %or3A_665, %broadcast_in_dim3A_668, %broadcast_in_dim3A_669 : vector<16xi1>, vector<16xi32>
      %add3A_671 = arith.addi %add3A_654, %select_n3A_670 : vector<16xi32>
      %slice3A_672 = vector.extract_strided_slice %get3A_584 {offsets = [5], sizes = [1], strides = [1]} : vector<16xi32> to vector<1xi32>
      %squeeze3A_673 = vector.extract %slice3A_672[0] : i32 from vector<1xi32>
      %broadcast_in_dim3A_674 = vector.broadcast %squeeze3A_673 : i32 to vector<16xi32>
      %slice3A_675 = vector.extract_strided_slice %get3A_588 {offsets = [5], sizes = [1], strides = [1]} : vector<16xi32> to vector<1xi32>
      %squeeze3A_676 = vector.extract %slice3A_675[0] : i32 from vector<1xi32>
      %broadcast_in_dim3A_677 = vector.broadcast %squeeze3A_676 : i32 to vector<16xi32>
      %gt3A_678 = arith.cmpi sgt, %broadcast_in_dim3A_674, %select_n3A_414 : vector<16xi32>
      %eq3A_679 = arith.cmpi eq, %broadcast_in_dim3A_674, %select_n3A_414 : vector<16xi32>
      %lt3A_680 = arith.cmpi slt, %broadcast_in_dim3A_677, %select_n3A_419 : vector<16xi32>
      %and3A_681 = arith.andi %eq3A_679, %lt3A_680 : vector<16xi1>
      %or3A_682 = arith.ori %gt3A_678, %and3A_681 : vector<16xi1>
      %jit3A_683 = arith.constant 1 : i32
      %jit3A_684 = arith.constant 0 : i32
      %broadcast_in_dim3A_685 = vector.broadcast %jit3A_683 : i32 to vector<16xi32>
      %broadcast_in_dim3A_686 = vector.broadcast %jit3A_684 : i32 to vector<16xi32>
      %select_n3A_687 = arith.select %or3A_682, %broadcast_in_dim3A_685, %broadcast_in_dim3A_686 : vector<16xi1>, vector<16xi32>
      %add3A_688 = arith.addi %add3A_671, %select_n3A_687 : vector<16xi32>
      %slice3A_689 = vector.extract_strided_slice %get3A_584 {offsets = [6], sizes = [1], strides = [1]} : vector<16xi32> to vector<1xi32>
      %squeeze3A_690 = vector.extract %slice3A_689[0] : i32 from vector<1xi32>
      %broadcast_in_dim3A_691 = vector.broadcast %squeeze3A_690 : i32 to vector<16xi32>
      %slice3A_692 = vector.extract_strided_slice %get3A_588 {offsets = [6], sizes = [1], strides = [1]} : vector<16xi32> to vector<1xi32>
      %squeeze3A_693 = vector.extract %slice3A_692[0] : i32 from vector<1xi32>
      %broadcast_in_dim3A_694 = vector.broadcast %squeeze3A_693 : i32 to vector<16xi32>
      %gt3A_695 = arith.cmpi sgt, %broadcast_in_dim3A_691, %select_n3A_414 : vector<16xi32>
      %eq3A_696 = arith.cmpi eq, %broadcast_in_dim3A_691, %select_n3A_414 : vector<16xi32>
      %lt3A_697 = arith.cmpi slt, %broadcast_in_dim3A_694, %select_n3A_419 : vector<16xi32>
      %and3A_698 = arith.andi %eq3A_696, %lt3A_697 : vector<16xi1>
      %or3A_699 = arith.ori %gt3A_695, %and3A_698 : vector<16xi1>
      %jit3A_700 = arith.constant 1 : i32
      %jit3A_701 = arith.constant 0 : i32
      %broadcast_in_dim3A_702 = vector.broadcast %jit3A_700 : i32 to vector<16xi32>
      %broadcast_in_dim3A_703 = vector.broadcast %jit3A_701 : i32 to vector<16xi32>
      %select_n3A_704 = arith.select %or3A_699, %broadcast_in_dim3A_702, %broadcast_in_dim3A_703 : vector<16xi1>, vector<16xi32>
      %add3A_705 = arith.addi %add3A_688, %select_n3A_704 : vector<16xi32>
      %slice3A_706 = vector.extract_strided_slice %get3A_584 {offsets = [7], sizes = [1], strides = [1]} : vector<16xi32> to vector<1xi32>
      %squeeze3A_707 = vector.extract %slice3A_706[0] : i32 from vector<1xi32>
      %broadcast_in_dim3A_708 = vector.broadcast %squeeze3A_707 : i32 to vector<16xi32>
      %slice3A_709 = vector.extract_strided_slice %get3A_588 {offsets = [7], sizes = [1], strides = [1]} : vector<16xi32> to vector<1xi32>
      %squeeze3A_710 = vector.extract %slice3A_709[0] : i32 from vector<1xi32>
      %broadcast_in_dim3A_711 = vector.broadcast %squeeze3A_710 : i32 to vector<16xi32>
      %gt3A_712 = arith.cmpi sgt, %broadcast_in_dim3A_708, %select_n3A_414 : vector<16xi32>
      %eq3A_713 = arith.cmpi eq, %broadcast_in_dim3A_708, %select_n3A_414 : vector<16xi32>
      %lt3A_714 = arith.cmpi slt, %broadcast_in_dim3A_711, %select_n3A_419 : vector<16xi32>
      %and3A_715 = arith.andi %eq3A_713, %lt3A_714 : vector<16xi1>
      %or3A_716 = arith.ori %gt3A_712, %and3A_715 : vector<16xi1>
      %jit3A_717 = arith.constant 1 : i32
      %jit3A_718 = arith.constant 0 : i32
      %broadcast_in_dim3A_719 = vector.broadcast %jit3A_717 : i32 to vector<16xi32>
      %broadcast_in_dim3A_720 = vector.broadcast %jit3A_718 : i32 to vector<16xi32>
      %select_n3A_721 = arith.select %or3A_716, %broadcast_in_dim3A_719, %broadcast_in_dim3A_720 : vector<16xi1>, vector<16xi32>
      %add3A_722 = arith.addi %add3A_705, %select_n3A_721 : vector<16xi32>
      %slice3A_723 = vector.extract_strided_slice %get3A_584 {offsets = [8], sizes = [1], strides = [1]} : vector<16xi32> to vector<1xi32>
      %squeeze3A_724 = vector.extract %slice3A_723[0] : i32 from vector<1xi32>
      %broadcast_in_dim3A_725 = vector.broadcast %squeeze3A_724 : i32 to vector<16xi32>
      %slice3A_726 = vector.extract_strided_slice %get3A_588 {offsets = [8], sizes = [1], strides = [1]} : vector<16xi32> to vector<1xi32>
      %squeeze3A_727 = vector.extract %slice3A_726[0] : i32 from vector<1xi32>
      %broadcast_in_dim3A_728 = vector.broadcast %squeeze3A_727 : i32 to vector<16xi32>
      %gt3A_729 = arith.cmpi sgt, %broadcast_in_dim3A_725, %select_n3A_414 : vector<16xi32>
      %eq3A_730 = arith.cmpi eq, %broadcast_in_dim3A_725, %select_n3A_414 : vector<16xi32>
      %lt3A_731 = arith.cmpi slt, %broadcast_in_dim3A_728, %select_n3A_419 : vector<16xi32>
      %and3A_732 = arith.andi %eq3A_730, %lt3A_731 : vector<16xi1>
      %or3A_733 = arith.ori %gt3A_729, %and3A_732 : vector<16xi1>
      %jit3A_734 = arith.constant 1 : i32
      %jit3A_735 = arith.constant 0 : i32
      %broadcast_in_dim3A_736 = vector.broadcast %jit3A_734 : i32 to vector<16xi32>
      %broadcast_in_dim3A_737 = vector.broadcast %jit3A_735 : i32 to vector<16xi32>
      %select_n3A_738 = arith.select %or3A_733, %broadcast_in_dim3A_736, %broadcast_in_dim3A_737 : vector<16xi1>, vector<16xi32>
      %add3A_739 = arith.addi %add3A_722, %select_n3A_738 : vector<16xi32>
      %slice3A_740 = vector.extract_strided_slice %get3A_584 {offsets = [9], sizes = [1], strides = [1]} : vector<16xi32> to vector<1xi32>
      %squeeze3A_741 = vector.extract %slice3A_740[0] : i32 from vector<1xi32>
      %broadcast_in_dim3A_742 = vector.broadcast %squeeze3A_741 : i32 to vector<16xi32>
      %slice3A_743 = vector.extract_strided_slice %get3A_588 {offsets = [9], sizes = [1], strides = [1]} : vector<16xi32> to vector<1xi32>
      %squeeze3A_744 = vector.extract %slice3A_743[0] : i32 from vector<1xi32>
      %broadcast_in_dim3A_745 = vector.broadcast %squeeze3A_744 : i32 to vector<16xi32>
      %gt3A_746 = arith.cmpi sgt, %broadcast_in_dim3A_742, %select_n3A_414 : vector<16xi32>
      %eq3A_747 = arith.cmpi eq, %broadcast_in_dim3A_742, %select_n3A_414 : vector<16xi32>
      %lt3A_748 = arith.cmpi slt, %broadcast_in_dim3A_745, %select_n3A_419 : vector<16xi32>
      %and3A_749 = arith.andi %eq3A_747, %lt3A_748 : vector<16xi1>
      %or3A_750 = arith.ori %gt3A_746, %and3A_749 : vector<16xi1>
      %jit3A_751 = arith.constant 1 : i32
      %jit3A_752 = arith.constant 0 : i32
      %broadcast_in_dim3A_753 = vector.broadcast %jit3A_751 : i32 to vector<16xi32>
      %broadcast_in_dim3A_754 = vector.broadcast %jit3A_752 : i32 to vector<16xi32>
      %select_n3A_755 = arith.select %or3A_750, %broadcast_in_dim3A_753, %broadcast_in_dim3A_754 : vector<16xi1>, vector<16xi32>
      %add3A_756 = arith.addi %add3A_739, %select_n3A_755 : vector<16xi32>
      %slice3A_757 = vector.extract_strided_slice %get3A_584 {offsets = [10], sizes = [1], strides = [1]} : vector<16xi32> to vector<1xi32>
      %squeeze3A_758 = vector.extract %slice3A_757[0] : i32 from vector<1xi32>
      %broadcast_in_dim3A_759 = vector.broadcast %squeeze3A_758 : i32 to vector<16xi32>
      %slice3A_760 = vector.extract_strided_slice %get3A_588 {offsets = [10], sizes = [1], strides = [1]} : vector<16xi32> to vector<1xi32>
      %squeeze3A_761 = vector.extract %slice3A_760[0] : i32 from vector<1xi32>
      %broadcast_in_dim3A_762 = vector.broadcast %squeeze3A_761 : i32 to vector<16xi32>
      %gt3A_763 = arith.cmpi sgt, %broadcast_in_dim3A_759, %select_n3A_414 : vector<16xi32>
      %eq3A_764 = arith.cmpi eq, %broadcast_in_dim3A_759, %select_n3A_414 : vector<16xi32>
      %lt3A_765 = arith.cmpi slt, %broadcast_in_dim3A_762, %select_n3A_419 : vector<16xi32>
      %and3A_766 = arith.andi %eq3A_764, %lt3A_765 : vector<16xi1>
      %or3A_767 = arith.ori %gt3A_763, %and3A_766 : vector<16xi1>
      %jit3A_768 = arith.constant 1 : i32
      %jit3A_769 = arith.constant 0 : i32
      %broadcast_in_dim3A_770 = vector.broadcast %jit3A_768 : i32 to vector<16xi32>
      %broadcast_in_dim3A_771 = vector.broadcast %jit3A_769 : i32 to vector<16xi32>
      %select_n3A_772 = arith.select %or3A_767, %broadcast_in_dim3A_770, %broadcast_in_dim3A_771 : vector<16xi1>, vector<16xi32>
      %add3A_773 = arith.addi %add3A_756, %select_n3A_772 : vector<16xi32>
      %slice3A_774 = vector.extract_strided_slice %get3A_584 {offsets = [11], sizes = [1], strides = [1]} : vector<16xi32> to vector<1xi32>
      %squeeze3A_775 = vector.extract %slice3A_774[0] : i32 from vector<1xi32>
      %broadcast_in_dim3A_776 = vector.broadcast %squeeze3A_775 : i32 to vector<16xi32>
      %slice3A_777 = vector.extract_strided_slice %get3A_588 {offsets = [11], sizes = [1], strides = [1]} : vector<16xi32> to vector<1xi32>
      %squeeze3A_778 = vector.extract %slice3A_777[0] : i32 from vector<1xi32>
      %broadcast_in_dim3A_779 = vector.broadcast %squeeze3A_778 : i32 to vector<16xi32>
      %gt3A_780 = arith.cmpi sgt, %broadcast_in_dim3A_776, %select_n3A_414 : vector<16xi32>
      %eq3A_781 = arith.cmpi eq, %broadcast_in_dim3A_776, %select_n3A_414 : vector<16xi32>
      %lt3A_782 = arith.cmpi slt, %broadcast_in_dim3A_779, %select_n3A_419 : vector<16xi32>
      %and3A_783 = arith.andi %eq3A_781, %lt3A_782 : vector<16xi1>
      %or3A_784 = arith.ori %gt3A_780, %and3A_783 : vector<16xi1>
      %jit3A_785 = arith.constant 1 : i32
      %jit3A_786 = arith.constant 0 : i32
      %broadcast_in_dim3A_787 = vector.broadcast %jit3A_785 : i32 to vector<16xi32>
      %broadcast_in_dim3A_788 = vector.broadcast %jit3A_786 : i32 to vector<16xi32>
      %select_n3A_789 = arith.select %or3A_784, %broadcast_in_dim3A_787, %broadcast_in_dim3A_788 : vector<16xi1>, vector<16xi32>
      %add3A_790 = arith.addi %add3A_773, %select_n3A_789 : vector<16xi32>
      %slice3A_791 = vector.extract_strided_slice %get3A_584 {offsets = [12], sizes = [1], strides = [1]} : vector<16xi32> to vector<1xi32>
      %squeeze3A_792 = vector.extract %slice3A_791[0] : i32 from vector<1xi32>
      %broadcast_in_dim3A_793 = vector.broadcast %squeeze3A_792 : i32 to vector<16xi32>
      %slice3A_794 = vector.extract_strided_slice %get3A_588 {offsets = [12], sizes = [1], strides = [1]} : vector<16xi32> to vector<1xi32>
      %squeeze3A_795 = vector.extract %slice3A_794[0] : i32 from vector<1xi32>
      %broadcast_in_dim3A_796 = vector.broadcast %squeeze3A_795 : i32 to vector<16xi32>
      %gt3A_797 = arith.cmpi sgt, %broadcast_in_dim3A_793, %select_n3A_414 : vector<16xi32>
      %eq3A_798 = arith.cmpi eq, %broadcast_in_dim3A_793, %select_n3A_414 : vector<16xi32>
      %lt3A_799 = arith.cmpi slt, %broadcast_in_dim3A_796, %select_n3A_419 : vector<16xi32>
      %and3A_800 = arith.andi %eq3A_798, %lt3A_799 : vector<16xi1>
      %or3A_801 = arith.ori %gt3A_797, %and3A_800 : vector<16xi1>
      %jit3A_802 = arith.constant 1 : i32
      %jit3A_803 = arith.constant 0 : i32
      %broadcast_in_dim3A_804 = vector.broadcast %jit3A_802 : i32 to vector<16xi32>
      %broadcast_in_dim3A_805 = vector.broadcast %jit3A_803 : i32 to vector<16xi32>
      %select_n3A_806 = arith.select %or3A_801, %broadcast_in_dim3A_804, %broadcast_in_dim3A_805 : vector<16xi1>, vector<16xi32>
      %add3A_807 = arith.addi %add3A_790, %select_n3A_806 : vector<16xi32>
      %slice3A_808 = vector.extract_strided_slice %get3A_584 {offsets = [13], sizes = [1], strides = [1]} : vector<16xi32> to vector<1xi32>
      %squeeze3A_809 = vector.extract %slice3A_808[0] : i32 from vector<1xi32>
      %broadcast_in_dim3A_810 = vector.broadcast %squeeze3A_809 : i32 to vector<16xi32>
      %slice3A_811 = vector.extract_strided_slice %get3A_588 {offsets = [13], sizes = [1], strides = [1]} : vector<16xi32> to vector<1xi32>
      %squeeze3A_812 = vector.extract %slice3A_811[0] : i32 from vector<1xi32>
      %broadcast_in_dim3A_813 = vector.broadcast %squeeze3A_812 : i32 to vector<16xi32>
      %gt3A_814 = arith.cmpi sgt, %broadcast_in_dim3A_810, %select_n3A_414 : vector<16xi32>
      %eq3A_815 = arith.cmpi eq, %broadcast_in_dim3A_810, %select_n3A_414 : vector<16xi32>
      %lt3A_816 = arith.cmpi slt, %broadcast_in_dim3A_813, %select_n3A_419 : vector<16xi32>
      %and3A_817 = arith.andi %eq3A_815, %lt3A_816 : vector<16xi1>
      %or3A_818 = arith.ori %gt3A_814, %and3A_817 : vector<16xi1>
      %jit3A_819 = arith.constant 1 : i32
      %jit3A_820 = arith.constant 0 : i32
      %broadcast_in_dim3A_821 = vector.broadcast %jit3A_819 : i32 to vector<16xi32>
      %broadcast_in_dim3A_822 = vector.broadcast %jit3A_820 : i32 to vector<16xi32>
      %select_n3A_823 = arith.select %or3A_818, %broadcast_in_dim3A_821, %broadcast_in_dim3A_822 : vector<16xi1>, vector<16xi32>
      %add3A_824 = arith.addi %add3A_807, %select_n3A_823 : vector<16xi32>
      %slice3A_825 = vector.extract_strided_slice %get3A_584 {offsets = [14], sizes = [1], strides = [1]} : vector<16xi32> to vector<1xi32>
      %squeeze3A_826 = vector.extract %slice3A_825[0] : i32 from vector<1xi32>
      %broadcast_in_dim3A_827 = vector.broadcast %squeeze3A_826 : i32 to vector<16xi32>
      %slice3A_828 = vector.extract_strided_slice %get3A_588 {offsets = [14], sizes = [1], strides = [1]} : vector<16xi32> to vector<1xi32>
      %squeeze3A_829 = vector.extract %slice3A_828[0] : i32 from vector<1xi32>
      %broadcast_in_dim3A_830 = vector.broadcast %squeeze3A_829 : i32 to vector<16xi32>
      %gt3A_831 = arith.cmpi sgt, %broadcast_in_dim3A_827, %select_n3A_414 : vector<16xi32>
      %eq3A_832 = arith.cmpi eq, %broadcast_in_dim3A_827, %select_n3A_414 : vector<16xi32>
      %lt3A_833 = arith.cmpi slt, %broadcast_in_dim3A_830, %select_n3A_419 : vector<16xi32>
      %and3A_834 = arith.andi %eq3A_832, %lt3A_833 : vector<16xi1>
      %or3A_835 = arith.ori %gt3A_831, %and3A_834 : vector<16xi1>
      %jit3A_836 = arith.constant 1 : i32
      %jit3A_837 = arith.constant 0 : i32
      %broadcast_in_dim3A_838 = vector.broadcast %jit3A_836 : i32 to vector<16xi32>
      %broadcast_in_dim3A_839 = vector.broadcast %jit3A_837 : i32 to vector<16xi32>
      %select_n3A_840 = arith.select %or3A_835, %broadcast_in_dim3A_838, %broadcast_in_dim3A_839 : vector<16xi1>, vector<16xi32>
      %add3A_841 = arith.addi %add3A_824, %select_n3A_840 : vector<16xi32>
      %slice3A_842 = vector.extract_strided_slice %get3A_584 {offsets = [15], sizes = [1], strides = [1]} : vector<16xi32> to vector<1xi32>
      %squeeze3A_843 = vector.extract %slice3A_842[0] : i32 from vector<1xi32>
      %broadcast_in_dim3A_844 = vector.broadcast %squeeze3A_843 : i32 to vector<16xi32>
      %slice3A_845 = vector.extract_strided_slice %get3A_588 {offsets = [15], sizes = [1], strides = [1]} : vector<16xi32> to vector<1xi32>
      %squeeze3A_846 = vector.extract %slice3A_845[0] : i32 from vector<1xi32>
      %broadcast_in_dim3A_847 = vector.broadcast %squeeze3A_846 : i32 to vector<16xi32>
      %gt3A_848 = arith.cmpi sgt, %broadcast_in_dim3A_844, %select_n3A_414 : vector<16xi32>
      %eq3A_849 = arith.cmpi eq, %broadcast_in_dim3A_844, %select_n3A_414 : vector<16xi32>
      %lt3A_850 = arith.cmpi slt, %broadcast_in_dim3A_847, %select_n3A_419 : vector<16xi32>
      %and3A_851 = arith.andi %eq3A_849, %lt3A_850 : vector<16xi1>
      %or3A_852 = arith.ori %gt3A_848, %and3A_851 : vector<16xi1>
      %jit3A_853 = arith.constant 1 : i32
      %jit3A_854 = arith.constant 0 : i32
      %broadcast_in_dim3A_855 = vector.broadcast %jit3A_853 : i32 to vector<16xi32>
      %broadcast_in_dim3A_856 = vector.broadcast %jit3A_854 : i32 to vector<16xi32>
      %select_n3A_857 = arith.select %or3A_852, %broadcast_in_dim3A_855, %broadcast_in_dim3A_856 : vector<16xi1>, vector<16xi32>
      %add3A_858 = arith.addi %add3A_841, %select_n3A_857 : vector<16xi32>
      scf.yield %add3A_858 : vector<16xi32>
    }
    %lt3A_455 = arith.constant 300 : i32
    %lt3A_456 = vector.broadcast %lt3A_455 : i32 to vector<16xi32>
    %lt3A_457 = arith.cmpi slt, %while3A_454, %lt3A_456 : vector<16xi32>
    %and3A_458 = arith.andi %lt3A_457, %lt3A_409 : vector<16xi1>
    tpu.vector_store_idx %arg15[%while3A_454], %select_n3A_414 masked %and3A_458 : memref<320xi32, #tpu.memory_space<vmem>>[vector<16xi32>], vector<16xi32>, vector<16xi1>
    tpu.vector_store_idx %arg16[%while3A_454], %select_n3A_419 masked %and3A_458 : memref<320xi32, #tpu.memory_space<vmem>>[vector<16xi32>], vector<16xi32>, vector<16xi1>
    %mul3A_459 = arith.constant 16 : i32
    %mul3A_460 = arith.muli %arg1, %mul3A_459 : i32
    %add3A_461 = arith.constant 512 : i32
    %add3A_462 = arith.addi %mul3A_460, %add3A_461 : i32
    %multiple_of3A_463 = tpu.assume_multiple %add3A_462, 16 : i32
    %broadcast_in_dim3A_464 = vector.broadcast %multiple_of3A_463 : i32 to vector<16xi32>
    %add3A_465 = arith.addi %broadcast_in_dim3A_464, %iota3A : vector<16xi32>
    %lt3A_466 = arith.cmpi slt, %add3A_465, %broadcast_in_dim3A_345 : vector<16xi32>
    %get3A_467 = arith.index_cast %multiple_of3A_463 : i32 to index
    %get3A_468 = tpu.vector_load %arg13[%get3A_467] {strides = array<i32>} : memref<1024xi32, #tpu.memory_space<vmem>>, vector<16xi32>,
    %jit3A_469 = arith.constant 0 : i32
    %broadcast_in_dim3A_470 = vector.broadcast %jit3A_469 : i32 to vector<16xi32>
    %select_n3A_471 = arith.select %lt3A_466, %get3A_468, %broadcast_in_dim3A_470 : vector<16xi1>, vector<16xi32>
    %get3A_472 = arith.index_cast %multiple_of3A_463 : i32 to index
    %get3A_473 = tpu.vector_load %arg14[%get3A_472] {strides = array<i32>} : memref<1024xi32, #tpu.memory_space<vmem>>, vector<16xi32>,
    %jit3A_474 = arith.constant 0 : i32
    %broadcast_in_dim3A_475 = vector.broadcast %jit3A_474 : i32 to vector<16xi32>
    %select_n3A_476 = arith.select %lt3A_466, %get3A_473, %broadcast_in_dim3A_475 : vector<16xi1>, vector<16xi32>
    %jit3A_477 = arith.constant 16 : i32
    %div3A_478 = arith.divsi %min3A_338, %jit3A_477 : i32
    %sign3A_479 = arith.constant 0 : i32
    %sign3A_480 = arith.cmpi sgt, %min3A_338, %sign3A_479 : i32
    %sign3A_481 = arith.extui %sign3A_480 : i1 to i32
    %sign3A_482 = arith.constant 0 : i32
    %sign3A_483 = arith.cmpi slt, %min3A_338, %sign3A_482 : i32
    %sign3A_484 = arith.extui %sign3A_483 : i1 to i32
    %sign3A_485 = arith.subi %sign3A_481, %sign3A_484 : i32
    %sign3A_486 = arith.constant 0 : i32
    %sign3A_487 = arith.cmpi sgt, %jit3A_477, %sign3A_486 : i32
    %sign3A_488 = arith.extui %sign3A_487 : i1 to i32
    %sign3A_489 = arith.constant 0 : i32
    %sign3A_490 = arith.cmpi slt, %jit3A_477, %sign3A_489 : i32
    %sign3A_491 = arith.extui %sign3A_490 : i1 to i32
    %sign3A_492 = arith.subi %sign3A_488, %sign3A_491 : i32
    %ne3A_493 = arith.cmpi ne, %sign3A_485, %sign3A_492 : i32
    %rem3A_494 = arith.remsi %min3A_338, %jit3A_477 : i32
    %ne3A_495 = arith.constant 0 : i32
    %ne3A_496 = arith.cmpi ne, %rem3A_494, %ne3A_495 : i32
    %and3A_497 = arith.andi %ne3A_493, %ne3A_496 : i1
    %sub3A_498 = arith.constant 1 : i32
    %sub3A_499 = arith.subi %div3A_478, %sub3A_498 : i32
    %select_n3A_500 = arith.select %and3A_497, %sub3A_499, %div3A_478 : i32
    %while3A_501 = arith.constant 0 : i32
    %while3A_502 = arith.subi %select_n3A_500, %while3A_501 : i32
    %while3A_503 = arith.addi %while3A_501, %while3A_502 : i32
    %while3A_504 = arith.constant 1 : i32
    %while3A_505 = arith.divsi %while3A_502, %while3A_504 : i32
    %while3A_506 = arith.muli %while3A_505, %while3A_504 : i32
    %while3A_507 = arith.addi %while3A_501, %while3A_506 : i32
    %while3A_508 = arith.constant 1 : i32
    %while3A_509 = scf.for %while3A_579 = %while3A_501 to %while3A_507 step %while3A_508 iter_args(%while3A_580 = %broadcast_in_dim3A_3) -> (vector<16xi32>)  : i32 {
      %mul3A_581 = arith.constant 16 : i32
      %mul3A_582 = arith.muli %while3A_579, %mul3A_581 : i32
      %get3A_583 = arith.index_cast %mul3A_582 : i32 to index
      %get3A_584 = tpu.vector_load %arg13[%get3A_583] {strides = array<i32>} : memref<1024xi32, #tpu.memory_space<vmem>>, vector<16xi32>,
      %mul3A_585 = arith.constant 16 : i32
      %mul3A_586 = arith.muli %while3A_579, %mul3A_585 : i32
      %get3A_587 = arith.index_cast %mul3A_586 : i32 to index
      %get3A_588 = tpu.vector_load %arg14[%get3A_587] {strides = array<i32>} : memref<1024xi32, #tpu.memory_space<vmem>>, vector<16xi32>,
      %slice3A = vector.extract_strided_slice %get3A_584 {offsets = [0], sizes = [1], strides = [1]} : vector<16xi32> to vector<1xi32>
      %squeeze3A = vector.extract %slice3A[0] : i32 from vector<1xi32>
      %broadcast_in_dim3A_589 = vector.broadcast %squeeze3A : i32 to vector<16xi32>
      %slice3A_590 = vector.extract_strided_slice %get3A_588 {offsets = [0], sizes = [1], strides = [1]} : vector<16xi32> to vector<1xi32>
      %squeeze3A_591 = vector.extract %slice3A_590[0] : i32 from vector<1xi32>
      %broadcast_in_dim3A_592 = vector.broadcast %squeeze3A_591 : i32 to vector<16xi32>
      %gt3A_593 = arith.cmpi sgt, %broadcast_in_dim3A_589, %select_n3A_471 : vector<16xi32>
      %eq3A_594 = arith.cmpi eq, %broadcast_in_dim3A_589, %select_n3A_471 : vector<16xi32>
      %lt3A_595 = arith.cmpi slt, %broadcast_in_dim3A_592, %select_n3A_476 : vector<16xi32>
      %and3A_596 = arith.andi %eq3A_594, %lt3A_595 : vector<16xi1>
      %or3A_597 = arith.ori %gt3A_593, %and3A_596 : vector<16xi1>
      %jit3A_598 = arith.constant 1 : i32
      %jit3A_599 = arith.constant 0 : i32
      %broadcast_in_dim3A_600 = vector.broadcast %jit3A_598 : i32 to vector<16xi32>
      %broadcast_in_dim3A_601 = vector.broadcast %jit3A_599 : i32 to vector<16xi32>
      %select_n3A_602 = arith.select %or3A_597, %broadcast_in_dim3A_600, %broadcast_in_dim3A_601 : vector<16xi1>, vector<16xi32>
      %add3A_603 = arith.addi %while3A_580, %select_n3A_602 : vector<16xi32>
      %slice3A_604 = vector.extract_strided_slice %get3A_584 {offsets = [1], sizes = [1], strides = [1]} : vector<16xi32> to vector<1xi32>
      %squeeze3A_605 = vector.extract %slice3A_604[0] : i32 from vector<1xi32>
      %broadcast_in_dim3A_606 = vector.broadcast %squeeze3A_605 : i32 to vector<16xi32>
      %slice3A_607 = vector.extract_strided_slice %get3A_588 {offsets = [1], sizes = [1], strides = [1]} : vector<16xi32> to vector<1xi32>
      %squeeze3A_608 = vector.extract %slice3A_607[0] : i32 from vector<1xi32>
      %broadcast_in_dim3A_609 = vector.broadcast %squeeze3A_608 : i32 to vector<16xi32>
      %gt3A_610 = arith.cmpi sgt, %broadcast_in_dim3A_606, %select_n3A_471 : vector<16xi32>
      %eq3A_611 = arith.cmpi eq, %broadcast_in_dim3A_606, %select_n3A_471 : vector<16xi32>
      %lt3A_612 = arith.cmpi slt, %broadcast_in_dim3A_609, %select_n3A_476 : vector<16xi32>
      %and3A_613 = arith.andi %eq3A_611, %lt3A_612 : vector<16xi1>
      %or3A_614 = arith.ori %gt3A_610, %and3A_613 : vector<16xi1>
      %jit3A_615 = arith.constant 1 : i32
      %jit3A_616 = arith.constant 0 : i32
      %broadcast_in_dim3A_617 = vector.broadcast %jit3A_615 : i32 to vector<16xi32>
      %broadcast_in_dim3A_618 = vector.broadcast %jit3A_616 : i32 to vector<16xi32>
      %select_n3A_619 = arith.select %or3A_614, %broadcast_in_dim3A_617, %broadcast_in_dim3A_618 : vector<16xi1>, vector<16xi32>
      %add3A_620 = arith.addi %add3A_603, %select_n3A_619 : vector<16xi32>
      %slice3A_621 = vector.extract_strided_slice %get3A_584 {offsets = [2], sizes = [1], strides = [1]} : vector<16xi32> to vector<1xi32>
      %squeeze3A_622 = vector.extract %slice3A_621[0] : i32 from vector<1xi32>
      %broadcast_in_dim3A_623 = vector.broadcast %squeeze3A_622 : i32 to vector<16xi32>
      %slice3A_624 = vector.extract_strided_slice %get3A_588 {offsets = [2], sizes = [1], strides = [1]} : vector<16xi32> to vector<1xi32>
      %squeeze3A_625 = vector.extract %slice3A_624[0] : i32 from vector<1xi32>
      %broadcast_in_dim3A_626 = vector.broadcast %squeeze3A_625 : i32 to vector<16xi32>
      %gt3A_627 = arith.cmpi sgt, %broadcast_in_dim3A_623, %select_n3A_471 : vector<16xi32>
      %eq3A_628 = arith.cmpi eq, %broadcast_in_dim3A_623, %select_n3A_471 : vector<16xi32>
      %lt3A_629 = arith.cmpi slt, %broadcast_in_dim3A_626, %select_n3A_476 : vector<16xi32>
      %and3A_630 = arith.andi %eq3A_628, %lt3A_629 : vector<16xi1>
      %or3A_631 = arith.ori %gt3A_627, %and3A_630 : vector<16xi1>
      %jit3A_632 = arith.constant 1 : i32
      %jit3A_633 = arith.constant 0 : i32
      %broadcast_in_dim3A_634 = vector.broadcast %jit3A_632 : i32 to vector<16xi32>
      %broadcast_in_dim3A_635 = vector.broadcast %jit3A_633 : i32 to vector<16xi32>
      %select_n3A_636 = arith.select %or3A_631, %broadcast_in_dim3A_634, %broadcast_in_dim3A_635 : vector<16xi1>, vector<16xi32>
      %add3A_637 = arith.addi %add3A_620, %select_n3A_636 : vector<16xi32>
      %slice3A_638 = vector.extract_strided_slice %get3A_584 {offsets = [3], sizes = [1], strides = [1]} : vector<16xi32> to vector<1xi32>
      %squeeze3A_639 = vector.extract %slice3A_638[0] : i32 from vector<1xi32>
      %broadcast_in_dim3A_640 = vector.broadcast %squeeze3A_639 : i32 to vector<16xi32>
      %slice3A_641 = vector.extract_strided_slice %get3A_588 {offsets = [3], sizes = [1], strides = [1]} : vector<16xi32> to vector<1xi32>
      %squeeze3A_642 = vector.extract %slice3A_641[0] : i32 from vector<1xi32>
      %broadcast_in_dim3A_643 = vector.broadcast %squeeze3A_642 : i32 to vector<16xi32>
      %gt3A_644 = arith.cmpi sgt, %broadcast_in_dim3A_640, %select_n3A_471 : vector<16xi32>
      %eq3A_645 = arith.cmpi eq, %broadcast_in_dim3A_640, %select_n3A_471 : vector<16xi32>
      %lt3A_646 = arith.cmpi slt, %broadcast_in_dim3A_643, %select_n3A_476 : vector<16xi32>
      %and3A_647 = arith.andi %eq3A_645, %lt3A_646 : vector<16xi1>
      %or3A_648 = arith.ori %gt3A_644, %and3A_647 : vector<16xi1>
      %jit3A_649 = arith.constant 1 : i32
      %jit3A_650 = arith.constant 0 : i32
      %broadcast_in_dim3A_651 = vector.broadcast %jit3A_649 : i32 to vector<16xi32>
      %broadcast_in_dim3A_652 = vector.broadcast %jit3A_650 : i32 to vector<16xi32>
      %select_n3A_653 = arith.select %or3A_648, %broadcast_in_dim3A_651, %broadcast_in_dim3A_652 : vector<16xi1>, vector<16xi32>
      %add3A_654 = arith.addi %add3A_637, %select_n3A_653 : vector<16xi32>
      %slice3A_655 = vector.extract_strided_slice %get3A_584 {offsets = [4], sizes = [1], strides = [1]} : vector<16xi32> to vector<1xi32>
      %squeeze3A_656 = vector.extract %slice3A_655[0] : i32 from vector<1xi32>
      %broadcast_in_dim3A_657 = vector.broadcast %squeeze3A_656 : i32 to vector<16xi32>
      %slice3A_658 = vector.extract_strided_slice %get3A_588 {offsets = [4], sizes = [1], strides = [1]} : vector<16xi32> to vector<1xi32>
      %squeeze3A_659 = vector.extract %slice3A_658[0] : i32 from vector<1xi32>
      %broadcast_in_dim3A_660 = vector.broadcast %squeeze3A_659 : i32 to vector<16xi32>
      %gt3A_661 = arith.cmpi sgt, %broadcast_in_dim3A_657, %select_n3A_471 : vector<16xi32>
      %eq3A_662 = arith.cmpi eq, %broadcast_in_dim3A_657, %select_n3A_471 : vector<16xi32>
      %lt3A_663 = arith.cmpi slt, %broadcast_in_dim3A_660, %select_n3A_476 : vector<16xi32>
      %and3A_664 = arith.andi %eq3A_662, %lt3A_663 : vector<16xi1>
      %or3A_665 = arith.ori %gt3A_661, %and3A_664 : vector<16xi1>
      %jit3A_666 = arith.constant 1 : i32
      %jit3A_667 = arith.constant 0 : i32
      %broadcast_in_dim3A_668 = vector.broadcast %jit3A_666 : i32 to vector<16xi32>
      %broadcast_in_dim3A_669 = vector.broadcast %jit3A_667 : i32 to vector<16xi32>
      %select_n3A_670 = arith.select %or3A_665, %broadcast_in_dim3A_668, %broadcast_in_dim3A_669 : vector<16xi1>, vector<16xi32>
      %add3A_671 = arith.addi %add3A_654, %select_n3A_670 : vector<16xi32>
      %slice3A_672 = vector.extract_strided_slice %get3A_584 {offsets = [5], sizes = [1], strides = [1]} : vector<16xi32> to vector<1xi32>
      %squeeze3A_673 = vector.extract %slice3A_672[0] : i32 from vector<1xi32>
      %broadcast_in_dim3A_674 = vector.broadcast %squeeze3A_673 : i32 to vector<16xi32>
      %slice3A_675 = vector.extract_strided_slice %get3A_588 {offsets = [5], sizes = [1], strides = [1]} : vector<16xi32> to vector<1xi32>
      %squeeze3A_676 = vector.extract %slice3A_675[0] : i32 from vector<1xi32>
      %broadcast_in_dim3A_677 = vector.broadcast %squeeze3A_676 : i32 to vector<16xi32>
      %gt3A_678 = arith.cmpi sgt, %broadcast_in_dim3A_674, %select_n3A_471 : vector<16xi32>
      %eq3A_679 = arith.cmpi eq, %broadcast_in_dim3A_674, %select_n3A_471 : vector<16xi32>
      %lt3A_680 = arith.cmpi slt, %broadcast_in_dim3A_677, %select_n3A_476 : vector<16xi32>
      %and3A_681 = arith.andi %eq3A_679, %lt3A_680 : vector<16xi1>
      %or3A_682 = arith.ori %gt3A_678, %and3A_681 : vector<16xi1>
      %jit3A_683 = arith.constant 1 : i32
      %jit3A_684 = arith.constant 0 : i32
      %broadcast_in_dim3A_685 = vector.broadcast %jit3A_683 : i32 to vector<16xi32>
      %broadcast_in_dim3A_686 = vector.broadcast %jit3A_684 : i32 to vector<16xi32>
      %select_n3A_687 = arith.select %or3A_682, %broadcast_in_dim3A_685, %broadcast_in_dim3A_686 : vector<16xi1>, vector<16xi32>
      %add3A_688 = arith.addi %add3A_671, %select_n3A_687 : vector<16xi32>
      %slice3A_689 = vector.extract_strided_slice %get3A_584 {offsets = [6], sizes = [1], strides = [1]} : vector<16xi32> to vector<1xi32>
      %squeeze3A_690 = vector.extract %slice3A_689[0] : i32 from vector<1xi32>
      %broadcast_in_dim3A_691 = vector.broadcast %squeeze3A_690 : i32 to vector<16xi32>
      %slice3A_692 = vector.extract_strided_slice %get3A_588 {offsets = [6], sizes = [1], strides = [1]} : vector<16xi32> to vector<1xi32>
      %squeeze3A_693 = vector.extract %slice3A_692[0] : i32 from vector<1xi32>
      %broadcast_in_dim3A_694 = vector.broadcast %squeeze3A_693 : i32 to vector<16xi32>
      %gt3A_695 = arith.cmpi sgt, %broadcast_in_dim3A_691, %select_n3A_471 : vector<16xi32>
      %eq3A_696 = arith.cmpi eq, %broadcast_in_dim3A_691, %select_n3A_471 : vector<16xi32>
      %lt3A_697 = arith.cmpi slt, %broadcast_in_dim3A_694, %select_n3A_476 : vector<16xi32>
      %and3A_698 = arith.andi %eq3A_696, %lt3A_697 : vector<16xi1>
      %or3A_699 = arith.ori %gt3A_695, %and3A_698 : vector<16xi1>
      %jit3A_700 = arith.constant 1 : i32
      %jit3A_701 = arith.constant 0 : i32
      %broadcast_in_dim3A_702 = vector.broadcast %jit3A_700 : i32 to vector<16xi32>
      %broadcast_in_dim3A_703 = vector.broadcast %jit3A_701 : i32 to vector<16xi32>
      %select_n3A_704 = arith.select %or3A_699, %broadcast_in_dim3A_702, %broadcast_in_dim3A_703 : vector<16xi1>, vector<16xi32>
      %add3A_705 = arith.addi %add3A_688, %select_n3A_704 : vector<16xi32>
      %slice3A_706 = vector.extract_strided_slice %get3A_584 {offsets = [7], sizes = [1], strides = [1]} : vector<16xi32> to vector<1xi32>
      %squeeze3A_707 = vector.extract %slice3A_706[0] : i32 from vector<1xi32>
      %broadcast_in_dim3A_708 = vector.broadcast %squeeze3A_707 : i32 to vector<16xi32>
      %slice3A_709 = vector.extract_strided_slice %get3A_588 {offsets = [7], sizes = [1], strides = [1]} : vector<16xi32> to vector<1xi32>
      %squeeze3A_710 = vector.extract %slice3A_709[0] : i32 from vector<1xi32>
      %broadcast_in_dim3A_711 = vector.broadcast %squeeze3A_710 : i32 to vector<16xi32>
      %gt3A_712 = arith.cmpi sgt, %broadcast_in_dim3A_708, %select_n3A_471 : vector<16xi32>
      %eq3A_713 = arith.cmpi eq, %broadcast_in_dim3A_708, %select_n3A_471 : vector<16xi32>
      %lt3A_714 = arith.cmpi slt, %broadcast_in_dim3A_711, %select_n3A_476 : vector<16xi32>
      %and3A_715 = arith.andi %eq3A_713, %lt3A_714 : vector<16xi1>
      %or3A_716 = arith.ori %gt3A_712, %and3A_715 : vector<16xi1>
      %jit3A_717 = arith.constant 1 : i32
      %jit3A_718 = arith.constant 0 : i32
      %broadcast_in_dim3A_719 = vector.broadcast %jit3A_717 : i32 to vector<16xi32>
      %broadcast_in_dim3A_720 = vector.broadcast %jit3A_718 : i32 to vector<16xi32>
      %select_n3A_721 = arith.select %or3A_716, %broadcast_in_dim3A_719, %broadcast_in_dim3A_720 : vector<16xi1>, vector<16xi32>
      %add3A_722 = arith.addi %add3A_705, %select_n3A_721 : vector<16xi32>
      %slice3A_723 = vector.extract_strided_slice %get3A_584 {offsets = [8], sizes = [1], strides = [1]} : vector<16xi32> to vector<1xi32>
      %squeeze3A_724 = vector.extract %slice3A_723[0] : i32 from vector<1xi32>
      %broadcast_in_dim3A_725 = vector.broadcast %squeeze3A_724 : i32 to vector<16xi32>
      %slice3A_726 = vector.extract_strided_slice %get3A_588 {offsets = [8], sizes = [1], strides = [1]} : vector<16xi32> to vector<1xi32>
      %squeeze3A_727 = vector.extract %slice3A_726[0] : i32 from vector<1xi32>
      %broadcast_in_dim3A_728 = vector.broadcast %squeeze3A_727 : i32 to vector<16xi32>
      %gt3A_729 = arith.cmpi sgt, %broadcast_in_dim3A_725, %select_n3A_471 : vector<16xi32>
      %eq3A_730 = arith.cmpi eq, %broadcast_in_dim3A_725, %select_n3A_471 : vector<16xi32>
      %lt3A_731 = arith.cmpi slt, %broadcast_in_dim3A_728, %select_n3A_476 : vector<16xi32>
      %and3A_732 = arith.andi %eq3A_730, %lt3A_731 : vector<16xi1>
      %or3A_733 = arith.ori %gt3A_729, %and3A_732 : vector<16xi1>
      %jit3A_734 = arith.constant 1 : i32
      %jit3A_735 = arith.constant 0 : i32
      %broadcast_in_dim3A_736 = vector.broadcast %jit3A_734 : i32 to vector<16xi32>
      %broadcast_in_dim3A_737 = vector.broadcast %jit3A_735 : i32 to vector<16xi32>
      %select_n3A_738 = arith.select %or3A_733, %broadcast_in_dim3A_736, %broadcast_in_dim3A_737 : vector<16xi1>, vector<16xi32>
      %add3A_739 = arith.addi %add3A_722, %select_n3A_738 : vector<16xi32>
      %slice3A_740 = vector.extract_strided_slice %get3A_584 {offsets = [9], sizes = [1], strides = [1]} : vector<16xi32> to vector<1xi32>
      %squeeze3A_741 = vector.extract %slice3A_740[0] : i32 from vector<1xi32>
      %broadcast_in_dim3A_742 = vector.broadcast %squeeze3A_741 : i32 to vector<16xi32>
      %slice3A_743 = vector.extract_strided_slice %get3A_588 {offsets = [9], sizes = [1], strides = [1]} : vector<16xi32> to vector<1xi32>
      %squeeze3A_744 = vector.extract %slice3A_743[0] : i32 from vector<1xi32>
      %broadcast_in_dim3A_745 = vector.broadcast %squeeze3A_744 : i32 to vector<16xi32>
      %gt3A_746 = arith.cmpi sgt, %broadcast_in_dim3A_742, %select_n3A_471 : vector<16xi32>
      %eq3A_747 = arith.cmpi eq, %broadcast_in_dim3A_742, %select_n3A_471 : vector<16xi32>
      %lt3A_748 = arith.cmpi slt, %broadcast_in_dim3A_745, %select_n3A_476 : vector<16xi32>
      %and3A_749 = arith.andi %eq3A_747, %lt3A_748 : vector<16xi1>
      %or3A_750 = arith.ori %gt3A_746, %and3A_749 : vector<16xi1>
      %jit3A_751 = arith.constant 1 : i32
      %jit3A_752 = arith.constant 0 : i32
      %broadcast_in_dim3A_753 = vector.broadcast %jit3A_751 : i32 to vector<16xi32>
      %broadcast_in_dim3A_754 = vector.broadcast %jit3A_752 : i32 to vector<16xi32>
      %select_n3A_755 = arith.select %or3A_750, %broadcast_in_dim3A_753, %broadcast_in_dim3A_754 : vector<16xi1>, vector<16xi32>
      %add3A_756 = arith.addi %add3A_739, %select_n3A_755 : vector<16xi32>
      %slice3A_757 = vector.extract_strided_slice %get3A_584 {offsets = [10], sizes = [1], strides = [1]} : vector<16xi32> to vector<1xi32>
      %squeeze3A_758 = vector.extract %slice3A_757[0] : i32 from vector<1xi32>
      %broadcast_in_dim3A_759 = vector.broadcast %squeeze3A_758 : i32 to vector<16xi32>
      %slice3A_760 = vector.extract_strided_slice %get3A_588 {offsets = [10], sizes = [1], strides = [1]} : vector<16xi32> to vector<1xi32>
      %squeeze3A_761 = vector.extract %slice3A_760[0] : i32 from vector<1xi32>
      %broadcast_in_dim3A_762 = vector.broadcast %squeeze3A_761 : i32 to vector<16xi32>
      %gt3A_763 = arith.cmpi sgt, %broadcast_in_dim3A_759, %select_n3A_471 : vector<16xi32>
      %eq3A_764 = arith.cmpi eq, %broadcast_in_dim3A_759, %select_n3A_471 : vector<16xi32>
      %lt3A_765 = arith.cmpi slt, %broadcast_in_dim3A_762, %select_n3A_476 : vector<16xi32>
      %and3A_766 = arith.andi %eq3A_764, %lt3A_765 : vector<16xi1>
      %or3A_767 = arith.ori %gt3A_763, %and3A_766 : vector<16xi1>
      %jit3A_768 = arith.constant 1 : i32
      %jit3A_769 = arith.constant 0 : i32
      %broadcast_in_dim3A_770 = vector.broadcast %jit3A_768 : i32 to vector<16xi32>
      %broadcast_in_dim3A_771 = vector.broadcast %jit3A_769 : i32 to vector<16xi32>
      %select_n3A_772 = arith.select %or3A_767, %broadcast_in_dim3A_770, %broadcast_in_dim3A_771 : vector<16xi1>, vector<16xi32>
      %add3A_773 = arith.addi %add3A_756, %select_n3A_772 : vector<16xi32>
      %slice3A_774 = vector.extract_strided_slice %get3A_584 {offsets = [11], sizes = [1], strides = [1]} : vector<16xi32> to vector<1xi32>
      %squeeze3A_775 = vector.extract %slice3A_774[0] : i32 from vector<1xi32>
      %broadcast_in_dim3A_776 = vector.broadcast %squeeze3A_775 : i32 to vector<16xi32>
      %slice3A_777 = vector.extract_strided_slice %get3A_588 {offsets = [11], sizes = [1], strides = [1]} : vector<16xi32> to vector<1xi32>
      %squeeze3A_778 = vector.extract %slice3A_777[0] : i32 from vector<1xi32>
      %broadcast_in_dim3A_779 = vector.broadcast %squeeze3A_778 : i32 to vector<16xi32>
      %gt3A_780 = arith.cmpi sgt, %broadcast_in_dim3A_776, %select_n3A_471 : vector<16xi32>
      %eq3A_781 = arith.cmpi eq, %broadcast_in_dim3A_776, %select_n3A_471 : vector<16xi32>
      %lt3A_782 = arith.cmpi slt, %broadcast_in_dim3A_779, %select_n3A_476 : vector<16xi32>
      %and3A_783 = arith.andi %eq3A_781, %lt3A_782 : vector<16xi1>
      %or3A_784 = arith.ori %gt3A_780, %and3A_783 : vector<16xi1>
      %jit3A_785 = arith.constant 1 : i32
      %jit3A_786 = arith.constant 0 : i32
      %broadcast_in_dim3A_787 = vector.broadcast %jit3A_785 : i32 to vector<16xi32>
      %broadcast_in_dim3A_788 = vector.broadcast %jit3A_786 : i32 to vector<16xi32>
      %select_n3A_789 = arith.select %or3A_784, %broadcast_in_dim3A_787, %broadcast_in_dim3A_788 : vector<16xi1>, vector<16xi32>
      %add3A_790 = arith.addi %add3A_773, %select_n3A_789 : vector<16xi32>
      %slice3A_791 = vector.extract_strided_slice %get3A_584 {offsets = [12], sizes = [1], strides = [1]} : vector<16xi32> to vector<1xi32>
      %squeeze3A_792 = vector.extract %slice3A_791[0] : i32 from vector<1xi32>
      %broadcast_in_dim3A_793 = vector.broadcast %squeeze3A_792 : i32 to vector<16xi32>
      %slice3A_794 = vector.extract_strided_slice %get3A_588 {offsets = [12], sizes = [1], strides = [1]} : vector<16xi32> to vector<1xi32>
      %squeeze3A_795 = vector.extract %slice3A_794[0] : i32 from vector<1xi32>
      %broadcast_in_dim3A_796 = vector.broadcast %squeeze3A_795 : i32 to vector<16xi32>
      %gt3A_797 = arith.cmpi sgt, %broadcast_in_dim3A_793, %select_n3A_471 : vector<16xi32>
      %eq3A_798 = arith.cmpi eq, %broadcast_in_dim3A_793, %select_n3A_471 : vector<16xi32>
      %lt3A_799 = arith.cmpi slt, %broadcast_in_dim3A_796, %select_n3A_476 : vector<16xi32>
      %and3A_800 = arith.andi %eq3A_798, %lt3A_799 : vector<16xi1>
      %or3A_801 = arith.ori %gt3A_797, %and3A_800 : vector<16xi1>
      %jit3A_802 = arith.constant 1 : i32
      %jit3A_803 = arith.constant 0 : i32
      %broadcast_in_dim3A_804 = vector.broadcast %jit3A_802 : i32 to vector<16xi32>
      %broadcast_in_dim3A_805 = vector.broadcast %jit3A_803 : i32 to vector<16xi32>
      %select_n3A_806 = arith.select %or3A_801, %broadcast_in_dim3A_804, %broadcast_in_dim3A_805 : vector<16xi1>, vector<16xi32>
      %add3A_807 = arith.addi %add3A_790, %select_n3A_806 : vector<16xi32>
      %slice3A_808 = vector.extract_strided_slice %get3A_584 {offsets = [13], sizes = [1], strides = [1]} : vector<16xi32> to vector<1xi32>
      %squeeze3A_809 = vector.extract %slice3A_808[0] : i32 from vector<1xi32>
      %broadcast_in_dim3A_810 = vector.broadcast %squeeze3A_809 : i32 to vector<16xi32>
      %slice3A_811 = vector.extract_strided_slice %get3A_588 {offsets = [13], sizes = [1], strides = [1]} : vector<16xi32> to vector<1xi32>
      %squeeze3A_812 = vector.extract %slice3A_811[0] : i32 from vector<1xi32>
      %broadcast_in_dim3A_813 = vector.broadcast %squeeze3A_812 : i32 to vector<16xi32>
      %gt3A_814 = arith.cmpi sgt, %broadcast_in_dim3A_810, %select_n3A_471 : vector<16xi32>
      %eq3A_815 = arith.cmpi eq, %broadcast_in_dim3A_810, %select_n3A_471 : vector<16xi32>
      %lt3A_816 = arith.cmpi slt, %broadcast_in_dim3A_813, %select_n3A_476 : vector<16xi32>
      %and3A_817 = arith.andi %eq3A_815, %lt3A_816 : vector<16xi1>
      %or3A_818 = arith.ori %gt3A_814, %and3A_817 : vector<16xi1>
      %jit3A_819 = arith.constant 1 : i32
      %jit3A_820 = arith.constant 0 : i32
      %broadcast_in_dim3A_821 = vector.broadcast %jit3A_819 : i32 to vector<16xi32>
      %broadcast_in_dim3A_822 = vector.broadcast %jit3A_820 : i32 to vector<16xi32>
      %select_n3A_823 = arith.select %or3A_818, %broadcast_in_dim3A_821, %broadcast_in_dim3A_822 : vector<16xi1>, vector<16xi32>
      %add3A_824 = arith.addi %add3A_807, %select_n3A_823 : vector<16xi32>
      %slice3A_825 = vector.extract_strided_slice %get3A_584 {offsets = [14], sizes = [1], strides = [1]} : vector<16xi32> to vector<1xi32>
      %squeeze3A_826 = vector.extract %slice3A_825[0] : i32 from vector<1xi32>
      %broadcast_in_dim3A_827 = vector.broadcast %squeeze3A_826 : i32 to vector<16xi32>
      %slice3A_828 = vector.extract_strided_slice %get3A_588 {offsets = [14], sizes = [1], strides = [1]} : vector<16xi32> to vector<1xi32>
      %squeeze3A_829 = vector.extract %slice3A_828[0] : i32 from vector<1xi32>
      %broadcast_in_dim3A_830 = vector.broadcast %squeeze3A_829 : i32 to vector<16xi32>
      %gt3A_831 = arith.cmpi sgt, %broadcast_in_dim3A_827, %select_n3A_471 : vector<16xi32>
      %eq3A_832 = arith.cmpi eq, %broadcast_in_dim3A_827, %select_n3A_471 : vector<16xi32>
      %lt3A_833 = arith.cmpi slt, %broadcast_in_dim3A_830, %select_n3A_476 : vector<16xi32>
      %and3A_834 = arith.andi %eq3A_832, %lt3A_833 : vector<16xi1>
      %or3A_835 = arith.ori %gt3A_831, %and3A_834 : vector<16xi1>
      %jit3A_836 = arith.constant 1 : i32
      %jit3A_837 = arith.constant 0 : i32
      %broadcast_in_dim3A_838 = vector.broadcast %jit3A_836 : i32 to vector<16xi32>
      %broadcast_in_dim3A_839 = vector.broadcast %jit3A_837 : i32 to vector<16xi32>
      %select_n3A_840 = arith.select %or3A_835, %broadcast_in_dim3A_838, %broadcast_in_dim3A_839 : vector<16xi1>, vector<16xi32>
      %add3A_841 = arith.addi %add3A_824, %select_n3A_840 : vector<16xi32>
      %slice3A_842 = vector.extract_strided_slice %get3A_584 {offsets = [15], sizes = [1], strides = [1]} : vector<16xi32> to vector<1xi32>
      %squeeze3A_843 = vector.extract %slice3A_842[0] : i32 from vector<1xi32>
      %broadcast_in_dim3A_844 = vector.broadcast %squeeze3A_843 : i32 to vector<16xi32>
      %slice3A_845 = vector.extract_strided_slice %get3A_588 {offsets = [15], sizes = [1], strides = [1]} : vector<16xi32> to vector<1xi32>
      %squeeze3A_846 = vector.extract %slice3A_845[0] : i32 from vector<1xi32>
      %broadcast_in_dim3A_847 = vector.broadcast %squeeze3A_846 : i32 to vector<16xi32>
      %gt3A_848 = arith.cmpi sgt, %broadcast_in_dim3A_844, %select_n3A_471 : vector<16xi32>
      %eq3A_849 = arith.cmpi eq, %broadcast_in_dim3A_844, %select_n3A_471 : vector<16xi32>
      %lt3A_850 = arith.cmpi slt, %broadcast_in_dim3A_847, %select_n3A_476 : vector<16xi32>
      %and3A_851 = arith.andi %eq3A_849, %lt3A_850 : vector<16xi1>
      %or3A_852 = arith.ori %gt3A_848, %and3A_851 : vector<16xi1>
      %jit3A_853 = arith.constant 1 : i32
      %jit3A_854 = arith.constant 0 : i32
      %broadcast_in_dim3A_855 = vector.broadcast %jit3A_853 : i32 to vector<16xi32>
      %broadcast_in_dim3A_856 = vector.broadcast %jit3A_854 : i32 to vector<16xi32>
      %select_n3A_857 = arith.select %or3A_852, %broadcast_in_dim3A_855, %broadcast_in_dim3A_856 : vector<16xi1>, vector<16xi32>
      %add3A_858 = arith.addi %add3A_841, %select_n3A_857 : vector<16xi32>
      scf.yield %add3A_858 : vector<16xi32>
    }
    %while3A_510 = arith.constant 1 : i32
    %while3A_511 = scf.for %while3A_579 = %while3A_507 to %while3A_503 step %while3A_510 iter_args(%while3A_580 = %while3A_509) -> (vector<16xi32>)  : i32 {
      %mul3A_581 = arith.constant 16 : i32
      %mul3A_582 = arith.muli %while3A_579, %mul3A_581 : i32
      %get3A_583 = arith.index_cast %mul3A_582 : i32 to index
      %get3A_584 = tpu.vector_load %arg13[%get3A_583] {strides = array<i32>} : memref<1024xi32, #tpu.memory_space<vmem>>, vector<16xi32>,
      %mul3A_585 = arith.constant 16 : i32
      %mul3A_586 = arith.muli %while3A_579, %mul3A_585 : i32
      %get3A_587 = arith.index_cast %mul3A_586 : i32 to index
      %get3A_588 = tpu.vector_load %arg14[%get3A_587] {strides = array<i32>} : memref<1024xi32, #tpu.memory_space<vmem>>, vector<16xi32>,
      %slice3A = vector.extract_strided_slice %get3A_584 {offsets = [0], sizes = [1], strides = [1]} : vector<16xi32> to vector<1xi32>
      %squeeze3A = vector.extract %slice3A[0] : i32 from vector<1xi32>
      %broadcast_in_dim3A_589 = vector.broadcast %squeeze3A : i32 to vector<16xi32>
      %slice3A_590 = vector.extract_strided_slice %get3A_588 {offsets = [0], sizes = [1], strides = [1]} : vector<16xi32> to vector<1xi32>
      %squeeze3A_591 = vector.extract %slice3A_590[0] : i32 from vector<1xi32>
      %broadcast_in_dim3A_592 = vector.broadcast %squeeze3A_591 : i32 to vector<16xi32>
      %gt3A_593 = arith.cmpi sgt, %broadcast_in_dim3A_589, %select_n3A_471 : vector<16xi32>
      %eq3A_594 = arith.cmpi eq, %broadcast_in_dim3A_589, %select_n3A_471 : vector<16xi32>
      %lt3A_595 = arith.cmpi slt, %broadcast_in_dim3A_592, %select_n3A_476 : vector<16xi32>
      %and3A_596 = arith.andi %eq3A_594, %lt3A_595 : vector<16xi1>
      %or3A_597 = arith.ori %gt3A_593, %and3A_596 : vector<16xi1>
      %jit3A_598 = arith.constant 1 : i32
      %jit3A_599 = arith.constant 0 : i32
      %broadcast_in_dim3A_600 = vector.broadcast %jit3A_598 : i32 to vector<16xi32>
      %broadcast_in_dim3A_601 = vector.broadcast %jit3A_599 : i32 to vector<16xi32>
      %select_n3A_602 = arith.select %or3A_597, %broadcast_in_dim3A_600, %broadcast_in_dim3A_601 : vector<16xi1>, vector<16xi32>
      %add3A_603 = arith.addi %while3A_580, %select_n3A_602 : vector<16xi32>
      %slice3A_604 = vector.extract_strided_slice %get3A_584 {offsets = [1], sizes = [1], strides = [1]} : vector<16xi32> to vector<1xi32>
      %squeeze3A_605 = vector.extract %slice3A_604[0] : i32 from vector<1xi32>
      %broadcast_in_dim3A_606 = vector.broadcast %squeeze3A_605 : i32 to vector<16xi32>
      %slice3A_607 = vector.extract_strided_slice %get3A_588 {offsets = [1], sizes = [1], strides = [1]} : vector<16xi32> to vector<1xi32>
      %squeeze3A_608 = vector.extract %slice3A_607[0] : i32 from vector<1xi32>
      %broadcast_in_dim3A_609 = vector.broadcast %squeeze3A_608 : i32 to vector<16xi32>
      %gt3A_610 = arith.cmpi sgt, %broadcast_in_dim3A_606, %select_n3A_471 : vector<16xi32>
      %eq3A_611 = arith.cmpi eq, %broadcast_in_dim3A_606, %select_n3A_471 : vector<16xi32>
      %lt3A_612 = arith.cmpi slt, %broadcast_in_dim3A_609, %select_n3A_476 : vector<16xi32>
      %and3A_613 = arith.andi %eq3A_611, %lt3A_612 : vector<16xi1>
      %or3A_614 = arith.ori %gt3A_610, %and3A_613 : vector<16xi1>
      %jit3A_615 = arith.constant 1 : i32
      %jit3A_616 = arith.constant 0 : i32
      %broadcast_in_dim3A_617 = vector.broadcast %jit3A_615 : i32 to vector<16xi32>
      %broadcast_in_dim3A_618 = vector.broadcast %jit3A_616 : i32 to vector<16xi32>
      %select_n3A_619 = arith.select %or3A_614, %broadcast_in_dim3A_617, %broadcast_in_dim3A_618 : vector<16xi1>, vector<16xi32>
      %add3A_620 = arith.addi %add3A_603, %select_n3A_619 : vector<16xi32>
      %slice3A_621 = vector.extract_strided_slice %get3A_584 {offsets = [2], sizes = [1], strides = [1]} : vector<16xi32> to vector<1xi32>
      %squeeze3A_622 = vector.extract %slice3A_621[0] : i32 from vector<1xi32>
      %broadcast_in_dim3A_623 = vector.broadcast %squeeze3A_622 : i32 to vector<16xi32>
      %slice3A_624 = vector.extract_strided_slice %get3A_588 {offsets = [2], sizes = [1], strides = [1]} : vector<16xi32> to vector<1xi32>
      %squeeze3A_625 = vector.extract %slice3A_624[0] : i32 from vector<1xi32>
      %broadcast_in_dim3A_626 = vector.broadcast %squeeze3A_625 : i32 to vector<16xi32>
      %gt3A_627 = arith.cmpi sgt, %broadcast_in_dim3A_623, %select_n3A_471 : vector<16xi32>
      %eq3A_628 = arith.cmpi eq, %broadcast_in_dim3A_623, %select_n3A_471 : vector<16xi32>
      %lt3A_629 = arith.cmpi slt, %broadcast_in_dim3A_626, %select_n3A_476 : vector<16xi32>
      %and3A_630 = arith.andi %eq3A_628, %lt3A_629 : vector<16xi1>
      %or3A_631 = arith.ori %gt3A_627, %and3A_630 : vector<16xi1>
      %jit3A_632 = arith.constant 1 : i32
      %jit3A_633 = arith.constant 0 : i32
      %broadcast_in_dim3A_634 = vector.broadcast %jit3A_632 : i32 to vector<16xi32>
      %broadcast_in_dim3A_635 = vector.broadcast %jit3A_633 : i32 to vector<16xi32>
      %select_n3A_636 = arith.select %or3A_631, %broadcast_in_dim3A_634, %broadcast_in_dim3A_635 : vector<16xi1>, vector<16xi32>
      %add3A_637 = arith.addi %add3A_620, %select_n3A_636 : vector<16xi32>
      %slice3A_638 = vector.extract_strided_slice %get3A_584 {offsets = [3], sizes = [1], strides = [1]} : vector<16xi32> to vector<1xi32>
      %squeeze3A_639 = vector.extract %slice3A_638[0] : i32 from vector<1xi32>
      %broadcast_in_dim3A_640 = vector.broadcast %squeeze3A_639 : i32 to vector<16xi32>
      %slice3A_641 = vector.extract_strided_slice %get3A_588 {offsets = [3], sizes = [1], strides = [1]} : vector<16xi32> to vector<1xi32>
      %squeeze3A_642 = vector.extract %slice3A_641[0] : i32 from vector<1xi32>
      %broadcast_in_dim3A_643 = vector.broadcast %squeeze3A_642 : i32 to vector<16xi32>
      %gt3A_644 = arith.cmpi sgt, %broadcast_in_dim3A_640, %select_n3A_471 : vector<16xi32>
      %eq3A_645 = arith.cmpi eq, %broadcast_in_dim3A_640, %select_n3A_471 : vector<16xi32>
      %lt3A_646 = arith.cmpi slt, %broadcast_in_dim3A_643, %select_n3A_476 : vector<16xi32>
      %and3A_647 = arith.andi %eq3A_645, %lt3A_646 : vector<16xi1>
      %or3A_648 = arith.ori %gt3A_644, %and3A_647 : vector<16xi1>
      %jit3A_649 = arith.constant 1 : i32
      %jit3A_650 = arith.constant 0 : i32
      %broadcast_in_dim3A_651 = vector.broadcast %jit3A_649 : i32 to vector<16xi32>
      %broadcast_in_dim3A_652 = vector.broadcast %jit3A_650 : i32 to vector<16xi32>
      %select_n3A_653 = arith.select %or3A_648, %broadcast_in_dim3A_651, %broadcast_in_dim3A_652 : vector<16xi1>, vector<16xi32>
      %add3A_654 = arith.addi %add3A_637, %select_n3A_653 : vector<16xi32>
      %slice3A_655 = vector.extract_strided_slice %get3A_584 {offsets = [4], sizes = [1], strides = [1]} : vector<16xi32> to vector<1xi32>
      %squeeze3A_656 = vector.extract %slice3A_655[0] : i32 from vector<1xi32>
      %broadcast_in_dim3A_657 = vector.broadcast %squeeze3A_656 : i32 to vector<16xi32>
      %slice3A_658 = vector.extract_strided_slice %get3A_588 {offsets = [4], sizes = [1], strides = [1]} : vector<16xi32> to vector<1xi32>
      %squeeze3A_659 = vector.extract %slice3A_658[0] : i32 from vector<1xi32>
      %broadcast_in_dim3A_660 = vector.broadcast %squeeze3A_659 : i32 to vector<16xi32>
      %gt3A_661 = arith.cmpi sgt, %broadcast_in_dim3A_657, %select_n3A_471 : vector<16xi32>
      %eq3A_662 = arith.cmpi eq, %broadcast_in_dim3A_657, %select_n3A_471 : vector<16xi32>
      %lt3A_663 = arith.cmpi slt, %broadcast_in_dim3A_660, %select_n3A_476 : vector<16xi32>
      %and3A_664 = arith.andi %eq3A_662, %lt3A_663 : vector<16xi1>
      %or3A_665 = arith.ori %gt3A_661, %and3A_664 : vector<16xi1>
      %jit3A_666 = arith.constant 1 : i32
      %jit3A_667 = arith.constant 0 : i32
      %broadcast_in_dim3A_668 = vector.broadcast %jit3A_666 : i32 to vector<16xi32>
      %broadcast_in_dim3A_669 = vector.broadcast %jit3A_667 : i32 to vector<16xi32>
      %select_n3A_670 = arith.select %or3A_665, %broadcast_in_dim3A_668, %broadcast_in_dim3A_669 : vector<16xi1>, vector<16xi32>
      %add3A_671 = arith.addi %add3A_654, %select_n3A_670 : vector<16xi32>
      %slice3A_672 = vector.extract_strided_slice %get3A_584 {offsets = [5], sizes = [1], strides = [1]} : vector<16xi32> to vector<1xi32>
      %squeeze3A_673 = vector.extract %slice3A_672[0] : i32 from vector<1xi32>
      %broadcast_in_dim3A_674 = vector.broadcast %squeeze3A_673 : i32 to vector<16xi32>
      %slice3A_675 = vector.extract_strided_slice %get3A_588 {offsets = [5], sizes = [1], strides = [1]} : vector<16xi32> to vector<1xi32>
      %squeeze3A_676 = vector.extract %slice3A_675[0] : i32 from vector<1xi32>
      %broadcast_in_dim3A_677 = vector.broadcast %squeeze3A_676 : i32 to vector<16xi32>
      %gt3A_678 = arith.cmpi sgt, %broadcast_in_dim3A_674, %select_n3A_471 : vector<16xi32>
      %eq3A_679 = arith.cmpi eq, %broadcast_in_dim3A_674, %select_n3A_471 : vector<16xi32>
      %lt3A_680 = arith.cmpi slt, %broadcast_in_dim3A_677, %select_n3A_476 : vector<16xi32>
      %and3A_681 = arith.andi %eq3A_679, %lt3A_680 : vector<16xi1>
      %or3A_682 = arith.ori %gt3A_678, %and3A_681 : vector<16xi1>
      %jit3A_683 = arith.constant 1 : i32
      %jit3A_684 = arith.constant 0 : i32
      %broadcast_in_dim3A_685 = vector.broadcast %jit3A_683 : i32 to vector<16xi32>
      %broadcast_in_dim3A_686 = vector.broadcast %jit3A_684 : i32 to vector<16xi32>
      %select_n3A_687 = arith.select %or3A_682, %broadcast_in_dim3A_685, %broadcast_in_dim3A_686 : vector<16xi1>, vector<16xi32>
      %add3A_688 = arith.addi %add3A_671, %select_n3A_687 : vector<16xi32>
      %slice3A_689 = vector.extract_strided_slice %get3A_584 {offsets = [6], sizes = [1], strides = [1]} : vector<16xi32> to vector<1xi32>
      %squeeze3A_690 = vector.extract %slice3A_689[0] : i32 from vector<1xi32>
      %broadcast_in_dim3A_691 = vector.broadcast %squeeze3A_690 : i32 to vector<16xi32>
      %slice3A_692 = vector.extract_strided_slice %get3A_588 {offsets = [6], sizes = [1], strides = [1]} : vector<16xi32> to vector<1xi32>
      %squeeze3A_693 = vector.extract %slice3A_692[0] : i32 from vector<1xi32>
      %broadcast_in_dim3A_694 = vector.broadcast %squeeze3A_693 : i32 to vector<16xi32>
      %gt3A_695 = arith.cmpi sgt, %broadcast_in_dim3A_691, %select_n3A_471 : vector<16xi32>
      %eq3A_696 = arith.cmpi eq, %broadcast_in_dim3A_691, %select_n3A_471 : vector<16xi32>
      %lt3A_697 = arith.cmpi slt, %broadcast_in_dim3A_694, %select_n3A_476 : vector<16xi32>
      %and3A_698 = arith.andi %eq3A_696, %lt3A_697 : vector<16xi1>
      %or3A_699 = arith.ori %gt3A_695, %and3A_698 : vector<16xi1>
      %jit3A_700 = arith.constant 1 : i32
      %jit3A_701 = arith.constant 0 : i32
      %broadcast_in_dim3A_702 = vector.broadcast %jit3A_700 : i32 to vector<16xi32>
      %broadcast_in_dim3A_703 = vector.broadcast %jit3A_701 : i32 to vector<16xi32>
      %select_n3A_704 = arith.select %or3A_699, %broadcast_in_dim3A_702, %broadcast_in_dim3A_703 : vector<16xi1>, vector<16xi32>
      %add3A_705 = arith.addi %add3A_688, %select_n3A_704 : vector<16xi32>
      %slice3A_706 = vector.extract_strided_slice %get3A_584 {offsets = [7], sizes = [1], strides = [1]} : vector<16xi32> to vector<1xi32>
      %squeeze3A_707 = vector.extract %slice3A_706[0] : i32 from vector<1xi32>
      %broadcast_in_dim3A_708 = vector.broadcast %squeeze3A_707 : i32 to vector<16xi32>
      %slice3A_709 = vector.extract_strided_slice %get3A_588 {offsets = [7], sizes = [1], strides = [1]} : vector<16xi32> to vector<1xi32>
      %squeeze3A_710 = vector.extract %slice3A_709[0] : i32 from vector<1xi32>
      %broadcast_in_dim3A_711 = vector.broadcast %squeeze3A_710 : i32 to vector<16xi32>
      %gt3A_712 = arith.cmpi sgt, %broadcast_in_dim3A_708, %select_n3A_471 : vector<16xi32>
      %eq3A_713 = arith.cmpi eq, %broadcast_in_dim3A_708, %select_n3A_471 : vector<16xi32>
      %lt3A_714 = arith.cmpi slt, %broadcast_in_dim3A_711, %select_n3A_476 : vector<16xi32>
      %and3A_715 = arith.andi %eq3A_713, %lt3A_714 : vector<16xi1>
      %or3A_716 = arith.ori %gt3A_712, %and3A_715 : vector<16xi1>
      %jit3A_717 = arith.constant 1 : i32
      %jit3A_718 = arith.constant 0 : i32
      %broadcast_in_dim3A_719 = vector.broadcast %jit3A_717 : i32 to vector<16xi32>
      %broadcast_in_dim3A_720 = vector.broadcast %jit3A_718 : i32 to vector<16xi32>
      %select_n3A_721 = arith.select %or3A_716, %broadcast_in_dim3A_719, %broadcast_in_dim3A_720 : vector<16xi1>, vector<16xi32>
      %add3A_722 = arith.addi %add3A_705, %select_n3A_721 : vector<16xi32>
      %slice3A_723 = vector.extract_strided_slice %get3A_584 {offsets = [8], sizes = [1], strides = [1]} : vector<16xi32> to vector<1xi32>
      %squeeze3A_724 = vector.extract %slice3A_723[0] : i32 from vector<1xi32>
      %broadcast_in_dim3A_725 = vector.broadcast %squeeze3A_724 : i32 to vector<16xi32>
      %slice3A_726 = vector.extract_strided_slice %get3A_588 {offsets = [8], sizes = [1], strides = [1]} : vector<16xi32> to vector<1xi32>
      %squeeze3A_727 = vector.extract %slice3A_726[0] : i32 from vector<1xi32>
      %broadcast_in_dim3A_728 = vector.broadcast %squeeze3A_727 : i32 to vector<16xi32>
      %gt3A_729 = arith.cmpi sgt, %broadcast_in_dim3A_725, %select_n3A_471 : vector<16xi32>
      %eq3A_730 = arith.cmpi eq, %broadcast_in_dim3A_725, %select_n3A_471 : vector<16xi32>
      %lt3A_731 = arith.cmpi slt, %broadcast_in_dim3A_728, %select_n3A_476 : vector<16xi32>
      %and3A_732 = arith.andi %eq3A_730, %lt3A_731 : vector<16xi1>
      %or3A_733 = arith.ori %gt3A_729, %and3A_732 : vector<16xi1>
      %jit3A_734 = arith.constant 1 : i32
      %jit3A_735 = arith.constant 0 : i32
      %broadcast_in_dim3A_736 = vector.broadcast %jit3A_734 : i32 to vector<16xi32>
      %broadcast_in_dim3A_737 = vector.broadcast %jit3A_735 : i32 to vector<16xi32>
      %select_n3A_738 = arith.select %or3A_733, %broadcast_in_dim3A_736, %broadcast_in_dim3A_737 : vector<16xi1>, vector<16xi32>
      %add3A_739 = arith.addi %add3A_722, %select_n3A_738 : vector<16xi32>
      %slice3A_740 = vector.extract_strided_slice %get3A_584 {offsets = [9], sizes = [1], strides = [1]} : vector<16xi32> to vector<1xi32>
      %squeeze3A_741 = vector.extract %slice3A_740[0] : i32 from vector<1xi32>
      %broadcast_in_dim3A_742 = vector.broadcast %squeeze3A_741 : i32 to vector<16xi32>
      %slice3A_743 = vector.extract_strided_slice %get3A_588 {offsets = [9], sizes = [1], strides = [1]} : vector<16xi32> to vector<1xi32>
      %squeeze3A_744 = vector.extract %slice3A_743[0] : i32 from vector<1xi32>
      %broadcast_in_dim3A_745 = vector.broadcast %squeeze3A_744 : i32 to vector<16xi32>
      %gt3A_746 = arith.cmpi sgt, %broadcast_in_dim3A_742, %select_n3A_471 : vector<16xi32>
      %eq3A_747 = arith.cmpi eq, %broadcast_in_dim3A_742, %select_n3A_471 : vector<16xi32>
      %lt3A_748 = arith.cmpi slt, %broadcast_in_dim3A_745, %select_n3A_476 : vector<16xi32>
      %and3A_749 = arith.andi %eq3A_747, %lt3A_748 : vector<16xi1>
      %or3A_750 = arith.ori %gt3A_746, %and3A_749 : vector<16xi1>
      %jit3A_751 = arith.constant 1 : i32
      %jit3A_752 = arith.constant 0 : i32
      %broadcast_in_dim3A_753 = vector.broadcast %jit3A_751 : i32 to vector<16xi32>
      %broadcast_in_dim3A_754 = vector.broadcast %jit3A_752 : i32 to vector<16xi32>
      %select_n3A_755 = arith.select %or3A_750, %broadcast_in_dim3A_753, %broadcast_in_dim3A_754 : vector<16xi1>, vector<16xi32>
      %add3A_756 = arith.addi %add3A_739, %select_n3A_755 : vector<16xi32>
      %slice3A_757 = vector.extract_strided_slice %get3A_584 {offsets = [10], sizes = [1], strides = [1]} : vector<16xi32> to vector<1xi32>
      %squeeze3A_758 = vector.extract %slice3A_757[0] : i32 from vector<1xi32>
      %broadcast_in_dim3A_759 = vector.broadcast %squeeze3A_758 : i32 to vector<16xi32>
      %slice3A_760 = vector.extract_strided_slice %get3A_588 {offsets = [10], sizes = [1], strides = [1]} : vector<16xi32> to vector<1xi32>
      %squeeze3A_761 = vector.extract %slice3A_760[0] : i32 from vector<1xi32>
      %broadcast_in_dim3A_762 = vector.broadcast %squeeze3A_761 : i32 to vector<16xi32>
      %gt3A_763 = arith.cmpi sgt, %broadcast_in_dim3A_759, %select_n3A_471 : vector<16xi32>
      %eq3A_764 = arith.cmpi eq, %broadcast_in_dim3A_759, %select_n3A_471 : vector<16xi32>
      %lt3A_765 = arith.cmpi slt, %broadcast_in_dim3A_762, %select_n3A_476 : vector<16xi32>
      %and3A_766 = arith.andi %eq3A_764, %lt3A_765 : vector<16xi1>
      %or3A_767 = arith.ori %gt3A_763, %and3A_766 : vector<16xi1>
      %jit3A_768 = arith.constant 1 : i32
      %jit3A_769 = arith.constant 0 : i32
      %broadcast_in_dim3A_770 = vector.broadcast %jit3A_768 : i32 to vector<16xi32>
      %broadcast_in_dim3A_771 = vector.broadcast %jit3A_769 : i32 to vector<16xi32>
      %select_n3A_772 = arith.select %or3A_767, %broadcast_in_dim3A_770, %broadcast_in_dim3A_771 : vector<16xi1>, vector<16xi32>
      %add3A_773 = arith.addi %add3A_756, %select_n3A_772 : vector<16xi32>
      %slice3A_774 = vector.extract_strided_slice %get3A_584 {offsets = [11], sizes = [1], strides = [1]} : vector<16xi32> to vector<1xi32>
      %squeeze3A_775 = vector.extract %slice3A_774[0] : i32 from vector<1xi32>
      %broadcast_in_dim3A_776 = vector.broadcast %squeeze3A_775 : i32 to vector<16xi32>
      %slice3A_777 = vector.extract_strided_slice %get3A_588 {offsets = [11], sizes = [1], strides = [1]} : vector<16xi32> to vector<1xi32>
      %squeeze3A_778 = vector.extract %slice3A_777[0] : i32 from vector<1xi32>
      %broadcast_in_dim3A_779 = vector.broadcast %squeeze3A_778 : i32 to vector<16xi32>
      %gt3A_780 = arith.cmpi sgt, %broadcast_in_dim3A_776, %select_n3A_471 : vector<16xi32>
      %eq3A_781 = arith.cmpi eq, %broadcast_in_dim3A_776, %select_n3A_471 : vector<16xi32>
      %lt3A_782 = arith.cmpi slt, %broadcast_in_dim3A_779, %select_n3A_476 : vector<16xi32>
      %and3A_783 = arith.andi %eq3A_781, %lt3A_782 : vector<16xi1>
      %or3A_784 = arith.ori %gt3A_780, %and3A_783 : vector<16xi1>
      %jit3A_785 = arith.constant 1 : i32
      %jit3A_786 = arith.constant 0 : i32
      %broadcast_in_dim3A_787 = vector.broadcast %jit3A_785 : i32 to vector<16xi32>
      %broadcast_in_dim3A_788 = vector.broadcast %jit3A_786 : i32 to vector<16xi32>
      %select_n3A_789 = arith.select %or3A_784, %broadcast_in_dim3A_787, %broadcast_in_dim3A_788 : vector<16xi1>, vector<16xi32>
      %add3A_790 = arith.addi %add3A_773, %select_n3A_789 : vector<16xi32>
      %slice3A_791 = vector.extract_strided_slice %get3A_584 {offsets = [12], sizes = [1], strides = [1]} : vector<16xi32> to vector<1xi32>
      %squeeze3A_792 = vector.extract %slice3A_791[0] : i32 from vector<1xi32>
      %broadcast_in_dim3A_793 = vector.broadcast %squeeze3A_792 : i32 to vector<16xi32>
      %slice3A_794 = vector.extract_strided_slice %get3A_588 {offsets = [12], sizes = [1], strides = [1]} : vector<16xi32> to vector<1xi32>
      %squeeze3A_795 = vector.extract %slice3A_794[0] : i32 from vector<1xi32>
      %broadcast_in_dim3A_796 = vector.broadcast %squeeze3A_795 : i32 to vector<16xi32>
      %gt3A_797 = arith.cmpi sgt, %broadcast_in_dim3A_793, %select_n3A_471 : vector<16xi32>
      %eq3A_798 = arith.cmpi eq, %broadcast_in_dim3A_793, %select_n3A_471 : vector<16xi32>
      %lt3A_799 = arith.cmpi slt, %broadcast_in_dim3A_796, %select_n3A_476 : vector<16xi32>
      %and3A_800 = arith.andi %eq3A_798, %lt3A_799 : vector<16xi1>
      %or3A_801 = arith.ori %gt3A_797, %and3A_800 : vector<16xi1>
      %jit3A_802 = arith.constant 1 : i32
      %jit3A_803 = arith.constant 0 : i32
      %broadcast_in_dim3A_804 = vector.broadcast %jit3A_802 : i32 to vector<16xi32>
      %broadcast_in_dim3A_805 = vector.broadcast %jit3A_803 : i32 to vector<16xi32>
      %select_n3A_806 = arith.select %or3A_801, %broadcast_in_dim3A_804, %broadcast_in_dim3A_805 : vector<16xi1>, vector<16xi32>
      %add3A_807 = arith.addi %add3A_790, %select_n3A_806 : vector<16xi32>
      %slice3A_808 = vector.extract_strided_slice %get3A_584 {offsets = [13], sizes = [1], strides = [1]} : vector<16xi32> to vector<1xi32>
      %squeeze3A_809 = vector.extract %slice3A_808[0] : i32 from vector<1xi32>
      %broadcast_in_dim3A_810 = vector.broadcast %squeeze3A_809 : i32 to vector<16xi32>
      %slice3A_811 = vector.extract_strided_slice %get3A_588 {offsets = [13], sizes = [1], strides = [1]} : vector<16xi32> to vector<1xi32>
      %squeeze3A_812 = vector.extract %slice3A_811[0] : i32 from vector<1xi32>
      %broadcast_in_dim3A_813 = vector.broadcast %squeeze3A_812 : i32 to vector<16xi32>
      %gt3A_814 = arith.cmpi sgt, %broadcast_in_dim3A_810, %select_n3A_471 : vector<16xi32>
      %eq3A_815 = arith.cmpi eq, %broadcast_in_dim3A_810, %select_n3A_471 : vector<16xi32>
      %lt3A_816 = arith.cmpi slt, %broadcast_in_dim3A_813, %select_n3A_476 : vector<16xi32>
      %and3A_817 = arith.andi %eq3A_815, %lt3A_816 : vector<16xi1>
      %or3A_818 = arith.ori %gt3A_814, %and3A_817 : vector<16xi1>
      %jit3A_819 = arith.constant 1 : i32
      %jit3A_820 = arith.constant 0 : i32
      %broadcast_in_dim3A_821 = vector.broadcast %jit3A_819 : i32 to vector<16xi32>
      %broadcast_in_dim3A_822 = vector.broadcast %jit3A_820 : i32 to vector<16xi32>
      %select_n3A_823 = arith.select %or3A_818, %broadcast_in_dim3A_821, %broadcast_in_dim3A_822 : vector<16xi1>, vector<16xi32>
      %add3A_824 = arith.addi %add3A_807, %select_n3A_823 : vector<16xi32>
      %slice3A_825 = vector.extract_strided_slice %get3A_584 {offsets = [14], sizes = [1], strides = [1]} : vector<16xi32> to vector<1xi32>
      %squeeze3A_826 = vector.extract %slice3A_825[0] : i32 from vector<1xi32>
      %broadcast_in_dim3A_827 = vector.broadcast %squeeze3A_826 : i32 to vector<16xi32>
      %slice3A_828 = vector.extract_strided_slice %get3A_588 {offsets = [14], sizes = [1], strides = [1]} : vector<16xi32> to vector<1xi32>
      %squeeze3A_829 = vector.extract %slice3A_828[0] : i32 from vector<1xi32>
      %broadcast_in_dim3A_830 = vector.broadcast %squeeze3A_829 : i32 to vector<16xi32>
      %gt3A_831 = arith.cmpi sgt, %broadcast_in_dim3A_827, %select_n3A_471 : vector<16xi32>
      %eq3A_832 = arith.cmpi eq, %broadcast_in_dim3A_827, %select_n3A_471 : vector<16xi32>
      %lt3A_833 = arith.cmpi slt, %broadcast_in_dim3A_830, %select_n3A_476 : vector<16xi32>
      %and3A_834 = arith.andi %eq3A_832, %lt3A_833 : vector<16xi1>
      %or3A_835 = arith.ori %gt3A_831, %and3A_834 : vector<16xi1>
      %jit3A_836 = arith.constant 1 : i32
      %jit3A_837 = arith.constant 0 : i32
      %broadcast_in_dim3A_838 = vector.broadcast %jit3A_836 : i32 to vector<16xi32>
      %broadcast_in_dim3A_839 = vector.broadcast %jit3A_837 : i32 to vector<16xi32>
      %select_n3A_840 = arith.select %or3A_835, %broadcast_in_dim3A_838, %broadcast_in_dim3A_839 : vector<16xi1>, vector<16xi32>
      %add3A_841 = arith.addi %add3A_824, %select_n3A_840 : vector<16xi32>
      %slice3A_842 = vector.extract_strided_slice %get3A_584 {offsets = [15], sizes = [1], strides = [1]} : vector<16xi32> to vector<1xi32>
      %squeeze3A_843 = vector.extract %slice3A_842[0] : i32 from vector<1xi32>
      %broadcast_in_dim3A_844 = vector.broadcast %squeeze3A_843 : i32 to vector<16xi32>
      %slice3A_845 = vector.extract_strided_slice %get3A_588 {offsets = [15], sizes = [1], strides = [1]} : vector<16xi32> to vector<1xi32>
      %squeeze3A_846 = vector.extract %slice3A_845[0] : i32 from vector<1xi32>
      %broadcast_in_dim3A_847 = vector.broadcast %squeeze3A_846 : i32 to vector<16xi32>
      %gt3A_848 = arith.cmpi sgt, %broadcast_in_dim3A_844, %select_n3A_471 : vector<16xi32>
      %eq3A_849 = arith.cmpi eq, %broadcast_in_dim3A_844, %select_n3A_471 : vector<16xi32>
      %lt3A_850 = arith.cmpi slt, %broadcast_in_dim3A_847, %select_n3A_476 : vector<16xi32>
      %and3A_851 = arith.andi %eq3A_849, %lt3A_850 : vector<16xi1>
      %or3A_852 = arith.ori %gt3A_848, %and3A_851 : vector<16xi1>
      %jit3A_853 = arith.constant 1 : i32
      %jit3A_854 = arith.constant 0 : i32
      %broadcast_in_dim3A_855 = vector.broadcast %jit3A_853 : i32 to vector<16xi32>
      %broadcast_in_dim3A_856 = vector.broadcast %jit3A_854 : i32 to vector<16xi32>
      %select_n3A_857 = arith.select %or3A_852, %broadcast_in_dim3A_855, %broadcast_in_dim3A_856 : vector<16xi1>, vector<16xi32>
      %add3A_858 = arith.addi %add3A_841, %select_n3A_857 : vector<16xi32>
      scf.yield %add3A_858 : vector<16xi32>
    }
    %lt3A_512 = arith.constant 300 : i32
    %lt3A_513 = vector.broadcast %lt3A_512 : i32 to vector<16xi32>
    %lt3A_514 = arith.cmpi slt, %while3A_511, %lt3A_513 : vector<16xi32>
    %and3A_515 = arith.andi %lt3A_514, %lt3A_466 : vector<16xi1>
    tpu.vector_store_idx %arg15[%while3A_511], %select_n3A_471 masked %and3A_515 : memref<320xi32, #tpu.memory_space<vmem>>[vector<16xi32>], vector<16xi32>, vector<16xi1>
    tpu.vector_store_idx %arg16[%while3A_511], %select_n3A_476 masked %and3A_515 : memref<320xi32, #tpu.memory_space<vmem>>[vector<16xi32>], vector<16xi32>, vector<16xi1>
    %mul3A_516 = arith.constant 16 : i32
    %mul3A_517 = arith.muli %arg1, %mul3A_516 : i32
    %add3A_518 = arith.constant 768 : i32
    %add3A_519 = arith.addi %mul3A_517, %add3A_518 : i32
    %multiple_of3A_520 = tpu.assume_multiple %add3A_519, 16 : i32
    %broadcast_in_dim3A_521 = vector.broadcast %multiple_of3A_520 : i32 to vector<16xi32>
    %add3A_522 = arith.addi %broadcast_in_dim3A_521, %iota3A : vector<16xi32>
    %lt3A_523 = arith.cmpi slt, %add3A_522, %broadcast_in_dim3A_345 : vector<16xi32>
    %get3A_524 = arith.index_cast %multiple_of3A_520 : i32 to index
    %get3A_525 = tpu.vector_load %arg13[%get3A_524] {strides = array<i32>} : memref<1024xi32, #tpu.memory_space<vmem>>, vector<16xi32>,
    %jit3A_526 = arith.constant 0 : i32
    %broadcast_in_dim3A_527 = vector.broadcast %jit3A_526 : i32 to vector<16xi32>
    %select_n3A_528 = arith.select %lt3A_523, %get3A_525, %broadcast_in_dim3A_527 : vector<16xi1>, vector<16xi32>
    %get3A_529 = arith.index_cast %multiple_of3A_520 : i32 to index
    %get3A_530 = tpu.vector_load %arg14[%get3A_529] {strides = array<i32>} : memref<1024xi32, #tpu.memory_space<vmem>>, vector<16xi32>,
    %jit3A_531 = arith.constant 0 : i32
    %broadcast_in_dim3A_532 = vector.broadcast %jit3A_531 : i32 to vector<16xi32>
    %select_n3A_533 = arith.select %lt3A_523, %get3A_530, %broadcast_in_dim3A_532 : vector<16xi1>, vector<16xi32>
    %jit3A_534 = arith.constant 16 : i32
    %div3A_535 = arith.divsi %min3A_338, %jit3A_534 : i32
    %sign3A_536 = arith.constant 0 : i32
    %sign3A_537 = arith.cmpi sgt, %min3A_338, %sign3A_536 : i32
    %sign3A_538 = arith.extui %sign3A_537 : i1 to i32
    %sign3A_539 = arith.constant 0 : i32
    %sign3A_540 = arith.cmpi slt, %min3A_338, %sign3A_539 : i32
    %sign3A_541 = arith.extui %sign3A_540 : i1 to i32
    %sign3A_542 = arith.subi %sign3A_538, %sign3A_541 : i32
    %sign3A_543 = arith.constant 0 : i32
    %sign3A_544 = arith.cmpi sgt, %jit3A_534, %sign3A_543 : i32
    %sign3A_545 = arith.extui %sign3A_544 : i1 to i32
    %sign3A_546 = arith.constant 0 : i32
    %sign3A_547 = arith.cmpi slt, %jit3A_534, %sign3A_546 : i32
    %sign3A_548 = arith.extui %sign3A_547 : i1 to i32
    %sign3A_549 = arith.subi %sign3A_545, %sign3A_548 : i32
    %ne3A_550 = arith.cmpi ne, %sign3A_542, %sign3A_549 : i32
    %rem3A_551 = arith.remsi %min3A_338, %jit3A_534 : i32
    %ne3A_552 = arith.constant 0 : i32
    %ne3A_553 = arith.cmpi ne, %rem3A_551, %ne3A_552 : i32
    %and3A_554 = arith.andi %ne3A_550, %ne3A_553 : i1
    %sub3A_555 = arith.constant 1 : i32
    %sub3A_556 = arith.subi %div3A_535, %sub3A_555 : i32
    %select_n3A_557 = arith.select %and3A_554, %sub3A_556, %div3A_535 : i32
    %while3A_558 = arith.constant 0 : i32
    %while3A_559 = arith.subi %select_n3A_557, %while3A_558 : i32
    %while3A_560 = arith.addi %while3A_558, %while3A_559 : i32
    %while3A_561 = arith.constant 1 : i32
    %while3A_562 = arith.divsi %while3A_559, %while3A_561 : i32
    %while3A_563 = arith.muli %while3A_562, %while3A_561 : i32
    %while3A_564 = arith.addi %while3A_558, %while3A_563 : i32
    %while3A_565 = arith.constant 1 : i32
    %while3A_566 = scf.for %while3A_579 = %while3A_558 to %while3A_564 step %while3A_565 iter_args(%while3A_580 = %broadcast_in_dim3A_3) -> (vector<16xi32>)  : i32 {
      %mul3A_581 = arith.constant 16 : i32
      %mul3A_582 = arith.muli %while3A_579, %mul3A_581 : i32
      %get3A_583 = arith.index_cast %mul3A_582 : i32 to index
      %get3A_584 = tpu.vector_load %arg13[%get3A_583] {strides = array<i32>} : memref<1024xi32, #tpu.memory_space<vmem>>, vector<16xi32>,
      %mul3A_585 = arith.constant 16 : i32
      %mul3A_586 = arith.muli %while3A_579, %mul3A_585 : i32
      %get3A_587 = arith.index_cast %mul3A_586 : i32 to index
      %get3A_588 = tpu.vector_load %arg14[%get3A_587] {strides = array<i32>} : memref<1024xi32, #tpu.memory_space<vmem>>, vector<16xi32>,
      %slice3A = vector.extract_strided_slice %get3A_584 {offsets = [0], sizes = [1], strides = [1]} : vector<16xi32> to vector<1xi32>
      %squeeze3A = vector.extract %slice3A[0] : i32 from vector<1xi32>
      %broadcast_in_dim3A_589 = vector.broadcast %squeeze3A : i32 to vector<16xi32>
      %slice3A_590 = vector.extract_strided_slice %get3A_588 {offsets = [0], sizes = [1], strides = [1]} : vector<16xi32> to vector<1xi32>
      %squeeze3A_591 = vector.extract %slice3A_590[0] : i32 from vector<1xi32>
      %broadcast_in_dim3A_592 = vector.broadcast %squeeze3A_591 : i32 to vector<16xi32>
      %gt3A_593 = arith.cmpi sgt, %broadcast_in_dim3A_589, %select_n3A_528 : vector<16xi32>
      %eq3A_594 = arith.cmpi eq, %broadcast_in_dim3A_589, %select_n3A_528 : vector<16xi32>
      %lt3A_595 = arith.cmpi slt, %broadcast_in_dim3A_592, %select_n3A_533 : vector<16xi32>
      %and3A_596 = arith.andi %eq3A_594, %lt3A_595 : vector<16xi1>
      %or3A_597 = arith.ori %gt3A_593, %and3A_596 : vector<16xi1>
      %jit3A_598 = arith.constant 1 : i32
      %jit3A_599 = arith.constant 0 : i32
      %broadcast_in_dim3A_600 = vector.broadcast %jit3A_598 : i32 to vector<16xi32>
      %broadcast_in_dim3A_601 = vector.broadcast %jit3A_599 : i32 to vector<16xi32>
      %select_n3A_602 = arith.select %or3A_597, %broadcast_in_dim3A_600, %broadcast_in_dim3A_601 : vector<16xi1>, vector<16xi32>
      %add3A_603 = arith.addi %while3A_580, %select_n3A_602 : vector<16xi32>
      %slice3A_604 = vector.extract_strided_slice %get3A_584 {offsets = [1], sizes = [1], strides = [1]} : vector<16xi32> to vector<1xi32>
      %squeeze3A_605 = vector.extract %slice3A_604[0] : i32 from vector<1xi32>
      %broadcast_in_dim3A_606 = vector.broadcast %squeeze3A_605 : i32 to vector<16xi32>
      %slice3A_607 = vector.extract_strided_slice %get3A_588 {offsets = [1], sizes = [1], strides = [1]} : vector<16xi32> to vector<1xi32>
      %squeeze3A_608 = vector.extract %slice3A_607[0] : i32 from vector<1xi32>
      %broadcast_in_dim3A_609 = vector.broadcast %squeeze3A_608 : i32 to vector<16xi32>
      %gt3A_610 = arith.cmpi sgt, %broadcast_in_dim3A_606, %select_n3A_528 : vector<16xi32>
      %eq3A_611 = arith.cmpi eq, %broadcast_in_dim3A_606, %select_n3A_528 : vector<16xi32>
      %lt3A_612 = arith.cmpi slt, %broadcast_in_dim3A_609, %select_n3A_533 : vector<16xi32>
      %and3A_613 = arith.andi %eq3A_611, %lt3A_612 : vector<16xi1>
      %or3A_614 = arith.ori %gt3A_610, %and3A_613 : vector<16xi1>
      %jit3A_615 = arith.constant 1 : i32
      %jit3A_616 = arith.constant 0 : i32
      %broadcast_in_dim3A_617 = vector.broadcast %jit3A_615 : i32 to vector<16xi32>
      %broadcast_in_dim3A_618 = vector.broadcast %jit3A_616 : i32 to vector<16xi32>
      %select_n3A_619 = arith.select %or3A_614, %broadcast_in_dim3A_617, %broadcast_in_dim3A_618 : vector<16xi1>, vector<16xi32>
      %add3A_620 = arith.addi %add3A_603, %select_n3A_619 : vector<16xi32>
      %slice3A_621 = vector.extract_strided_slice %get3A_584 {offsets = [2], sizes = [1], strides = [1]} : vector<16xi32> to vector<1xi32>
      %squeeze3A_622 = vector.extract %slice3A_621[0] : i32 from vector<1xi32>
      %broadcast_in_dim3A_623 = vector.broadcast %squeeze3A_622 : i32 to vector<16xi32>
      %slice3A_624 = vector.extract_strided_slice %get3A_588 {offsets = [2], sizes = [1], strides = [1]} : vector<16xi32> to vector<1xi32>
      %squeeze3A_625 = vector.extract %slice3A_624[0] : i32 from vector<1xi32>
      %broadcast_in_dim3A_626 = vector.broadcast %squeeze3A_625 : i32 to vector<16xi32>
      %gt3A_627 = arith.cmpi sgt, %broadcast_in_dim3A_623, %select_n3A_528 : vector<16xi32>
      %eq3A_628 = arith.cmpi eq, %broadcast_in_dim3A_623, %select_n3A_528 : vector<16xi32>
      %lt3A_629 = arith.cmpi slt, %broadcast_in_dim3A_626, %select_n3A_533 : vector<16xi32>
      %and3A_630 = arith.andi %eq3A_628, %lt3A_629 : vector<16xi1>
      %or3A_631 = arith.ori %gt3A_627, %and3A_630 : vector<16xi1>
      %jit3A_632 = arith.constant 1 : i32
      %jit3A_633 = arith.constant 0 : i32
      %broadcast_in_dim3A_634 = vector.broadcast %jit3A_632 : i32 to vector<16xi32>
      %broadcast_in_dim3A_635 = vector.broadcast %jit3A_633 : i32 to vector<16xi32>
      %select_n3A_636 = arith.select %or3A_631, %broadcast_in_dim3A_634, %broadcast_in_dim3A_635 : vector<16xi1>, vector<16xi32>
      %add3A_637 = arith.addi %add3A_620, %select_n3A_636 : vector<16xi32>
      %slice3A_638 = vector.extract_strided_slice %get3A_584 {offsets = [3], sizes = [1], strides = [1]} : vector<16xi32> to vector<1xi32>
      %squeeze3A_639 = vector.extract %slice3A_638[0] : i32 from vector<1xi32>
      %broadcast_in_dim3A_640 = vector.broadcast %squeeze3A_639 : i32 to vector<16xi32>
      %slice3A_641 = vector.extract_strided_slice %get3A_588 {offsets = [3], sizes = [1], strides = [1]} : vector<16xi32> to vector<1xi32>
      %squeeze3A_642 = vector.extract %slice3A_641[0] : i32 from vector<1xi32>
      %broadcast_in_dim3A_643 = vector.broadcast %squeeze3A_642 : i32 to vector<16xi32>
      %gt3A_644 = arith.cmpi sgt, %broadcast_in_dim3A_640, %select_n3A_528 : vector<16xi32>
      %eq3A_645 = arith.cmpi eq, %broadcast_in_dim3A_640, %select_n3A_528 : vector<16xi32>
      %lt3A_646 = arith.cmpi slt, %broadcast_in_dim3A_643, %select_n3A_533 : vector<16xi32>
      %and3A_647 = arith.andi %eq3A_645, %lt3A_646 : vector<16xi1>
      %or3A_648 = arith.ori %gt3A_644, %and3A_647 : vector<16xi1>
      %jit3A_649 = arith.constant 1 : i32
      %jit3A_650 = arith.constant 0 : i32
      %broadcast_in_dim3A_651 = vector.broadcast %jit3A_649 : i32 to vector<16xi32>
      %broadcast_in_dim3A_652 = vector.broadcast %jit3A_650 : i32 to vector<16xi32>
      %select_n3A_653 = arith.select %or3A_648, %broadcast_in_dim3A_651, %broadcast_in_dim3A_652 : vector<16xi1>, vector<16xi32>
      %add3A_654 = arith.addi %add3A_637, %select_n3A_653 : vector<16xi32>
      %slice3A_655 = vector.extract_strided_slice %get3A_584 {offsets = [4], sizes = [1], strides = [1]} : vector<16xi32> to vector<1xi32>
      %squeeze3A_656 = vector.extract %slice3A_655[0] : i32 from vector<1xi32>
      %broadcast_in_dim3A_657 = vector.broadcast %squeeze3A_656 : i32 to vector<16xi32>
      %slice3A_658 = vector.extract_strided_slice %get3A_588 {offsets = [4], sizes = [1], strides = [1]} : vector<16xi32> to vector<1xi32>
      %squeeze3A_659 = vector.extract %slice3A_658[0] : i32 from vector<1xi32>
      %broadcast_in_dim3A_660 = vector.broadcast %squeeze3A_659 : i32 to vector<16xi32>
      %gt3A_661 = arith.cmpi sgt, %broadcast_in_dim3A_657, %select_n3A_528 : vector<16xi32>
      %eq3A_662 = arith.cmpi eq, %broadcast_in_dim3A_657, %select_n3A_528 : vector<16xi32>
      %lt3A_663 = arith.cmpi slt, %broadcast_in_dim3A_660, %select_n3A_533 : vector<16xi32>
      %and3A_664 = arith.andi %eq3A_662, %lt3A_663 : vector<16xi1>
      %or3A_665 = arith.ori %gt3A_661, %and3A_664 : vector<16xi1>
      %jit3A_666 = arith.constant 1 : i32
      %jit3A_667 = arith.constant 0 : i32
      %broadcast_in_dim3A_668 = vector.broadcast %jit3A_666 : i32 to vector<16xi32>
      %broadcast_in_dim3A_669 = vector.broadcast %jit3A_667 : i32 to vector<16xi32>
      %select_n3A_670 = arith.select %or3A_665, %broadcast_in_dim3A_668, %broadcast_in_dim3A_669 : vector<16xi1>, vector<16xi32>
      %add3A_671 = arith.addi %add3A_654, %select_n3A_670 : vector<16xi32>
      %slice3A_672 = vector.extract_strided_slice %get3A_584 {offsets = [5], sizes = [1], strides = [1]} : vector<16xi32> to vector<1xi32>
      %squeeze3A_673 = vector.extract %slice3A_672[0] : i32 from vector<1xi32>
      %broadcast_in_dim3A_674 = vector.broadcast %squeeze3A_673 : i32 to vector<16xi32>
      %slice3A_675 = vector.extract_strided_slice %get3A_588 {offsets = [5], sizes = [1], strides = [1]} : vector<16xi32> to vector<1xi32>
      %squeeze3A_676 = vector.extract %slice3A_675[0] : i32 from vector<1xi32>
      %broadcast_in_dim3A_677 = vector.broadcast %squeeze3A_676 : i32 to vector<16xi32>
      %gt3A_678 = arith.cmpi sgt, %broadcast_in_dim3A_674, %select_n3A_528 : vector<16xi32>
      %eq3A_679 = arith.cmpi eq, %broadcast_in_dim3A_674, %select_n3A_528 : vector<16xi32>
      %lt3A_680 = arith.cmpi slt, %broadcast_in_dim3A_677, %select_n3A_533 : vector<16xi32>
      %and3A_681 = arith.andi %eq3A_679, %lt3A_680 : vector<16xi1>
      %or3A_682 = arith.ori %gt3A_678, %and3A_681 : vector<16xi1>
      %jit3A_683 = arith.constant 1 : i32
      %jit3A_684 = arith.constant 0 : i32
      %broadcast_in_dim3A_685 = vector.broadcast %jit3A_683 : i32 to vector<16xi32>
      %broadcast_in_dim3A_686 = vector.broadcast %jit3A_684 : i32 to vector<16xi32>
      %select_n3A_687 = arith.select %or3A_682, %broadcast_in_dim3A_685, %broadcast_in_dim3A_686 : vector<16xi1>, vector<16xi32>
      %add3A_688 = arith.addi %add3A_671, %select_n3A_687 : vector<16xi32>
      %slice3A_689 = vector.extract_strided_slice %get3A_584 {offsets = [6], sizes = [1], strides = [1]} : vector<16xi32> to vector<1xi32>
      %squeeze3A_690 = vector.extract %slice3A_689[0] : i32 from vector<1xi32>
      %broadcast_in_dim3A_691 = vector.broadcast %squeeze3A_690 : i32 to vector<16xi32>
      %slice3A_692 = vector.extract_strided_slice %get3A_588 {offsets = [6], sizes = [1], strides = [1]} : vector<16xi32> to vector<1xi32>
      %squeeze3A_693 = vector.extract %slice3A_692[0] : i32 from vector<1xi32>
      %broadcast_in_dim3A_694 = vector.broadcast %squeeze3A_693 : i32 to vector<16xi32>
      %gt3A_695 = arith.cmpi sgt, %broadcast_in_dim3A_691, %select_n3A_528 : vector<16xi32>
      %eq3A_696 = arith.cmpi eq, %broadcast_in_dim3A_691, %select_n3A_528 : vector<16xi32>
      %lt3A_697 = arith.cmpi slt, %broadcast_in_dim3A_694, %select_n3A_533 : vector<16xi32>
      %and3A_698 = arith.andi %eq3A_696, %lt3A_697 : vector<16xi1>
      %or3A_699 = arith.ori %gt3A_695, %and3A_698 : vector<16xi1>
      %jit3A_700 = arith.constant 1 : i32
      %jit3A_701 = arith.constant 0 : i32
      %broadcast_in_dim3A_702 = vector.broadcast %jit3A_700 : i32 to vector<16xi32>
      %broadcast_in_dim3A_703 = vector.broadcast %jit3A_701 : i32 to vector<16xi32>
      %select_n3A_704 = arith.select %or3A_699, %broadcast_in_dim3A_702, %broadcast_in_dim3A_703 : vector<16xi1>, vector<16xi32>
      %add3A_705 = arith.addi %add3A_688, %select_n3A_704 : vector<16xi32>
      %slice3A_706 = vector.extract_strided_slice %get3A_584 {offsets = [7], sizes = [1], strides = [1]} : vector<16xi32> to vector<1xi32>
      %squeeze3A_707 = vector.extract %slice3A_706[0] : i32 from vector<1xi32>
      %broadcast_in_dim3A_708 = vector.broadcast %squeeze3A_707 : i32 to vector<16xi32>
      %slice3A_709 = vector.extract_strided_slice %get3A_588 {offsets = [7], sizes = [1], strides = [1]} : vector<16xi32> to vector<1xi32>
      %squeeze3A_710 = vector.extract %slice3A_709[0] : i32 from vector<1xi32>
      %broadcast_in_dim3A_711 = vector.broadcast %squeeze3A_710 : i32 to vector<16xi32>
      %gt3A_712 = arith.cmpi sgt, %broadcast_in_dim3A_708, %select_n3A_528 : vector<16xi32>
      %eq3A_713 = arith.cmpi eq, %broadcast_in_dim3A_708, %select_n3A_528 : vector<16xi32>
      %lt3A_714 = arith.cmpi slt, %broadcast_in_dim3A_711, %select_n3A_533 : vector<16xi32>
      %and3A_715 = arith.andi %eq3A_713, %lt3A_714 : vector<16xi1>
      %or3A_716 = arith.ori %gt3A_712, %and3A_715 : vector<16xi1>
      %jit3A_717 = arith.constant 1 : i32
      %jit3A_718 = arith.constant 0 : i32
      %broadcast_in_dim3A_719 = vector.broadcast %jit3A_717 : i32 to vector<16xi32>
      %broadcast_in_dim3A_720 = vector.broadcast %jit3A_718 : i32 to vector<16xi32>
      %select_n3A_721 = arith.select %or3A_716, %broadcast_in_dim3A_719, %broadcast_in_dim3A_720 : vector<16xi1>, vector<16xi32>
      %add3A_722 = arith.addi %add3A_705, %select_n3A_721 : vector<16xi32>
      %slice3A_723 = vector.extract_strided_slice %get3A_584 {offsets = [8], sizes = [1], strides = [1]} : vector<16xi32> to vector<1xi32>
      %squeeze3A_724 = vector.extract %slice3A_723[0] : i32 from vector<1xi32>
      %broadcast_in_dim3A_725 = vector.broadcast %squeeze3A_724 : i32 to vector<16xi32>
      %slice3A_726 = vector.extract_strided_slice %get3A_588 {offsets = [8], sizes = [1], strides = [1]} : vector<16xi32> to vector<1xi32>
      %squeeze3A_727 = vector.extract %slice3A_726[0] : i32 from vector<1xi32>
      %broadcast_in_dim3A_728 = vector.broadcast %squeeze3A_727 : i32 to vector<16xi32>
      %gt3A_729 = arith.cmpi sgt, %broadcast_in_dim3A_725, %select_n3A_528 : vector<16xi32>
      %eq3A_730 = arith.cmpi eq, %broadcast_in_dim3A_725, %select_n3A_528 : vector<16xi32>
      %lt3A_731 = arith.cmpi slt, %broadcast_in_dim3A_728, %select_n3A_533 : vector<16xi32>
      %and3A_732 = arith.andi %eq3A_730, %lt3A_731 : vector<16xi1>
      %or3A_733 = arith.ori %gt3A_729, %and3A_732 : vector<16xi1>
      %jit3A_734 = arith.constant 1 : i32
      %jit3A_735 = arith.constant 0 : i32
      %broadcast_in_dim3A_736 = vector.broadcast %jit3A_734 : i32 to vector<16xi32>
      %broadcast_in_dim3A_737 = vector.broadcast %jit3A_735 : i32 to vector<16xi32>
      %select_n3A_738 = arith.select %or3A_733, %broadcast_in_dim3A_736, %broadcast_in_dim3A_737 : vector<16xi1>, vector<16xi32>
      %add3A_739 = arith.addi %add3A_722, %select_n3A_738 : vector<16xi32>
      %slice3A_740 = vector.extract_strided_slice %get3A_584 {offsets = [9], sizes = [1], strides = [1]} : vector<16xi32> to vector<1xi32>
      %squeeze3A_741 = vector.extract %slice3A_740[0] : i32 from vector<1xi32>
      %broadcast_in_dim3A_742 = vector.broadcast %squeeze3A_741 : i32 to vector<16xi32>
      %slice3A_743 = vector.extract_strided_slice %get3A_588 {offsets = [9], sizes = [1], strides = [1]} : vector<16xi32> to vector<1xi32>
      %squeeze3A_744 = vector.extract %slice3A_743[0] : i32 from vector<1xi32>
      %broadcast_in_dim3A_745 = vector.broadcast %squeeze3A_744 : i32 to vector<16xi32>
      %gt3A_746 = arith.cmpi sgt, %broadcast_in_dim3A_742, %select_n3A_528 : vector<16xi32>
      %eq3A_747 = arith.cmpi eq, %broadcast_in_dim3A_742, %select_n3A_528 : vector<16xi32>
      %lt3A_748 = arith.cmpi slt, %broadcast_in_dim3A_745, %select_n3A_533 : vector<16xi32>
      %and3A_749 = arith.andi %eq3A_747, %lt3A_748 : vector<16xi1>
      %or3A_750 = arith.ori %gt3A_746, %and3A_749 : vector<16xi1>
      %jit3A_751 = arith.constant 1 : i32
      %jit3A_752 = arith.constant 0 : i32
      %broadcast_in_dim3A_753 = vector.broadcast %jit3A_751 : i32 to vector<16xi32>
      %broadcast_in_dim3A_754 = vector.broadcast %jit3A_752 : i32 to vector<16xi32>
      %select_n3A_755 = arith.select %or3A_750, %broadcast_in_dim3A_753, %broadcast_in_dim3A_754 : vector<16xi1>, vector<16xi32>
      %add3A_756 = arith.addi %add3A_739, %select_n3A_755 : vector<16xi32>
      %slice3A_757 = vector.extract_strided_slice %get3A_584 {offsets = [10], sizes = [1], strides = [1]} : vector<16xi32> to vector<1xi32>
      %squeeze3A_758 = vector.extract %slice3A_757[0] : i32 from vector<1xi32>
      %broadcast_in_dim3A_759 = vector.broadcast %squeeze3A_758 : i32 to vector<16xi32>
      %slice3A_760 = vector.extract_strided_slice %get3A_588 {offsets = [10], sizes = [1], strides = [1]} : vector<16xi32> to vector<1xi32>
      %squeeze3A_761 = vector.extract %slice3A_760[0] : i32 from vector<1xi32>
      %broadcast_in_dim3A_762 = vector.broadcast %squeeze3A_761 : i32 to vector<16xi32>
      %gt3A_763 = arith.cmpi sgt, %broadcast_in_dim3A_759, %select_n3A_528 : vector<16xi32>
      %eq3A_764 = arith.cmpi eq, %broadcast_in_dim3A_759, %select_n3A_528 : vector<16xi32>
      %lt3A_765 = arith.cmpi slt, %broadcast_in_dim3A_762, %select_n3A_533 : vector<16xi32>
      %and3A_766 = arith.andi %eq3A_764, %lt3A_765 : vector<16xi1>
      %or3A_767 = arith.ori %gt3A_763, %and3A_766 : vector<16xi1>
      %jit3A_768 = arith.constant 1 : i32
      %jit3A_769 = arith.constant 0 : i32
      %broadcast_in_dim3A_770 = vector.broadcast %jit3A_768 : i32 to vector<16xi32>
      %broadcast_in_dim3A_771 = vector.broadcast %jit3A_769 : i32 to vector<16xi32>
      %select_n3A_772 = arith.select %or3A_767, %broadcast_in_dim3A_770, %broadcast_in_dim3A_771 : vector<16xi1>, vector<16xi32>
      %add3A_773 = arith.addi %add3A_756, %select_n3A_772 : vector<16xi32>
      %slice3A_774 = vector.extract_strided_slice %get3A_584 {offsets = [11], sizes = [1], strides = [1]} : vector<16xi32> to vector<1xi32>
      %squeeze3A_775 = vector.extract %slice3A_774[0] : i32 from vector<1xi32>
      %broadcast_in_dim3A_776 = vector.broadcast %squeeze3A_775 : i32 to vector<16xi32>
      %slice3A_777 = vector.extract_strided_slice %get3A_588 {offsets = [11], sizes = [1], strides = [1]} : vector<16xi32> to vector<1xi32>
      %squeeze3A_778 = vector.extract %slice3A_777[0] : i32 from vector<1xi32>
      %broadcast_in_dim3A_779 = vector.broadcast %squeeze3A_778 : i32 to vector<16xi32>
      %gt3A_780 = arith.cmpi sgt, %broadcast_in_dim3A_776, %select_n3A_528 : vector<16xi32>
      %eq3A_781 = arith.cmpi eq, %broadcast_in_dim3A_776, %select_n3A_528 : vector<16xi32>
      %lt3A_782 = arith.cmpi slt, %broadcast_in_dim3A_779, %select_n3A_533 : vector<16xi32>
      %and3A_783 = arith.andi %eq3A_781, %lt3A_782 : vector<16xi1>
      %or3A_784 = arith.ori %gt3A_780, %and3A_783 : vector<16xi1>
      %jit3A_785 = arith.constant 1 : i32
      %jit3A_786 = arith.constant 0 : i32
      %broadcast_in_dim3A_787 = vector.broadcast %jit3A_785 : i32 to vector<16xi32>
      %broadcast_in_dim3A_788 = vector.broadcast %jit3A_786 : i32 to vector<16xi32>
      %select_n3A_789 = arith.select %or3A_784, %broadcast_in_dim3A_787, %broadcast_in_dim3A_788 : vector<16xi1>, vector<16xi32>
      %add3A_790 = arith.addi %add3A_773, %select_n3A_789 : vector<16xi32>
      %slice3A_791 = vector.extract_strided_slice %get3A_584 {offsets = [12], sizes = [1], strides = [1]} : vector<16xi32> to vector<1xi32>
      %squeeze3A_792 = vector.extract %slice3A_791[0] : i32 from vector<1xi32>
      %broadcast_in_dim3A_793 = vector.broadcast %squeeze3A_792 : i32 to vector<16xi32>
      %slice3A_794 = vector.extract_strided_slice %get3A_588 {offsets = [12], sizes = [1], strides = [1]} : vector<16xi32> to vector<1xi32>
      %squeeze3A_795 = vector.extract %slice3A_794[0] : i32 from vector<1xi32>
      %broadcast_in_dim3A_796 = vector.broadcast %squeeze3A_795 : i32 to vector<16xi32>
      %gt3A_797 = arith.cmpi sgt, %broadcast_in_dim3A_793, %select_n3A_528 : vector<16xi32>
      %eq3A_798 = arith.cmpi eq, %broadcast_in_dim3A_793, %select_n3A_528 : vector<16xi32>
      %lt3A_799 = arith.cmpi slt, %broadcast_in_dim3A_796, %select_n3A_533 : vector<16xi32>
      %and3A_800 = arith.andi %eq3A_798, %lt3A_799 : vector<16xi1>
      %or3A_801 = arith.ori %gt3A_797, %and3A_800 : vector<16xi1>
      %jit3A_802 = arith.constant 1 : i32
      %jit3A_803 = arith.constant 0 : i32
      %broadcast_in_dim3A_804 = vector.broadcast %jit3A_802 : i32 to vector<16xi32>
      %broadcast_in_dim3A_805 = vector.broadcast %jit3A_803 : i32 to vector<16xi32>
      %select_n3A_806 = arith.select %or3A_801, %broadcast_in_dim3A_804, %broadcast_in_dim3A_805 : vector<16xi1>, vector<16xi32>
      %add3A_807 = arith.addi %add3A_790, %select_n3A_806 : vector<16xi32>
      %slice3A_808 = vector.extract_strided_slice %get3A_584 {offsets = [13], sizes = [1], strides = [1]} : vector<16xi32> to vector<1xi32>
      %squeeze3A_809 = vector.extract %slice3A_808[0] : i32 from vector<1xi32>
      %broadcast_in_dim3A_810 = vector.broadcast %squeeze3A_809 : i32 to vector<16xi32>
      %slice3A_811 = vector.extract_strided_slice %get3A_588 {offsets = [13], sizes = [1], strides = [1]} : vector<16xi32> to vector<1xi32>
      %squeeze3A_812 = vector.extract %slice3A_811[0] : i32 from vector<1xi32>
      %broadcast_in_dim3A_813 = vector.broadcast %squeeze3A_812 : i32 to vector<16xi32>
      %gt3A_814 = arith.cmpi sgt, %broadcast_in_dim3A_810, %select_n3A_528 : vector<16xi32>
      %eq3A_815 = arith.cmpi eq, %broadcast_in_dim3A_810, %select_n3A_528 : vector<16xi32>
      %lt3A_816 = arith.cmpi slt, %broadcast_in_dim3A_813, %select_n3A_533 : vector<16xi32>
      %and3A_817 = arith.andi %eq3A_815, %lt3A_816 : vector<16xi1>
      %or3A_818 = arith.ori %gt3A_814, %and3A_817 : vector<16xi1>
      %jit3A_819 = arith.constant 1 : i32
      %jit3A_820 = arith.constant 0 : i32
      %broadcast_in_dim3A_821 = vector.broadcast %jit3A_819 : i32 to vector<16xi32>
      %broadcast_in_dim3A_822 = vector.broadcast %jit3A_820 : i32 to vector<16xi32>
      %select_n3A_823 = arith.select %or3A_818, %broadcast_in_dim3A_821, %broadcast_in_dim3A_822 : vector<16xi1>, vector<16xi32>
      %add3A_824 = arith.addi %add3A_807, %select_n3A_823 : vector<16xi32>
      %slice3A_825 = vector.extract_strided_slice %get3A_584 {offsets = [14], sizes = [1], strides = [1]} : vector<16xi32> to vector<1xi32>
      %squeeze3A_826 = vector.extract %slice3A_825[0] : i32 from vector<1xi32>
      %broadcast_in_dim3A_827 = vector.broadcast %squeeze3A_826 : i32 to vector<16xi32>
      %slice3A_828 = vector.extract_strided_slice %get3A_588 {offsets = [14], sizes = [1], strides = [1]} : vector<16xi32> to vector<1xi32>
      %squeeze3A_829 = vector.extract %slice3A_828[0] : i32 from vector<1xi32>
      %broadcast_in_dim3A_830 = vector.broadcast %squeeze3A_829 : i32 to vector<16xi32>
      %gt3A_831 = arith.cmpi sgt, %broadcast_in_dim3A_827, %select_n3A_528 : vector<16xi32>
      %eq3A_832 = arith.cmpi eq, %broadcast_in_dim3A_827, %select_n3A_528 : vector<16xi32>
      %lt3A_833 = arith.cmpi slt, %broadcast_in_dim3A_830, %select_n3A_533 : vector<16xi32>
      %and3A_834 = arith.andi %eq3A_832, %lt3A_833 : vector<16xi1>
      %or3A_835 = arith.ori %gt3A_831, %and3A_834 : vector<16xi1>
      %jit3A_836 = arith.constant 1 : i32
      %jit3A_837 = arith.constant 0 : i32
      %broadcast_in_dim3A_838 = vector.broadcast %jit3A_836 : i32 to vector<16xi32>
      %broadcast_in_dim3A_839 = vector.broadcast %jit3A_837 : i32 to vector<16xi32>
      %select_n3A_840 = arith.select %or3A_835, %broadcast_in_dim3A_838, %broadcast_in_dim3A_839 : vector<16xi1>, vector<16xi32>
      %add3A_841 = arith.addi %add3A_824, %select_n3A_840 : vector<16xi32>
      %slice3A_842 = vector.extract_strided_slice %get3A_584 {offsets = [15], sizes = [1], strides = [1]} : vector<16xi32> to vector<1xi32>
      %squeeze3A_843 = vector.extract %slice3A_842[0] : i32 from vector<1xi32>
      %broadcast_in_dim3A_844 = vector.broadcast %squeeze3A_843 : i32 to vector<16xi32>
      %slice3A_845 = vector.extract_strided_slice %get3A_588 {offsets = [15], sizes = [1], strides = [1]} : vector<16xi32> to vector<1xi32>
      %squeeze3A_846 = vector.extract %slice3A_845[0] : i32 from vector<1xi32>
      %broadcast_in_dim3A_847 = vector.broadcast %squeeze3A_846 : i32 to vector<16xi32>
      %gt3A_848 = arith.cmpi sgt, %broadcast_in_dim3A_844, %select_n3A_528 : vector<16xi32>
      %eq3A_849 = arith.cmpi eq, %broadcast_in_dim3A_844, %select_n3A_528 : vector<16xi32>
      %lt3A_850 = arith.cmpi slt, %broadcast_in_dim3A_847, %select_n3A_533 : vector<16xi32>
      %and3A_851 = arith.andi %eq3A_849, %lt3A_850 : vector<16xi1>
      %or3A_852 = arith.ori %gt3A_848, %and3A_851 : vector<16xi1>
      %jit3A_853 = arith.constant 1 : i32
      %jit3A_854 = arith.constant 0 : i32
      %broadcast_in_dim3A_855 = vector.broadcast %jit3A_853 : i32 to vector<16xi32>
      %broadcast_in_dim3A_856 = vector.broadcast %jit3A_854 : i32 to vector<16xi32>
      %select_n3A_857 = arith.select %or3A_852, %broadcast_in_dim3A_855, %broadcast_in_dim3A_856 : vector<16xi1>, vector<16xi32>
      %add3A_858 = arith.addi %add3A_841, %select_n3A_857 : vector<16xi32>
      scf.yield %add3A_858 : vector<16xi32>
    }
    %while3A_567 = arith.constant 1 : i32
    %while3A_568 = scf.for %while3A_579 = %while3A_564 to %while3A_560 step %while3A_567 iter_args(%while3A_580 = %while3A_566) -> (vector<16xi32>)  : i32 {
      %mul3A_581 = arith.constant 16 : i32
      %mul3A_582 = arith.muli %while3A_579, %mul3A_581 : i32
      %get3A_583 = arith.index_cast %mul3A_582 : i32 to index
      %get3A_584 = tpu.vector_load %arg13[%get3A_583] {strides = array<i32>} : memref<1024xi32, #tpu.memory_space<vmem>>, vector<16xi32>,
      %mul3A_585 = arith.constant 16 : i32
      %mul3A_586 = arith.muli %while3A_579, %mul3A_585 : i32
      %get3A_587 = arith.index_cast %mul3A_586 : i32 to index
      %get3A_588 = tpu.vector_load %arg14[%get3A_587] {strides = array<i32>} : memref<1024xi32, #tpu.memory_space<vmem>>, vector<16xi32>,
      %slice3A = vector.extract_strided_slice %get3A_584 {offsets = [0], sizes = [1], strides = [1]} : vector<16xi32> to vector<1xi32>
      %squeeze3A = vector.extract %slice3A[0] : i32 from vector<1xi32>
      %broadcast_in_dim3A_589 = vector.broadcast %squeeze3A : i32 to vector<16xi32>
      %slice3A_590 = vector.extract_strided_slice %get3A_588 {offsets = [0], sizes = [1], strides = [1]} : vector<16xi32> to vector<1xi32>
      %squeeze3A_591 = vector.extract %slice3A_590[0] : i32 from vector<1xi32>
      %broadcast_in_dim3A_592 = vector.broadcast %squeeze3A_591 : i32 to vector<16xi32>
      %gt3A_593 = arith.cmpi sgt, %broadcast_in_dim3A_589, %select_n3A_528 : vector<16xi32>
      %eq3A_594 = arith.cmpi eq, %broadcast_in_dim3A_589, %select_n3A_528 : vector<16xi32>
      %lt3A_595 = arith.cmpi slt, %broadcast_in_dim3A_592, %select_n3A_533 : vector<16xi32>
      %and3A_596 = arith.andi %eq3A_594, %lt3A_595 : vector<16xi1>
      %or3A_597 = arith.ori %gt3A_593, %and3A_596 : vector<16xi1>
      %jit3A_598 = arith.constant 1 : i32
      %jit3A_599 = arith.constant 0 : i32
      %broadcast_in_dim3A_600 = vector.broadcast %jit3A_598 : i32 to vector<16xi32>
      %broadcast_in_dim3A_601 = vector.broadcast %jit3A_599 : i32 to vector<16xi32>
      %select_n3A_602 = arith.select %or3A_597, %broadcast_in_dim3A_600, %broadcast_in_dim3A_601 : vector<16xi1>, vector<16xi32>
      %add3A_603 = arith.addi %while3A_580, %select_n3A_602 : vector<16xi32>
      %slice3A_604 = vector.extract_strided_slice %get3A_584 {offsets = [1], sizes = [1], strides = [1]} : vector<16xi32> to vector<1xi32>
      %squeeze3A_605 = vector.extract %slice3A_604[0] : i32 from vector<1xi32>
      %broadcast_in_dim3A_606 = vector.broadcast %squeeze3A_605 : i32 to vector<16xi32>
      %slice3A_607 = vector.extract_strided_slice %get3A_588 {offsets = [1], sizes = [1], strides = [1]} : vector<16xi32> to vector<1xi32>
      %squeeze3A_608 = vector.extract %slice3A_607[0] : i32 from vector<1xi32>
      %broadcast_in_dim3A_609 = vector.broadcast %squeeze3A_608 : i32 to vector<16xi32>
      %gt3A_610 = arith.cmpi sgt, %broadcast_in_dim3A_606, %select_n3A_528 : vector<16xi32>
      %eq3A_611 = arith.cmpi eq, %broadcast_in_dim3A_606, %select_n3A_528 : vector<16xi32>
      %lt3A_612 = arith.cmpi slt, %broadcast_in_dim3A_609, %select_n3A_533 : vector<16xi32>
      %and3A_613 = arith.andi %eq3A_611, %lt3A_612 : vector<16xi1>
      %or3A_614 = arith.ori %gt3A_610, %and3A_613 : vector<16xi1>
      %jit3A_615 = arith.constant 1 : i32
      %jit3A_616 = arith.constant 0 : i32
      %broadcast_in_dim3A_617 = vector.broadcast %jit3A_615 : i32 to vector<16xi32>
      %broadcast_in_dim3A_618 = vector.broadcast %jit3A_616 : i32 to vector<16xi32>
      %select_n3A_619 = arith.select %or3A_614, %broadcast_in_dim3A_617, %broadcast_in_dim3A_618 : vector<16xi1>, vector<16xi32>
      %add3A_620 = arith.addi %add3A_603, %select_n3A_619 : vector<16xi32>
      %slice3A_621 = vector.extract_strided_slice %get3A_584 {offsets = [2], sizes = [1], strides = [1]} : vector<16xi32> to vector<1xi32>
      %squeeze3A_622 = vector.extract %slice3A_621[0] : i32 from vector<1xi32>
      %broadcast_in_dim3A_623 = vector.broadcast %squeeze3A_622 : i32 to vector<16xi32>
      %slice3A_624 = vector.extract_strided_slice %get3A_588 {offsets = [2], sizes = [1], strides = [1]} : vector<16xi32> to vector<1xi32>
      %squeeze3A_625 = vector.extract %slice3A_624[0] : i32 from vector<1xi32>
      %broadcast_in_dim3A_626 = vector.broadcast %squeeze3A_625 : i32 to vector<16xi32>
      %gt3A_627 = arith.cmpi sgt, %broadcast_in_dim3A_623, %select_n3A_528 : vector<16xi32>
      %eq3A_628 = arith.cmpi eq, %broadcast_in_dim3A_623, %select_n3A_528 : vector<16xi32>
      %lt3A_629 = arith.cmpi slt, %broadcast_in_dim3A_626, %select_n3A_533 : vector<16xi32>
      %and3A_630 = arith.andi %eq3A_628, %lt3A_629 : vector<16xi1>
      %or3A_631 = arith.ori %gt3A_627, %and3A_630 : vector<16xi1>
      %jit3A_632 = arith.constant 1 : i32
      %jit3A_633 = arith.constant 0 : i32
      %broadcast_in_dim3A_634 = vector.broadcast %jit3A_632 : i32 to vector<16xi32>
      %broadcast_in_dim3A_635 = vector.broadcast %jit3A_633 : i32 to vector<16xi32>
      %select_n3A_636 = arith.select %or3A_631, %broadcast_in_dim3A_634, %broadcast_in_dim3A_635 : vector<16xi1>, vector<16xi32>
      %add3A_637 = arith.addi %add3A_620, %select_n3A_636 : vector<16xi32>
      %slice3A_638 = vector.extract_strided_slice %get3A_584 {offsets = [3], sizes = [1], strides = [1]} : vector<16xi32> to vector<1xi32>
      %squeeze3A_639 = vector.extract %slice3A_638[0] : i32 from vector<1xi32>
      %broadcast_in_dim3A_640 = vector.broadcast %squeeze3A_639 : i32 to vector<16xi32>
      %slice3A_641 = vector.extract_strided_slice %get3A_588 {offsets = [3], sizes = [1], strides = [1]} : vector<16xi32> to vector<1xi32>
      %squeeze3A_642 = vector.extract %slice3A_641[0] : i32 from vector<1xi32>
      %broadcast_in_dim3A_643 = vector.broadcast %squeeze3A_642 : i32 to vector<16xi32>
      %gt3A_644 = arith.cmpi sgt, %broadcast_in_dim3A_640, %select_n3A_528 : vector<16xi32>
      %eq3A_645 = arith.cmpi eq, %broadcast_in_dim3A_640, %select_n3A_528 : vector<16xi32>
      %lt3A_646 = arith.cmpi slt, %broadcast_in_dim3A_643, %select_n3A_533 : vector<16xi32>
      %and3A_647 = arith.andi %eq3A_645, %lt3A_646 : vector<16xi1>
      %or3A_648 = arith.ori %gt3A_644, %and3A_647 : vector<16xi1>
      %jit3A_649 = arith.constant 1 : i32
      %jit3A_650 = arith.constant 0 : i32
      %broadcast_in_dim3A_651 = vector.broadcast %jit3A_649 : i32 to vector<16xi32>
      %broadcast_in_dim3A_652 = vector.broadcast %jit3A_650 : i32 to vector<16xi32>
      %select_n3A_653 = arith.select %or3A_648, %broadcast_in_dim3A_651, %broadcast_in_dim3A_652 : vector<16xi1>, vector<16xi32>
      %add3A_654 = arith.addi %add3A_637, %select_n3A_653 : vector<16xi32>
      %slice3A_655 = vector.extract_strided_slice %get3A_584 {offsets = [4], sizes = [1], strides = [1]} : vector<16xi32> to vector<1xi32>
      %squeeze3A_656 = vector.extract %slice3A_655[0] : i32 from vector<1xi32>
      %broadcast_in_dim3A_657 = vector.broadcast %squeeze3A_656 : i32 to vector<16xi32>
      %slice3A_658 = vector.extract_strided_slice %get3A_588 {offsets = [4], sizes = [1], strides = [1]} : vector<16xi32> to vector<1xi32>
      %squeeze3A_659 = vector.extract %slice3A_658[0] : i32 from vector<1xi32>
      %broadcast_in_dim3A_660 = vector.broadcast %squeeze3A_659 : i32 to vector<16xi32>
      %gt3A_661 = arith.cmpi sgt, %broadcast_in_dim3A_657, %select_n3A_528 : vector<16xi32>
      %eq3A_662 = arith.cmpi eq, %broadcast_in_dim3A_657, %select_n3A_528 : vector<16xi32>
      %lt3A_663 = arith.cmpi slt, %broadcast_in_dim3A_660, %select_n3A_533 : vector<16xi32>
      %and3A_664 = arith.andi %eq3A_662, %lt3A_663 : vector<16xi1>
      %or3A_665 = arith.ori %gt3A_661, %and3A_664 : vector<16xi1>
      %jit3A_666 = arith.constant 1 : i32
      %jit3A_667 = arith.constant 0 : i32
      %broadcast_in_dim3A_668 = vector.broadcast %jit3A_666 : i32 to vector<16xi32>
      %broadcast_in_dim3A_669 = vector.broadcast %jit3A_667 : i32 to vector<16xi32>
      %select_n3A_670 = arith.select %or3A_665, %broadcast_in_dim3A_668, %broadcast_in_dim3A_669 : vector<16xi1>, vector<16xi32>
      %add3A_671 = arith.addi %add3A_654, %select_n3A_670 : vector<16xi32>
      %slice3A_672 = vector.extract_strided_slice %get3A_584 {offsets = [5], sizes = [1], strides = [1]} : vector<16xi32> to vector<1xi32>
      %squeeze3A_673 = vector.extract %slice3A_672[0] : i32 from vector<1xi32>
      %broadcast_in_dim3A_674 = vector.broadcast %squeeze3A_673 : i32 to vector<16xi32>
      %slice3A_675 = vector.extract_strided_slice %get3A_588 {offsets = [5], sizes = [1], strides = [1]} : vector<16xi32> to vector<1xi32>
      %squeeze3A_676 = vector.extract %slice3A_675[0] : i32 from vector<1xi32>
      %broadcast_in_dim3A_677 = vector.broadcast %squeeze3A_676 : i32 to vector<16xi32>
      %gt3A_678 = arith.cmpi sgt, %broadcast_in_dim3A_674, %select_n3A_528 : vector<16xi32>
      %eq3A_679 = arith.cmpi eq, %broadcast_in_dim3A_674, %select_n3A_528 : vector<16xi32>
      %lt3A_680 = arith.cmpi slt, %broadcast_in_dim3A_677, %select_n3A_533 : vector<16xi32>
      %and3A_681 = arith.andi %eq3A_679, %lt3A_680 : vector<16xi1>
      %or3A_682 = arith.ori %gt3A_678, %and3A_681 : vector<16xi1>
      %jit3A_683 = arith.constant 1 : i32
      %jit3A_684 = arith.constant 0 : i32
      %broadcast_in_dim3A_685 = vector.broadcast %jit3A_683 : i32 to vector<16xi32>
      %broadcast_in_dim3A_686 = vector.broadcast %jit3A_684 : i32 to vector<16xi32>
      %select_n3A_687 = arith.select %or3A_682, %broadcast_in_dim3A_685, %broadcast_in_dim3A_686 : vector<16xi1>, vector<16xi32>
      %add3A_688 = arith.addi %add3A_671, %select_n3A_687 : vector<16xi32>
      %slice3A_689 = vector.extract_strided_slice %get3A_584 {offsets = [6], sizes = [1], strides = [1]} : vector<16xi32> to vector<1xi32>
      %squeeze3A_690 = vector.extract %slice3A_689[0] : i32 from vector<1xi32>
      %broadcast_in_dim3A_691 = vector.broadcast %squeeze3A_690 : i32 to vector<16xi32>
      %slice3A_692 = vector.extract_strided_slice %get3A_588 {offsets = [6], sizes = [1], strides = [1]} : vector<16xi32> to vector<1xi32>
      %squeeze3A_693 = vector.extract %slice3A_692[0] : i32 from vector<1xi32>
      %broadcast_in_dim3A_694 = vector.broadcast %squeeze3A_693 : i32 to vector<16xi32>
      %gt3A_695 = arith.cmpi sgt, %broadcast_in_dim3A_691, %select_n3A_528 : vector<16xi32>
      %eq3A_696 = arith.cmpi eq, %broadcast_in_dim3A_691, %select_n3A_528 : vector<16xi32>
      %lt3A_697 = arith.cmpi slt, %broadcast_in_dim3A_694, %select_n3A_533 : vector<16xi32>
      %and3A_698 = arith.andi %eq3A_696, %lt3A_697 : vector<16xi1>
      %or3A_699 = arith.ori %gt3A_695, %and3A_698 : vector<16xi1>
      %jit3A_700 = arith.constant 1 : i32
      %jit3A_701 = arith.constant 0 : i32
      %broadcast_in_dim3A_702 = vector.broadcast %jit3A_700 : i32 to vector<16xi32>
      %broadcast_in_dim3A_703 = vector.broadcast %jit3A_701 : i32 to vector<16xi32>
      %select_n3A_704 = arith.select %or3A_699, %broadcast_in_dim3A_702, %broadcast_in_dim3A_703 : vector<16xi1>, vector<16xi32>
      %add3A_705 = arith.addi %add3A_688, %select_n3A_704 : vector<16xi32>
      %slice3A_706 = vector.extract_strided_slice %get3A_584 {offsets = [7], sizes = [1], strides = [1]} : vector<16xi32> to vector<1xi32>
      %squeeze3A_707 = vector.extract %slice3A_706[0] : i32 from vector<1xi32>
      %broadcast_in_dim3A_708 = vector.broadcast %squeeze3A_707 : i32 to vector<16xi32>
      %slice3A_709 = vector.extract_strided_slice %get3A_588 {offsets = [7], sizes = [1], strides = [1]} : vector<16xi32> to vector<1xi32>
      %squeeze3A_710 = vector.extract %slice3A_709[0] : i32 from vector<1xi32>
      %broadcast_in_dim3A_711 = vector.broadcast %squeeze3A_710 : i32 to vector<16xi32>
      %gt3A_712 = arith.cmpi sgt, %broadcast_in_dim3A_708, %select_n3A_528 : vector<16xi32>
      %eq3A_713 = arith.cmpi eq, %broadcast_in_dim3A_708, %select_n3A_528 : vector<16xi32>
      %lt3A_714 = arith.cmpi slt, %broadcast_in_dim3A_711, %select_n3A_533 : vector<16xi32>
      %and3A_715 = arith.andi %eq3A_713, %lt3A_714 : vector<16xi1>
      %or3A_716 = arith.ori %gt3A_712, %and3A_715 : vector<16xi1>
      %jit3A_717 = arith.constant 1 : i32
      %jit3A_718 = arith.constant 0 : i32
      %broadcast_in_dim3A_719 = vector.broadcast %jit3A_717 : i32 to vector<16xi32>
      %broadcast_in_dim3A_720 = vector.broadcast %jit3A_718 : i32 to vector<16xi32>
      %select_n3A_721 = arith.select %or3A_716, %broadcast_in_dim3A_719, %broadcast_in_dim3A_720 : vector<16xi1>, vector<16xi32>
      %add3A_722 = arith.addi %add3A_705, %select_n3A_721 : vector<16xi32>
      %slice3A_723 = vector.extract_strided_slice %get3A_584 {offsets = [8], sizes = [1], strides = [1]} : vector<16xi32> to vector<1xi32>
      %squeeze3A_724 = vector.extract %slice3A_723[0] : i32 from vector<1xi32>
      %broadcast_in_dim3A_725 = vector.broadcast %squeeze3A_724 : i32 to vector<16xi32>
      %slice3A_726 = vector.extract_strided_slice %get3A_588 {offsets = [8], sizes = [1], strides = [1]} : vector<16xi32> to vector<1xi32>
      %squeeze3A_727 = vector.extract %slice3A_726[0] : i32 from vector<1xi32>
      %broadcast_in_dim3A_728 = vector.broadcast %squeeze3A_727 : i32 to vector<16xi32>
      %gt3A_729 = arith.cmpi sgt, %broadcast_in_dim3A_725, %select_n3A_528 : vector<16xi32>
      %eq3A_730 = arith.cmpi eq, %broadcast_in_dim3A_725, %select_n3A_528 : vector<16xi32>
      %lt3A_731 = arith.cmpi slt, %broadcast_in_dim3A_728, %select_n3A_533 : vector<16xi32>
      %and3A_732 = arith.andi %eq3A_730, %lt3A_731 : vector<16xi1>
      %or3A_733 = arith.ori %gt3A_729, %and3A_732 : vector<16xi1>
      %jit3A_734 = arith.constant 1 : i32
      %jit3A_735 = arith.constant 0 : i32
      %broadcast_in_dim3A_736 = vector.broadcast %jit3A_734 : i32 to vector<16xi32>
      %broadcast_in_dim3A_737 = vector.broadcast %jit3A_735 : i32 to vector<16xi32>
      %select_n3A_738 = arith.select %or3A_733, %broadcast_in_dim3A_736, %broadcast_in_dim3A_737 : vector<16xi1>, vector<16xi32>
      %add3A_739 = arith.addi %add3A_722, %select_n3A_738 : vector<16xi32>
      %slice3A_740 = vector.extract_strided_slice %get3A_584 {offsets = [9], sizes = [1], strides = [1]} : vector<16xi32> to vector<1xi32>
      %squeeze3A_741 = vector.extract %slice3A_740[0] : i32 from vector<1xi32>
      %broadcast_in_dim3A_742 = vector.broadcast %squeeze3A_741 : i32 to vector<16xi32>
      %slice3A_743 = vector.extract_strided_slice %get3A_588 {offsets = [9], sizes = [1], strides = [1]} : vector<16xi32> to vector<1xi32>
      %squeeze3A_744 = vector.extract %slice3A_743[0] : i32 from vector<1xi32>
      %broadcast_in_dim3A_745 = vector.broadcast %squeeze3A_744 : i32 to vector<16xi32>
      %gt3A_746 = arith.cmpi sgt, %broadcast_in_dim3A_742, %select_n3A_528 : vector<16xi32>
      %eq3A_747 = arith.cmpi eq, %broadcast_in_dim3A_742, %select_n3A_528 : vector<16xi32>
      %lt3A_748 = arith.cmpi slt, %broadcast_in_dim3A_745, %select_n3A_533 : vector<16xi32>
      %and3A_749 = arith.andi %eq3A_747, %lt3A_748 : vector<16xi1>
      %or3A_750 = arith.ori %gt3A_746, %and3A_749 : vector<16xi1>
      %jit3A_751 = arith.constant 1 : i32
      %jit3A_752 = arith.constant 0 : i32
      %broadcast_in_dim3A_753 = vector.broadcast %jit3A_751 : i32 to vector<16xi32>
      %broadcast_in_dim3A_754 = vector.broadcast %jit3A_752 : i32 to vector<16xi32>
      %select_n3A_755 = arith.select %or3A_750, %broadcast_in_dim3A_753, %broadcast_in_dim3A_754 : vector<16xi1>, vector<16xi32>
      %add3A_756 = arith.addi %add3A_739, %select_n3A_755 : vector<16xi32>
      %slice3A_757 = vector.extract_strided_slice %get3A_584 {offsets = [10], sizes = [1], strides = [1]} : vector<16xi32> to vector<1xi32>
      %squeeze3A_758 = vector.extract %slice3A_757[0] : i32 from vector<1xi32>
      %broadcast_in_dim3A_759 = vector.broadcast %squeeze3A_758 : i32 to vector<16xi32>
      %slice3A_760 = vector.extract_strided_slice %get3A_588 {offsets = [10], sizes = [1], strides = [1]} : vector<16xi32> to vector<1xi32>
      %squeeze3A_761 = vector.extract %slice3A_760[0] : i32 from vector<1xi32>
      %broadcast_in_dim3A_762 = vector.broadcast %squeeze3A_761 : i32 to vector<16xi32>
      %gt3A_763 = arith.cmpi sgt, %broadcast_in_dim3A_759, %select_n3A_528 : vector<16xi32>
      %eq3A_764 = arith.cmpi eq, %broadcast_in_dim3A_759, %select_n3A_528 : vector<16xi32>
      %lt3A_765 = arith.cmpi slt, %broadcast_in_dim3A_762, %select_n3A_533 : vector<16xi32>
      %and3A_766 = arith.andi %eq3A_764, %lt3A_765 : vector<16xi1>
      %or3A_767 = arith.ori %gt3A_763, %and3A_766 : vector<16xi1>
      %jit3A_768 = arith.constant 1 : i32
      %jit3A_769 = arith.constant 0 : i32
      %broadcast_in_dim3A_770 = vector.broadcast %jit3A_768 : i32 to vector<16xi32>
      %broadcast_in_dim3A_771 = vector.broadcast %jit3A_769 : i32 to vector<16xi32>
      %select_n3A_772 = arith.select %or3A_767, %broadcast_in_dim3A_770, %broadcast_in_dim3A_771 : vector<16xi1>, vector<16xi32>
      %add3A_773 = arith.addi %add3A_756, %select_n3A_772 : vector<16xi32>
      %slice3A_774 = vector.extract_strided_slice %get3A_584 {offsets = [11], sizes = [1], strides = [1]} : vector<16xi32> to vector<1xi32>
      %squeeze3A_775 = vector.extract %slice3A_774[0] : i32 from vector<1xi32>
      %broadcast_in_dim3A_776 = vector.broadcast %squeeze3A_775 : i32 to vector<16xi32>
      %slice3A_777 = vector.extract_strided_slice %get3A_588 {offsets = [11], sizes = [1], strides = [1]} : vector<16xi32> to vector<1xi32>
      %squeeze3A_778 = vector.extract %slice3A_777[0] : i32 from vector<1xi32>
      %broadcast_in_dim3A_779 = vector.broadcast %squeeze3A_778 : i32 to vector<16xi32>
      %gt3A_780 = arith.cmpi sgt, %broadcast_in_dim3A_776, %select_n3A_528 : vector<16xi32>
      %eq3A_781 = arith.cmpi eq, %broadcast_in_dim3A_776, %select_n3A_528 : vector<16xi32>
      %lt3A_782 = arith.cmpi slt, %broadcast_in_dim3A_779, %select_n3A_533 : vector<16xi32>
      %and3A_783 = arith.andi %eq3A_781, %lt3A_782 : vector<16xi1>
      %or3A_784 = arith.ori %gt3A_780, %and3A_783 : vector<16xi1>
      %jit3A_785 = arith.constant 1 : i32
      %jit3A_786 = arith.constant 0 : i32
      %broadcast_in_dim3A_787 = vector.broadcast %jit3A_785 : i32 to vector<16xi32>
      %broadcast_in_dim3A_788 = vector.broadcast %jit3A_786 : i32 to vector<16xi32>
      %select_n3A_789 = arith.select %or3A_784, %broadcast_in_dim3A_787, %broadcast_in_dim3A_788 : vector<16xi1>, vector<16xi32>
      %add3A_790 = arith.addi %add3A_773, %select_n3A_789 : vector<16xi32>
      %slice3A_791 = vector.extract_strided_slice %get3A_584 {offsets = [12], sizes = [1], strides = [1]} : vector<16xi32> to vector<1xi32>
      %squeeze3A_792 = vector.extract %slice3A_791[0] : i32 from vector<1xi32>
      %broadcast_in_dim3A_793 = vector.broadcast %squeeze3A_792 : i32 to vector<16xi32>
      %slice3A_794 = vector.extract_strided_slice %get3A_588 {offsets = [12], sizes = [1], strides = [1]} : vector<16xi32> to vector<1xi32>
      %squeeze3A_795 = vector.extract %slice3A_794[0] : i32 from vector<1xi32>
      %broadcast_in_dim3A_796 = vector.broadcast %squeeze3A_795 : i32 to vector<16xi32>
      %gt3A_797 = arith.cmpi sgt, %broadcast_in_dim3A_793, %select_n3A_528 : vector<16xi32>
      %eq3A_798 = arith.cmpi eq, %broadcast_in_dim3A_793, %select_n3A_528 : vector<16xi32>
      %lt3A_799 = arith.cmpi slt, %broadcast_in_dim3A_796, %select_n3A_533 : vector<16xi32>
      %and3A_800 = arith.andi %eq3A_798, %lt3A_799 : vector<16xi1>
      %or3A_801 = arith.ori %gt3A_797, %and3A_800 : vector<16xi1>
      %jit3A_802 = arith.constant 1 : i32
      %jit3A_803 = arith.constant 0 : i32
      %broadcast_in_dim3A_804 = vector.broadcast %jit3A_802 : i32 to vector<16xi32>
      %broadcast_in_dim3A_805 = vector.broadcast %jit3A_803 : i32 to vector<16xi32>
      %select_n3A_806 = arith.select %or3A_801, %broadcast_in_dim3A_804, %broadcast_in_dim3A_805 : vector<16xi1>, vector<16xi32>
      %add3A_807 = arith.addi %add3A_790, %select_n3A_806 : vector<16xi32>
      %slice3A_808 = vector.extract_strided_slice %get3A_584 {offsets = [13], sizes = [1], strides = [1]} : vector<16xi32> to vector<1xi32>
      %squeeze3A_809 = vector.extract %slice3A_808[0] : i32 from vector<1xi32>
      %broadcast_in_dim3A_810 = vector.broadcast %squeeze3A_809 : i32 to vector<16xi32>
      %slice3A_811 = vector.extract_strided_slice %get3A_588 {offsets = [13], sizes = [1], strides = [1]} : vector<16xi32> to vector<1xi32>
      %squeeze3A_812 = vector.extract %slice3A_811[0] : i32 from vector<1xi32>
      %broadcast_in_dim3A_813 = vector.broadcast %squeeze3A_812 : i32 to vector<16xi32>
      %gt3A_814 = arith.cmpi sgt, %broadcast_in_dim3A_810, %select_n3A_528 : vector<16xi32>
      %eq3A_815 = arith.cmpi eq, %broadcast_in_dim3A_810, %select_n3A_528 : vector<16xi32>
      %lt3A_816 = arith.cmpi slt, %broadcast_in_dim3A_813, %select_n3A_533 : vector<16xi32>
      %and3A_817 = arith.andi %eq3A_815, %lt3A_816 : vector<16xi1>
      %or3A_818 = arith.ori %gt3A_814, %and3A_817 : vector<16xi1>
      %jit3A_819 = arith.constant 1 : i32
      %jit3A_820 = arith.constant 0 : i32
      %broadcast_in_dim3A_821 = vector.broadcast %jit3A_819 : i32 to vector<16xi32>
      %broadcast_in_dim3A_822 = vector.broadcast %jit3A_820 : i32 to vector<16xi32>
      %select_n3A_823 = arith.select %or3A_818, %broadcast_in_dim3A_821, %broadcast_in_dim3A_822 : vector<16xi1>, vector<16xi32>
      %add3A_824 = arith.addi %add3A_807, %select_n3A_823 : vector<16xi32>
      %slice3A_825 = vector.extract_strided_slice %get3A_584 {offsets = [14], sizes = [1], strides = [1]} : vector<16xi32> to vector<1xi32>
      %squeeze3A_826 = vector.extract %slice3A_825[0] : i32 from vector<1xi32>
      %broadcast_in_dim3A_827 = vector.broadcast %squeeze3A_826 : i32 to vector<16xi32>
      %slice3A_828 = vector.extract_strided_slice %get3A_588 {offsets = [14], sizes = [1], strides = [1]} : vector<16xi32> to vector<1xi32>
      %squeeze3A_829 = vector.extract %slice3A_828[0] : i32 from vector<1xi32>
      %broadcast_in_dim3A_830 = vector.broadcast %squeeze3A_829 : i32 to vector<16xi32>
      %gt3A_831 = arith.cmpi sgt, %broadcast_in_dim3A_827, %select_n3A_528 : vector<16xi32>
      %eq3A_832 = arith.cmpi eq, %broadcast_in_dim3A_827, %select_n3A_528 : vector<16xi32>
      %lt3A_833 = arith.cmpi slt, %broadcast_in_dim3A_830, %select_n3A_533 : vector<16xi32>
      %and3A_834 = arith.andi %eq3A_832, %lt3A_833 : vector<16xi1>
      %or3A_835 = arith.ori %gt3A_831, %and3A_834 : vector<16xi1>
      %jit3A_836 = arith.constant 1 : i32
      %jit3A_837 = arith.constant 0 : i32
      %broadcast_in_dim3A_838 = vector.broadcast %jit3A_836 : i32 to vector<16xi32>
      %broadcast_in_dim3A_839 = vector.broadcast %jit3A_837 : i32 to vector<16xi32>
      %select_n3A_840 = arith.select %or3A_835, %broadcast_in_dim3A_838, %broadcast_in_dim3A_839 : vector<16xi1>, vector<16xi32>
      %add3A_841 = arith.addi %add3A_824, %select_n3A_840 : vector<16xi32>
      %slice3A_842 = vector.extract_strided_slice %get3A_584 {offsets = [15], sizes = [1], strides = [1]} : vector<16xi32> to vector<1xi32>
      %squeeze3A_843 = vector.extract %slice3A_842[0] : i32 from vector<1xi32>
      %broadcast_in_dim3A_844 = vector.broadcast %squeeze3A_843 : i32 to vector<16xi32>
      %slice3A_845 = vector.extract_strided_slice %get3A_588 {offsets = [15], sizes = [1], strides = [1]} : vector<16xi32> to vector<1xi32>
      %squeeze3A_846 = vector.extract %slice3A_845[0] : i32 from vector<1xi32>
      %broadcast_in_dim3A_847 = vector.broadcast %squeeze3A_846 : i32 to vector<16xi32>
      %gt3A_848 = arith.cmpi sgt, %broadcast_in_dim3A_844, %select_n3A_528 : vector<16xi32>
      %eq3A_849 = arith.cmpi eq, %broadcast_in_dim3A_844, %select_n3A_528 : vector<16xi32>
      %lt3A_850 = arith.cmpi slt, %broadcast_in_dim3A_847, %select_n3A_533 : vector<16xi32>
      %and3A_851 = arith.andi %eq3A_849, %lt3A_850 : vector<16xi1>
      %or3A_852 = arith.ori %gt3A_848, %and3A_851 : vector<16xi1>
      %jit3A_853 = arith.constant 1 : i32
      %jit3A_854 = arith.constant 0 : i32
      %broadcast_in_dim3A_855 = vector.broadcast %jit3A_853 : i32 to vector<16xi32>
      %broadcast_in_dim3A_856 = vector.broadcast %jit3A_854 : i32 to vector<16xi32>
      %select_n3A_857 = arith.select %or3A_852, %broadcast_in_dim3A_855, %broadcast_in_dim3A_856 : vector<16xi1>, vector<16xi32>
      %add3A_858 = arith.addi %add3A_841, %select_n3A_857 : vector<16xi32>
      scf.yield %add3A_858 : vector<16xi32>
    }
    %lt3A_569 = arith.constant 300 : i32
    %lt3A_570 = vector.broadcast %lt3A_569 : i32 to vector<16xi32>
    %lt3A_571 = arith.cmpi slt, %while3A_568, %lt3A_570 : vector<16xi32>
    %and3A_572 = arith.andi %lt3A_571, %lt3A_523 : vector<16xi1>
    tpu.vector_store_idx %arg15[%while3A_568], %select_n3A_528 masked %and3A_572 : memref<320xi32, #tpu.memory_space<vmem>>[vector<16xi32>], vector<16xi32>, vector<16xi1>
    tpu.vector_store_idx %arg16[%while3A_568], %select_n3A_533 masked %and3A_572 : memref<320xi32, #tpu.memory_space<vmem>>[vector<16xi32>], vector<16xi32>, vector<16xi1>
    "tpu.region"() ({
      %run_scoped3A = tpu.sem_alloc : memref<!tpu.dma_semaphore, #tpu.memory_space<semaphore_mem>>
      %dma_start3A = arith.constant 0 : i32
      %dma_start3A_579 = tpu.memref_slice %arg28[%dma_start3A] : memref<320xi32, #tpu.memory_space<vmem_shared>> -> memref<320xi32, #tpu.memory_space<vmem_shared>>
      tpu.enqueue_indirect_dma source(%arg15 : memref<320xi32, #tpu.memory_space<vmem>>) target(%dma_start3A_579 : memref<320xi32, #tpu.memory_space<vmem_shared>>) offsets(%arg18 : memref<320xi32, #tpu.memory_space<vmem>>) semaphore(%run_scoped3A : memref<!tpu.dma_semaphore, #tpu.memory_space<semaphore_mem>>) {add = true}
      %dma_wait3A = arith.constant 0 : i32
      %dma_wait3A_580 = tpu.memref_slice %arg28[%dma_wait3A] : memref<320xi32, #tpu.memory_space<vmem_shared>> -> memref<320xi32, #tpu.memory_space<vmem_shared>>
      tpu.wait_indirect_dma semaphore(%run_scoped3A : memref<!tpu.dma_semaphore, #tpu.memory_space<semaphore_mem>>) src(%arg15 : memref<320xi32, #tpu.memory_space<vmem>>) dst(%dma_wait3A_580 : memref<320xi32, #tpu.memory_space<vmem_shared>>)
      tpu.yield
    }) : () -> ()
    "tpu.region"() ({
      %run_scoped3A = tpu.sem_alloc : memref<!tpu.dma_semaphore, #tpu.memory_space<semaphore_mem>>
      %dma_start3A = arith.constant 0 : i32
      %dma_start3A_579 = tpu.memref_slice %arg29[%dma_start3A] : memref<320xi32, #tpu.memory_space<vmem_shared>> -> memref<320xi32, #tpu.memory_space<vmem_shared>>
      tpu.enqueue_indirect_dma source(%arg16 : memref<320xi32, #tpu.memory_space<vmem>>) target(%dma_start3A_579 : memref<320xi32, #tpu.memory_space<vmem_shared>>) offsets(%arg18 : memref<320xi32, #tpu.memory_space<vmem>>) semaphore(%run_scoped3A : memref<!tpu.dma_semaphore, #tpu.memory_space<semaphore_mem>>) {add = true}
      %dma_wait3A = arith.constant 0 : i32
      %dma_wait3A_580 = tpu.memref_slice %arg29[%dma_wait3A] : memref<320xi32, #tpu.memory_space<vmem_shared>> -> memref<320xi32, #tpu.memory_space<vmem_shared>>
      tpu.wait_indirect_dma semaphore(%run_scoped3A : memref<!tpu.dma_semaphore, #tpu.memory_space<semaphore_mem>>) src(%arg16 : memref<320xi32, #tpu.memory_space<vmem>>) dst(%dma_wait3A_580 : memref<320xi32, #tpu.memory_space<vmem_shared>>)
      tpu.yield
    }) : () -> ()
    %barrier3A_573 = arith.constant 0 : index
    tpu.barrier barrier_id(%barrier3A_573)
    %eq3A_574 = arith.constant 0 : i32
    %eq3A_575 = arith.cmpi eq, %arg1, %eq3A_574 : i32
    %convert_element_type3A_576 = arith.extui %eq3A_575 : i1 to i32
    %cond3A_577 = arith.constant 0 : i32
    %cond3A_578 = arith.cmpi ne, %convert_element_type3A_576, %cond3A_577 : i32
    scf.if %cond3A_578 {
      "tpu.region"() ({
        %run_scoped3A = tpu.sem_alloc : memref<!tpu.dma_semaphore, #tpu.memory_space<semaphore_mem>>
        tpu.enqueue_dma source(%arg28 : memref<320xi32, #tpu.memory_space<vmem_shared>>) target(%arg15 : memref<320xi32, #tpu.memory_space<vmem>>) target_semaphore(%run_scoped3A : memref<!tpu.dma_semaphore, #tpu.memory_space<semaphore_mem>>)
        tpu.wait_dma2 semaphore(%run_scoped3A : memref<!tpu.dma_semaphore, #tpu.memory_space<semaphore_mem>>) src(%arg28 : memref<320xi32, #tpu.memory_space<vmem_shared>>) dst(%arg15 : memref<320xi32, #tpu.memory_space<vmem>>)
        tpu.yield
      }) : () -> ()
      %mul3A_579 = arith.constant 320 : i32
      %mul3A_580 = arith.muli %arg0, %mul3A_579 : i32
      %multiple_of3A_581 = tpu.assume_multiple %mul3A_580, 16 : i32
      "tpu.region"() ({
        %run_scoped3A = tpu.sem_alloc : memref<!tpu.dma_semaphore, #tpu.memory_space<semaphore_mem>>
        %dma_start3A = tpu.memref_slice %arg3[%multiple_of3A_581] : memref<640xi32, #tpu.memory_space<hbm>> -> memref<320xi32, #tpu.memory_space<hbm>>
        %dma_start3A_585 = tpu.memref_slice %arg3[%multiple_of3A_581] : memref<640xi32, #tpu.memory_space<hbm>> -> memref<320xi32, #tpu.memory_space<hbm>>
        tpu.enqueue_dma source(%arg15 : memref<320xi32, #tpu.memory_space<vmem>>) target(%dma_start3A_585 : memref<320xi32, #tpu.memory_space<hbm>>) target_semaphore(%run_scoped3A : memref<!tpu.dma_semaphore, #tpu.memory_space<semaphore_mem>>)
        %dma_wait3A = tpu.memref_slice %arg3[%multiple_of3A_581] : memref<640xi32, #tpu.memory_space<hbm>> -> memref<320xi32, #tpu.memory_space<hbm>>
        %dma_wait3A_586 = tpu.memref_slice %arg3[%multiple_of3A_581] : memref<640xi32, #tpu.memory_space<hbm>> -> memref<320xi32, #tpu.memory_space<hbm>>
        tpu.wait_dma2 semaphore(%run_scoped3A : memref<!tpu.dma_semaphore, #tpu.memory_space<semaphore_mem>>) src(%arg15 : memref<320xi32, #tpu.memory_space<vmem>>) dst(%dma_wait3A_586 : memref<320xi32, #tpu.memory_space<hbm>>)
        tpu.yield
      }) : () -> ()
      "tpu.region"() ({
        %run_scoped3A = tpu.sem_alloc : memref<!tpu.dma_semaphore, #tpu.memory_space<semaphore_mem>>
        tpu.enqueue_dma source(%arg29 : memref<320xi32, #tpu.memory_space<vmem_shared>>) target(%arg16 : memref<320xi32, #tpu.memory_space<vmem>>) target_semaphore(%run_scoped3A : memref<!tpu.dma_semaphore, #tpu.memory_space<semaphore_mem>>)
        tpu.wait_dma2 semaphore(%run_scoped3A : memref<!tpu.dma_semaphore, #tpu.memory_space<semaphore_mem>>) src(%arg29 : memref<320xi32, #tpu.memory_space<vmem_shared>>) dst(%arg16 : memref<320xi32, #tpu.memory_space<vmem>>)
        tpu.yield
      }) : () -> ()
      %mul3A_582 = arith.constant 320 : i32
      %mul3A_583 = arith.muli %arg0, %mul3A_582 : i32
      %multiple_of3A_584 = tpu.assume_multiple %mul3A_583, 16 : i32
      "tpu.region"() ({
        %run_scoped3A = tpu.sem_alloc : memref<!tpu.dma_semaphore, #tpu.memory_space<semaphore_mem>>
        %dma_start3A = tpu.memref_slice %arg4[%multiple_of3A_584] : memref<640xi32, #tpu.memory_space<hbm>> -> memref<320xi32, #tpu.memory_space<hbm>>
        %dma_start3A_585 = tpu.memref_slice %arg4[%multiple_of3A_584] : memref<640xi32, #tpu.memory_space<hbm>> -> memref<320xi32, #tpu.memory_space<hbm>>
        tpu.enqueue_dma source(%arg16 : memref<320xi32, #tpu.memory_space<vmem>>) target(%dma_start3A_585 : memref<320xi32, #tpu.memory_space<hbm>>) target_semaphore(%run_scoped3A : memref<!tpu.dma_semaphore, #tpu.memory_space<semaphore_mem>>)
        %dma_wait3A = tpu.memref_slice %arg4[%multiple_of3A_584] : memref<640xi32, #tpu.memory_space<hbm>> -> memref<320xi32, #tpu.memory_space<hbm>>
        %dma_wait3A_586 = tpu.memref_slice %arg4[%multiple_of3A_584] : memref<640xi32, #tpu.memory_space<hbm>> -> memref<320xi32, #tpu.memory_space<hbm>>
        tpu.wait_dma2 semaphore(%run_scoped3A : memref<!tpu.dma_semaphore, #tpu.memory_space<semaphore_mem>>) src(%arg16 : memref<320xi32, #tpu.memory_space<vmem>>) dst(%dma_wait3A_586 : memref<320xi32, #tpu.memory_space<hbm>>)
        tpu.yield
      }) : () -> ()
    } else {
    }
    return
  }
}

module attributes {stable_mosaic.version = 14 : i64} {
  func.func @_contract_body(%arg0: i32, %arg1: i32, %arg2: memref<16x96xbf16, #tpu.memory_space<vmem>>, %arg3: memref<1x96x16384xf32, #tpu.memory_space<vmem>>, %arg4: memref<1x9x16384xf32, #tpu.memory_space<vmem>>) attributes {dimension_semantics = [#tpu.dimension_semantics<arbitrary>, #tpu.dimension_semantics<arbitrary>], iteration_bounds = array<i64: 2, 16>, scalar_prefetch = 0 : i64, scratch_operands = 0 : i64, tpu.core_type = #tpu.core_type<tc>, window_params = [{pipeline_mode = #tpu.pipeline_mode<synchronous>, transform_indices = @transform_0, window_bounds = array<i64: 16, 96>}, {transform_indices = @transform_1, window_bounds = array<i64: 1, 96, 16384>}, {transform_indices = @transform_2, window_bounds = array<i64: 1, 9, 16384>}]} {
    %get3A = arith.constant 0 : index
    %get3A_0 = arith.constant 0 : index
    %get3A_1 = arith.constant 0 : index
    %get3A_2 = vector.load %arg3[%get3A, %get3A_0, %get3A_1] : memref<1x96x16384xf32, #tpu.memory_space<vmem>>, vector<1x96x16384xf32>
    %get3A_3 = vector.shape_cast %get3A_2 : vector<1x96x16384xf32> to vector<96x16384xf32>
    %convert_element_type3A = arith.truncf %get3A_3 : vector<96x16384xf32> to vector<96x16384xbf16>
    %get3A_4 = arith.constant 0 : index
    %get3A_5 = arith.constant 0 : index
    %get3A_6 = vector.load %arg2[%get3A_4, %get3A_5] : memref<16x96xbf16, #tpu.memory_space<vmem>>, vector<16x96xbf16>
    %dot_general3A = arith.constant dense<0.000000e+00> : vector<16x16384xf32>
    %dot_general3A_7 = tpu.matmul %get3A_6, %convert_element_type3A, %dot_general3A {dimension_numbers = #tpu.dot_dimension_numbers<[1], [0], [0], [1], [0, 0, 1, 1], [], []>, transpose_lhs_hint = false} : vector<16x96xbf16>, vector<96x16384xbf16>, vector<16x16384xf32> -> vector<16x16384xf32>
    %slice3A = vector.extract_strided_slice %dot_general3A_7 {offsets = [0, 0], sizes = [9, 16384], strides = [1, 1]} : vector<16x16384xf32> to vector<9x16384xf32>
    %swap3A = arith.constant 0 : index
    %swap3A_8 = arith.constant 0 : index
    %swap3A_9 = arith.constant 0 : index
    %swap3A_10 = vector.load %arg4[%swap3A, %swap3A_8, %swap3A_9] : memref<1x9x16384xf32, #tpu.memory_space<vmem>>, vector<1x9x16384xf32>
    %swap3A_11 = vector.shape_cast %swap3A_10 : vector<1x9x16384xf32> to vector<9x16384xf32>
    %swap3A_12 = vector.shape_cast %slice3A : vector<9x16384xf32> to vector<1x9x16384xf32>
    tpu.vector_store %arg4[%swap3A, %swap3A_8, %swap3A_9], %swap3A_12 {strides = array<i32>} : memref<1x9x16384xf32, #tpu.memory_space<vmem>>, vector<1x9x16384xf32>,
    return
  }
  func.func @transform_0(%arg0: i32, %arg1: i32) -> (i32, i32) {
    %c0_i32 = arith.constant 0 : i32
    %c0_i32_0 = arith.constant 0 : i32
    %c0_i32_1 = arith.constant 0 : i32
    return %c0_i32, %c0_i32_0 : i32, i32
  }
  func.func @transform_1(%arg0: i32, %arg1: i32) -> (i32, i32, i32) {
    %c0_i32 = arith.constant 0 : i32
    %c0_i32_0 = arith.constant 0 : i32
    return %arg0, %c0_i32, %arg1 : i32, i32, i32
  }
  func.func @transform_2(%arg0: i32, %arg1: i32) -> (i32, i32, i32) {
    %c0_i32 = arith.constant 0 : i32
    %c0_i32_0 = arith.constant 0 : i32
    return %arg0, %c0_i32, %arg1 : i32, i32, i32
  }
}

module attributes {stable_mosaic.version = 14 : i64} {
  func.func @_stencil_body(%arg0: i32, %arg1: memref<1x9x512x512xf32, #tpu.memory_space<vmem>>, %arg2: memref<4xf32, #tpu.memory_space<smem>>, %arg3: memref<1x1x512x512xf32, #tpu.memory_space<vmem>>) attributes {dimension_semantics = [#tpu.dimension_semantics<arbitrary>], iteration_bounds = array<i64: 2>, scalar_prefetch = 0 : i64, scratch_operands = 0 : i64, tpu.core_type = #tpu.core_type<tc>, window_params = [{transform_indices = @transform_0, window_bounds = array<i64: 1, 9, 512, 512>}, {transform_indices = @transform_1, window_bounds = array<i64: 4>}, {transform_indices = @transform_2, window_bounds = array<i64: 1, 1, 512, 512>}]} {
    %broadcast_in_dim3A = arith.constant 0.000000e+00 : f32
    %broadcast_in_dim3A_0 = vector.broadcast %broadcast_in_dim3A : f32 to vector<1x512xf32>
    %broadcast_in_dim3A_1 = arith.constant 0.000000e+00 : f32
    %broadcast_in_dim3A_2 = vector.broadcast %broadcast_in_dim3A_1 : f32 to vector<512x1xf32>
    %get3A = arith.constant 0 : index
    %get3A_3 = arith.constant 0 : index
    %get3A_4 = arith.constant 0 : index
    %get3A_5 = arith.constant 0 : index
    %get3A_6 = vector.load %arg1[%get3A, %get3A_3, %get3A_4, %get3A_5] : memref<1x9x512x512xf32, #tpu.memory_space<vmem>>, vector<1x1x512x512xf32>
    %get3A_7 = vector.shape_cast %get3A_6 : vector<1x1x512x512xf32> to vector<512x512xf32>
    %slice3A = vector.extract_strided_slice %get3A_7 {offsets = [0, 0], sizes = [511, 512], strides = [1, 1]} : vector<512x512xf32> to vector<511x512xf32>
    %concatenate3A = tpu.concatenate %broadcast_in_dim3A_0, %slice3A in 0 : vector<1x512xf32>, vector<511x512xf32> -> vector<512x512xf32>
    %slice3A_8 = vector.extract_strided_slice %concatenate3A {offsets = [0, 0], sizes = [512, 511], strides = [1, 1]} : vector<512x512xf32> to vector<512x511xf32>
    %concatenate3A_9 = tpu.concatenate %broadcast_in_dim3A_2, %slice3A_8 in 1 : vector<512x1xf32>, vector<512x511xf32> -> vector<512x512xf32>
    %get3A_10 = arith.constant 0 : index
    %get3A_11 = arith.constant 1 : index
    %get3A_12 = arith.constant 0 : index
    %get3A_13 = arith.constant 0 : index
    %get3A_14 = vector.load %arg1[%get3A_10, %get3A_11, %get3A_12, %get3A_13] : memref<1x9x512x512xf32, #tpu.memory_space<vmem>>, vector<1x1x512x512xf32>
    %get3A_15 = vector.shape_cast %get3A_14 : vector<1x1x512x512xf32> to vector<512x512xf32>
    %slice3A_16 = vector.extract_strided_slice %get3A_15 {offsets = [0, 0], sizes = [511, 512], strides = [1, 1]} : vector<512x512xf32> to vector<511x512xf32>
    %concatenate3A_17 = tpu.concatenate %broadcast_in_dim3A_0, %slice3A_16 in 0 : vector<1x512xf32>, vector<511x512xf32> -> vector<512x512xf32>
    %add3A = arith.addf %concatenate3A_9, %concatenate3A_17 : vector<512x512xf32>
    %get3A_18 = arith.constant 0 : index
    %get3A_19 = arith.constant 2 : index
    %get3A_20 = arith.constant 0 : index
    %get3A_21 = arith.constant 0 : index
    %get3A_22 = vector.load %arg1[%get3A_18, %get3A_19, %get3A_20, %get3A_21] : memref<1x9x512x512xf32, #tpu.memory_space<vmem>>, vector<1x1x512x512xf32>
    %get3A_23 = vector.shape_cast %get3A_22 : vector<1x1x512x512xf32> to vector<512x512xf32>
    %slice3A_24 = vector.extract_strided_slice %get3A_23 {offsets = [0, 0], sizes = [511, 512], strides = [1, 1]} : vector<512x512xf32> to vector<511x512xf32>
    %concatenate3A_25 = tpu.concatenate %broadcast_in_dim3A_0, %slice3A_24 in 0 : vector<1x512xf32>, vector<511x512xf32> -> vector<512x512xf32>
    %slice3A_26 = vector.extract_strided_slice %concatenate3A_25 {offsets = [0, 1], sizes = [512, 511], strides = [1, 1]} : vector<512x512xf32> to vector<512x511xf32>
    %concatenate3A_27 = tpu.concatenate %slice3A_26, %broadcast_in_dim3A_2 in 1 : vector<512x511xf32>, vector<512x1xf32> -> vector<512x512xf32>
    %add3A_28 = arith.addf %add3A, %concatenate3A_27 : vector<512x512xf32>
    %get3A_29 = arith.constant 0 : index
    %get3A_30 = arith.constant 3 : index
    %get3A_31 = arith.constant 0 : index
    %get3A_32 = arith.constant 0 : index
    %get3A_33 = vector.load %arg1[%get3A_29, %get3A_30, %get3A_31, %get3A_32] : memref<1x9x512x512xf32, #tpu.memory_space<vmem>>, vector<1x1x512x512xf32>
    %get3A_34 = vector.shape_cast %get3A_33 : vector<1x1x512x512xf32> to vector<512x512xf32>
    %slice3A_35 = vector.extract_strided_slice %get3A_34 {offsets = [0, 0], sizes = [512, 511], strides = [1, 1]} : vector<512x512xf32> to vector<512x511xf32>
    %concatenate3A_36 = tpu.concatenate %broadcast_in_dim3A_2, %slice3A_35 in 1 : vector<512x1xf32>, vector<512x511xf32> -> vector<512x512xf32>
    %add3A_37 = arith.addf %add3A_28, %concatenate3A_36 : vector<512x512xf32>
    %get3A_38 = arith.constant 0 : index
    %get3A_39 = arith.constant 4 : index
    %get3A_40 = arith.constant 0 : index
    %get3A_41 = arith.constant 0 : index
    %get3A_42 = vector.load %arg1[%get3A_38, %get3A_39, %get3A_40, %get3A_41] : memref<1x9x512x512xf32, #tpu.memory_space<vmem>>, vector<1x1x512x512xf32>
    %get3A_43 = vector.shape_cast %get3A_42 : vector<1x1x512x512xf32> to vector<512x512xf32>
    %add3A_44 = arith.addf %add3A_37, %get3A_43 : vector<512x512xf32>
    %get3A_45 = arith.constant 0 : index
    %get3A_46 = arith.constant 5 : index
    %get3A_47 = arith.constant 0 : index
    %get3A_48 = arith.constant 0 : index
    %get3A_49 = vector.load %arg1[%get3A_45, %get3A_46, %get3A_47, %get3A_48] : memref<1x9x512x512xf32, #tpu.memory_space<vmem>>, vector<1x1x512x512xf32>
    %get3A_50 = vector.shape_cast %get3A_49 : vector<1x1x512x512xf32> to vector<512x512xf32>
    %slice3A_51 = vector.extract_strided_slice %get3A_50 {offsets = [0, 1], sizes = [512, 511], strides = [1, 1]} : vector<512x512xf32> to vector<512x511xf32>
    %concatenate3A_52 = tpu.concatenate %slice3A_51, %broadcast_in_dim3A_2 in 1 : vector<512x511xf32>, vector<512x1xf32> -> vector<512x512xf32>
    %add3A_53 = arith.addf %add3A_44, %concatenate3A_52 : vector<512x512xf32>
    %get3A_54 = arith.constant 0 : index
    %get3A_55 = arith.constant 6 : index
    %get3A_56 = arith.constant 0 : index
    %get3A_57 = arith.constant 0 : index
    %get3A_58 = vector.load %arg1[%get3A_54, %get3A_55, %get3A_56, %get3A_57] : memref<1x9x512x512xf32, #tpu.memory_space<vmem>>, vector<1x1x512x512xf32>
    %get3A_59 = vector.shape_cast %get3A_58 : vector<1x1x512x512xf32> to vector<512x512xf32>
    %slice3A_60 = vector.extract_strided_slice %get3A_59 {offsets = [1, 0], sizes = [511, 512], strides = [1, 1]} : vector<512x512xf32> to vector<511x512xf32>
    %concatenate3A_61 = tpu.concatenate %slice3A_60, %broadcast_in_dim3A_0 in 0 : vector<511x512xf32>, vector<1x512xf32> -> vector<512x512xf32>
    %slice3A_62 = vector.extract_strided_slice %concatenate3A_61 {offsets = [0, 0], sizes = [512, 511], strides = [1, 1]} : vector<512x512xf32> to vector<512x511xf32>
    %concatenate3A_63 = tpu.concatenate %broadcast_in_dim3A_2, %slice3A_62 in 1 : vector<512x1xf32>, vector<512x511xf32> -> vector<512x512xf32>
    %add3A_64 = arith.addf %add3A_53, %concatenate3A_63 : vector<512x512xf32>
    %get3A_65 = arith.constant 0 : index
    %get3A_66 = arith.constant 7 : index
    %get3A_67 = arith.constant 0 : index
    %get3A_68 = arith.constant 0 : index
    %get3A_69 = vector.load %arg1[%get3A_65, %get3A_66, %get3A_67, %get3A_68] : memref<1x9x512x512xf32, #tpu.memory_space<vmem>>, vector<1x1x512x512xf32>
    %get3A_70 = vector.shape_cast %get3A_69 : vector<1x1x512x512xf32> to vector<512x512xf32>
    %slice3A_71 = vector.extract_strided_slice %get3A_70 {offsets = [1, 0], sizes = [511, 512], strides = [1, 1]} : vector<512x512xf32> to vector<511x512xf32>
    %concatenate3A_72 = tpu.concatenate %slice3A_71, %broadcast_in_dim3A_0 in 0 : vector<511x512xf32>, vector<1x512xf32> -> vector<512x512xf32>
    %add3A_73 = arith.addf %add3A_64, %concatenate3A_72 : vector<512x512xf32>
    %get3A_74 = arith.constant 0 : index
    %get3A_75 = arith.constant 8 : index
    %get3A_76 = arith.constant 0 : index
    %get3A_77 = arith.constant 0 : index
    %get3A_78 = vector.load %arg1[%get3A_74, %get3A_75, %get3A_76, %get3A_77] : memref<1x9x512x512xf32, #tpu.memory_space<vmem>>, vector<1x1x512x512xf32>
    %get3A_79 = vector.shape_cast %get3A_78 : vector<1x1x512x512xf32> to vector<512x512xf32>
    %slice3A_80 = vector.extract_strided_slice %get3A_79 {offsets = [1, 0], sizes = [511, 512], strides = [1, 1]} : vector<512x512xf32> to vector<511x512xf32>
    %concatenate3A_81 = tpu.concatenate %slice3A_80, %broadcast_in_dim3A_0 in 0 : vector<511x512xf32>, vector<1x512xf32> -> vector<512x512xf32>
    %slice3A_82 = vector.extract_strided_slice %concatenate3A_81 {offsets = [0, 1], sizes = [512, 511], strides = [1, 1]} : vector<512x512xf32> to vector<512x511xf32>
    %concatenate3A_83 = tpu.concatenate %slice3A_82, %broadcast_in_dim3A_2 in 1 : vector<512x511xf32>, vector<512x1xf32> -> vector<512x512xf32>
    %add3A_84 = arith.addf %add3A_73, %concatenate3A_83 : vector<512x512xf32>
    %get3A_85 = arith.constant 0 : index
    %get3A_86 = memref.load %arg2[%get3A_85] : memref<4xf32, #tpu.memory_space<smem>>
    %get3A_87 = arith.constant 1 : index
    %get3A_88 = memref.load %arg2[%get3A_87] : memref<4xf32, #tpu.memory_space<smem>>
    %get3A_89 = arith.constant 2 : index
    %get3A_90 = memref.load %arg2[%get3A_89] : memref<4xf32, #tpu.memory_space<smem>>
    %get3A_91 = arith.constant 3 : index
    %get3A_92 = memref.load %arg2[%get3A_91] : memref<4xf32, #tpu.memory_space<smem>>
    %add3A_93 = vector.broadcast %get3A_86 : f32 to vector<512x512xf32>
    %add3A_94 = arith.addf %add3A_84, %add3A_93 : vector<512x512xf32>
    %mul3A = vector.broadcast %get3A_88 : f32 to vector<512x512xf32>
    %mul3A_95 = arith.mulf %mul3A, %add3A_94 : vector<512x512xf32>
    %div3A = vector.broadcast %get3A_92 : f32 to vector<512x512xf32>
    %div3A_96 = arith.divf %mul3A_95, %div3A : vector<512x512xf32>
    %add3A_97 = vector.broadcast %get3A_90 : f32 to vector<512x512xf32>
    %add3A_98 = arith.addf %div3A_96, %add3A_97 : vector<512x512xf32>
    %logistic3A = arith.negf %add3A_98 : vector<512x512xf32>
    %logistic3A_99 = math.exp %logistic3A : vector<512x512xf32>
    %logistic3A_100 = arith.constant 1.000000e+00 : f32
    %logistic3A_101 = vector.broadcast %logistic3A_100 : f32 to vector<512x512xf32>
    %logistic3A_102 = arith.addf %logistic3A_101, %logistic3A_99 : vector<512x512xf32>
    %logistic3A_103 = arith.divf %logistic3A_101, %logistic3A_102 : vector<512x512xf32>
    %swap3A = arith.constant 0 : index
    %swap3A_104 = arith.constant 0 : index
    %swap3A_105 = arith.constant 0 : index
    %swap3A_106 = arith.constant 0 : index
    %swap3A_107 = vector.load %arg3[%swap3A, %swap3A_104, %swap3A_105, %swap3A_106] : memref<1x1x512x512xf32, #tpu.memory_space<vmem>>, vector<1x1x512x512xf32>
    %swap3A_108 = vector.shape_cast %swap3A_107 : vector<1x1x512x512xf32> to vector<512x512xf32>
    %swap3A_109 = vector.shape_cast %logistic3A_103 : vector<512x512xf32> to vector<1x1x512x512xf32>
    tpu.vector_store %arg3[%swap3A, %swap3A_104, %swap3A_105, %swap3A_106], %swap3A_109 {strides = array<i32>} : memref<1x1x512x512xf32, #tpu.memory_space<vmem>>, vector<1x1x512x512xf32>,
    return
  }
  func.func @transform_0(%arg0: i32) -> (i32, i32, i32, i32) {
    %c0_i32 = arith.constant 0 : i32
    %c0_i32_0 = arith.constant 0 : i32
    %c0_i32_1 = arith.constant 0 : i32
    %c0_i32_2 = arith.constant 0 : i32
    return %arg0, %c0_i32, %c0_i32_0, %c0_i32_1 : i32, i32, i32, i32
  }
  func.func @transform_1(%arg0: i32) -> i32 {
    %c0_i32 = arith.constant 0 : i32
    %c0_i32_0 = arith.constant 0 : i32
    return %c0_i32 : i32
  }
  func.func @transform_2(%arg0: i32) -> (i32, i32, i32, i32) {
    %c0_i32 = arith.constant 0 : i32
    %c0_i32_0 = arith.constant 0 : i32
    %c0_i32_1 = arith.constant 0 : i32
    %c0_i32_2 = arith.constant 0 : i32
    return %arg0, %c0_i32, %c0_i32_0, %c0_i32_1 : i32, i32, i32, i32
  }
}

</mosaic_0001>

<sc_bundles>
// kernel: kernel.5.cloned.1.call-start
scs
__scs_entry_jumppad:
0x0: {  	(pc) =	sbr.rel $0x88, $3  }
0x1: {  	(tag) =	ssettag $0x0;
	lr =	simm.s32 $0x1  }
0x2: {  	[smem:$0x3F9C] =	sst lr;
	_ =	strace $0xD0000000  }
0x3: {  	_ = 	snop  }
0x4: {  	_ = 	snop  }
0x5: {  	_ = 	snop  }
0x6: {  	_ = 	snop  }
0x7: {  	_ = 	snop  }
__scs_overlays_trampoline_lowered:
0x8: {  	[smem:$0x3FAB] =	sst s0  }
0x9: {  	[smem:$0x3FAC] =	sst s1  }
0xa: {  	[smem:$0x3FAD] =	sst s2  }
0xb: {  	[smem:$0x3FAE] =	sst s3  }
0xc: {  	[smem:$0x3FAF] =	sst s4  }
0xd: {  	[smem:$0x3FB0] =	sst s5  }
0xe: {  	[smem:$0x3FB1] =	sst s6  }
0xf: {  	[smem:$0x3FB2] =	sst s7  }
0x10: {  	[smem:$0x3FB3] =	sst s8  }
0x11: {  	[smem:$0x3FB4] =	sst s9;
	s0 =	simm.s32 @!p0 $0x0  }
0x12: {  	s1 =	sld [smem:$0x3F9A];
	s0 =	simm.s32 @p0 $0x1  }
0x13: {  	[smem:$0x3FB5] =	sst s0;
	s0 =	simm.s32 @!p1 $0x0  }
0x14: {  	s2 =	sld [smem:$0x3F99];
	s0 =	simm.s32 @p1 $0x1  }
0x15: {  	[smem:$0x3FB6] =	sst s0;
	s0 =	simm.s32 @!p2 $0x0  }
0x16: {  	s3 =	sld [smem:$0x3FDB];
	s0 =	simm.s32 @p2 $0x1  }
0x17: {  	s4 =	simm.s32 $0x1BF5;
	[smem:$0x3FB8] =	sst s0  }
0x18: {  	s0 =	sld [smem:$0x3F9B];
	_ =	swait.ge [sflag:s4], $0x0  }
0x19: {  	s7 =	sld [smem:$0x3F9C]  }
0x1a: {  	s8 =	sadd.s32 $0xFFFFE003, lr  }
0x1b: {  	s9 =	sadd.s32 $0xFFFFFEF7, lr;
	s5 =	simm.s32 $0xFFFFFFFF;
	p2 =	slt.u32 s8, $0xFFFFF086  }
0x1c: {  	p1 =	slt.u32 s9, $0xF7A;
	s5 =	simm.s32 @!p2 $0x0  }
0x1d: {  	s5 =	simm.s32 @p1 $0x1;
	p0 =	seq.s32 s7, s2  }
0x1e: {  	s7 =	smul.u32 @!p0 $0xF7A, s2;
	p2 =	seq.s32 @!p0 s5, $0x0  }
0x1f: {  	s9 =	smul.u32 $0xF7A, s1;
	s8 =	simm.s32 @!p0 $0x1BF5;
	p2 =	por !p2, p0  }
0x20: {  	[sflag:s8] =	ssyncset.s32 @!p0 $0xFFFFF086;
	s6 =	sadd.s32 @!p0 s3, s7;
	s7 =	simm.s32 @!p0 $0x108  }
0x21: {  	s3 =	sadd.s32 s3, s9;
	s6 =	sadd.s32 @!p0 $0x88, s6;
	s7 =	simm.s32 @p2 $0x1082  }
0x22: {  	[simem:s7], [sflag:s8] =	dma.local @!p0 [hbm:s6], $0xF7A  }
0x23: {  	s9 =	sor.u32 $0xD0000000, s2;
	s6 =	simm.s32 $0x108;
	_ =	swait.ge @!p0 [sflag:s8], $0x0  }
0x24: {  	s3 =	sadd.s32 $0x88, s3;
	s6 =	simm.s32 @!p1 $0x1082;
	[sflag:s4] =	ssyncset.s32 $0xFFFFF086  }
0x25: {  	[simem:s6], [sflag:s4] =	dma.local [hbm:s3], $0xF7A  }
0x26: {  	[smem:$0x3F9C] =	sst s1;
	(tag) =	ssettag s2;
	_ =	strace s9  }
0x27: {  	s1 =	sld [smem:$0x3FAC]  }
0x28: {  	s2 =	sld [smem:$0x3FAD]  }
0x29: {  	s4 =	sld [smem:$0x3FAF]  }
0x2a: {  	p0 =	seq.s32 s5, $0x0;
	s5 =	sld [smem:$0x3FB0]  }
0x2b: {  	s6 =	sld [smem:$0x3FB1]  }
0x2c: {  	s7 =	sld [smem:$0x3FB2]  }
0x2d: {  	s3 =	simm.s32 $0x108;
	s8 =	sld [smem:$0x3FB3]  }
0x2e: {  	s3 =	simm.s32 @!p0 $0x1082;
	s9 =	sld [smem:$0x3FB4]  }
0x2f: {  	lr =	sadd.s32 s0, s3;
	s0 =	sld [smem:$0x3FAB]  }
0x30: {  	s3 =	sld [smem:$0x3FAE]  }
0x31: {  	[smem:$0x3FB7] =	sst s10  }
0x32: {  	s10 =	sld [smem:$0x3FB5];
	_ =	sdelay $0x3  }
0x33: {  	p0 =	seq.s32 s10, $0x1;
	s10 =	sld [smem:$0x3FB7];
	_ =	sdelay $0x3  }
0x34: {  	[smem:$0x3FB7] =	sst s10  }
0x35: {  	s10 =	sld [smem:$0x3FB6];
	_ =	sdelay $0x3  }
0x36: {  	p1 =	seq.s32 s10, $0x1;
	s10 =	sld [smem:$0x3FB7];
	_ =	sdelay $0x3  }
0x37: {  	[smem:$0x3FB7] =	sst s10  }
0x38: {  	s10 =	sld [smem:$0x3FB8]  }
0x39: {  	_ = 	snop;
	(pc) =	sbr.ind lr, $3  }
0x3a: {  	_ = 	snop  }
0x3b: {  	_ = 	snop  }
0x3c: {  	p2 =	seq.s32 s10, $0x1;
	s10 =	sld [smem:$0x3FB7]  }
0x3d: {  	_ =	shalt  }
0x3e: {  	_ =	shalt  }
0x3f: {  	_ =	shalt  }
0x40: {  	_ =	shalt  }
0x41: {  	_ =	shalt  }
0x42: {  	_ =	shalt  }
0x43: {  	_ =	shalt  }
0x44: {  	_ =	shalt  }
0x45: {  	_ =	shalt  }
0x46: {  	_ =	shalt  }
0x47: {  	_ =	shalt  }
0x48: {  	_ =	shalt  }
0x49: {  	_ =	shalt  }
0x4a: {  	_ =	shalt  }
0x4b: {  	_ =	shalt  }
0x4c: {  	_ =	shalt  }
0x4d: {  	_ =	shalt  }
0x4e: {  	_ =	shalt  }
0x4f: {  	_ =	shalt  }
0x50: {  	_ =	shalt  }
0x51: {  	_ =	shalt  }
0x52: {  	_ =	shalt  }
0x53: {  	_ =	shalt  }
0x54: {  	_ =	shalt  }
0x55: {  	_ =	shalt  }
0x56: {  	_ =	shalt  }
0x57: {  	_ =	shalt  }
0x58: {  	_ =	shalt  }
0x59: {  	_ =	shalt  }
0x5a: {  	_ =	shalt  }
0x5b: {  	_ =	shalt  }
0x5c: {  	_ =	shalt  }
0x5d: {  	_ =	shalt  }
0x5e: {  	_ =	shalt  }
0x5f: {  	_ =	shalt  }
0x60: {  	_ =	shalt  }
0x61: {  	_ =	shalt  }
0x62: {  	_ =	shalt  }
0x63: {  	_ =	shalt  }
0x64: {  	_ =	shalt  }
0x65: {  	_ =	shalt  }
0x66: {  	_ =	shalt  }
0x67: {  	_ =	shalt  }
0x68: {  	_ =	shalt  }
0x69: {  	_ =	shalt  }
0x6a: {  	_ =	shalt  }
0x6b: {  	_ =	shalt  }
0x6c: {  	_ =	shalt  }
0x6d: {  	_ =	shalt  }
0x6e: {  	_ =	shalt  }
0x6f: {  	_ =	shalt  }
0x70: {  	_ =	shalt  }
0x71: {  	_ =	shalt  }
0x72: {  	_ =	shalt  }
0x73: {  	_ =	shalt  }
0x74: {  	_ =	shalt  }
0x75: {  	_ =	shalt  }
0x76: {  	_ =	shalt  }
0x77: {  	_ =	shalt  }
0x78: {  	_ =	shalt  }
0x79: {  	_ =	shalt  }
0x7a: {  	_ =	shalt  }
0x7b: {  	_ =	shalt  }
0x7c: {  	_ =	shalt  }
0x7d: {  	_ =	shalt  }
0x7e: {  	_ =	shalt  }
0x7f: {  	_ =	shalt  }
0x80: {  	_ =	shalt  }
0x81: {  	_ =	shalt  }
0x82: {  	_ =	shalt  }
0x83: {  	_ =	shalt  }
0x84: {  	_ =	shalt  }
0x85: {  	_ =	shalt  }
0x86: {  	_ =	shalt  }
0x87: {  	_ =	shalt  }
.Lfunc_end0:
.L_simem_size_0:
called_computation_lowered:
.L_overlay_start_0:
0x88: {  	s2 =	sld [smem:$0x3FD9]  }
0x89: {  	s3 =	sld [smem:$0x3FFE];
	_ =	sdelay $0x1  }
0x8a: {  	s1 =	srdreg.scid  }
0x8b: {  	s0 =	sand.u32 $0x1, s1  }
0x8c: {  	s14 =	sshll.u32 s0, $0xA;
	s2 =	sadd.s32 s3, s2  }
0x8d: {  	s2 =	sadd.s32 s2, s14  }
0x8e: {  	[smem:$0x3FC3] =	sst s2  }
0x8f: {  	_ = 	snop  }
0x90: {  	s2 =	sld [smem:$0x3FD0];
	_ =	sdelay $0x2  }
0x91: {  	s15 =	simm.s32 $0xA;
	s4 =	simm.s32 $0x10  }
0x92: {  	[smem:s4], [sflag:s15] =	dma.local [hbm:s2], $0x1  }
0x93: {  	_ =	swait.eq [sflag:s15], $0x1  }
0x94: {  	[sflag:s15] =	ssyncset.done $0x0  }
0x95: {  	[sflag:s15] =	ssyncadd.s32 $0xFFFFFFFF  }
0x96: {  	s16 =	sld [smem:$0x12];
	(tm) =	ssettm $0x1  }
0x97: {  	s17 =	sld [smem:$0x3FFB];
	_ =	sdelay $0x3  }
0x98: {  	_ =	strace s17  }
0x99: {  	s3 =	sld [smem:$0x3FFC];
	_ =	sdelay $0x3  }
0x9a: {  	_ =	strace s3  }
0x9b: {  	s3 =	sld [smem:$0x3FFD];
	_ =	sdelay $0x3  }
0x9c: {  	_ =	strace s3  }
0x9d: {  	_ =	strace $0x8FFFFFFF  }
0x9e: {  	s18 =	sld [smem:$0x3FDB];
	_ =	sdelay $0x1  }
0x9f: {  	s19 =	simm.s32 $_scs_section_size  }
0xa0: {  	s5 =	simm.s32 $_size__tile_overlayer_lowered;
	s6 =	simm.s32 $_tile_overlayer_lowered  }
0xa1: {  	s22 =	simm.s32 $0x1BFF;
	s21 =	sshll.u32 s6, $0x1;
	s3 =	sadd.s32 s19, s18  }
0xa2: {  	s7 =	simm.s32 $0x0;
	s20 =	sshll.u32 s5, $0x1;
	s5 =	sadd.s32 s21, s3  }
0xa3: {  	[timem:s7], [sflag:s22] =	dma.local [hbm:s5], s20  }
0xa4: {  	_ =	swait.ge [sflag:s22], s20  }
0xa5: {  	s4 =	ssub.s32 $0x0, s20;
	[sflag:s22] =	ssyncset.done $0x0  }
0xa6: {  	[sflag:s22] =	ssyncadd.s32 s4;
	_ =	sdelay $0x1  }
0xa7: {  	s23 =	simm.s32 $0x1B8B  }
0xa8: {  	_ =	swait.ge [sflag:s23], $0x1  }
0xa9: {  	[sflag:s23] =	ssyncset.done $0x0  }
0xaa: {  	s25 =	simm.s32 $0x1B8E;
	s24 =	sld [smem:$0x3FFE];
	[sflag:s23] =	ssyncadd.s32 $0xFFFFFFFF  }
0xab: {  	s26 =	simm.s32 $execute0_lowered;
	[smem:$0x3FD2] =	sst s25  }
0xac: {  	s5 =	sshll.u32 s26, $0x1;
	_ =	strace $0x80000046;
	[dreg:$0x1] =	wrdreg $0xFFFFFFFF  }
0xad: {  	s28 =	simm.s32 $_size_execute0_lowered;
	s3 =	sadd.s32 s3, s5;
	[dreg:$0x0] =	wrdreg $0x0  }
0xae: {  	s5 =	sshll.u32 s28, $0x1;
	[dreg:$0x2] =	wrdreg s3  }
0xaf: {  	[dreg:$0x3] =	wrdreg s5  }
0xb0: {  	[dreg:$0x4] =	wrdreg $0xC0  }
0xb1: {  	_ =	task [dreg:s7], $0x5FFFF  }
0xb2: {  	[dreg:$0x1] =	wrdreg $0xFFFFFFFF  }
0xb3: {  	[dreg:$0x0] =	wrdreg $0x60  }
0xb4: {  	[dreg:$0x2] =	wrdreg s24  }
0xb5: {  	[dreg:$0x3] =	wrdreg s16  }
0xb6: {  	[dreg:$0x4] =	wrdreg $0x8A800  }
0xb7: {  	[dreg:$0x5] =	wrdreg $0x9A800  }
0xb8: {  	[dreg:$0x6] =	wrdreg $0x9B800  }
0xb9: {  	[dreg:$0x7] =	wrdreg $0x9C800  }
0xba: {  	[dreg:$0x8] =	wrdreg $0x9D800  }
0xbb: {  	[dreg:$0x9] =	wrdreg $0x9E000  }
0xbc: {  	[dreg:$0xa] =	wrdreg $0xA0000  }
0xbd: {  	[dreg:$0xb] =	wrdreg $0xA2800  }
0xbe: {  	[dreg:$0xc] =	wrdreg $0xA2980  }
0xbf: {  	[dreg:$0xd] =	wrdreg $0xA2000  }
0xc0: {  	[dreg:$0xe] =	wrdreg $0xA2400  }
0xc1: {  	[dreg:$0xf] =	wrdreg $0x9  }
0xc2: {  	_ =	task.clear_ibuf [dreg:s7], $0x10FFFF;
	_ =	strace $0x90000046  }
0xc3: {  	s29 =	simm.s32 $0x9;
	_ =	strace $0x80000048  }
0xc4: {  	_ =	swait.ge [sflag:s29], $0x1  }
0xc5: {  	[sflag:s29] =	ssyncadd.s32 $0xFFFFFFFF  }
0xc6: {  	_ =	strace $0x90000048  }
0xc7: {  	_ =	sfence  }
0xc8: {  	s30 =	sld [smem:$0x0];
	_ =	sdelay $0x2  }
0xc9: {  	s31 =	sshll.u32 s1, $0xD;
	s1 =	sshrl.u32 s1, $0x2  }
0xca: {  	s3 =	sand.u32 $0x4000, s31;
	s1 =	sadd.s32 s1, s30  }
0xcb: {  	s0 =	sor.u32 s3, s0;
	s1 =	sshll.u32 s1, $0x11  }
0xcc: {  	s0 =	sor.u32 s1, s0  }
0xcd: {  	s0 =	sadd.s32 $0x8F2B, s0  }
0xce: {  	[sflag:s0] =	ssyncadd.remote.s32 $0x1  }
0xcf: {  	_ =	sfence.sel $0xFFFF  }
0xd0: {  	[dreg:$0x0] =	wrdreg $0xFFFFFFFF;
	(pc) =	sbr.abs _section_cstart, $3  }
0xd1: {  	[dreg:$0x1] =	wrdreg $0xFFFFFFFF  }
0xd2: {  	_ =	task.clear_ibuf [dreg:s7], $0x2FFFF;
	_ =	strace $0x9FFFFFFF  }
0xd3: {  	(tm) =	ssettm $0x7FFFFFFF  }
tec
execute0_lowered:
.L_overlay_start_1:
0x0: {  	(tag) =	ssettag $0x1  }
0x1: {  	s0 =	rddreg [dreg:$0x0]  }
0x2: {  	s1 =	rddreg [dreg:$0x1]  }
0x3: {  	s2 =	rddreg [dreg:$0x2]  }
0x4: {  	s23 =	rddreg [dreg:$0x3]  }
0x5: {  	s13 =	rddreg [dreg:$0x4]  }
0x6: {  	s15 =	rddreg [dreg:$0x5]  }
0x7: {  	s16 =	rddreg [dreg:$0x6]  }
0x8: {  	s4 =	rddreg [dreg:$0x7]  }
0x9: {  	s5 =	rddreg [dreg:$0x8]  }
0xa: {  	s25 =	rddreg [dreg:$0x9]  }
0xb: {  	s26 =	rddreg [dreg:$0xa]  }
0xc: {  	s3 =	srdreg.scid;
	s6 =	stileid.u32  }
0xd: {  	s17 =	simm.s32 $0x0;
	s30 =	simm.s32 $0x1;
	s3 =	sand.u32 $0x1, s3  }
0xe: {  	s8 =	sshll.u32 s6, $0xE;
	[smem:$0x7FF] =	sst s17;
	s24 =	sshrl.u32 s6, $0x3  }
0xf: {  	s10 =	sshll.u32 s6, $0x7;
	s12 =	sshll.u32 s6, $0xB;
	s18 =	sshll.u32 s6, $0x4  }
0x10: {  	s7 =	sshll.u32 s3, $0x12;
	[dreg:$0xf] =	wrdreg s8;
	s16 =	sadd.s32 s10, s16  }
0x11: {  	s22 =	smul.u32 $0x28, s3;
	_ =	strace $0x80000047;
	[dreg:$0x17] =	wrdreg s16  }
0x12: {  	s3 =	ssub.s32 $0x2, s3;
	s20 =	sor.u32 $0x100, s18;
	[dreg:$0x18] =	wrdreg s18  }
0x13: {  	s11 =	sshll.u32 s24, $0xF;
	s21 =	sor.u32 $0x200, s18;
	[dreg:$0x1b] =	wrdreg s20  }
0x14: {  	s29 =	sadd.s32 s12, s2;
	s7 =	sor.u32 s8, s7;
	[dreg:$0x1c] =	wrdreg s21  }
0x15: {  	s9 =	sshrl.u32 s3, $0x1;
	[dreg:$0x12] =	wrdreg s29;
	s7 =	sshrl.u32 s7, $0x3  }
0x16: {  	s3 =	ssub.s32 s3, s9;
	s1 =	sadd.s32 s1, s22;
	s7 =	sadd.s32 s7, s0  }
0x17: {  	s0 =	sadd.s32 s22, s0;
	[dreg:$0x14] =	wrdreg s1;
	s19 =	smax.u32 s3, $0x1  }
0x18: {  	s22 =	sshll.u32 s24, $0xC;
	s24 =	sor.u32 $0x300, s18;
	[dreg:$0x1a] =	wrdreg s19  }
0x19: {  	s7 =	sadd.s32 $0xA00, s7;
	s0 =	sadd.s32 $0x10A00, s0;
	[dreg:$0x1d] =	wrdreg s24  }
0x1a: {  	[dreg:$0x10] =	wrdreg s7;
	s7 =	sadd.s32 s11, s2;
	s11 =	sshll.u32 s6, $0x8  }
.Ltmp0:
0x1b: {  	[dreg:$0x19] =	wrdreg s0;
	s12 =	sadd.s32 s11, s23;
	(pc) =	sbr.rel .LBB2_1-.Ltmp0, $4  }
0x1c: {  	s31 =	simm.s32 $0x4000;
	v0 =	vlaneseq.u32;
	s13 =	sadd.s32 s11, s13;
	[dreg:$0x13] =	wrdreg s12  }
0x1d: {  	v5 =	vimm.s32 $0x0;
	v6 =	vimm.s32 $0x1;
	v7 =	vmul.u32 $0xFFFFFFFF, v0;
	s14 =	sand.u32 $0x380, s10;
	s15 =	sadd.s32 s11, s15;
	[dreg:$0x15] =	wrdreg s13  }
0x1e: {  	vm0 =	vmxor vm0, vm0;
	p0 =	sne.s32 s6, $0x0;
	v1 =	vor.u32 s18, v0;
	v2 =	vor.u32 s20, v0;
	s28 =	sadd.s32 s14, s7;
	[dreg:$0x16] =	wrdreg s15  }
0x1f: {  	s10 =	simm.s32 $0x7000;
	v3 =	vor.u32 s21, v0;
	v7 =	vadd.s32 $0xF, v7;
	v4 =	vor.u32 s24, v0;
	s13 =	simm.s32 $0x7200;
	[dreg:$0x11] =	wrdreg s28  }
.LBB2_66:
0x20: {  	s17 =	rddreg [dreg:$0xe]  }
.LBB2_70:
0x21: {  	vm0 =	vlt.s32 v9, $0x12C  }
0x22: {  	vm0 =	vmand vm1, vm0;
	_ =	sdelay $0x5  }
0x23: {  	[tilespmem:v9+s2+$0x0] =	vst.idx.msk vm0, v8  }
0x24: {  	s0 =	simm.s32 $0x140;
	s1 =	simm.s32 $0x8900;
	[tilespmem:v9+s3+$0x0] =	vst.idx.msk vm0, v10  }
0x25: {  	[spmem:s25] =	stream.indirect.scatter.add.s32 [tilespmem:s2], [sflag:$0x1], $0x1, s1, s0, $0xb8;
	[tilespmem:$0xA2B0] =	vst v63  }
0x26: {  	_ =	swait.ge [sflag:s30], $0x140  }
0x27: {  	[sflag:s30] =	ssyncset.done $0x0  }
0x28: {  	[sflag:s30] =	ssyncadd.s32 $0xFFFFFEC0  }
0x29: {  	[spmem:s26] =	stream.indirect.scatter.add.s32 [tilespmem:s3], [sflag:$0x1], $0x1, s1, s0, $0xb8;
	[tilespmem:$0xA2B0] =	vst v63  }
0x2a: {  	_ =	swait.ge [sflag:s30], $0x140  }
0x2b: {  	[sflag:s30] =	ssyncset.done $0x0  }
0x2c: {  	[sflag:s30] =	ssyncadd.s32 $0xFFFFFEC0  }
0x2d: {  	s0 =	simm.s32 @!p0 $0x8480;
	s1 =	simm.s32 @!p0 $0x1;
	[bflag:$0x0] =	sbarrier.arrive $0xFFFF  }
0x2e: {  	[tilespmem:s0], [sflag:$0x1] =	stream.linear.gather @!p0 [spmem:s25], $0x180, $0x38;
	[tilespmem:$0xA2B0] =	vst v63  }
0x2f: {  	_ =	swait.ge @!p0 [sflag:s1], $0x180  }
0x30: {  	[sflag:s1] =	ssyncset.done @!p0 $0x0  }
0x31: {  	s2 =	simm.s32 @!p0 $0x0;
	s3 =	rddreg [dreg:$0x14];
	[sflag:s1] =	ssyncadd.s32 @!p0 $0xFFFFFE80  }
0x32: {  	[hbm4b:s3+s2] =	stream.linear.scatter @!p0 [tilespmem:s0], [sflag:$0x1], $0x140, $0x38;
	[tilespmem:$0xA2B0] =	vst v63  }
0x33: {  	_ =	swait.ge @!p0 [sflag:s1], $0x140  }
0x34: {  	[sflag:s1] =	ssyncset.done @!p0 $0x0  }
0x35: {  	s0 =	simm.s32 @!p0 $0x8600;
	[sflag:s1] =	ssyncadd.s32 @!p0 $0xFFFFFEC0  }
0x36: {  	[tilespmem:s0], [sflag:$0x1] =	stream.linear.gather @!p0 [spmem:s26], $0x180, $0x38;
	[tilespmem:$0xA2B0] =	vst v63  }
0x37: {  	_ =	swait.ge @!p0 [sflag:s1], $0x180  }
0x38: {  	[sflag:s1] =	ssyncset.done @!p0 $0x0  }
0x39: {  	s3 =	rddreg [dreg:$0x19];
	[sflag:s1] =	ssyncadd.s32 @!p0 $0xFFFFFE80  }
0x3a: {  	[hbm4b:s3+s2] =	stream.linear.scatter @!p0 [tilespmem:s0], [sflag:$0x1], $0x140, $0x38;
	[tilespmem:$0xA2B0] =	vst v63  }
0x3b: {  	_ =	swait.ge @!p0 [sflag:s1], $0x140  }
0x3c: {  	s17 =	sadd.s32 $0x1, s17;
	s24 =	rddreg [dreg:$0x1a]  }
0x3d: {  	p1 =	sne.s32 s17, s24  }
.Ltmp1:
0x3e: {  	_ = 	snop;
	(pc) =	sbr.rel @!p1 .LBB2_71-.Ltmp1, $3  }
0x3f: {  	_ =	sdelay $0x1  }
0x40: {  	[sflag:s1] =	ssyncset.done @!p0 $0x0  }
0x41: {  	vm0 =	vmxor vm0, vm0;
	[sflag:s1] =	ssyncadd.s32 @!p0 $0xFFFFFEC0  }
.LBB2_1:
0x42: {  	[tilespmem:$0x7000] =	vst v5  }
0x43: {  	[tilespmem:$0x7010] =	vst v5  }
0x44: {  	[tilespmem:$0x7020] =	vst v5  }
0x45: {  	[tilespmem:$0x7030] =	vst v5  }
0x46: {  	[tilespmem:$0x7040] =	vst v5  }
0x47: {  	[tilespmem:$0x7050] =	vst v5  }
0x48: {  	[tilespmem:$0x7060] =	vst v5  }
0x49: {  	[tilespmem:$0x7070] =	vst v5  }
0x4a: {  	[tilespmem:$0x7080] =	vst v5  }
0x4b: {  	[tilespmem:$0x7090] =	vst v5  }
0x4c: {  	[tilespmem:$0x70A0] =	vst v5  }
0x4d: {  	[tilespmem:$0x70B0] =	vst v5  }
0x4e: {  	[tilespmem:$0x70C0] =	vst v5  }
0x4f: {  	[tilespmem:$0x70D0] =	vst v5  }
0x50: {  	[tilespmem:$0x70E0] =	vst v5  }
0x51: {  	[tilespmem:$0x70F0] =	vst v5  }
0x52: {  	[tilespmem:$0x7100] =	vst v5  }
0x53: {  	[tilespmem:$0x7110] =	vst v5  }
0x54: {  	[tilespmem:$0x7120] =	vst v5  }
0x55: {  	[tilespmem:$0x7130] =	vst v5  }
0x56: {  	[tilespmem:$0x7140] =	vst v5  }
0x57: {  	[tilespmem:$0x7150] =	vst v5  }
0x58: {  	[tilespmem:$0x7160] =	vst v5  }
0x59: {  	[tilespmem:$0x7170] =	vst v5  }
0x5a: {  	[tilespmem:$0x7180] =	vst v5  }
0x5b: {  	[tilespmem:$0x7190] =	vst v5  }
0x5c: {  	[tilespmem:$0x71A0] =	vst v5  }
0x5d: {  	[tilespmem:$0x71B0] =	vst v5  }
0x5e: {  	[tilespmem:$0x71C0] =	vst v5  }
0x5f: {  	[tilespmem:$0x71D0] =	vst v5  }
0x60: {  	[tilespmem:$0x71E0] =	vst v5  }
0x61: {  	[tilespmem:$0x71F0] =	vst v5  }
0x62: {  	[tilespmem:$0x7200] =	vst v5  }
0x63: {  	[tilespmem:$0x7210] =	vst v5  }
0x64: {  	[tilespmem:$0x7220] =	vst v5  }
0x65: {  	[tilespmem:$0x7230] =	vst v5  }
0x66: {  	[tilespmem:$0x7240] =	vst v5  }
0x67: {  	[tilespmem:$0x7250] =	vst v5  }
0x68: {  	[tilespmem:$0x7260] =	vst v5  }
0x69: {  	[tilespmem:$0x7270] =	vst v5  }
0x6a: {  	[tilespmem:$0x7280] =	vst v5  }
0x6b: {  	[tilespmem:$0x7290] =	vst v5  }
0x6c: {  	[tilespmem:$0x72A0] =	vst v5  }
0x6d: {  	[tilespmem:$0x72B0] =	vst v5  }
0x6e: {  	[tilespmem:$0x72C0] =	vst v5  }
0x6f: {  	[tilespmem:$0x72D0] =	vst v5  }
0x70: {  	[tilespmem:$0x72E0] =	vst v5  }
0x71: {  	[tilespmem:$0x72F0] =	vst v5  }
0x72: {  	[tilespmem:$0x7300] =	vst v5  }
0x73: {  	[tilespmem:$0x7310] =	vst v5  }
0x74: {  	[tilespmem:$0x7320] =	vst v5  }
0x75: {  	[tilespmem:$0x7330] =	vst v5  }
0x76: {  	[tilespmem:$0x7340] =	vst v5  }
0x77: {  	[tilespmem:$0x7350] =	vst v5  }
0x78: {  	[tilespmem:$0x7360] =	vst v5  }
0x79: {  	[tilespmem:$0x7370] =	vst v5  }
0x7a: {  	[tilespmem:$0x7380] =	vst v5  }
0x7b: {  	[tilespmem:$0x7390] =	vst v5  }
0x7c: {  	[tilespmem:$0x73A0] =	vst v5  }
0x7d: {  	[tilespmem:$0x73B0] =	vst v5  }
0x7e: {  	[tilespmem:$0x73C0] =	vst v5  }
0x7f: {  	[tilespmem:$0x73D0] =	vst v5  }
0x80: {  	[tilespmem:$0x73E0] =	vst v5  }
0x81: {  	[tilespmem:$0x73F0] =	vst v5;
	s0 =	simm.s32 $0x0  }
.LBB2_2:
0x82: {  	p1 =	sne.s32 s0, $0xFC0  }
.Ltmp2:
0x83: {  	_ = 	snop;
	(pc) =	sbr.rel @p1 .LBB2_2-.Ltmp2, $3  }
0x84: {  	_ =	sdelay $0x1  }
0x85: {  	s1 =	sshra.s32 s0, $0x2  }
0x86: {  	s0 =	sadd.s32 $0x40, s0;
	[tilespmem:s1+$0x7C80] =	vst v5  }
0x87: {  	s0 =	simm.s32 $0x40;
	s1 =	simm.s32 $0x0  }
.LBB2_4:
0x88: {  	p1 =	sne.s32 s0, $0xFC0;
	[tilespmem:s1+$0x8080] =	vst v5;
	s1 =	smov.u32 s0;
	s0 =	sadd.s32 $0x40, s0  }
.Ltmp3:
0x89: {  	(pc) =	sbr.rel @p1 .LBB2_4-.Ltmp3, $2  }
0x8a: {  	_ =	sdelay $0x2  }
0x8b: {  	s1 =	sshra.s32 s1, $0x2  }
0x8c: {  	[tilespmem:s1+$0x8080] =	vst v5  }
0x8d: {  	[tilespmem:$0x8480] =	vst v5  }
0x8e: {  	[tilespmem:$0x8490] =	vst v5  }
0x8f: {  	[tilespmem:$0x84A0] =	vst v5  }
0x90: {  	[tilespmem:$0x84B0] =	vst v5  }
0x91: {  	[tilespmem:$0x84C0] =	vst v5  }
0x92: {  	[tilespmem:$0x84D0] =	vst v5  }
0x93: {  	[tilespmem:$0x84E0] =	vst v5  }
0x94: {  	[tilespmem:$0x84F0] =	vst v5  }
0x95: {  	[tilespmem:$0x8500] =	vst v5  }
0x96: {  	[tilespmem:$0x8510] =	vst v5  }
0x97: {  	[tilespmem:$0x8520] =	vst v5  }
0x98: {  	[tilespmem:$0x8530] =	vst v5  }
0x99: {  	[tilespmem:$0x8540] =	vst v5  }
0x9a: {  	[tilespmem:$0x8550] =	vst v5  }
0x9b: {  	[tilespmem:$0x8560] =	vst v5  }
0x9c: {  	[tilespmem:$0x8570] =	vst v5  }
0x9d: {  	[tilespmem:$0x8580] =	vst v5  }
0x9e: {  	[tilespmem:$0x8590] =	vst v5  }
0x9f: {  	[tilespmem:$0x85A0] =	vst v5  }
0xa0: {  	[tilespmem:$0x85B0] =	vst v5  }
0xa1: {  	[tilespmem:$0x8600] =	vst v5  }
0xa2: {  	[tilespmem:$0x8610] =	vst v5  }
0xa3: {  	[tilespmem:$0x8620] =	vst v5  }
0xa4: {  	[tilespmem:$0x8630] =	vst v5  }
0xa5: {  	[tilespmem:$0x8640] =	vst v5  }
0xa6: {  	[tilespmem:$0x8650] =	vst v5  }
0xa7: {  	[tilespmem:$0x8660] =	vst v5  }
0xa8: {  	[tilespmem:$0x8670] =	vst v5  }
0xa9: {  	[tilespmem:$0x8680] =	vst v5  }
0xaa: {  	[tilespmem:$0x8690] =	vst v5  }
0xab: {  	[tilespmem:$0x86A0] =	vst v5  }
0xac: {  	[tilespmem:$0x86B0] =	vst v5  }
0xad: {  	[tilespmem:$0x86C0] =	vst v5  }
0xae: {  	[tilespmem:$0x86D0] =	vst v5  }
0xaf: {  	[tilespmem:$0x86E0] =	vst v5  }
0xb0: {  	[tilespmem:$0x86F0] =	vst v5  }
0xb1: {  	[tilespmem:$0x8700] =	vst v5  }
0xb2: {  	[tilespmem:$0x8710] =	vst v5  }
0xb3: {  	[tilespmem:$0x8720] =	vst v5  }
0xb4: {  	[tilespmem:$0x8730] =	vst v5  }
0xb5: {  	[tilespmem:$0x8780] =	vst v5  }
0xb6: {  	[tilespmem:$0x8790] =	vst v5  }
0xb7: {  	[tilespmem:$0x87A0] =	vst v5  }
0xb8: {  	[tilespmem:$0x87B0] =	vst v5  }
0xb9: {  	[tilespmem:$0x87C0] =	vst v5  }
0xba: {  	[tilespmem:$0x87D0] =	vst v5  }
0xbb: {  	[tilespmem:$0x87E0] =	vst v5  }
0xbc: {  	[tilespmem:$0x87F0] =	vst v5  }
0xbd: {  	[tilespmem:$0x8800] =	vst v5  }
0xbe: {  	[tilespmem:$0x8810] =	vst v5  }
0xbf: {  	[tilespmem:$0x8820] =	vst v5  }
0xc0: {  	[tilespmem:$0x8830] =	vst v5  }
0xc1: {  	[tilespmem:$0x8840] =	vst v5  }
0xc2: {  	[tilespmem:$0x8850] =	vst v5  }
0xc3: {  	[tilespmem:$0x8860] =	vst v5  }
0xc4: {  	[tilespmem:$0x8870] =	vst v5  }
0xc5: {  	[tilespmem:$0x8880] =	vst v5  }
0xc6: {  	[tilespmem:$0x8890] =	vst v5  }
0xc7: {  	s24 =	simm.s32 $0x0;
	[tilespmem:$0x88A0] =	vst v5  }
0xc8: {  	s0 =	simm.s32 $0x8900;
	[tilespmem:$0x88B0] =	vst v5;
	v8 =	vor.u32 s24, v0  }
0xc9: {  	s1 =	simm.s32 $0x10;
	[tilespmem:s0+$0x0] =	vst v8  }
.LBB2_6:
0xca: {  	p1 =	sne.s32 s1, $0x130  }
.Ltmp4:
0xcb: {  	_ = 	snop;
	(pc) =	sbr.rel @p1 .LBB2_6-.Ltmp4, $3  }
0xcc: {  	_ =	sdelay $0x1  }
0xcd: {  	v8 =	vor.u32 s1, v0;
	s1 =	sadd.s32 $0x10, s1;
	s0 =	sadd.s32 $0x10, s0  }
0xce: {  	[tilespmem:s0+$0x0] =	vst v8  }
0xcf: {  	s0 =	simm.s32 $0x0;
	s1 =	rddreg [dreg:$0x10]  }
0xd0: {  	[tilespmem:s0], [sflag:$0x1] =	stream.linear.gather [hbm4b:s1+s0], $0x4000, $0x38;
	[tilespmem:$0xA2B0] =	vst v63  }
0xd1: {  	_ =	swait.ge [sflag:s30], $0x4000  }
0xd2: {  	[sflag:s30] =	ssyncset.done $0x0  }
0xd3: {  	s0 =	simm.s32 $0x40;
	s1 =	simm.s32 $0x0;
	[sflag:s30] =	ssyncadd.s32 $0xFFFFC000  }
.LBB2_8:
0xd4: {  	p1 =	sne.s32 s0, $0x3FC0;
	[tilespmem:s1+$0x4000] =	vst v5;
	s1 =	smov.u32 s0;
	s0 =	sadd.s32 $0x40, s0  }
.Ltmp5:
0xd5: {  	(pc) =	sbr.rel @p1 .LBB2_8-.Ltmp5, $2  }
0xd6: {  	_ =	sdelay $0x2  }
0xd7: {  	s1 =	sshra.s32 s1, $0x2  }
0xd8: {  	[tilespmem:s1+$0x4000] =	vst v5;
	s1 =	simm.s32 $0x0;
	s0 =	simm.s32 $0x40  }
.LBB2_10:
0xd9: {  	p1 =	sne.s32 s0, $0xFFC0;
	v8 =	vld [tilespmem:s1+$0x0];
	_ =	sdelay $0x4  }
0xda: {  	v8 =	vshrl.u32 v8, $0x13  }
.Ltmp6:
0xdb: {  	(pc) =	sbr.rel @p1 .LBB2_10-.Ltmp6, $2  }
0xdc: {  	_ =	sdelay $0x2  }
0xdd: {  	s1 =	sshra.s32 s0, $0x2;
	s0 =	sadd.s32 $0x40, s0;
	[tilespmem:v8+s31+$0x0] =	vst.idx.add.s32.msk $0xffff, v6  }
0xde: {  	v8 =	vld [tilespmem:s1+$0x0];
	_ =	sdelay $0x4  }
0xdf: {  	v8 =	vshrl.u32 v8, $0x13;
	_ =	sdelay $0x4  }
0xe0: {  	s0 =	simm.s32 $0x80;
	s16 =	simm.s32 $0x400;
	[tilespmem:v8+s31+$0x0] =	vst.idx.add.s32.msk $0xffff, v6  }
0xe1: {  	[spmem:s28] =	stream.strided.scatter [tilespmem:s31], [sflag:$0x1], $0x1000, s16, s0, $0x38;
	[tilespmem:$0xA2B0] =	vst v63  }
0xe2: {  	_ =	swait.ge [sflag:s30], $0x1000  }
0xe3: {  	[sflag:s30] =	ssyncset.done $0x0  }
0xe4: {  	s18 =	simm.s32 $0x800;
	[sflag:s30] =	ssyncadd.s32 $0xFFFFF000  }
0xe5: {  	s19 =	simm.s32 $0x8000;
	s2 =	simm.s32 $0x5000;
	[bflag:$0x0] =	sbarrier.arrive $0xFFFF  }
0xe6: {  	[tilespmem:s2], [sflag:$0x1] =	stream.strided.gather [spmem:s29], $0x1000, s19, s18, $0x38;
	[tilespmem:$0xA2B0] =	vst v63  }
0xe7: {  	s20 =	simm.s32 $0x0;
	_ =	swait.ge [sflag:s30], $0x1000  }
0xe8: {  	s21 =	sand.u32 $0x70, s20;
	s0 =	sand.u32 $0x400, s20;
	[sflag:s30] =	ssyncset.done $0x0  }
0xe9: {  	s0 =	sor.u32 s21, s0;
	[sflag:s30] =	ssyncadd.s32 $0xFFFFF000  }
0xea: {  	v8 =	vld [tilespmem:s0+$0x5080]  }
0xeb: {  	v9 =	vld [tilespmem:s0+$0x5000]  }
0xec: {  	v10 =	vld [tilespmem:s0+$0x5100]  }
0xed: {  	v11 =	vld [tilespmem:s0+$0x5180]  }
0xee: {  	v12 =	vld [tilespmem:s0+$0x5200]  }
0xef: {  	v13 =	vld [tilespmem:s0+$0x5280]  }
0xf0: {  	v54 =	vld [tilespmem:s0+$0x5300];
	v8 =	vadd.s32 v9, v8  }
0xf1: {  	v55 =	vld [tilespmem:s0+$0x5380];
	v8 =	vadd.s32 v10, v8  }
0xf2: {  	v56 =	vld [tilespmem:s0+$0x5800];
	v8 =	vadd.s32 v11, v8  }
0xf3: {  	v57 =	vld [tilespmem:s0+$0x5880];
	v8 =	vadd.s32 v12, v8  }
0xf4: {  	v58 =	vld [tilespmem:s0+$0x5900];
	v8 =	vadd.s32 v13, v8  }
0xf5: {  	v59 =	vld [tilespmem:s0+$0x5980];
	v8 =	vadd.s32 v54, v8  }
0xf6: {  	v60 =	vld [tilespmem:s0+$0x5A00];
	v8 =	vadd.s32 v55, v8  }
0xf7: {  	v61 =	vld [tilespmem:s0+$0x5A80];
	v8 =	vadd.s32 v56, v8  }
0xf8: {  	v62 =	vld [tilespmem:s0+$0x5B00];
	v8 =	vadd.s32 v57, v8  }
0xf9: {  	v63 =	vld [tilespmem:s0+$0x5B80];
	v8 =	vadd.s32 v58, v8  }
0xfa: {  	v8 =	vadd.s32 v59, v8  }
0xfb: {  	v8 =	vadd.s32 v60, v8  }
0xfc: {  	v8 =	vadd.s32 v61, v8  }
0xfd: {  	s24 =	simm.s32 $0x10;
	s2 =	simm.s32 $0x80;
	v8 =	vadd.s32 v62, v8  }
0xfe: {  	s1 =	sand.u32 $0x70, s24;
	s3 =	sand.u32 $0x400, s2;
	s0 =	simm.s32 $0x6000;
	v8 =	vadd.s32 v63, v8  }
0xff: {  	s1 =	sor.u32 s1, s3;
	s3 =	simm.s32 $0x20;
	[tilespmem:s0+$0x0] =	vst v8  }
.LBB2_12:
0x100: {  	p1 =	sne.s32 s3, $0xF0;
	v8 =	vld [tilespmem:s1+$0x5080]  }
0x101: {  	v9 =	vld [tilespmem:s1+$0x5000]  }
0x102: {  	v10 =	vld [tilespmem:s1+$0x5100]  }
0x103: {  	v11 =	vld [tilespmem:s1+$0x5180]  }
0x104: {  	v12 =	vld [tilespmem:s1+$0x5200]  }
0x105: {  	v13 =	vld [tilespmem:s1+$0x5280]  }
0x106: {  	v8 =	vadd.s32 v9, v8;
	v9 =	vld [tilespmem:s1+$0x5300]  }
0x107: {  	v8 =	vadd.s32 v10, v8;
	v10 =	vld [tilespmem:s1+$0x5380]  }
0x108: {  	v8 =	vadd.s32 v11, v8;
	v11 =	vld [tilespmem:s1+$0x5800]  }
0x109: {  	v8 =	vadd.s32 v12, v8;
	v12 =	vld [tilespmem:s1+$0x5880]  }
0x10a: {  	v8 =	vadd.s32 v13, v8;
	v13 =	vld [tilespmem:s1+$0x5900]  }
0x10b: {  	v8 =	vadd.s32 v9, v8;
	v9 =	vld [tilespmem:s1+$0x5980]  }
0x10c: {  	v8 =	vadd.s32 v10, v8;
	v10 =	vld [tilespmem:s1+$0x5A00]  }
0x10d: {  	v8 =	vadd.s32 v11, v8;
	v11 =	vld [tilespmem:s1+$0x5A80]  }
0x10e: {  	v8 =	vadd.s32 v12, v8;
	v12 =	vld [tilespmem:s1+$0x5B00]  }
0x10f: {  	v8 =	vadd.s32 v13, v8;
	v13 =	vld [tilespmem:s1+$0x5B80]  }
0x110: {  	v8 =	vadd.s32 v9, v8  }
.Ltmp7:
0x111: {  	v8 =	vadd.s32 v10, v8;
	(pc) =	sbr.rel @p1 .LBB2_12-.Ltmp7, $4  }
0x112: {  	v8 =	vadd.s32 v11, v8  }
0x113: {  	s2 =	sadd.s32 $0x80, s2;
	v8 =	vadd.s32 v12, v8  }
0x114: {  	s0 =	sadd.s32 $0x10, s0;
	s6 =	sand.u32 $0x400, s2;
	s1 =	sand.u32 $0x70, s3;
	v8 =	vadd.s32 v13, v8  }
0x115: {  	s3 =	sadd.s32 $0x10, s3;
	s1 =	sor.u32 s1, s6;
	[tilespmem:s0+$0x0] =	vst v8  }
0x116: {  	v8 =	vld [tilespmem:s1+$0x5080]  }
0x117: {  	v9 =	vld [tilespmem:s1+$0x5000]  }
0x118: {  	v10 =	vld [tilespmem:s1+$0x5100]  }
0x119: {  	v11 =	vld [tilespmem:s1+$0x5180]  }
0x11a: {  	v12 =	vld [tilespmem:s1+$0x5200]  }
0x11b: {  	v13 =	vld [tilespmem:s1+$0x5280]  }
0x11c: {  	v8 =	vadd.s32 v9, v8;
	v9 =	vld [tilespmem:s1+$0x5300]  }
0x11d: {  	v8 =	vadd.s32 v10, v8;
	v10 =	vld [tilespmem:s1+$0x5380]  }
0x11e: {  	v8 =	vadd.s32 v11, v8;
	v11 =	vld [tilespmem:s1+$0x5800]  }
0x11f: {  	v60 =	vld [tilespmem:s1+$0x5880];
	v8 =	vadd.s32 v12, v8  }
0x120: {  	v61 =	vld [tilespmem:s1+$0x5900];
	v8 =	vadd.s32 v13, v8  }
0x121: {  	v8 =	vadd.s32 v9, v8;
	v9 =	vld [tilespmem:s1+$0x5980]  }
0x122: {  	v8 =	vadd.s32 v10, v8;
	v10 =	vld [tilespmem:s1+$0x5A00]  }
0x123: {  	v8 =	vadd.s32 v11, v8;
	v11 =	vld [tilespmem:s1+$0x5A80]  }
0x124: {  	v62 =	vld [tilespmem:s1+$0x5B00];
	v8 =	vadd.s32 v60, v8  }
0x125: {  	v63 =	vld [tilespmem:s1+$0x5B80];
	v8 =	vadd.s32 v61, v8  }
0x126: {  	v8 =	vadd.s32 v9, v8  }
0x127: {  	v8 =	vadd.s32 v10, v8  }
0x128: {  	v8 =	vadd.s32 v11, v8  }
0x129: {  	v8 =	vadd.s32 v62, v8  }
0x12a: {  	s0 =	sadd.s32 $0x10, s0;
	v8 =	vadd.s32 v63, v8  }
0x12b: {  	s11 =	rddreg [dreg:$0x13];
	s12 =	simm.s32 $0x6000;
	s20 =	simm.s32 $0x1;
	[tilespmem:s0+$0x0] =	vst v8  }
0x12c: {  	[spmem:s11] =	stream.linear.scatter [tilespmem:s12], [sflag:$0x1], $0x100, $0x38;
	[tilespmem:$0xA2B0] =	vst v63  }
0x12d: {  	_ =	swait.ge [sflag:s20], $0x100  }
0x12e: {  	[sflag:s20] =	ssyncset.done $0x0  }
0x12f: {  	[sflag:s20] =	ssyncadd.s32 $0xFFFFFF00  }
0x130: {  	[bflag:$0x0] =	sbarrier.arrive $0xFFFF  }
0x131: {  	[tilespmem:s12], [sflag:$0x1] =	stream.linear.gather [spmem:s23], $0x1000, $0x38;
	[tilespmem:$0xA2B0] =	vst v63  }
0x132: {  	_ =	swait.ge [sflag:s20], $0x1000  }
0x133: {  	[sflag:s20] =	ssyncset.done $0x0  }
0x134: {  	s15 =	simm.s32 $0x6FF0;
	[sflag:s20] =	ssyncadd.s32 $0xFFFFF000  }
0x135: {  	v8 =	vld [tilespmem:s15+$0x0];
	_ =	sdelay $0x4  }
0x136: {  	(xrf0) =	vadd.scan.msk.s32 $0xffff, v8;
	_ =	sdelay $0x5  }
0x137: {  	v8, _, _ =	vpop (xrf0)  }
0x138: {  	(v2sf) =	vpush v8, $0xF;
	_ =	sdelay $0x1  }
0x139: {  	s16 =	simm.s32 $0x6FE0  }
0x13a: {  	v8 =	vld [tilespmem:s16+$0x0]  }
0x13b: {  	s18 =	simm.s32 $0x6FD0  }
0x13c: {  	v9 =	vld [tilespmem:s18+$0x0];
	_ =	sdelay $0x2  }
0x13d: {  	(xrf0) =	vadd.scan.msk.s32 $0xffff, v8;
	_ =	sdelay $0x1  }
0x13e: {  	(xrf0) =	vadd.scan.msk.s32 $0xffff, v9;
	_ =	sdelay $0x2  }
0x13f: {  	s19 =	simm.s32 $0x6FC0  }
0x140: {  	v10 =	vld [tilespmem:s19+$0x0];
	v9, _, _ =	vpop (xrf0)  }
0x141: {  	s24 =	spop (v2sf);
	(v2sf) =	vpush v9, $0xF  }
0x142: {  	v9, _, _ =	vpop (xrf0)  }
0x143: {  	(v2sf) =	vpush v9, $0xF;
	_ =	sdelay $0x1  }
0x144: {  	s21 =	simm.s32 $0x6FB0;
	(xrf0) =	vadd.scan.msk.s32 $0xffff, v10  }
0x145: {  	v8 =	vld [tilespmem:s21+$0x0];
	_ =	sdelay $0x1  }
0x146: {  	s9 =	simm.s32 $0xFF;
	s8 =	simm.s32 $0xFE;
	s3 =	simm.s32 $0xFD  }
0x147: {  	s6 =	simm.s32 $0xFC;
	s2 =	simm.s32 $0xFB;
	p2 =	por $0x1, $0x1  }
0x148: {  	s7 =	simm.s32 $0x0;
	s0 =	simm.s32 $0x0;
	s1 =	sadd.s32 $0x0, s24  }
0x149: {  	s11 =	simm.s32 $0xFA;
	s12 =	simm.s32 $0x6FA0;
	(xrf0) =	vadd.scan.msk.s32 $0xffff, v8;
	v8, _, _ =	vpop (xrf0);
	p3 =	sgt.s32 s1, $0x12B  }
.LBB2_14:
0x14a: {  	p1 =	sne.s32 s11, $0x0;
	p2 =	por !p2, !p3;
	s15 =	smov.u32 s11  }
0x14b: {  	v9 =	vld [tilespmem:s12+$0x0];
	(v2sf) =	vpush v8, $0xF;
	s11 =	sadd.s32 $0xFFFFFFFF, s11;
	s16 =	smov.u32 s7;
	s7 =	smov.u32 s1  }
.Ltmp8:
0x14c: {  	p2 =	por !p2, !p2;
	s16 =	ssub.s32 $0x12C, s16;
	(pc) =	sbr.rel @p1 .LBB2_14-.Ltmp8, $4  }
0x14d: {  	s0 =	smov.u32 @p2 s9;
	s20 =	smov.u32 @p2 s16;
	s9 =	smov.u32 s8  }
0x14e: {  	s8 =	smov.u32 s3;
	s3 =	smov.u32 s6;
	s16 =	spop (v2sf)  }
0x14f: {  	s6 =	smov.u32 s2;
	s2 =	smov.u32 s15;
	s1 =	sadd.s32 s1, s16  }
0x150: {  	s12 =	sadd.s32 $0xFFFFFFF0, s12;
	p2 =	slt.s32 s7, $0x12C;
	(xrf0) =	vadd.scan.msk.s32 $0xffff, v9;
	v8, _, _ =	vpop (xrf0);
	p3 =	sgt.s32 s1, $0x12B  }
0x151: {  	_ =	sdelay $0x4  }
0x152: {  	(v2sf) =	vpush v8, $0xF;
	v8, _, _ =	vpop (xrf0)  }
0x153: {  	(v2sf) =	vpush v8, $0xF;
	_ =	sdelay $0x8  }
0x154: {  	s11 =	spop (v2sf)  }
0x155: {  	p1 =	por !p2, !p3;
	p4 =	slt.s32 s1, $0x12C;
	s19 =	sadd.s32 s1, s11  }
0x156: {  	p1 =	por !p1, !p1;
	p5 =	sgt.s32 s19, $0x12B;
	s21 =	spop (v2sf)  }
0x157: {  	s0 =	smov.u32 @p1 s9;
	p2 =	por !p4, !p5;
	s11 =	sadd.s32 s19, s21  }
0x158: {  	p6 =	slt.s32 s19, $0x12C;
	p2 =	por !p2, !p2;
	p5 =	sgt.s32 s11, $0x12B  }
0x159: {  	s0 =	smov.u32 @p2 s8;
	p3 =	por !p6, !p5;
	s12 =	spop (v2sf)  }
0x15a: {  	p5 =	slt.s32 s11, $0x12C;
	s12 =	sadd.s32 s11, s12;
	s15 =	spop (v2sf)  }
0x15b: {  	p3 =	por !p3, !p3;
	p6 =	sgt.s32 s12, $0x12B;
	s24 =	sadd.s32 s12, s15  }
0x15c: {  	p5 =	por !p5, !p6;
	p6 =	slt.s32 s12, $0x12C;
	p4 =	sgt.s32 s24, $0x12B  }
0x15d: {  	s0 =	smov.u32 @p3 s3;
	p5 =	por !p5, !p5;
	p4 =	por !p6, !p4  }
0x15e: {  	s0 =	smov.u32 @p5 s6;
	p4 =	por !p4, !p4  }
0x15f: {  	s0 =	smov.u32 @p4 s2  }
0x160: {  	s0 =	sshll.u32 s0, $0x4  }
0x161: {  	v9 =	vld [tilespmem:s0+$0x6000];
	_ =	sdelay $0x4  }
0x162: {  	v8 =	vperm.xlane v9, v7;
	_ =	sdelay $0x1  }
0x163: {  	(xrf0) =	vadd.scan.msk.s32 $0xffff, v8;
	_ =	sdelay $0x2  }
0x164: {  	s2 =	ssub.s32 $0x12C, s7  }
0x165: {  	s1 =	ssub.s32 $0x12C, s1;
	s20 =	smov.u32 @p1 s2  }
0x166: {  	s20 =	smov.u32 @p2 s1;
	s1 =	ssub.s32 $0x12C, s19  }
0x167: {  	s20 =	smov.u32 @p3 s1;
	s1 =	ssub.s32 $0x12C, s11;
	v8, _, _ =	vpop (xrf0)  }
0x168: {  	s20 =	smov.u32 @p5 s1;
	s1 =	ssub.s32 $0x12C, s12;
	v8 =	vperm.xlane v8, v7  }
0x169: {  	s20 =	smov.u32 @p4 s1  }
0x16a: {  	vm2 =	vge.s32 v8, s20  }
0x16b: {  	s2 =	simm.s32 $0x0;
	s1 =	simm.s32 $0x40;
	v8 =	vmpcnt.ones.xlane vm2  }
.LBB2_16:
0x16c: {  	p1 =	sne.s32 s1, $0x3FC0;
	[tilespmem:s2+$0x4000] =	vst v5;
	s2 =	smov.u32 s1;
	s1 =	sadd.s32 $0x40, s1  }
.Ltmp9:
0x16d: {  	(pc) =	sbr.rel @p1 .LBB2_16-.Ltmp9, $2  }
0x16e: {  	_ =	sdelay $0x2  }
0x16f: {  	s2 =	sshra.s32 s2, $0x2  }
0x170: {  	v10 =	vadd.s32 $0xFFFFFFFF, v8  }
0x171: {  	[tilespmem:s2+$0x4000] =	vst v5;
	s1 =	simm.s32 $0x0;
	v8 =	vadd.s32 s0, v10;
	s0 =	simm.s32 $0x40  }
.LBB2_18:
0x172: {  	p1 =	sne.s32 s0, $0xFFC0;
	v11 =	vld [tilespmem:s1+$0x0];
	_ =	sdelay $0x4  }
0x173: {  	v12 =	vshrl.u32 v11, $0x13  }
0x174: {  	v11 =	vshrl.u32 v11, $0x7;
	vm2 =	veq.s32 v12, v8  }
0x175: {  	v11 =	vand.u32 $0xFFF, v11  }
.Ltmp10:
0x176: {  	(pc) =	sbr.rel @p1 .LBB2_18-.Ltmp10, $2  }
0x177: {  	_ =	sdelay $0x2  }
0x178: {  	s1 =	sshra.s32 s0, $0x2;
	s0 =	sadd.s32 $0x40, s0;
	[tilespmem:v11+s31+$0x0] =	vst.idx.add.s32.msk vm2, v6  }
0x179: {  	v11 =	vld [tilespmem:s1+$0x0];
	_ =	sdelay $0x4  }
0x17a: {  	v12 =	vshrl.u32 v11, $0x13  }
0x17b: {  	v11 =	vshrl.u32 v11, $0x7;
	vm2 =	veq.s32 v12, v8  }
0x17c: {  	v11 =	vand.u32 $0xFFF, v11;
	_ =	sdelay $0x4  }
0x17d: {  	[dreg:$0xe] =	wrdreg s17;
	s0 =	simm.s32 $0x80;
	s16 =	simm.s32 $0x400;
	[tilespmem:v11+s31+$0x0] =	vst.idx.add.s32.msk vm2, v6  }
0x17e: {  	[spmem:s28] =	stream.strided.scatter [tilespmem:s31], [sflag:$0x1], $0x1000, s16, s0, $0x38;
	[tilespmem:$0xA2B0] =	vst v63  }
0x17f: {  	_ =	swait.ge [sflag:s30], $0x1000  }
0x180: {  	[sflag:s30] =	ssyncset.done $0x0  }
0x181: {  	s17 =	simm.s32 $0x800;
	[sflag:s30] =	ssyncadd.s32 $0xFFFFF000  }
0x182: {  	s18 =	simm.s32 $0x8000;
	s2 =	simm.s32 $0x5000;
	[bflag:$0x0] =	sbarrier.arrive $0xFFFF  }
0x183: {  	[tilespmem:s2], [sflag:$0x1] =	stream.strided.gather [spmem:s29], $0x1000, s18, s17, $0x38;
	[tilespmem:$0xA2B0] =	vst v63  }
0x184: {  	s19 =	simm.s32 $0x0;
	_ =	swait.ge [sflag:s30], $0x1000  }
0x185: {  	s21 =	sand.u32 $0x70, s19;
	s0 =	sand.u32 $0x400, s19;
	[sflag:s30] =	ssyncset.done $0x0  }
0x186: {  	s0 =	sor.u32 s21, s0;
	[sflag:s30] =	ssyncadd.s32 $0xFFFFF000  }
0x187: {  	v11 =	vld [tilespmem:s0+$0x5080]  }
0x188: {  	v53 =	vld [tilespmem:s0+$0x5000]  }
0x189: {  	v13 =	vld [tilespmem:s0+$0x5100]  }
0x18a: {  	v14 =	vld [tilespmem:s0+$0x5180]  }
0x18b: {  	v15 =	vld [tilespmem:s0+$0x5200]  }
0x18c: {  	v16 =	vld [tilespmem:s0+$0x5280]  }
0x18d: {  	v54 =	vld [tilespmem:s0+$0x5300];
	v11 =	vadd.s32 v53, v11  }
0x18e: {  	v55 =	vld [tilespmem:s0+$0x5380];
	v11 =	vadd.s32 v13, v11  }
0x18f: {  	v56 =	vld [tilespmem:s0+$0x5800];
	v11 =	vadd.s32 v14, v11  }
0x190: {  	v57 =	vld [tilespmem:s0+$0x5880];
	v11 =	vadd.s32 v15, v11  }
0x191: {  	v58 =	vld [tilespmem:s0+$0x5900];
	v11 =	vadd.s32 v16, v11  }
0x192: {  	v59 =	vld [tilespmem:s0+$0x5980];
	v11 =	vadd.s32 v54, v11  }
0x193: {  	v60 =	vld [tilespmem:s0+$0x5A00];
	v11 =	vadd.s32 v55, v11  }
0x194: {  	v61 =	vld [tilespmem:s0+$0x5A80];
	v11 =	vadd.s32 v56, v11  }
0x195: {  	v62 =	vld [tilespmem:s0+$0x5B00];
	v11 =	vadd.s32 v57, v11  }
0x196: {  	v63 =	vld [tilespmem:s0+$0x5B80];
	v11 =	vadd.s32 v58, v11  }
0x197: {  	v11 =	vadd.s32 v59, v11  }
0x198: {  	v11 =	vadd.s32 v60, v11  }
0x199: {  	v11 =	vadd.s32 v61, v11  }
0x19a: {  	s24 =	simm.s32 $0x10;
	s2 =	simm.s32 $0x80;
	v11 =	vadd.s32 v62, v11  }
0x19b: {  	s1 =	sand.u32 $0x70, s24;
	s3 =	sand.u32 $0x400, s2;
	s0 =	simm.s32 $0x6000;
	v11 =	vadd.s32 v63, v11  }
0x19c: {  	s1 =	sor.u32 s1, s3;
	s3 =	simm.s32 $0x20;
	[tilespmem:s0+$0x0] =	vst v11  }
.LBB2_20:
0x19d: {  	p1 =	sne.s32 s3, $0xF0;
	v11 =	vld [tilespmem:s1+$0x5080]  }
0x19e: {  	v12 =	vld [tilespmem:s1+$0x5000]  }
0x19f: {  	v13 =	vld [tilespmem:s1+$0x5100]  }
0x1a0: {  	v14 =	vld [tilespmem:s1+$0x5180]  }
0x1a1: {  	v15 =	vld [tilespmem:s1+$0x5200]  }
0x1a2: {  	v16 =	vld [tilespmem:s1+$0x5280]  }
0x1a3: {  	v11 =	vadd.s32 v12, v11;
	v12 =	vld [tilespmem:s1+$0x5300]  }
0x1a4: {  	v11 =	vadd.s32 v13, v11;
	v13 =	vld [tilespmem:s1+$0x5380]  }
0x1a5: {  	v11 =	vadd.s32 v14, v11;
	v14 =	vld [tilespmem:s1+$0x5800]  }
0x1a6: {  	v11 =	vadd.s32 v15, v11;
	v15 =	vld [tilespmem:s1+$0x5880]  }
0x1a7: {  	v11 =	vadd.s32 v16, v11;
	v16 =	vld [tilespmem:s1+$0x5900]  }
0x1a8: {  	v11 =	vadd.s32 v12, v11;
	v12 =	vld [tilespmem:s1+$0x5980]  }
0x1a9: {  	v11 =	vadd.s32 v13, v11;
	v13 =	vld [tilespmem:s1+$0x5A00]  }
0x1aa: {  	v11 =	vadd.s32 v14, v11;
	v14 =	vld [tilespmem:s1+$0x5A80]  }
0x1ab: {  	v11 =	vadd.s32 v15, v11;
	v15 =	vld [tilespmem:s1+$0x5B00]  }
0x1ac: {  	v11 =	vadd.s32 v16, v11;
	v16 =	vld [tilespmem:s1+$0x5B80]  }
0x1ad: {  	v11 =	vadd.s32 v12, v11  }
.Ltmp11:
0x1ae: {  	v11 =	vadd.s32 v13, v11;
	(pc) =	sbr.rel @p1 .LBB2_20-.Ltmp11, $4  }
0x1af: {  	v11 =	vadd.s32 v14, v11  }
0x1b0: {  	s2 =	sadd.s32 $0x80, s2;
	v11 =	vadd.s32 v15, v11  }
0x1b1: {  	s0 =	sadd.s32 $0x10, s0;
	s6 =	sand.u32 $0x400, s2;
	s1 =	sand.u32 $0x70, s3;
	v11 =	vadd.s32 v16, v11  }
0x1b2: {  	s3 =	sadd.s32 $0x10, s3;
	s1 =	sor.u32 s1, s6;
	[tilespmem:s0+$0x0] =	vst v11  }
0x1b3: {  	vm2 =	vlt.s32 v10, v0  }
0x1b4: {  	v10 =	vld [tilespmem:s1+$0x5080];
	v9 =	vnsel vm2, $0x0, v9  }
0x1b5: {  	v11 =	vld [tilespmem:s1+$0x5000];
	(xrf0) =	vadd.scan.msk.s32 $0xffff, v9  }
0x1b6: {  	v9 =	vld [tilespmem:s1+$0x5100]  }
0x1b7: {  	v12 =	vld [tilespmem:s1+$0x5180]  }
0x1b8: {  	v13 =	vld [tilespmem:s1+$0x5200]  }
0x1b9: {  	v14 =	vld [tilespmem:s1+$0x5280]  }
0x1ba: {  	v10 =	vadd.s32 v11, v10;
	v11 =	vld [tilespmem:s1+$0x5300]  }
0x1bb: {  	v9 =	vadd.s32 v9, v10;
	v10 =	vld [tilespmem:s1+$0x5380];
	v15, _, _ =	vpop (xrf0)  }
0x1bc: {  	v58 =	vld [tilespmem:s1+$0x5800];
	v9 =	vadd.s32 v12, v9;
	(v2sf) =	vpush v15, $0xF  }
0x1bd: {  	v59 =	vld [tilespmem:s1+$0x5880];
	v9 =	vadd.s32 v13, v9  }
0x1be: {  	v60 =	vld [tilespmem:s1+$0x5900];
	v9 =	vadd.s32 v14, v9  }
0x1bf: {  	v9 =	vadd.s32 v11, v9;
	v11 =	vld [tilespmem:s1+$0x5980]  }
0x1c0: {  	v9 =	vadd.s32 v10, v9;
	v10 =	vld [tilespmem:s1+$0x5A00]  }
0x1c1: {  	v61 =	vld [tilespmem:s1+$0x5A80];
	v9 =	vadd.s32 v58, v9  }
0x1c2: {  	v62 =	vld [tilespmem:s1+$0x5B00];
	v9 =	vadd.s32 v59, v9  }
0x1c3: {  	v63 =	vld [tilespmem:s1+$0x5B80];
	v9 =	vadd.s32 v60, v9  }
0x1c4: {  	v9 =	vadd.s32 v11, v9  }
0x1c5: {  	v9 =	vadd.s32 v10, v9  }
0x1c6: {  	v9 =	vadd.s32 v61, v9  }
0x1c7: {  	v9 =	vadd.s32 v62, v9  }
0x1c8: {  	s0 =	sadd.s32 $0x10, s0;
	v9 =	vadd.s32 v63, v9  }
0x1c9: {  	s9 =	rddreg [dreg:$0x15];
	s2 =	simm.s32 $0x6000;
	[tilespmem:s0+$0x0] =	vst v9  }
0x1ca: {  	[spmem:s9] =	stream.linear.scatter [tilespmem:s2], [sflag:$0x1], $0x100, $0x38;
	[tilespmem:$0xA2B0] =	vst v63  }
0x1cb: {  	s19 =	simm.s32 $0x1;
	s11 =	spop (v2sf)  }
0x1cc: {  	_ =	swait.ge [sflag:s19], $0x100  }
0x1cd: {  	[sflag:s19] =	ssyncset.done $0x0  }
0x1ce: {  	[sflag:s19] =	ssyncadd.s32 $0xFFFFFF00  }
0x1cf: {  	[bflag:$0x0] =	sbarrier.arrive $0xFFFF  }
0x1d0: {  	s12 =	rddreg [dreg:$0x4]  }
0x1d1: {  	[tilespmem:s2], [sflag:$0x1] =	stream.linear.gather [spmem:s12], $0x1000, $0x38;
	[tilespmem:$0xA2B0] =	vst v63  }
0x1d2: {  	_ =	swait.ge [sflag:s19], $0x1000  }
0x1d3: {  	[sflag:s19] =	ssyncset.done $0x0  }
0x1d4: {  	s15 =	simm.s32 $0x6FF0;
	[sflag:s19] =	ssyncadd.s32 $0xFFFFF000  }
0x1d5: {  	v9 =	vld [tilespmem:s15+$0x0];
	_ =	sdelay $0x4  }
0x1d6: {  	(xrf0) =	vadd.scan.msk.s32 $0xffff, v9;
	_ =	sdelay $0x5  }
0x1d7: {  	v9, _, _ =	vpop (xrf0)  }
0x1d8: {  	s16 =	simm.s32 $0x6FE0;
	(v2sf) =	vpush v9, $0xF  }
0x1d9: {  	v9 =	vld [tilespmem:s16+$0x0]  }
0x1da: {  	s17 =	simm.s32 $0x6FD0  }
0x1db: {  	v10 =	vld [tilespmem:s17+$0x0];
	_ =	sdelay $0x2  }
0x1dc: {  	(xrf0) =	vadd.scan.msk.s32 $0xffff, v9;
	_ =	sdelay $0x1  }
0x1dd: {  	(xrf0) =	vadd.scan.msk.s32 $0xffff, v10;
	_ =	sdelay $0x2  }
0x1de: {  	s18 =	simm.s32 $0x6FC0  }
0x1df: {  	v11 =	vld [tilespmem:s18+$0x0];
	v10, _, _ =	vpop (xrf0)  }
0x1e0: {  	(v2sf) =	vpush v10, $0xF  }
0x1e1: {  	v10, _, _ =	vpop (xrf0)  }
0x1e2: {  	s24 =	spop (v2sf);
	(v2sf) =	vpush v10, $0xF;
	_ =	sdelay $0x1  }
0x1e3: {  	s21 =	simm.s32 $0x6FB0;
	(xrf0) =	vadd.scan.msk.s32 $0xffff, v11  }
0x1e4: {  	v9 =	vld [tilespmem:s21+$0x0]  }
0x1e5: {  	s6 =	simm.s32 $0xFD  }
0x1e6: {  	s7 =	simm.s32 $0xFC;
	s3 =	simm.s32 $0xFB;
	s8 =	simm.s32 $0x0  }
0x1e7: {  	s1 =	simm.s32 $0x0;
	s9 =	simm.s32 $0xFF;
	s0 =	ssub.s32 s20, s11  }
0x1e8: {  	s11 =	simm.s32 $0xFA;
	p2 =	sgt.s32 s0, $0x0;
	s2 =	sadd.s32 $0x0, s24  }
0x1e9: {  	s12 =	simm.s32 $0xFE;
	s15 =	simm.s32 $0x6FA0;
	(xrf0) =	vadd.scan.msk.s32 $0xffff, v9;
	v9, _, _ =	vpop (xrf0);
	p3 =	sge.s32 s2, s0  }
.LBB2_22:
0x1ea: {  	p1 =	sne.s32 s11, $0x0;
	p2 =	por !p2, !p3;
	s16 =	smov.u32 s11  }
0x1eb: {  	v10 =	vld [tilespmem:s15+$0x0];
	(v2sf) =	vpush v9, $0xF;
	s11 =	sadd.s32 $0xFFFFFFFF, s11;
	s17 =	smov.u32 s8;
	s8 =	smov.u32 s2  }
.Ltmp12:
0x1ec: {  	p2 =	por !p2, !p2;
	s17 =	ssub.s32 s0, s17;
	(pc) =	sbr.rel @p1 .LBB2_22-.Ltmp12, $4  }
0x1ed: {  	s1 =	smov.u32 @p2 s9;
	s19 =	smov.u32 @p2 s17;
	s9 =	smov.u32 s12  }
0x1ee: {  	s12 =	smov.u32 s6;
	s6 =	smov.u32 s7;
	s17 =	spop (v2sf)  }
0x1ef: {  	s7 =	smov.u32 s3;
	s3 =	smov.u32 s16;
	s2 =	sadd.s32 s2, s17  }
0x1f0: {  	s15 =	sadd.s32 $0xFFFFFFF0, s15;
	p2 =	sgt.s32 s0, s8;
	(xrf0) =	vadd.scan.msk.s32 $0xffff, v10;
	v9, _, _ =	vpop (xrf0);
	p3 =	sge.s32 s2, s0  }
0x1f1: {  	_ =	sdelay $0x4  }
0x1f2: {  	(v2sf) =	vpush v9, $0xF;
	v9, _, _ =	vpop (xrf0)  }
0x1f3: {  	(v2sf) =	vpush v9, $0xF;
	_ =	sdelay $0x8  }
0x1f4: {  	s11 =	spop (v2sf)  }
0x1f5: {  	p1 =	por !p2, !p3;
	p4 =	sgt.s32 s0, s2;
	s20 =	sadd.s32 s2, s11  }
0x1f6: {  	p1 =	por !p1, !p1;
	p5 =	sge.s32 s20, s0;
	s21 =	spop (v2sf)  }
0x1f7: {  	s1 =	smov.u32 @p1 s9;
	p2 =	por !p4, !p5;
	s11 =	sadd.s32 s20, s21  }
0x1f8: {  	p6 =	sgt.s32 s0, s20;
	p2 =	por !p2, !p2;
	p5 =	sge.s32 s11, s0  }
0x1f9: {  	s1 =	smov.u32 @p2 s12;
	p3 =	por !p6, !p5;
	s15 =	spop (v2sf)  }
0x1fa: {  	p5 =	sgt.s32 s0, s11;
	s15 =	sadd.s32 s11, s15;
	s16 =	spop (v2sf)  }
0x1fb: {  	p3 =	por !p3, !p3;
	p6 =	sge.s32 s15, s0;
	s24 =	sadd.s32 s15, s16  }
0x1fc: {  	p5 =	por !p5, !p6;
	p6 =	sgt.s32 s0, s15;
	p4 =	sge.s32 s24, s0  }
0x1fd: {  	s1 =	smov.u32 @p3 s6;
	p5 =	por !p5, !p5;
	p4 =	por !p6, !p4  }
0x1fe: {  	s1 =	smov.u32 @p5 s7;
	p4 =	por !p4, !p4  }
0x1ff: {  	s1 =	smov.u32 @p4 s3  }
0x200: {  	s1 =	sshll.u32 s1, $0x4  }
0x201: {  	v10 =	vld [tilespmem:s1+$0x6000];
	_ =	sdelay $0x4  }
0x202: {  	v9 =	vperm.xlane v10, v7;
	_ =	sdelay $0x1  }
0x203: {  	(xrf0) =	vadd.scan.msk.s32 $0xffff, v9;
	_ =	sdelay $0x2  }
0x204: {  	s3 =	ssub.s32 s0, s8  }
0x205: {  	s2 =	ssub.s32 s0, s2;
	s19 =	smov.u32 @p1 s3  }
0x206: {  	s19 =	smov.u32 @p2 s2;
	s2 =	ssub.s32 s0, s20  }
0x207: {  	s19 =	smov.u32 @p3 s2;
	s2 =	ssub.s32 s0, s11;
	v9, _, _ =	vpop (xrf0)  }
0x208: {  	s0 =	ssub.s32 s0, s15;
	s19 =	smov.u32 @p5 s2;
	v9 =	vperm.xlane v9, v7  }
0x209: {  	s19 =	smov.u32 @p4 s0  }
0x20a: {  	vm2 =	vge.s32 v9, s19  }
0x20b: {  	s2 =	simm.s32 $0x0;
	s0 =	simm.s32 $0x40;
	v9 =	vmpcnt.ones.xlane vm2  }
.LBB2_24:
0x20c: {  	p1 =	sne.s32 s0, $0x3FC0;
	[tilespmem:s2+$0x4000] =	vst v5;
	s2 =	smov.u32 s0;
	s0 =	sadd.s32 $0x40, s0  }
.Ltmp13:
0x20d: {  	(pc) =	sbr.rel @p1 .LBB2_24-.Ltmp13, $2  }
0x20e: {  	_ =	sdelay $0x2  }
0x20f: {  	s2 =	sshra.s32 s2, $0x2  }
0x210: {  	v11 =	vadd.s32 $0xFFFFFFFF, v9  }
0x211: {  	v12 =	vshll.u32 v8, $0xC;
	v9 =	vadd.s32 s1, v11  }
0x212: {  	[tilespmem:s2+$0x4000] =	vst v5;
	s0 =	simm.s32 $0x40;
	s1 =	simm.s32 $0x0;
	v12 =	vor.u32 v12, v9  }
.LBB2_26:
0x213: {  	p1 =	sne.s32 s0, $0xFFC0;
	v13 =	vld [tilespmem:s1+$0x0];
	_ =	sdelay $0x4  }
0x214: {  	v14 =	vshrl.u32 v13, $0x7  }
0x215: {  	vm2 =	veq.s32 v14, v12  }
0x216: {  	v13 =	vand.u32 $0x7F, v13  }
.Ltmp14:
0x217: {  	(pc) =	sbr.rel @p1 .LBB2_26-.Ltmp14, $2  }
0x218: {  	_ =	sdelay $0x2  }
0x219: {  	s1 =	sshra.s32 s0, $0x2;
	s0 =	sadd.s32 $0x40, s0;
	[tilespmem:v13+s31+$0x0] =	vst.idx.add.s32.msk vm2, v6  }
0x21a: {  	v13 =	vld [tilespmem:s1+$0x0];
	_ =	sdelay $0x4  }
0x21b: {  	v14 =	vshrl.u32 v13, $0x7  }
0x21c: {  	vm2 =	veq.s32 v14, v12  }
0x21d: {  	v50 =	vand.u32 $0x7F, v13;
	_ =	sdelay $0x4  }
0x21e: {  	s0 =	simm.s32 $0x80;
	s18 =	simm.s32 $0x400;
	[tilespmem:v50+s31+$0x0] =	vst.idx.add.s32.msk vm2, v6  }
0x21f: {  	[spmem:s28] =	stream.strided.scatter [tilespmem:s31], [sflag:$0x1], $0x1000, s18, s0, $0x38;
	[tilespmem:$0xA2B0] =	vst v63  }
0x220: {  	_ =	swait.ge [sflag:s30], $0x1000  }
0x221: {  	[sflag:s30] =	ssyncset.done $0x0  }
0x222: {  	s20 =	simm.s32 $0x800;
	[sflag:s30] =	ssyncadd.s32 $0xFFFFF000  }
0x223: {  	s21 =	simm.s32 $0x8000;
	s2 =	simm.s32 $0x5000;
	[bflag:$0x0] =	sbarrier.arrive $0xFFFF  }
0x224: {  	[tilespmem:s2], [sflag:$0x1] =	stream.strided.gather [spmem:s29], $0x1000, s21, s20, $0x38;
	[tilespmem:$0xA2B0] =	vst v63  }
0x225: {  	s24 =	simm.s32 $0x0;
	_ =	swait.ge [sflag:s30], $0x1000  }
0x226: {  	s28 =	sand.u32 $0x70, s24;
	s0 =	sand.u32 $0x400, s24;
	[sflag:s30] =	ssyncset.done $0x0  }
0x227: {  	s0 =	sor.u32 s28, s0;
	[sflag:s30] =	ssyncadd.s32 $0xFFFFF000  }
0x228: {  	v51 =	vld [tilespmem:s0+$0x5080]  }
0x229: {  	v52 =	vld [tilespmem:s0+$0x5000]  }
0x22a: {  	v53 =	vld [tilespmem:s0+$0x5100]  }
0x22b: {  	v15 =	vld [tilespmem:s0+$0x5180]  }
0x22c: {  	v16 =	vld [tilespmem:s0+$0x5200]  }
0x22d: {  	v17 =	vld [tilespmem:s0+$0x5280]  }
0x22e: {  	v54 =	vld [tilespmem:s0+$0x5300];
	v12 =	vadd.s32 v52, v51  }
0x22f: {  	v55 =	vld [tilespmem:s0+$0x5380];
	v12 =	vadd.s32 v53, v12  }
0x230: {  	v56 =	vld [tilespmem:s0+$0x5800];
	v12 =	vadd.s32 v15, v12  }
0x231: {  	v57 =	vld [tilespmem:s0+$0x5880];
	v12 =	vadd.s32 v16, v12  }
0x232: {  	v58 =	vld [tilespmem:s0+$0x5900];
	v12 =	vadd.s32 v17, v12  }
0x233: {  	v59 =	vld [tilespmem:s0+$0x5980];
	v12 =	vadd.s32 v54, v12  }
0x234: {  	v60 =	vld [tilespmem:s0+$0x5A00];
	v12 =	vadd.s32 v55, v12  }
0x235: {  	v61 =	vld [tilespmem:s0+$0x5A80];
	v12 =	vadd.s32 v56, v12  }
0x236: {  	v62 =	vld [tilespmem:s0+$0x5B00];
	v12 =	vadd.s32 v57, v12  }
0x237: {  	v63 =	vld [tilespmem:s0+$0x5B80];
	v12 =	vadd.s32 v58, v12  }
0x238: {  	v12 =	vadd.s32 v59, v12  }
0x239: {  	v12 =	vadd.s32 v60, v12  }
0x23a: {  	v12 =	vadd.s32 v61, v12  }
0x23b: {  	s29 =	simm.s32 $0x10;
	s2 =	simm.s32 $0x80;
	v12 =	vadd.s32 v62, v12  }
0x23c: {  	s1 =	sand.u32 $0x70, s29;
	s3 =	sand.u32 $0x400, s2;
	s0 =	simm.s32 $0x6000;
	v12 =	vadd.s32 v63, v12  }
0x23d: {  	s1 =	sor.u32 s1, s3;
	s3 =	simm.s32 $0x20;
	[tilespmem:s0+$0x0] =	vst v12  }
.LBB2_28:
0x23e: {  	p1 =	sne.s32 s3, $0xF0;
	v12 =	vld [tilespmem:s1+$0x5080]  }
0x23f: {  	v13 =	vld [tilespmem:s1+$0x5000]  }
0x240: {  	v14 =	vld [tilespmem:s1+$0x5100]  }
0x241: {  	v15 =	vld [tilespmem:s1+$0x5180]  }
0x242: {  	v16 =	vld [tilespmem:s1+$0x5200]  }
0x243: {  	v17 =	vld [tilespmem:s1+$0x5280]  }
0x244: {  	v12 =	vadd.s32 v13, v12;
	v13 =	vld [tilespmem:s1+$0x5300]  }
0x245: {  	v12 =	vadd.s32 v14, v12;
	v14 =	vld [tilespmem:s1+$0x5380]  }
0x246: {  	v12 =	vadd.s32 v15, v12;
	v15 =	vld [tilespmem:s1+$0x5800]  }
0x247: {  	v12 =	vadd.s32 v16, v12;
	v16 =	vld [tilespmem:s1+$0x5880]  }
0x248: {  	v12 =	vadd.s32 v17, v12;
	v17 =	vld [tilespmem:s1+$0x5900]  }
0x249: {  	v12 =	vadd.s32 v13, v12;
	v13 =	vld [tilespmem:s1+$0x5980]  }
0x24a: {  	v12 =	vadd.s32 v14, v12;
	v14 =	vld [tilespmem:s1+$0x5A00]  }
0x24b: {  	v12 =	vadd.s32 v15, v12;
	v15 =	vld [tilespmem:s1+$0x5A80]  }
0x24c: {  	v12 =	vadd.s32 v16, v12;
	v16 =	vld [tilespmem:s1+$0x5B00]  }
0x24d: {  	v12 =	vadd.s32 v17, v12;
	v17 =	vld [tilespmem:s1+$0x5B80]  }
0x24e: {  	v12 =	vadd.s32 v13, v12  }
.Ltmp15:
0x24f: {  	v12 =	vadd.s32 v14, v12;
	(pc) =	sbr.rel @p1 .LBB2_28-.Ltmp15, $4  }
0x250: {  	v12 =	vadd.s32 v15, v12  }
0x251: {  	s2 =	sadd.s32 $0x80, s2;
	v12 =	vadd.s32 v16, v12  }
0x252: {  	s0 =	sadd.s32 $0x10, s0;
	s6 =	sand.u32 $0x400, s2;
	s1 =	sand.u32 $0x70, s3;
	v12 =	vadd.s32 v17, v12  }
0x253: {  	s3 =	sadd.s32 $0x10, s3;
	s1 =	sor.u32 s1, s6;
	[tilespmem:s0+$0x0] =	vst v12  }
0x254: {  	vm2 =	vlt.s32 v11, v0  }
0x255: {  	v11 =	vld [tilespmem:s1+$0x5080];
	v10 =	vnsel vm2, $0x0, v10  }
0x256: {  	v12 =	vld [tilespmem:s1+$0x5000];
	(xrf0) =	vadd.scan.msk.s32 $0xffff, v10  }
0x257: {  	v10 =	vld [tilespmem:s1+$0x5100]  }
0x258: {  	v13 =	vld [tilespmem:s1+$0x5180]  }
0x259: {  	v14 =	vld [tilespmem:s1+$0x5200]  }
0x25a: {  	v15 =	vld [tilespmem:s1+$0x5280]  }
0x25b: {  	v55 =	vld [tilespmem:s1+$0x5300];
	v11 =	vadd.s32 v12, v11  }
0x25c: {  	v10 =	vadd.s32 v10, v11;
	v11 =	vld [tilespmem:s1+$0x5380];
	v16, _, _ =	vpop (xrf0)  }
0x25d: {  	v56 =	vld [tilespmem:s1+$0x5800];
	v10 =	vadd.s32 v13, v10;
	(v2sf) =	vpush v16, $0xF  }
0x25e: {  	v57 =	vld [tilespmem:s1+$0x5880];
	v10 =	vadd.s32 v14, v10  }
0x25f: {  	v58 =	vld [tilespmem:s1+$0x5900];
	v10 =	vadd.s32 v15, v10  }
0x260: {  	v59 =	vld [tilespmem:s1+$0x5980];
	v10 =	vadd.s32 v55, v10  }
0x261: {  	v10 =	vadd.s32 v11, v10;
	v11 =	vld [tilespmem:s1+$0x5A00]  }
0x262: {  	v60 =	vld [tilespmem:s1+$0x5A80];
	v10 =	vadd.s32 v56, v10  }
0x263: {  	v61 =	vld [tilespmem:s1+$0x5B00];
	v10 =	vadd.s32 v57, v10  }
0x264: {  	v62 =	vld [tilespmem:s1+$0x5B80];
	v10 =	vadd.s32 v58, v10  }
0x265: {  	v10 =	vadd.s32 v59, v10  }
0x266: {  	v10 =	vadd.s32 v11, v10  }
0x267: {  	v10 =	vadd.s32 v60, v10  }
0x268: {  	v10 =	vadd.s32 v61, v10  }
0x269: {  	s0 =	sadd.s32 $0x10, s0;
	v10 =	vadd.s32 v62, v10  }
0x26a: {  	s16 =	rddreg [dreg:$0x16];
	s3 =	simm.s32 $0x6000;
	[tilespmem:s0+$0x0] =	vst v10  }
0x26b: {  	[spmem:s16] =	stream.linear.scatter [tilespmem:s3], [sflag:$0x1], $0x100, $0x38;
	[tilespmem:$0xA2B0] =	vst v63  }
0x26c: {  	s0 =	simm.s32 $0x1;
	s17 =	spop (v2sf)  }
0x26d: {  	_ =	swait.ge [sflag:s0], $0x100  }
0x26e: {  	[sflag:s0] =	ssyncset.done $0x0  }
0x26f: {  	[sflag:s0] =	ssyncadd.s32 $0xFFFFFF00  }
0x270: {  	[bflag:$0x0] =	sbarrier.arrive $0xFFFF  }
0x271: {  	s2 =	rddreg [dreg:$0x5]  }
0x272: {  	[tilespmem:s3], [sflag:$0x1] =	stream.linear.gather [spmem:s2], $0x1000, $0x38;
	[tilespmem:$0xA2B0] =	vst v63  }
0x273: {  	_ =	swait.ge [sflag:s0], $0x1000  }
0x274: {  	[sflag:s0] =	ssyncset.done $0x0  }
0x275: {  	s18 =	simm.s32 $0x6FF0;
	[sflag:s0] =	ssyncadd.s32 $0xFFFFF000  }
0x276: {  	v10 =	vld [tilespmem:s18+$0x0];
	_ =	sdelay $0x4  }
0x277: {  	(xrf0) =	vadd.scan.msk.s32 $0xffff, v10;
	_ =	sdelay $0x5  }
0x278: {  	v10, _, _ =	vpop (xrf0)  }
0x279: {  	s20 =	simm.s32 $0x6FE0;
	(v2sf) =	vpush v10, $0xF  }
0x27a: {  	v10 =	vld [tilespmem:s20+$0x0]  }
0x27b: {  	s21 =	simm.s32 $0x6FD0  }
0x27c: {  	v11 =	vld [tilespmem:s21+$0x0];
	_ =	sdelay $0x2  }
0x27d: {  	(xrf0) =	vadd.scan.msk.s32 $0xffff, v10;
	_ =	sdelay $0x1  }
0x27e: {  	(xrf0) =	vadd.scan.msk.s32 $0xffff, v11;
	_ =	sdelay $0x2  }
0x27f: {  	s24 =	simm.s32 $0x6FC0  }
0x280: {  	v63 =	vld [tilespmem:s24+$0x0];
	v11, _, _ =	vpop (xrf0)  }
0x281: {  	(v2sf) =	vpush v11, $0xF  }
0x282: {  	v11, _, _ =	vpop (xrf0)  }
0x283: {  	s29 =	spop (v2sf);
	(v2sf) =	vpush v11, $0xF;
	_ =	sdelay $0x1  }
0x284: {  	s28 =	simm.s32 $0x6FB0;
	(xrf0) =	vadd.scan.msk.s32 $0xffff, v63  }
0x285: {  	v10 =	vld [tilespmem:s28+$0x0]  }
0x286: {  	s9 =	simm.s32 $0xFF  }
0x287: {  	s15 =	simm.s32 $0xFE;
	s7 =	simm.s32 $0xFD;
	s8 =	simm.s32 $0xFC  }
0x288: {  	s6 =	simm.s32 $0xFB;
	s11 =	simm.s32 $0xFA;
	s12 =	simm.s32 $0x0  }
0x289: {  	s16 =	simm.s32 $0x6FA0;
	s1 =	ssub.s32 s19, s17;
	s3 =	sadd.s32 $0x0, s29  }
0x28a: {  	p2 =	sgt.s32 s1, $0x0;
	s2 =	simm.s32 $0x0;
	(xrf0) =	vadd.scan.msk.s32 $0xffff, v10;
	v10, _, _ =	vpop (xrf0);
	p3 =	sge.s32 s3, s1  }
.LBB2_30:
0x28b: {  	p1 =	sne.s32 s11, $0x0;
	p2 =	por !p2, !p3;
	s17 =	smov.u32 s11  }
0x28c: {  	v11 =	vld [tilespmem:s16+$0x0];
	(v2sf) =	vpush v10, $0xF;
	s11 =	sadd.s32 $0xFFFFFFFF, s11;
	s18 =	smov.u32 s12;
	s12 =	smov.u32 s3  }
.Ltmp16:
0x28d: {  	p2 =	por !p2, !p2;
	s18 =	ssub.s32 s1, s18;
	(pc) =	sbr.rel @p1 .LBB2_30-.Ltmp16, $4  }
0x28e: {  	s2 =	smov.u32 @p2 s9;
	s0 =	smov.u32 @p2 s18;
	s9 =	smov.u32 s15  }
0x28f: {  	s15 =	smov.u32 s7;
	s7 =	smov.u32 s8;
	s18 =	spop (v2sf)  }
0x290: {  	s8 =	smov.u32 s6;
	s6 =	smov.u32 s17;
	s3 =	sadd.s32 s3, s18  }
0x291: {  	s16 =	sadd.s32 $0xFFFFFFF0, s16;
	p2 =	sgt.s32 s1, s12;
	(xrf0) =	vadd.scan.msk.s32 $0xffff, v11;
	v10, _, _ =	vpop (xrf0);
	p3 =	sge.s32 s3, s1  }
0x292: {  	_ =	sdelay $0x4  }
0x293: {  	(v2sf) =	vpush v10, $0xF;
	v10, _, _ =	vpop (xrf0)  }
0x294: {  	(v2sf) =	vpush v10, $0xF;
	_ =	sdelay $0x8  }
0x295: {  	s11 =	spop (v2sf)  }
0x296: {  	p1 =	por !p2, !p3;
	p4 =	sgt.s32 s1, s3;
	s19 =	sadd.s32 s3, s11  }
0x297: {  	p1 =	por !p1, !p1;
	p5 =	sge.s32 s19, s1;
	s20 =	spop (v2sf)  }
0x298: {  	s2 =	smov.u32 @p1 s9;
	p2 =	por !p4, !p5;
	s11 =	sadd.s32 s19, s20  }
0x299: {  	p6 =	sgt.s32 s1, s19;
	p2 =	por !p2, !p2;
	p5 =	sge.s32 s11, s1  }
0x29a: {  	s2 =	smov.u32 @p2 s15;
	p3 =	por !p6, !p5;
	s16 =	spop (v2sf)  }
0x29b: {  	p5 =	sgt.s32 s1, s11;
	s16 =	sadd.s32 s11, s16;
	s17 =	spop (v2sf)  }
0x29c: {  	p3 =	por !p3, !p3;
	p6 =	sge.s32 s16, s1;
	s21 =	sadd.s32 s16, s17  }
0x29d: {  	p5 =	por !p5, !p6;
	p6 =	sgt.s32 s1, s16;
	p4 =	sge.s32 s21, s1  }
0x29e: {  	s2 =	smov.u32 @p3 s7;
	p5 =	por !p5, !p5;
	p4 =	por !p6, !p4  }
0x29f: {  	s2 =	smov.u32 @p5 s8;
	p4 =	por !p4, !p4  }
0x2a0: {  	s2 =	smov.u32 @p4 s6  }
0x2a1: {  	s2 =	sshll.u32 s2, $0x4  }
0x2a2: {  	v10 =	vld [tilespmem:s2+$0x6000];
	_ =	sdelay $0x4  }
0x2a3: {  	v10 =	vperm.xlane v10, v7;
	_ =	sdelay $0x1  }
0x2a4: {  	(xrf0) =	vadd.scan.msk.s32 $0xffff, v10;
	_ =	sdelay $0x2  }
0x2a5: {  	s6 =	ssub.s32 s1, s12  }
0x2a6: {  	s3 =	ssub.s32 s1, s3;
	s0 =	smov.u32 @p1 s6  }
0x2a7: {  	s0 =	smov.u32 @p2 s3;
	s3 =	ssub.s32 s1, s19  }
0x2a8: {  	s0 =	smov.u32 @p3 s3;
	s3 =	ssub.s32 s1, s11;
	v10, _, _ =	vpop (xrf0)  }
0x2a9: {  	s1 =	ssub.s32 s1, s16;
	s0 =	smov.u32 @p5 s3;
	v10 =	vperm.xlane v10, v7  }
0x2aa: {  	s24 =	simm.s32 $0x0;
	v11 =	vmov s2;
	s0 =	smov.u32 @p4 s1  }
0x2ab: {  	vm2 =	vge.s32 v10, s0;
	v10 =	vadd.s32 $0xFFFFFFFF, v11;
	v11 =	vld [tilespmem:s24+$0x0]  }
0x2ac: {  	v12 =	vmpcnt.ones.xlane vm2;
	v10 =	vbroadcast v10, $0x0  }
0x2ad: {  	v8 =	vshll.u32 v8, $0x13;
	v9 =	vshll.u32 v9, $0x7  }
0x2ae: {  	v8 =	vor.u32 v8, v9;
	v10 =	vadd.s32 v10, v12  }
0x2af: {  	p1 =	por $0x1, $0x1;
	vm2 =	vmmov vm0;
	v8 =	vor.u32 v10, v8  }
0x2b0: {  	vm2 =	vmneg @p1 vm2;
	vm3 =	vge.s32 v11, v8  }
0x2b1: {  	vm2 =	vmand vm2, vm3  }
0x2b2: {  	v9 =	vmpcnt.ones.xlane vm2  }
0x2b3: {  	v10 =	vsel vm2, $0x1, v5  }
0x2b4: {  	(xrf0) =	vadd.scan.msk.s32 $0xffff, v10;
	(v2sf) =	vpush v9, $0x0;
	_ =	sdelay $0x1  }
0x2b5: {  	s1 =	simm.s32 $0x0  }
0x2b6: {  	v9 =	vmov s1  }
0x2b7: {  	v9 =	vadd.s32 $0xFFFFFFFF, v9  }
0x2b8: {  	v9 =	vbroadcast v9, $0x0  }
0x2b9: {  	v10, _, _ =	vpop (xrf0)  }
0x2ba: {  	v9 =	vadd.s32 v10, v9;
	_ =	sdelay $0x3  }
0x2bb: {  	s28 =	rddreg [dreg:$0xf]  }
0x2bc: {  	v10 =	vor.u32 s28, v0;
	[tilespmem:v9+s10+$0x0] =	vst.idx.msk vm2, v11  }
0x2bd: {  	s29 =	simm.s32 $0x10;
	[tilespmem:v9+s13+$0x0] =	vst.idx.msk vm2, v10  }
0x2be: {  	v9 =	vld [tilespmem:s29+$0x0]  }
0x2bf: {  	s2 =	simm.s32 $0x80;
	s0 =	smov.u32 s28;
	s3 =	spop (v2sf)  }
.LBB2_32:
0x2c0: {  	s1 =	sadd.s32 s1, s3  }
0x2c1: {  	s0 =	sadd.s32 $0x10, s0;
	s3 =	smov.u32 s2;
	s6 =	sadd.s32 $0x40, s2  }
0x2c2: {  	p1 =	sne.s32 s2, $0xFFC0;
	vm3 =	vmmov vm0;
	p2 =	slt.s32 s1, $0x1F0;
	v10 =	vmov s1  }
0x2c3: {  	vm2 =	vge.s32 v9, v8;
	vm3 =	vmneg @p2 vm3;
	v10 =	vadd.s32 $0xFFFFFFFF, v10  }
0x2c4: {  	vm2 =	vmand vm3, vm2  }
0x2c5: {  	v11 =	vmpcnt.ones.xlane vm2;
	v12 =	vsel vm2, $0x1, v5  }
0x2c6: {  	(xrf0) =	vadd.scan.msk.s32 $0xffff, v12  }
0x2c7: {  	(v2sf) =	vpush v11, $0x0;
	_ =	sdelay $0x3  }
0x2c8: {  	v10 =	vbroadcast v10, $0x0  }
0x2c9: {  	v11, _, _ =	vpop (xrf0)  }
0x2ca: {  	v10 =	vadd.s32 v11, v10;
	_ =	sdelay $0x4  }
.Ltmp17:
0x2cb: {  	[tilespmem:v10+s10+$0x0] =	vst.idx.msk vm2, v9;
	v9 =	vor.u32 s0, v0;
	(pc) =	sbr.rel @p1 .LBB2_32-.Ltmp17, $3  }
0x2cc: {  	s2 =	sshra.s32 s3, $0x2;
	[tilespmem:v10+s13+$0x0] =	vst.idx.msk vm2, v9  }
0x2cd: {  	v9 =	vld [tilespmem:s2+$0x0];
	_ =	sdelay $0x1  }
0x2ce: {  	s2 =	smov.u32 s6;
	s3 =	spop (v2sf)  }
0x2cf: {  	s1 =	sadd.s32 s1, s3  }
0x2d0: {  	vm2 =	vmmov vm0;
	p1 =	slt.s32 s1, $0x1F0  }
0x2d1: {  	vm3 =	vge.s32 v9, v8;
	vm2 =	vmneg @p1 vm2  }
0x2d2: {  	vm2 =	vmand vm2, vm3  }
0x2d3: {  	v8 =	vmpcnt.ones.xlane vm2;
	_ =	sdelay $0x1  }
0x2d4: {  	(v2sf) =	vpush v8, $0x0;
	_ =	sdelay $0x5  }
0x2d5: {  	v8 =	vsel vm2, $0x1, v5  }
0x2d6: {  	(xrf0) =	vadd.scan.msk.s32 $0xffff, v8;
	_ =	sdelay $0x2  }
0x2d7: {  	v8 =	vmov s1  }
0x2d8: {  	v8 =	vadd.s32 $0xFFFFFFFF, v8  }
0x2d9: {  	v8 =	vbroadcast v8, $0x0  }
0x2da: {  	v10, _, _ =	vpop (xrf0)  }
0x2db: {  	v8 =	vadd.s32 v10, v8  }
0x2dc: {  	s2 =	spop (v2sf)  }
0x2dd: {  	s1 =	sadd.s32 s1, s2  }
0x2de: {  	s1 =	sadd.s32 $0xF, s1  }
0x2df: {  	s0 =	sadd.s32 $0x10, s0;
	s24 =	sand.u32 $0xFFFFFFF0, s1  }
0x2e0: {  	vm15 =	vcmask $0x300;
	v62 =	vor.u32 s0, v0;
	[tilespmem:v8+s10+$0x0] =	vst.idx.msk vm2, v9;
	s2 =	sshra.s32 s1, $0x4;
	v63 =	vmov s24  }
0x2e1: {  	[tilespmem:v8+s13+$0x0] =	vst.idx.msk vm2, v62;
	p1 =	slt.s32 s2, $0x1;
	v8 =	vnsel vm15, $0x0, v63  }
.Ltmp18:
0x2e2: {  	s28 =	rddreg [dreg:$0x17];
	s29 =	simm.s32 $0x7400;
	[tilespmem:$0x7400] =	vst v8;
	(pc) =	sbr.rel @p1 .LBB2_40-.Ltmp18, $4  }
0x2e3: {  	[spmem:s28] =	stream.linear.scatter [tilespmem:s29], [sflag:$0x1], $0x10, $0x38;
	[tilespmem:$0xA2B0] =	vst v63  }
0x2e4: {  	_ =	swait.ge [sflag:s30], $0x10  }
0x2e5: {  	[sflag:s30] =	ssyncset.done $0x0  }
0x2e6: {  	[sflag:s30] =	ssyncadd.s32 $0xFFFFFFF0  }
0x2e7: {  	p2 =	sne.s32 s2, $0x1  }
.Ltmp19:
0x2e8: {  	_ = 	snop;
	(pc) =	sbr.rel @!p2 .LBB2_35-.Ltmp19, $4  }
0x2e9: {  	s3 =	simm.s32 $0x0  }
0x2ea: {  	s0 =	simm.s32 $0x7000;
	s6 =	sand.u32 $0xFFFFFC00, s3  }
0x2eb: {  	s1 =	simm.s32 $0x7200;
	s3 =	sand.u32 $0x70, s3;
	s7 =	sadd.s32 s22, s6  }
0x2ec: {  	p1 =	por $0x0, $0x0;
	s6 =	sadd.s32 $0xFFFFFFFF, s2;
	s8 =	sor.u32 s3, s7  }
0x2ed: {  	s7 =	sor.u32 s14, s8;
	p2 =	sne.s32 s6, $0x1  }
0x2ee: {  	s3 =	simm.s32 $0x80;
	p1 =	por $0x1, $0x1;
	s2 =	sadd.s32 s7, s4  }
0x2ef: {  	[spmem:s2] =	stream.linear.scatter [tilespmem:s0], [sflag:$0x1], $0x10, $0x38;
	[tilespmem:$0xA2B0] =	vst v63  }
0x2f0: {  	s28 =	sand.u32 $0xFFFFFC00, s3;
	s7 =	sadd.s32 s7, s5;
	_ =	swait.ge [sflag:s30], $0x10  }
.Ltmp20:
0x2f1: {  	s2 =	simm.s32 $0x10;
	[sflag:s30] =	ssyncset.done $0x0;
	(pc) =	sbr.rel @!p2 .LBB2_37-.Ltmp20, $4  }
0x2f2: {  	s8 =	sadd.s32 s22, s28;
	s29 =	sand.u32 $0x70, s2;
	[sflag:s30] =	ssyncadd.s32 $0xFFFFFFF0  }
0x2f3: {  	[spmem:s7] =	stream.linear.scatter [tilespmem:s1], [sflag:$0x1], $0x10, $0x38;
	[tilespmem:$0xA2B0] =	vst v63  }
0x2f4: {  	s8 =	sor.u32 s29, s8;
	s7 =	sadd.s32 $0xFFFFFFFF, s6;
	_ =	swait.ge [sflag:s30], $0x10  }
0x2f5: {  	s1 =	simm.s32 $0x7210;
	s6 =	simm.s32 $0x7000;
	[sflag:s30] =	ssyncset.done $0x0  }
.LBB2_38:
0x2f6: {  	s8 =	sor.u32 s14, s8;
	[sflag:s30] =	ssyncadd.s32 $0xFFFFFFF0;
	s6 =	sadd.s32 $0x10, s6  }
0x2f7: {  	p2 =	sne.s32 s7, $0x1;
	s7 =	sadd.s32 $0xFFFFFFFF, s7;
	s9 =	sadd.s32 s8, s4  }
0x2f8: {  	[spmem:s9] =	stream.linear.scatter [tilespmem:s6], [sflag:$0x1], $0x10, $0x38;
	[tilespmem:$0xA2B0] =	vst v63  }
0x2f9: {  	s2 =	sadd.s32 $0x10, s2;
	_ =	swait.ge [sflag:s30], $0x10  }
.Ltmp21:
0x2fa: {  	s3 =	sadd.s32 $0x80, s3;
	[sflag:s30] =	ssyncset.done $0x0;
	(pc) =	sbr.rel @p2 .LBB2_38-.Ltmp21, $4  }
0x2fb: {  	s8 =	sadd.s32 s8, s5;
	s9 =	sand.u32 $0xFFFFFC00, s3;
	[sflag:s30] =	ssyncadd.s32 $0xFFFFFFF0  }
0x2fc: {  	[spmem:s8] =	stream.linear.scatter [tilespmem:s1], [sflag:$0x1], $0x10, $0x38;
	[tilespmem:$0xA2B0] =	vst v63  }
0x2fd: {  	s9 =	sadd.s32 s22, s9;
	s8 =	sand.u32 $0x70, s2;
	_ =	swait.ge [sflag:s30], $0x10  }
0x2fe: {  	s1 =	sadd.s32 $0x10, s1;
	s8 =	sor.u32 s8, s9;
	[sflag:s30] =	ssyncset.done $0x0  }
.LBB2_39:
0x2ff: {  	s2 =	sor.u32 s14, s8;
	s3 =	sadd.s32 @p1 $0x10, s6  }
0x300: {  	[sflag:s30] =	ssyncadd.s32 @p1 $0xFFFFFFF0;
	s28 =	sadd.s32 s2, s4;
	s0 =	smov.u32 @p1 s3  }
0x301: {  	[spmem:s28] =	stream.linear.scatter [tilespmem:s0], [sflag:$0x1], $0x10, $0x38;
	[tilespmem:$0xA2B0] =	vst v63  }
0x302: {  	_ =	swait.ge [sflag:s30], $0x10  }
0x303: {  	[sflag:s30] =	ssyncset.done $0x0  }
0x304: {  	s29 =	sadd.s32 s2, s5;
	[sflag:s30] =	ssyncadd.s32 $0xFFFFFFF0  }
0x305: {  	[spmem:s29] =	stream.linear.scatter [tilespmem:s1], [sflag:$0x1], $0x10, $0x38;
	[tilespmem:$0xA2B0] =	vst v63  }
0x306: {  	_ =	swait.ge [sflag:s30], $0x10  }
0x307: {  	[sflag:s30] =	ssyncset.done $0x0  }
0x308: {  	[sflag:s30] =	ssyncadd.s32 $0xFFFFFFF0  }
.LBB2_40:
0x309: {  	s0 =	simm.s32 @!p0 $0x8780;
	s1 =	simm.s32 @!p0 $0x1  }
0x30a: {  	[spmem:s25] =	stream.linear.scatter @!p0 [tilespmem:s0], [sflag:$0x1], $0x180, $0x38;
	[tilespmem:$0xA2B0] =	vst v63  }
0x30b: {  	_ =	swait.ge @!p0 [sflag:s1], $0x180  }
0x30c: {  	[sflag:s1] =	ssyncset.done @!p0 $0x0  }
0x30d: {  	[sflag:s1] =	ssyncadd.s32 @!p0 $0xFFFFFE80  }
0x30e: {  	[spmem:s26] =	stream.linear.scatter @!p0 [tilespmem:s0], [sflag:$0x1], $0x180, $0x38;
	[tilespmem:$0xA2B0] =	vst v63  }
0x30f: {  	_ =	swait.ge @!p0 [sflag:s1], $0x180  }
0x310: {  	[sflag:s1] =	ssyncset.done @!p0 $0x0  }
0x311: {  	[sflag:s1] =	ssyncadd.s32 @!p0 $0xFFFFFE80  }
0x312: {  	[bflag:$0x0] =	sbarrier.arrive $0xFFFF  }
0x313: {  	s26 =	simm.s32 $0x7480;
	s25 =	rddreg [dreg:$0x6]  }
0x314: {  	[tilespmem:s26], [sflag:$0x1] =	stream.linear.gather [spmem:s25], $0x800, $0x38;
	[tilespmem:$0xA2B0] =	vst v63  }
0x315: {  	_ =	swait.ge [sflag:s30], $0x800  }
0x316: {  	[sflag:s30] =	ssyncset.done $0x0  }
0x317: {  	[sflag:s30] =	ssyncadd.s32 $0xFFFFF800  }
0x318: {  	v8 =	vld [tilespmem:$0x7480]  }
0x319: {  	v9 =	vld [tilespmem:$0x7500]  }
0x31a: {  	v10 =	vld [tilespmem:$0x7580]  }
0x31b: {  	v11 =	vld [tilespmem:$0x7600]  }
0x31c: {  	v12 =	vld [tilespmem:$0x7680]  }
0x31d: {  	(v2sf) =	vpush v8, $0x0;
	v8 =	vld [tilespmem:$0x7700]  }
0x31e: {  	v56 =	vld [tilespmem:$0x7780];
	(v2sf) =	vpush v9, $0x0  }
0x31f: {  	v57 =	vld [tilespmem:$0x7800];
	(v2sf) =	vpush v10, $0x0  }
0x320: {  	v58 =	vld [tilespmem:$0x7880];
	(v2sf) =	vpush v11, $0x0  }
0x321: {  	v59 =	vld [tilespmem:$0x7900];
	(v2sf) =	vpush v12, $0x0  }
0x322: {  	(v2sf) =	vpush v8, $0x0;
	v8 =	vld [tilespmem:$0x7980]  }
0x323: {  	v60 =	vld [tilespmem:$0x7A00];
	(v2sf) =	vpush v56, $0x0  }
0x324: {  	v61 =	vld [tilespmem:$0x7A80];
	(v2sf) =	vpush v57, $0x0  }
0x325: {  	v62 =	vld [tilespmem:$0x7B00];
	(v2sf) =	vpush v58, $0x0  }
0x326: {  	v63 =	vld [tilespmem:$0x7B80];
	(v2sf) =	vpush v59, $0x0  }
0x327: {  	(v2sf) =	vpush v8, $0x0;
	v8 =	vld [tilespmem:$0x7C00]  }
0x328: {  	(v2sf) =	vpush v60, $0x0  }
0x329: {  	(v2sf) =	vpush v61, $0x0  }
0x32a: {  	(v2sf) =	vpush v62, $0x0  }
0x32b: {  	(v2sf) =	vpush v63, $0x0  }
0x32c: {  	s0 =	spop (v2sf);
	(v2sf) =	vpush v8, $0x0  }
0x32d: {  	s25 =	spop (v2sf)  }
0x32e: {  	s7 =	spop (v2sf)  }
0x32f: {  	s8 =	spop (v2sf)  }
0x330: {  	s6 =	spop (v2sf)  }
0x331: {  	s16 =	spop (v2sf)  }
0x332: {  	s1 =	spop (v2sf)  }
0x333: {  	s2 =	spop (v2sf)  }
0x334: {  	s3 =	spop (v2sf)  }
0x335: {  	s26 =	spop (v2sf)  }
0x336: {  	s28 =	spop (v2sf)  }
.Ltmp22:
0x337: {  	s12 =	spop (v2sf);
	(pc) =	sbr.rel @p0 .LBB2_52-.Ltmp22, $4  }
0x338: {  	s29 =	spop (v2sf)  }
0x339: {  	s15 =	spop (v2sf)  }
0x33a: {  	s11 =	spop (v2sf)  }
0x33b: {  	s9 =	spop (v2sf)  }
.Ltmp23:
0x33c: {  	[smem:$0x7FB] =	sst s16;
	(pc) =	sbr.rel .LBB2_42-.Ltmp23, $4  }
0x33d: {  	[smem:$0x7FC] =	sst s0  }
0x33e: {  	[smem:$0x7FD] =	sst s15  }
0x33f: {  	[dreg:$0x1f] =	wrdreg s11  }
0x340: {  	[dreg:$0x1e] =	wrdreg s9;
	s23 =	simm.s32 $0x0;
	s17 =	simm.s32 $0x0  }
.LBB2_44:
0x341: {  	_ = 	snop  }
.LBB2_49:
0x342: {  	s0 =	sadd.s32 @!p1 s15, s24  }
0x343: {  	p2 =	por p3, !p2;
	s0 =	sor.u32 @!p1 s21, s0  }
0x344: {  	s11 =	simm.s32 @!p1 $0x1;
	[sflag:s9] =	ssyncadd.s32 @!p2 $0xFFFFFFF0;
	s9 =	sadd.s32 @!p1 s0, s4  }
0x345: {  	[tilespmem:s18], [sflag:$0x1] =	stream.linear.gather @!p1 [spmem:s9], $0x10, $0x38;
	[tilespmem:$0xA2B0] =	vst v63  }
0x346: {  	p2 =	por p1, p1;
	_ =	swait.ge @!p1 [sflag:s11], $0x10  }
0x347: {  	[sflag:s11] =	ssyncset.done @!p2 $0x0  }
0x348: {  	s0 =	sadd.s32 @!p1 s0, s5;
	[sflag:s11] =	ssyncadd.s32 @!p2 $0xFFFFFFF0  }
0x349: {  	[tilespmem:s20], [sflag:$0x1] =	stream.linear.gather @!p2 [spmem:s0], $0x10, $0x38;
	[tilespmem:$0xA2B0] =	vst v63  }
0x34a: {  	_ =	swait.ge @!p2 [sflag:s11], $0x10  }
0x34b: {  	s24 =	sadd.s32 $0x10, s16;
	[sflag:s11] =	ssyncset.done @!p2 $0x0  }
0x34c: {  	s23 =	sadd.s32 s24, s23;
	[sflag:s11] =	ssyncadd.s32 @!p2 $0xFFFFFFF0  }
.LBB2_50:
0x34d: {  	s17 =	sadd.s32 $0x1, s17  }
0x34e: {  	p1 =	sne.s32 s17, $0x10  }
.Ltmp24:
0x34f: {  	_ = 	snop;
	(pc) =	sbr.rel @!p1 .LBB2_51-.Ltmp24, $1  }
0x350: {  	_ =	sdelay $0x3  }
.LBB2_42:
0x351: {  	s9 =	sshll.u32 s17, $0x9  }
0x352: {  	s11 =	sshrl.u32 s9, $0x2  }
0x353: {  	v8 =	vld [tilespmem:s11+$0x7480];
	_ =	sdelay $0x4  }
0x354: {  	(v2sf) =	vpush v8, $0x0;
	_ =	sdelay $0xe  }
0x355: {  	s21 =	spop (v2sf)  }
0x356: {  	s15 =	sand.u32 $0xF, s21  }
0x357: {  	s24 =	sshra.s32 s21, $0x1F;
	p2 =	slt.s32 s21, $0x1;
	p1 =	sne.s32 s15, $0x0  }
0x358: {  	s15 =	sshrl.u32 s24, $0x1C;
	p1 =	por !p2, !p1  }
0x359: {  	s11 =	sadd.s32 s15, s21;
	s15 =	simm.s32 $0x1;
	p1 =	por !p1, !p1  }
0x35a: {  	s11 =	sshra.s32 s11, $0x4;
	s15 =	simm.s32 @!p1 $0x0  }
0x35b: {  	s11 =	ssub.s32 s11, s15  }
0x35c: {  	p1 =	slt.s32 s11, $0x1  }
.Ltmp25:
0x35d: {  	_ = 	snop;
	(pc) =	sbr.rel @p1 .LBB2_50-.Ltmp25, $1  }
0x35e: {  	_ =	sdelay $0x3  }
0x35f: {  	s11 =	sadd.s32 $0xFFFFFFFF, s11  }
0x360: {  	p3 =	sne.s32 s11, $0x0  }
.Ltmp26:
0x361: {  	s15 =	sshll.u32 s17, $0x7;
	s16 =	sshll.u32 s23, $0x2;
	(pc) =	sbr.rel @!p3 .LBB2_44-.Ltmp26, $4  }
0x362: {  	s9 =	sand.u32 $0x1000, s9;
	s24 =	sadd.s32 $0x0, s23;
	p2 =	por $0x0, $0x0  }
0x363: {  	s15 =	sand.u32 $0x380, s15;
	s16 =	sshra.s32 s16, $0x2;
	p1 =	sgt.s32 s24, $0x3FF  }
0x364: {  	s18 =	sadd.s32 $0x7C80, s16;
	s20 =	sadd.s32 $0x8080, s16;
	s16 =	simm.s32 $0x0  }
0x365: {  	s15 =	sor.u32 s15, s9;
	s21 =	sand.u32 @!p1 $0x70, s16;
	s24 =	sand.u32 @!p1 $0xFFFFFC00, s16  }
0x366: {  	s9 =	sadd.s32 @!p1 s15, s24;
	s11 =	sadd.s32 $0xFFFFFFFF, s11  }
0x367: {  	p3 =	por p1, p1;
	s24 =	sadd.s32 $0x10, s23;
	s16 =	sor.u32 @!p1 s21, s9  }
0x368: {  	p2 =	por $0x1, $0x1;
	s9 =	simm.s32 @!p1 $0x1;
	s19 =	sadd.s32 @!p1 s16, s4  }
0x369: {  	[tilespmem:s18], [sflag:$0x1] =	stream.linear.gather @!p1 [spmem:s19], $0x10, $0x38;
	[tilespmem:$0xA2B0] =	vst v63  }
0x36a: {  	p4 =	sne.s32 s11, $0x0;
	s16 =	sadd.s32 @!p1 s16, s5;
	_ =	swait.ge @!p1 [sflag:s9], $0x10  }
.Ltmp27:
0x36b: {  	s19 =	sadd.s32 $0x10, s20;
	[sflag:s9] =	ssyncset.done @!p3 $0x0;
	(pc) =	sbr.rel @!p4 .LBB2_46-.Ltmp27, $4  }
0x36c: {  	s18 =	sadd.s32 $0x10, s18;
	p1 =	sgt.s32 s24, $0x3FF;
	[sflag:s9] =	ssyncadd.s32 @!p3 $0xFFFFFFF0  }
0x36d: {  	[tilespmem:s20], [sflag:$0x1] =	stream.linear.gather @!p3 [spmem:s16], $0x10, $0x38;
	[tilespmem:$0xA2B0] =	vst v63  }
0x36e: {  	s16 =	simm.s32 $0x10;
	s20 =	simm.s32 $0x80;
	_ =	swait.ge @!p3 [sflag:s9], $0x10  }
0x36f: {  	s21 =	sand.u32 @!p1 $0x70, s16;
	s24 =	sand.u32 @!p1 $0xFFFFFC00, s20;
	[sflag:s9] =	ssyncset.done @!p3 $0x0  }
.LBB2_47:
0x370: {  	s11 =	sadd.s32 $0xFFFFFFFF, s11;
	s24 =	sadd.s32 @!p1 s15, s24;
	[sflag:s9] =	ssyncadd.s32 @!p3 $0xFFFFFFF0  }
0x371: {  	p4 =	sne.s32 s11, $0x0;
	s21 =	sor.u32 @!p1 s21, s24;
	s24 =	smov.u32 s19  }
0x372: {  	s9 =	simm.s32 @!p1 $0x1;
	s0 =	sadd.s32 @!p1 s21, s4;
	s21 =	sadd.s32 @!p1 s21, s5  }
0x373: {  	[tilespmem:s18], [sflag:$0x1] =	stream.linear.gather @!p1 [spmem:s0], $0x10, $0x38;
	[tilespmem:$0xA2B0] =	vst v63  }
0x374: {  	p3 =	por p1, p1;
	s19 =	sadd.s32 $0x10, s19;
	_ =	swait.ge @!p1 [sflag:s9], $0x10  }
.Ltmp28:
0x375: {  	s16 =	sadd.s32 $0x10, s16;
	[sflag:s9] =	ssyncset.done @!p3 $0x0;
	(pc) =	sbr.rel @p4 .LBB2_47-.Ltmp28, $4  }
0x376: {  	s0 =	sadd.s32 s16, s23;
	s18 =	sadd.s32 $0x10, s18;
	[sflag:s9] =	ssyncadd.s32 @!p3 $0xFFFFFFF0  }
0x377: {  	[tilespmem:s24], [sflag:$0x1] =	stream.linear.gather @!p3 [spmem:s21], $0x10, $0x38;
	[tilespmem:$0xA2B0] =	vst v63  }
0x378: {  	s20 =	sadd.s32 $0x80, s20;
	p1 =	sgt.s32 s0, $0x3FF;
	_ =	swait.ge @!p3 [sflag:s9], $0x10  }
0x379: {  	s21 =	sand.u32 @!p1 $0x70, s16;
	s24 =	sand.u32 @!p1 $0xFFFFFC00, s20;
	[sflag:s9] =	ssyncset.done @!p3 $0x0  }
.Ltmp29:
0x37a: {  	(pc) =	sbr.rel .LBB2_49-.Ltmp29, $2  }
0x37b: {  	_ =	sdelay $0x2  }
0x37c: {  	s20 =	smov.u32 s19  }
.LBB2_46:
.Ltmp30:
0x37d: {  	(pc) =	sbr.rel .LBB2_49-.Ltmp30, $2  }
0x37e: {  	_ =	sdelay $0x2  }
0x37f: {  	s20 =	smov.u32 s19  }
.LBB2_51:
0x380: {  	s0 =	rddreg [dreg:$0xb];
	s9 =	simm.s32 $0x7C80  }
0x381: {  	[spmem:s0] =	stream.linear.scatter [tilespmem:s9], [sflag:$0x1], $0x400, $0x38;
	[tilespmem:$0xA2B0] =	vst v63  }
0x382: {  	_ =	swait.ge [sflag:s30], $0x400  }
0x383: {  	[sflag:s30] =	ssyncset.done $0x0  }
0x384: {  	[sflag:s30] =	ssyncadd.s32 $0xFFFFFC00  }
0x385: {  	s24 =	simm.s32 $0x8080;
	s23 =	rddreg [dreg:$0xc]  }
0x386: {  	[spmem:s23] =	stream.linear.scatter [tilespmem:s24], [sflag:$0x1], $0x400, $0x38;
	[tilespmem:$0xA2B0] =	vst v63  }
0x387: {  	_ =	swait.ge [sflag:s30], $0x400  }
0x388: {  	s9 =	rddreg [dreg:$0x1e]  }
0x389: {  	s11 =	rddreg [dreg:$0x1f]  }
0x38a: {  	s15 =	sld [smem:$0x7FD]  }
0x38b: {  	[sflag:s30] =	ssyncset.done $0x0;
	s0 =	sld [smem:$0x7FC]  }
0x38c: {  	s16 =	sld [smem:$0x7FB];
	[sflag:s30] =	ssyncadd.s32 $0xFFFFFC00  }
0x38d: {  	s23 =	rddreg [dreg:$0x3]  }
.LBB2_52:
0x38e: {  	s0 =	sadd.s32 s0, s25  }
0x38f: {  	s0 =	sadd.s32 s0, s7  }
0x390: {  	s0 =	sadd.s32 s0, s8  }
0x391: {  	s0 =	sadd.s32 s0, s6  }
0x392: {  	s0 =	sadd.s32 s0, s16  }
0x393: {  	s0 =	sadd.s32 s0, s1  }
0x394: {  	s0 =	sadd.s32 s0, s2  }
0x395: {  	s0 =	sadd.s32 s0, s3  }
0x396: {  	s0 =	sadd.s32 s0, s26  }
0x397: {  	s0 =	sadd.s32 s0, s28  }
0x398: {  	[bflag:$0x0] =	sbarrier.arrive $0xFFFF;
	s0 =	sadd.s32 s0, s12  }
0x399: {  	s18 =	rddreg [dreg:$0xb];
	s17 =	sadd.s32 s0, s29;
	s0 =	simm.s32 $0x7C80  }
0x39a: {  	[tilespmem:s0], [sflag:$0x1] =	stream.linear.gather [spmem:s18], $0x400, $0x38;
	[tilespmem:$0xA2B0] =	vst v63  }
0x39b: {  	_ =	swait.ge [sflag:s30], $0x400  }
0x39c: {  	s1 =	sadd.s32 s17, s15;
	[sflag:s30] =	ssyncset.done $0x0  }
0x39d: {  	s1 =	sadd.s32 s1, s11;
	[sflag:s30] =	ssyncadd.s32 $0xFFFFFC00  }
0x39e: {  	s19 =	sadd.s32 s1, s9;
	s1 =	simm.s32 $0x8080;
	s20 =	rddreg [dreg:$0xc]  }
0x39f: {  	[tilespmem:s1], [sflag:$0x1] =	stream.linear.gather [spmem:s20], $0x400, $0x38;
	[tilespmem:$0xA2B0] =	vst v63  }
0x3a0: {  	p1 =	slt.s32 s19, $0x400;
	s20 =	smov.u32 s19  }
0x3a1: {  	s20 =	simm.s32 @!p1 $0x400  }
0x3a2: {  	s3 =	simm.s32 $0x1;
	p6 =	slt.s32 s19, $0x1;
	s21 =	sand.u32 $0xF, s20  }
0x3a3: {  	_ =	swait.ge [sflag:s30], $0x400;
	s25 =	sshra.s32 s20, $0x1F;
	p2 =	sne.s32 s21, $0x0  }
0x3a4: {  	[sflag:s30] =	ssyncset.done $0x0;
	s26 =	sshrl.u32 s25, $0x1C;
	p1 =	por !p6, !p2  }
0x3a5: {  	s24 =	rddreg [dreg:$0x18];
	s2 =	sadd.s32 s26, s20;
	p1 =	por !p1, !p1  }
0x3a6: {  	[sflag:s30] =	ssyncadd.s32 $0xFFFFFC00;
	s2 =	sshra.s32 s2, $0x4;
	s3 =	simm.s32 @!p1 $0x0  }
0x3a7: {  	v8 =	vld [tilespmem:s24+$0x7C80];
	s19 =	ssub.s32 s2, s3  }
0x3a8: {  	v11 =	vld [tilespmem:s24+$0x8080];
	p1 =	slt.s32 s19, $0x1  }
.Ltmp31:
0x3a9: {  	_ = 	snop;
	(pc) =	sbr.rel @p1 .LBB2_56-.Ltmp31, $4  }
0x3aa: {  	_ = 	snop  }
0x3ab: {  	s28 =	rddreg [dreg:$0x11]  }
0x3ac: {  	v9 =	vimm.s32 $0x0;
	vm2 =	vlt.s32 v1, s20;
	s29 =	rddreg [dreg:$0x12]  }
0x3ad: {  	v12 =	vimm.s32 $0x0;
	s26 =	rddreg [dreg:$0xa];
	s2 =	simm.s32 $0x8480;
	s3 =	simm.s32 $0x8600;
	v10 =	vnsel vm2, $0x0, v8;
	v11 =	vnsel vm2, $0x0, v11  }
0x3ae: {  	v12 =	vld [tilespmem:s1+$0x0];
	_ =	sdelay $0x1  }
0x3af: {  	v14 =	vld [tilespmem:s0+$0x0];
	_ =	sdelay $0x2  }
0x3b0: {  	v13 =	vbroadcast v12, $0x0;
	v15 =	vbroadcast v12, $0x1  }
0x3b1: {  	v8 =	vbroadcast v12, $0xF;
	v16 =	vbroadcast v12, $0xE  }
0x3b2: {  	v17 =	vbroadcast v12, $0x3;
	v20 =	vbroadcast v14, $0xE  }
0x3b3: {  	v19 =	vbroadcast v12, $0xD;
	v21 =	vbroadcast v14, $0x4  }
0x3b4: {  	v22 =	vbroadcast v12, $0x4;
	v23 =	vbroadcast v14, $0xA  }
0x3b5: {  	v60 =	vbroadcast v12, $0xB;
	v24 =	vbroadcast v14, $0x3  }
0x3b6: {  	v61 =	vbroadcast v14, $0xD;
	v62 =	vbroadcast v14, $0x9  }
0x3b7: {  	v26 =	vbroadcast v14, $0x7;
	v27 =	vbroadcast v14, $0x6  }
0x3b8: {  	vm4 =	vlt.s32 v13, v11;
	v13 =	vbroadcast v14, $0x1;
	vm3 =	vlt.s32 v15, v11  }
0x3b9: {  	v15 =	vbroadcast v14, $0x5;
	vm1 =	vlt.s32 v16, v11;
	v16 =	vbroadcast v14, $0x8  }
0x3ba: {  	vm9 =	vlt.s32 v17, v11;
	v17 =	vbroadcast v14, $0x0;
	vm12 =	vlt.s32 v22, v11  }
0x3bb: {  	vm5 =	vgt.s32 v13, v10;
	vm6 =	veq.s32 v13, v10;
	v13 =	vbroadcast v14, $0x2  }
0x3bc: {  	vm0 =	veq.s32 v16, v10;
	vm7 =	veq.s32 v15, v10;
	vm11 =	veq.s32 v17, v10  }
0x3bd: {  	vm3 =	vmand vm6, vm3;
	vm6 =	vlt.s32 v19, v11;
	v19 =	vbroadcast v12, $0x2  }
0x3be: {  	vm11 =	vmand vm11, vm4;
	vm3 =	vmor vm5, vm3;
	vm8 =	vgt.s32 v13, v10  }
0x3bf: {  	vm10 =	veq.s32 v13, v10;
	v13 =	vbroadcast v12, $0xC;
	vm5 =	veq.s32 v21, v10  }
0x3c0: {  	vm4 =	vgt.s32 v21, v10;
	v18 =	vsel vm3, $0x1, v5;
	vm12 =	vmand vm5, vm12  }
0x3c1: {  	vm5 =	vlt.s32 v13, v11;
	vm12 =	vmor vm4, vm12;
	vm4 =	vgt.s32 v16, v10  }
0x3c2: {  	v16 =	vbroadcast v12, $0xA;
	v25 =	vsel vm12, $0x1, v5;
	vm12 =	vgt.s32 v17, v10  }
0x3c3: {  	v13 =	vbroadcast v12, $0x7;
	vm11 =	vmor vm12, vm11;
	vm12 =	veq.s32 v24, v10  }
0x3c4: {  	v17 =	vbroadcast v12, $0x9;
	vm12 =	vmand vm12, vm9;
	vm9 =	vlt.s32 v19, v11  }
0x3c5: {  	v19 =	vsel vm11, $0x1, v5;
	vm11 =	vgt.s32 v24, v10;
	vm10 =	vmand vm10, vm9  }
0x3c6: {  	vm9 =	vgt.s32 v15, v10;
	v15 =	vbroadcast v14, $0xB;
	vm11 =	vmor vm11, vm12  }
0x3c7: {  	vm12 =	vlt.s32 v17, v11;
	v17 =	vbroadcast v12, $0x5;
	v19 =	vadd.s32 v19, v9  }
0x3c8: {  	vm8 =	vmor vm8, vm10;
	vm10 =	veq.s32 v62, v10;
	v28 =	vsel vm11, $0x1, v5  }
0x3c9: {  	vm11 =	vlt.s32 v16, v11;
	v16 =	vbroadcast v12, $0x6;
	v12 =	vbroadcast v12, $0x8  }
0x3ca: {  	vm10 =	vmand vm10, vm12;
	vm12 =	vgt.s32 v62, v10;
	v63 =	vsel vm8, $0x1, v5  }
0x3cb: {  	vm8 =	vlt.s32 v13, v11;
	vm10 =	vmor vm12, vm10;
	vm12 =	veq.s32 v23, v10  }
0x3cc: {  	v13 =	vsel vm10, $0x1, v5;
	vm10 =	veq.s32 v26, v10;
	vm11 =	vmand vm12, vm11  }
0x3cd: {  	vm12 =	veq.s32 v27, v10;
	vm8 =	vmand vm10, vm8;
	vm10 =	vlt.s32 v17, v11  }
0x3ce: {  	vm7 =	vmand vm7, vm10;
	vm10 =	vlt.s32 v16, v11;
	v16 =	vbroadcast v14, $0xC  }
0x3cf: {  	v14 =	vbroadcast v14, $0xF;
	vm10 =	vmand vm12, vm10;
	vm12 =	vgt.s32 v26, v10  }
0x3d0: {  	vm9 =	vmor vm9, vm7;
	vm8 =	vmor vm12, vm8;
	vm12 =	vgt.s32 v15, v10  }
0x3d1: {  	vm7 =	veq.s32 v16, v10;
	v17 =	vsel vm8, $0x1, v5;
	vm8 =	vgt.s32 v27, v10  }
0x3d2: {  	vm13 =	vmand vm7, vm5;
	vm5 =	vgt.s32 v23, v10;
	vm7 =	vmor vm8, vm10  }
0x3d3: {  	vm8 =	vgt.s32 v16, v10;
	vm10 =	vmor vm5, vm11;
	vm5 =	vgt.s32 v14, v10  }
0x3d4: {  	vm11 =	veq.s32 v15, v10;
	v15 =	vadd.s32 v18, v19;
	vm8 =	vmor vm8, vm13  }
0x3d5: {  	p2 =	sne.s32 s19, $0x1;
	v15 =	vadd.s32 v63, v15;
	v18 =	vsel vm10, $0x1, v5;
	vm10 =	vlt.s32 v60, v11  }
.Ltmp32:
0x3d6: {  	v15 =	vadd.s32 v28, v15;
	v16 =	vsel vm8, $0x1, v5;
	vm8 =	vlt.s32 v12, v11;
	(pc) =	sbr.rel @!p2 .LBB2_55-.Ltmp32, $4  }
0x3d7: {  	v12 =	vadd.s32 v25, v15;
	v15 =	vsel vm9, $0x1, v5;
	vm9 =	veq.s32 v61, v10  }
0x3d8: {  	vm10 =	vmand vm11, vm10;
	vm11 =	vgt.s32 v61, v10;
	vm6 =	vmand vm9, vm6  }
0x3d9: {  	vm9 =	vmor vm12, vm10;
	vm12 =	veq.s32 v20, v10;
	v19 =	vadd.s32 v15, v12  }
0x3da: {  	s21 =	sadd.s32 $0xFFFFFFFF, s19;
	s24 =	sadd.s32 $0x10, s0;
	s25 =	sadd.s32 $0x10, s1;
	vm10 =	veq.s32 v14, v10;
	vm6 =	vmor vm11, vm6;
	vm11 =	vgt.s32 v20, v10  }
.LBB2_54:
0x3db: {  	v12 =	vld [tilespmem:s25+$0x0]  }
0x3dc: {  	vm3 =	vmand vm0, vm8  }
0x3dd: {  	vm2 =	vmand vm12, vm1;
	vm8 =	vlt.s32 v8, v11;
	v14 =	vld [tilespmem:s24+$0x0];
	v8 =	vsel vm7, $0x1, v5  }
0x3de: {  	v20 =	vsel vm6, $0x1, v5;
	vm3 =	vmor vm4, vm3;
	v8 =	vadd.s32 v8, v19  }
0x3df: {  	v54 =	vimm.s32 $0x0;
	v15 =	vsel vm3, $0x1, v5;
	v8 =	vadd.s32 v17, v8  }
0x3e0: {  	v23 =	vimm.s32 $0x0;
	v15 =	vadd.s32 v15, v8;
	v21 =	vbroadcast v12, $0x0  }
0x3e1: {  	v13 =	vadd.s32 v13, v15;
	v8 =	vbroadcast v12, $0xF;
	v15 =	vbroadcast v12, $0x1  }
0x3e2: {  	v22 =	vbroadcast v12, $0xE;
	v13 =	vadd.s32 v18, v13;
	v18 =	vbroadcast v14, $0x1  }
0x3e3: {  	v58 =	vimm.s32 $0x0;
	v55 =	vbroadcast v12, $0xD;
	v56 =	vbroadcast v14, $0x4  }
0x3e4: {  	vm2 =	vmor vm11, vm2;
	v57 =	vbroadcast v14, $0xA;
	v24 =	vbroadcast v12, $0x4  }
0x3e5: {  	v19 =	vsel vm9, $0x1, v5;
	v59 =	vbroadcast v12, $0x2;
	v25 =	vbroadcast v12, $0xB  }
0x3e6: {  	v17 =	vsel vm2, $0x1, v5;
	v26 =	vbroadcast v14, $0x3;
	v60 =	vbroadcast v14, $0xD  }
0x3e7: {  	vm2 =	vmand vm10, vm8;
	v62 =	vbroadcast v14, $0x9;
	v63 =	vbroadcast v14, $0x7  }
0x3e8: {  	vm3 =	vmor vm5, vm2;
	v27 =	vbroadcast v14, $0xF;
	v29 =	vbroadcast v14, $0x6  }
0x3e9: {  	v13 =	vadd.s32 v19, v13;
	v19 =	vbroadcast v14, $0x5;
	vm9 =	vlt.s32 v21, v11  }
0x3ea: {  	vm4 =	vlt.s32 v15, v11;
	v13 =	vadd.s32 v16, v13;
	v15 =	vbroadcast v12, $0x3  }
0x3eb: {  	vm0 =	vlt.s32 v22, v11;
	v16 =	vimm.s32 $0x0;
	vm6 =	vgt.s32 v18, v10  }
0x3ec: {  	vm7 =	veq.s32 v18, v10;
	v18 =	vbroadcast v14, $0x0;
	vm12 =	vlt.s32 v24, v11  }
0x3ed: {  	vm14 =	veq.s32 v26, v10;
	vm15 =	vlt.s32 v59, v11;
	v16 =	vsel vm0, $0xFFFFFFFF, v16  }
0x3ee: {  	vm1 =	vgt.s32 v26, v10;
	v13 =	vadd.s32 v20, v13;
	[tilespmem:$0x1FFE0] =	vst v16;
	v16 =	vbroadcast v14, $0x8  }
0x3ef: {  	v13 =	vadd.s32 v17, v13;
	vm5 =	vlt.s32 v15, v11;
	v15 =	vsel vm3, $0x1, v5  }
0x3f0: {  	vm3 =	vmand vm7, vm4;
	v17 =	vbroadcast v14, $0x2;
	vm11 =	veq.s32 v18, v10  }
0x3f1: {  	vm4 =	veq.s32 v56, v10;
	v13 =	vadd.s32 v15, v13;
	vm3 =	vmor vm6, vm3  }
0x3f2: {  	v15 =	vbroadcast v14, $0xE;
	vm12 =	vmand vm4, vm12;
	vm9 =	vmand vm11, vm9  }
0x3f3: {  	vm11 =	vgt.s32 v56, v10;
	vm4 =	vgt.s32 v62, v10;
	v20 =	vsel vm3, $0x1, v5  }
0x3f4: {  	vm0 =	veq.s32 v16, v10;
	vm10 =	vgt.s32 v17, v10;
	vm13 =	veq.s32 v17, v10  }
0x3f5: {  	v17 =	vbroadcast v12, $0xC;
	vm7 =	vgt.s32 v16, v10;
	v16 =	vbroadcast v12, $0xA  }
0x3f6: {  	vm11 =	vmor vm11, vm12;
	vm12 =	vgt.s32 v18, v10;
	v18 =	vbroadcast v12, $0x9  }
0x3f7: {  	v21 =	vsel vm0, $0xFFFFFFFF, v54;
	vm0 =	veq.s32 v19, v10;
	v61 =	vsel vm11, $0x1, v5  }
0x3f8: {  	vm9 =	vmor vm12, vm9;
	vm11 =	vgt.s32 v19, v10;
	v19 =	vbroadcast v14, $0xB  }
0x3f9: {  	vm15 =	vmand vm13, vm15;
	v14 =	vbroadcast v14, $0xC;
	v23 =	vsel vm0, $0xFFFFFFFF, v23  }
0x3fa: {  	vm0 =	vlt.s32 v55, v11;
	vm8 =	vlt.s32 v17, v11;
	v17 =	vbroadcast v12, $0x7  }
0x3fb: {  	v28 =	vsel vm9, $0x1, v5;
	vm2 =	vlt.s32 v18, v11;
	v18 =	vbroadcast v12, $0x6  }
0x3fc: {  	[tilespmem:$0x1FFF0] =	vst v21;
	v21 =	vsel vm0, $0xFFFFFFFF, v58;
	vm0 =	vmand vm14, vm5;
	vm9 =	vgt.s32 v19, v10  }
0x3fd: {  	v13 =	vadd.s32 v28, v13;
	vm5 =	vlt.s32 v16, v11;
	vm14 =	vlt.s32 v17, v11  }
0x3fe: {  	vm0 =	vmor vm1, vm0;
	vm1 =	vmor vm10, vm15;
	vm10 =	veq.s32 v62, v10  }
0x3ff: {  	v17 =	vbroadcast v12, $0x5;
	v13 =	vadd.s32 v20, v13;
	vm2 =	vmand vm10, vm2  }
0x400: {  	vm10 =	veq.s32 v63, v10;
	v16 =	vsel vm1, $0x1, v5;
	vm2 =	vmor vm4, vm2  }
0x401: {  	v16 =	vadd.s32 v16, v13;
	vm4 =	vgt.s32 v63, v10;
	v13 =	vsel vm2, $0x1, v5  }
0x402: {  	vm2 =	vlt.s32 v17, v11;
	v17 =	vsel vm0, $0x1, v5;
	vm0 =	vmand vm10, vm14  }
0x403: {  	vm12 =	veq.s32 v19, v10;
	v12 =	vbroadcast v12, $0x8;
	vm0 =	vmor vm4, vm0  }
0x404: {  	[tilespmem:$0x1FFD0] =	vst v21;
	v19 =	vadd.s32 v17, v16;
	vm4 =	veq.s32 v14, v10;
	v17 =	vsel vm0, $0x1, v5  }
0x405: {  	vm0 =	vmand vm4, vm8;
	vm8 =	vlt.s32 v12, v11;
	v12 =	vadd.s32 v61, v19;
	v19 =	vld [tilespmem:$0x1FFD0];
	_ =	sdelay $0x2  }
0x406: {  	vm3 =	veq.s32 v29, v10;
	[tilespmem:$0x1FFC0] =	vst v23;
	vm14 =	vlt.s32 v18, v11  }
0x407: {  	vm1 =	vgt.s32 v29, v10;
	v16 =	vld [tilespmem:$0x1FFC0];
	vm3 =	vmand vm3, vm14  }
0x408: {  	vm4 =	vmmov vm7;
	vm7 =	vmor vm1, vm3;
	vm3 =	vnez.u8 v19;
	v19 =	vld [tilespmem:$0x1FFE0]  }
0x409: {  	vm15 =	veq.s32 v57, v10  }
0x40a: {  	vm13 =	vgt.s32 v57, v10;
	vm5 =	vmand vm15, vm5  }
0x40b: {  	vm6 =	vgt.s32 v27, v10;
	vm10 =	vlt.s32 v25, v11;
	vm1 =	vmor vm13, vm5  }
0x40c: {  	vm5 =	vmmov vm6;
	v18 =	vsel vm1, $0x1, v5;
	vm1 =	vmand vm12, vm10  }
0x40d: {  	p2 =	sne.s32 s21, $0x1;
	vm9 =	vmor vm9, vm1;
	vm15 =	vnez.u8 v16;
	vm1 =	vnez.u8 v19;
	v19 =	vld [tilespmem:$0x1FFF0]  }
.Ltmp33:
0x40e: {  	vm12 =	veq.s32 v15, v10;
	vm2 =	vmand vm15, vm2;
	vm15 =	vgt.s32 v14, v10;
	(pc) =	sbr.rel @p2 .LBB2_54-.Ltmp33, $4  }
0x40f: {  	vm10 =	veq.s32 v27, v10;
	vm2 =	vmor vm11, vm2;
	vm0 =	vmor vm15, vm0  }
0x410: {  	vm11 =	vgt.s32 v15, v10;
	v16 =	vsel vm0, $0x1, v5;
	vm0 =	veq.s32 v60, v10  }
0x411: {  	v14 =	vsel vm2, $0x1, v5;
	vm2 =	vgt.s32 v60, v10;
	vm0 =	vmand vm0, vm3  }
0x412: {  	s21 =	sadd.s32 $0xFFFFFFFF, s21;
	s24 =	sadd.s32 $0x10, s24;
	s25 =	sadd.s32 $0x10, s25;
	vm6 =	vmor vm2, vm0;
	vm0 =	vnez.u8 v19;
	v19 =	vadd.s32 v14, v12  }
.LBB2_55:
0x413: {  	vm0 =	vmand vm0, vm8;
	v12 =	vsel vm7, $0x1, v5  }
0x414: {  	vm0 =	vmor vm4, vm0;
	v12 =	vadd.s32 v12, v19  }
0x415: {  	v14 =	vsel vm0, $0x1, v5;
	v12 =	vadd.s32 v17, v12  }
0x416: {  	v12 =	vadd.s32 v14, v12  }
0x417: {  	v12 =	vadd.s32 v13, v12  }
0x418: {  	vm14 =	vlt.s32 v8, v11;
	v13 =	vsel vm9, $0x1, v5;
	v12 =	vadd.s32 v18, v12  }
0x419: {  	vm13 =	vmand vm12, vm1;
	vm1 =	vmand vm10, vm14;
	v8 =	vadd.s32 v13, v12  }
0x41a: {  	vm0 =	vmor vm11, vm13;
	v12 =	vsel vm6, $0x1, v5;
	v8 =	vadd.s32 v16, v8  }
0x41b: {  	vm15 =	vmor vm5, vm1;
	v13 =	vsel vm0, $0x1, v5;
	v8 =	vadd.s32 v12, v8  }
0x41c: {  	v12 =	vsel vm15, $0x1, v5;
	v8 =	vadd.s32 v13, v8  }
0x41d: {  	v12 =	vadd.s32 v12, v8  }
.LBB2_56:
0x41e: {  	v8 =	vmov s20  }
0x41f: {  	vm1 =	vlt.s32 v12, $0x12C;
	vm0 =	vlt.s32 v1, v8  }
0x420: {  	vm0 =	vmand vm0, vm1;
	_ =	sdelay $0x5  }
0x421: {  	[tilespmem:v12+s2+$0x0] =	vst.idx.msk vm0, v10  }
0x422: {  	s0 =	rddreg [dreg:$0x1b];
	[tilespmem:v12+s3+$0x0] =	vst.idx.msk vm0, v11  }
0x423: {  	v10 =	vld [tilespmem:s0+$0x7C80]  }
0x424: {  	v11 =	vld [tilespmem:s0+$0x8080]  }
.Ltmp34:
0x425: {  	_ = 	snop;
	(pc) =	sbr.rel @p1 .LBB2_57-.Ltmp34, $3  }
0x426: {  	_ =	sdelay $0x1  }
0x427: {  	vm1 =	vlt.s32 v2, v8  }
0x428: {  	v10 =	vnsel vm1, $0x0, v10;
	v11 =	vnsel vm1, $0x0, v11  }
0x429: {  	s0 =	simm.s32 $0x8080  }
0x42a: {  	v14 =	vld [tilespmem:s0+$0x0];
	_ =	sdelay $0x1  }
0x42b: {  	s25 =	simm.s32 $0x7C80  }
0x42c: {  	v15 =	vld [tilespmem:s25+$0x0]  }
0x42d: {  	v12 =	vimm.s32 $0x0  }
0x42e: {  	v12 =	vsel vm1, $0xFFFFFFFF, v12;
	v13 =	vbroadcast v14, $0x0  }
0x42f: {  	[tilespmem:$0x1FFB0] =	vst v12;
	v16 =	vbroadcast v14, $0x1;
	v12 =	vbroadcast v14, $0xF  }
0x430: {  	v17 =	vbroadcast v14, $0xE;
	v18 =	vbroadcast v14, $0x3  }
0x431: {  	v20 =	vbroadcast v15, $0xE;
	v21 =	vbroadcast v14, $0xD  }
0x432: {  	v22 =	vbroadcast v15, $0x4;
	v23 =	vbroadcast v14, $0x4  }
0x433: {  	v24 =	vbroadcast v15, $0xA;
	v57 =	vbroadcast v14, $0x2  }
0x434: {  	v58 =	vbroadcast v14, $0xB;
	v25 =	vbroadcast v15, $0x3  }
0x435: {  	v59 =	vbroadcast v15, $0xD;
	v61 =	vbroadcast v15, $0x9  }
0x436: {  	v27 =	vbroadcast v15, $0x7;
	v28 =	vbroadcast v15, $0x6  }
0x437: {  	v62 =	vbroadcast v14, $0x5;
	v63 =	vbroadcast v15, $0xC  }
0x438: {  	vm5 =	vlt.s32 v13, v11;
	v13 =	vbroadcast v15, $0x1;
	vm0 =	vlt.s32 v16, v11  }
0x439: {  	v16 =	vbroadcast v15, $0x5;
	vm2 =	vlt.s32 v17, v11;
	v17 =	vbroadcast v15, $0x8  }
0x43a: {  	vm10 =	vlt.s32 v18, v11;
	v18 =	vbroadcast v15, $0x0;
	vm7 =	vlt.s32 v21, v11  }
0x43b: {  	vm6 =	veq.s32 v22, v10;
	vm11 =	vlt.s32 v23, v11;
	vm13 =	veq.s32 v20, v10  }
0x43c: {  	vm1 =	vgt.s32 v13, v10;
	vm4 =	veq.s32 v13, v10;
	v13 =	vbroadcast v15, $0x2  }
0x43d: {  	vm11 =	vmand vm6, vm11;
	vm3 =	veq.s32 v17, v10;
	vm0 =	vmand vm4, vm0  }
0x43e: {  	vm8 =	veq.s32 v16, v10;
	vm0 =	vmor vm1, vm0;
	vm9 =	vgt.s32 v13, v10  }
0x43f: {  	vm1 =	veq.s32 v18, v10;
	v19 =	vsel vm0, $0x1, v5;
	vm0 =	veq.s32 v13, v10  }
0x440: {  	v13 =	vbroadcast v14, $0xC;
	vm1 =	vmand vm1, vm5;
	vm5 =	vgt.s32 v22, v10  }
0x441: {  	vm4 =	vgt.s32 v17, v10;
	v17 =	vbroadcast v14, $0xA;
	vm11 =	vmor vm5, vm11  }
0x442: {  	vm6 =	vlt.s32 v13, v11;
	v26 =	vsel vm11, $0x1, v5;
	vm11 =	vgt.s32 v18, v10  }
0x443: {  	v13 =	vbroadcast v14, $0x7;
	vm1 =	vmor vm11, vm1;
	vm11 =	veq.s32 v25, v10  }
0x444: {  	v18 =	vbroadcast v14, $0x9;
	vm11 =	vmand vm11, vm10;
	vm10 =	vlt.s32 v57, v11  }
0x445: {  	v60 =	vsel vm1, $0x1, v5;
	vm1 =	vgt.s32 v25, v10;
	vm0 =	vmand vm0, vm10  }
0x446: {  	vm10 =	vgt.s32 v16, v10;
	v16 =	vbroadcast v15, $0xB;
	vm1 =	vmor vm1, vm11  }
0x447: {  	vm11 =	vlt.s32 v18, v11;
	v15 =	vbroadcast v15, $0xF;
	v9 =	vadd.s32 v60, v9  }
0x448: {  	vm0 =	vmor vm9, vm0;
	vm9 =	veq.s32 v61, v10;
	v29 =	vsel vm1, $0x1, v5  }
0x449: {  	vm1 =	vlt.s32 v17, v11;
	v17 =	vbroadcast v14, $0x6;
	v9 =	vadd.s32 v19, v9  }
0x44a: {  	v14 =	vbroadcast v14, $0x8;
	vm9 =	vmand vm9, vm11;
	vm11 =	vgt.s32 v61, v10  }
0x44b: {  	v18 =	vsel vm0, $0x1, v5;
	vm0 =	vlt.s32 v13, v11;
	vm5 =	vgt.s32 v15, v10  }
0x44c: {  	vm9 =	vmor vm11, vm9;
	vm11 =	veq.s32 v24, v10;
	v9 =	vadd.s32 v18, v9  }
0x44d: {  	v13 =	vsel vm9, $0x1, v5;
	vm9 =	veq.s32 v27, v10;
	vm1 =	vmand vm11, vm1  }
0x44e: {  	vm11 =	veq.s32 v28, v10;
	vm0 =	vmand vm9, vm0;
	vm9 =	vlt.s32 v62, v11  }
0x44f: {  	v9 =	vadd.s32 v29, v9;
	vm8 =	vmand vm8, vm9;
	vm9 =	vlt.s32 v17, v11  }
0x450: {  	v9 =	vadd.s32 v26, v9;
	vm9 =	vmand vm11, vm9;
	vm11 =	vgt.s32 v27, v10  }
0x451: {  	vm10 =	vmor vm10, vm8;
	vm8 =	veq.s32 v63, v10;
	vm0 =	vmor vm11, vm0  }
0x452: {  	vm11 =	vgt.s32 v16, v10;
	vm12 =	vmand vm8, vm6;
	vm6 =	vgt.s32 v24, v10  }
0x453: {  	v17 =	vsel vm0, $0x1, v5;
	vm0 =	vgt.s32 v28, v10;
	vm1 =	vmor vm6, vm1  }
0x454: {  	p2 =	sne.s32 s19, $0x1;
	vm8 =	vmor vm0, vm9;
	vm0 =	vgt.s32 v63, v10;
	v18 =	vsel vm1, $0x1, v5  }
.Ltmp35:
0x455: {  	vm1 =	vlt.s32 v58, v11;
	vm9 =	vlt.s32 v14, v11;
	v14 =	vsel vm10, $0x1, v5;
	(pc) =	sbr.rel @!p2 .LBB2_60-.Ltmp35, $4  }
0x456: {  	vm0 =	vmor vm0, vm12;
	vm12 =	veq.s32 v16, v10;
	v19 =	vadd.s32 v14, v9  }
0x457: {  	v16 =	vsel vm0, $0x1, v5;
	vm0 =	veq.s32 v59, v10;
	vm1 =	vmand vm12, vm1  }
0x458: {  	s20 =	sadd.s32 $0xFFFFFFFF, s19;
	vm12 =	vgt.s32 v59, v10;
	vm0 =	vmand vm0, vm7;
	vm10 =	vmor vm11, vm1  }
0x459: {  	s21 =	simm.s32 $0x7C90;
	s24 =	simm.s32 $0x8090;
	s25 =	rddreg [dreg:$0x9];
	vm11 =	veq.s32 v15, v10;
	vm7 =	vmor vm12, vm0;
	vm12 =	vgt.s32 v20, v10  }
.LBB2_59:
0x45a: {  	v9 =	vld [tilespmem:s24+$0x0]  }
0x45b: {  	vm0 =	vmand vm3, vm9  }
0x45c: {  	vm1 =	vmand vm13, vm2;
	vm3 =	vlt.s32 v12, v11;
	v14 =	vld [tilespmem:s21+$0x0];
	v12 =	vsel vm8, $0x1, v5  }
0x45d: {  	v20 =	vsel vm7, $0x1, v5;
	vm0 =	vmor vm4, vm0;
	v12 =	vadd.s32 v12, v19  }
0x45e: {  	v54 =	vimm.s32 $0x0;
	v15 =	vsel vm0, $0x1, v5;
	v12 =	vadd.s32 v17, v12  }
0x45f: {  	v23 =	vimm.s32 $0x0;
	v15 =	vadd.s32 v15, v12;
	v21 =	vbroadcast v9, $0x0  }
0x460: {  	v13 =	vadd.s32 v13, v15;
	v12 =	vbroadcast v9, $0xF;
	v15 =	vbroadcast v9, $0x1  }
0x461: {  	v22 =	vbroadcast v9, $0xE;
	v13 =	vadd.s32 v18, v13;
	v18 =	vbroadcast v14, $0x1  }
0x462: {  	v58 =	vimm.s32 $0x0;
	v55 =	vbroadcast v9, $0xD;
	v56 =	vbroadcast v14, $0x4  }
0x463: {  	vm1 =	vmor vm12, vm1;
	v57 =	vbroadcast v14, $0xA;
	v24 =	vbroadcast v9, $0x4  }
0x464: {  	v19 =	vsel vm10, $0x1, v5;
	v59 =	vbroadcast v9, $0x2;
	v25 =	vbroadcast v9, $0xB  }
0x465: {  	v17 =	vsel vm1, $0x1, v5;
	v26 =	vbroadcast v14, $0x3;
	v60 =	vbroadcast v14, $0xD  }
0x466: {  	vm0 =	vmand vm11, vm3;
	v62 =	vbroadcast v14, $0x9;
	v63 =	vbroadcast v14, $0x7  }
0x467: {  	vm0 =	vmor vm5, vm0;
	v27 =	vbroadcast v14, $0xF;
	v29 =	vbroadcast v14, $0x6  }
0x468: {  	v13 =	vadd.s32 v19, v13;
	v19 =	vbroadcast v14, $0x5;
	vm10 =	vlt.s32 v21, v11  }
0x469: {  	vm1 =	vlt.s32 v15, v11;
	v13 =	vadd.s32 v16, v13;
	v15 =	vbroadcast v9, $0x3  }
0x46a: {  	vm2 =	vlt.s32 v22, v11;
	v16 =	vimm.s32 $0x0;
	vm4 =	vgt.s32 v18, v10  }
0x46b: {  	vm5 =	veq.s32 v18, v10;
	v18 =	vbroadcast v14, $0x0;
	vm13 =	veq.s32 v26, v10  }
0x46c: {  	v16 =	vsel vm2, $0xFFFFFFFF, v16;
	v13 =	vadd.s32 v20, v13;
	vm2 =	vgt.s32 v26, v10  }
0x46d: {  	vm12 =	vgt.s32 v19, v10;
	[tilespmem:$0x1FFA0] =	vst v16;
	v16 =	vbroadcast v14, $0x8;
	v13 =	vadd.s32 v17, v13  }
0x46e: {  	vm6 =	vlt.s32 v15, v11;
	v15 =	vsel vm0, $0x1, v5;
	vm0 =	vmand vm5, vm1  }
0x46f: {  	v17 =	vbroadcast v14, $0x2;
	vm1 =	vlt.s32 v55, v11;
	vm5 =	vlt.s32 v24, v11  }
0x470: {  	v13 =	vadd.s32 v15, v13;
	vm0 =	vmor vm4, vm0;
	v15 =	vbroadcast v14, $0xE  }
0x471: {  	vm3 =	vmand vm13, vm6;
	vm4 =	veq.s32 v29, v10;
	v20 =	vsel vm0, $0x1, v5  }
0x472: {  	vm0 =	veq.s32 v16, v10;
	vm11 =	vgt.s32 v17, v10;
	vm14 =	veq.s32 v17, v10  }
0x473: {  	v17 =	vbroadcast v9, $0xC;
	vm9 =	vgt.s32 v16, v10;
	v16 =	vbroadcast v9, $0xA  }
0x474: {  	vm2 =	vmor vm2, vm3;
	vm3 =	veq.s32 v62, v10;
	v21 =	vsel vm0, $0xFFFFFFFF, v54  }
0x475: {  	vm0 =	veq.s32 v19, v10;
	v19 =	vbroadcast v14, $0xB;
	v14 =	vbroadcast v14, $0xC  }
0x476: {  	[tilespmem:$0x1FF80] =	vst v21;
	v23 =	vsel vm0, $0xFFFFFFFF, v23;
	vm0 =	veq.s32 v18, v10;
	v21 =	vsel vm1, $0xFFFFFFFF, v58  }
0x477: {  	vm1 =	veq.s32 v56, v10;
	vm8 =	vlt.s32 v17, v11;
	v17 =	vbroadcast v9, $0x7  }
0x478: {  	vm6 =	vlt.s32 v16, v11;
	vm1 =	vmand vm1, vm5;
	vm0 =	vmand vm0, vm10  }
0x479: {  	vm10 =	vgt.s32 v56, v10;
	vm13 =	veq.s32 v19, v10;
	vm5 =	vgt.s32 v62, v10  }
0x47a: {  	vm1 =	vmor vm10, vm1;
	vm10 =	vgt.s32 v18, v10;
	v18 =	vbroadcast v9, $0x9  }
0x47b: {  	vm15 =	vlt.s32 v17, v11;
	v17 =	vbroadcast v9, $0x5;
	v61 =	vsel vm1, $0x1, v5  }
0x47c: {  	vm1 =	vlt.s32 v59, v11;
	vm0 =	vmor vm10, vm0;
	vm10 =	vgt.s32 v19, v10  }
0x47d: {  	v28 =	vsel vm0, $0x1, v5;
	vm0 =	vlt.s32 v18, v11;
	vm1 =	vmand vm14, vm1  }
0x47e: {  	v18 =	vbroadcast v9, $0x6;
	v9 =	vbroadcast v9, $0x8;
	v13 =	vadd.s32 v28, v13  }
0x47f: {  	vm1 =	vmor vm11, vm1;
	vm0 =	vmand vm3, vm0;
	vm3 =	veq.s32 v63, v10  }
0x480: {  	v13 =	vadd.s32 v20, v13;
	v16 =	vsel vm1, $0x1, v5;
	vm1 =	vgt.s32 v29, v10  }
0x481: {  	vm0 =	vmor vm5, vm0;
	vm5 =	vgt.s32 v63, v10;
	v16 =	vadd.s32 v16, v13  }
0x482: {  	v13 =	vsel vm0, $0x1, v5;
	vm0 =	vlt.s32 v17, v11;
	v17 =	vsel vm2, $0x1, v5  }
0x483: {  	vm2 =	vmand vm3, vm15;
	vm15 =	vlt.s32 v18, v11;
	v19 =	vadd.s32 v17, v16  }
0x484: {  	vm4 =	vmand vm4, vm15;
	vm2 =	vmor vm5, vm2;
	vm5 =	veq.s32 v14, v10  }
0x485: {  	v17 =	vsel vm2, $0x1, v5;
	vm2 =	vmand vm5, vm8;
	vm8 =	vmor vm1, vm4  }
0x486: {  	vm4 =	vmmov vm9;
	vm9 =	vlt.s32 v9, v11;
	v9 =	vadd.s32 v61, v19;
	v19 =	vld [tilespmem:$0x1FF80];
	_ =	sdelay $0x1  }
0x487: {  	vm11 =	veq.s32 v57, v10  }
0x488: {  	[tilespmem:$0x1FF70] =	vst v23;
	vm14 =	vgt.s32 v57, v10;
	vm6 =	vmand vm11, vm6  }
0x489: {  	[tilespmem:$0x1FF90] =	vst v21;
	vm3 =	vlt.s32 v25, v11;
	v16 =	vld [tilespmem:$0x1FF70];
	vm1 =	vmor vm14, vm6  }
0x48a: {  	v18 =	vsel vm1, $0x1, v5;
	vm1 =	vmand vm13, vm3;
	vm3 =	vnez.u8 v19;
	v19 =	vld [tilespmem:$0x1FF90];
	_ =	sdelay $0x2  }
0x48b: {  	vm7 =	vgt.s32 v27, v10  }
0x48c: {  	vm5 =	vmmov vm7  }
0x48d: {  	p2 =	sne.s32 s20, $0x1;
	vm13 =	veq.s32 v15, v10;
	vm11 =	vnez.u8 v16;
	vm6 =	vnez.u8 v19;
	v19 =	vld [tilespmem:$0x1FFA0]  }
.Ltmp36:
0x48e: {  	vm10 =	vmor vm10, vm1;
	vm0 =	vmand vm11, vm0;
	vm11 =	vgt.s32 v14, v10;
	(pc) =	sbr.rel @p2 .LBB2_59-.Ltmp36, $4  }
0x48f: {  	vm0 =	vmor vm12, vm0;
	vm2 =	vmor vm11, vm2;
	vm12 =	vgt.s32 v15, v10  }
0x490: {  	vm11 =	veq.s32 v27, v10;
	v14 =	vsel vm0, $0x1, v5;
	vm0 =	veq.s32 v60, v10  }
0x491: {  	v16 =	vsel vm2, $0x1, v5;
	vm2 =	vgt.s32 v60, v10;
	vm0 =	vmand vm0, vm6  }
0x492: {  	s20 =	sadd.s32 $0xFFFFFFFF, s20;
	s21 =	sadd.s32 $0x10, s21;
	s24 =	sadd.s32 $0x10, s24;
	vm7 =	vmor vm2, vm0;
	vm2 =	vnez.u8 v19;
	v19 =	vadd.s32 v14, v9  }
.LBB2_60:
0x493: {  	vm0 =	vmand vm3, vm9;
	v9 =	vsel vm8, $0x1, v5  }
0x494: {  	vm0 =	vmor vm4, vm0;
	v9 =	vadd.s32 v9, v19  }
0x495: {  	v14 =	vsel vm0, $0x1, v5;
	v9 =	vadd.s32 v17, v9  }
0x496: {  	v9 =	vadd.s32 v14, v9  }
0x497: {  	v9 =	vadd.s32 v13, v9  }
0x498: {  	v59 =	vsel vm10, $0x1, v5;
	vm1 =	vlt.s32 v12, v11;
	v63 =	vld [tilespmem:$0x1FFB0];
	v9 =	vadd.s32 v18, v9  }
.Ltmp37:
0x499: {  	v60 =	vsel vm7, $0x1, v5;
	vm0 =	vmand vm13, vm2;
	v9 =	vadd.s32 v59, v9;
	(pc) =	sbr.rel .LBB2_61-.Ltmp37, $4  }
0x49a: {  	vm1 =	vmand vm11, vm1;
	vm0 =	vmor vm12, vm0;
	v9 =	vadd.s32 v16, v9  }
0x49b: {  	v61 =	vsel vm0, $0x1, v5;
	vm0 =	vmor vm5, vm1;
	v9 =	vadd.s32 v60, v9  }
0x49c: {  	v62 =	vsel vm0, $0x1, v5;
	v9 =	vadd.s32 v61, v9  }
0x49d: {  	vm1 =	vnez.u8 v63;
	v9 =	vadd.s32 v62, v9  }
.LBB2_57:
0x49e: {  	s25 =	rddreg [dreg:$0x9]  }
.LBB2_61:
0x49f: {  	vm0 =	vlt.s32 v9, $0x12C  }
0x4a0: {  	vm0 =	vmand vm1, vm0;
	_ =	sdelay $0x5  }
0x4a1: {  	[tilespmem:v9+s2+$0x0] =	vst.idx.msk vm0, v10  }
0x4a2: {  	s0 =	rddreg [dreg:$0x1c];
	[tilespmem:v9+s3+$0x0] =	vst.idx.msk vm0, v11  }
0x4a3: {  	v9 =	vld [tilespmem:s0+$0x7C80]  }
0x4a4: {  	v11 =	vld [tilespmem:s0+$0x8080]  }
.Ltmp38:
0x4a5: {  	_ = 	snop;
	(pc) =	sbr.rel @p1 .LBB2_65-.Ltmp38, $3  }
0x4a6: {  	_ =	sdelay $0x1  }
0x4a7: {  	v12 =	vimm.s32 $0x0;
	vm1 =	vlt.s32 v3, v8  }
0x4a8: {  	v10 =	vnsel vm1, $0x0, v9;
	v9 =	vimm.s32 $0x0;
	v11 =	vnsel vm1, $0x0, v11  }
0x4a9: {  	s0 =	simm.s32 $0x8080  }
0x4aa: {  	v13 =	vld [tilespmem:s0+$0x0];
	_ =	sdelay $0x1  }
0x4ab: {  	s24 =	simm.s32 $0x7C80  }
0x4ac: {  	v15 =	vld [tilespmem:s24+$0x0]  }
0x4ad: {  	v12 =	vimm.s32 $0x0  }
0x4ae: {  	v12 =	vsel vm1, $0xFFFFFFFF, v12;
	v14 =	vbroadcast v13, $0x0  }
0x4af: {  	[tilespmem:$0x1FF60] =	vst v12;
	v16 =	vbroadcast v13, $0x1;
	v12 =	vbroadcast v13, $0xF  }
0x4b0: {  	v17 =	vbroadcast v13, $0xE;
	v18 =	vbroadcast v13, $0x3  }
0x4b1: {  	v21 =	vbroadcast v15, $0xE;
	v20 =	vbroadcast v13, $0xD  }
0x4b2: {  	v22 =	vbroadcast v15, $0x4;
	v23 =	vbroadcast v13, $0x4  }
0x4b3: {  	v24 =	vbroadcast v15, $0xA;
	v25 =	vbroadcast v15, $0x3  }
0x4b4: {  	v62 =	vbroadcast v15, $0x9;
	v27 =	vbroadcast v15, $0x7  }
0x4b5: {  	v28 =	vbroadcast v15, $0x6;
	vm5 =	vlt.s32 v14, v11;
	v14 =	vbroadcast v15, $0x1  }
0x4b6: {  	vm0 =	vlt.s32 v16, v11;
	v16 =	vbroadcast v15, $0x5;
	vm2 =	vlt.s32 v17, v11  }
0x4b7: {  	v17 =	vbroadcast v15, $0x8;
	vm10 =	vlt.s32 v18, v11;
	v18 =	vbroadcast v15, $0x0  }
0x4b8: {  	vm7 =	vlt.s32 v20, v11;
	v20 =	vbroadcast v13, $0x2;
	vm6 =	veq.s32 v22, v10  }
0x4b9: {  	vm11 =	vlt.s32 v23, v11;
	v23 =	vbroadcast v13, $0xB;
	vm13 =	veq.s32 v21, v10  }
0x4ba: {  	vm11 =	vmand vm6, vm11;
	vm1 =	vgt.s32 v14, v10;
	vm4 =	veq.s32 v14, v10  }
0x4bb: {  	v14 =	vbroadcast v15, $0x2;
	vm3 =	veq.s32 v17, v10;
	vm8 =	veq.s32 v16, v10  }
0x4bc: {  	vm0 =	vmand vm4, vm0;
	vm4 =	vgt.s32 v17, v10;
	v17 =	vbroadcast v13, $0xA  }
0x4bd: {  	vm0 =	vmor vm1, vm0;
	vm9 =	vgt.s32 v14, v10;
	vm1 =	veq.s32 v18, v10  }
0x4be: {  	v19 =	vsel vm0, $0x1, v5;
	vm1 =	vmand vm1, vm5;
	vm5 =	vgt.s32 v22, v10  }
0x4bf: {  	vm0 =	veq.s32 v14, v10;
	v14 =	vbroadcast v13, $0xC;
	vm11 =	vmor vm5, vm11  }
0x4c0: {  	v22 =	vbroadcast v15, $0xD;
	v26 =	vsel vm11, $0x1, v5;
	vm11 =	vgt.s32 v18, v10  }
0x4c1: {  	vm6 =	vlt.s32 v14, v11;
	vm1 =	vmor vm11, vm1;
	vm11 =	veq.s32 v25, v10  }
0x4c2: {  	v14 =	vbroadcast v13, $0x7;
	v18 =	vbroadcast v13, $0x9;
	vm11 =	vmand vm11, vm10  }
0x4c3: {  	vm10 =	vlt.s32 v20, v11;
	v20 =	vsel vm1, $0x1, v5;
	vm1 =	vgt.s32 v25, v10  }
0x4c4: {  	vm0 =	vmand vm0, vm10;
	vm10 =	vgt.s32 v16, v10;
	v16 =	vbroadcast v15, $0xB  }
0x4c5: {  	vm1 =	vmor vm1, vm11;
	vm11 =	vlt.s32 v18, v11;
	v18 =	vbroadcast v13, $0x5  }
0x4c6: {  	v20 =	vadd.s32 v20, v9;
	vm0 =	vmor vm9, vm0;
	vm9 =	veq.s32 v62, v10  }
0x4c7: {  	v29 =	vsel vm1, $0x1, v5;
	vm1 =	vlt.s32 v17, v11;
	v17 =	vbroadcast v13, $0x6  }
0x4c8: {  	vm9 =	vmand vm9, vm11;
	vm11 =	vgt.s32 v62, v10;
	v63 =	vsel vm0, $0x1, v5  }
0x4c9: {  	vm0 =	vlt.s32 v14, v11;
	vm9 =	vmor vm11, vm9;
	vm11 =	veq.s32 v24, v10  }
0x4ca: {  	v14 =	vsel vm9, $0x1, v5;
	vm9 =	veq.s32 v27, v10;
	vm1 =	vmand vm11, vm1  }
0x4cb: {  	vm11 =	veq.s32 v28, v10;
	vm0 =	vmand vm9, vm0;
	vm9 =	vlt.s32 v18, v11  }
0x4cc: {  	vm8 =	vmand vm8, vm9;
	vm9 =	vlt.s32 v17, v11;
	v17 =	vbroadcast v15, $0xC  }
0x4cd: {  	v15 =	vbroadcast v15, $0xF;
	vm9 =	vmand vm11, vm9;
	vm11 =	vgt.s32 v27, v10  }
0x4ce: {  	v13 =	vbroadcast v13, $0x8;
	vm10 =	vmor vm10, vm8;
	vm0 =	vmor vm11, vm0  }
0x4cf: {  	vm11 =	vgt.s32 v16, v10;
	vm8 =	veq.s32 v17, v10;
	vm5 =	vgt.s32 v15, v10  }
0x4d0: {  	v18 =	vsel vm0, $0x1, v5;
	vm0 =	vgt.s32 v28, v10;
	vm12 =	vmand vm8, vm6  }
0x4d1: {  	vm6 =	vgt.s32 v24, v10;
	vm8 =	vmor vm0, vm9;
	vm0 =	vgt.s32 v17, v10  }
0x4d2: {  	vm1 =	vmor vm6, vm1;
	vm9 =	vlt.s32 v13, v11;
	vm0 =	vmor vm0, vm12  }
0x4d3: {  	p2 =	sne.s32 s19, $0x1;
	vm12 =	veq.s32 v16, v10;
	v16 =	vadd.s32 v19, v20;
	v19 =	vsel vm1, $0x1, v5  }
.Ltmp39:
0x4d4: {  	vm1 =	vlt.s32 v23, v11;
	v16 =	vadd.s32 v63, v16;
	v17 =	vsel vm0, $0x1, v5;
	(pc) =	sbr.rel @!p2 .LBB2_64-.Ltmp39, $4  }
0x4d5: {  	vm0 =	veq.s32 v22, v10;
	vm1 =	vmand vm12, vm1;
	v16 =	vadd.s32 v29, v16  }
0x4d6: {  	vm12 =	vgt.s32 v22, v10;
	vm0 =	vmand vm0, vm7;
	v13 =	vadd.s32 v26, v16  }
0x4d7: {  	v16 =	vsel vm10, $0x1, v5;
	vm10 =	vmor vm11, vm1;
	vm7 =	vmor vm12, vm0  }
0x4d8: {  	s20 =	sadd.s32 $0xFFFFFFFF, s19;
	s21 =	simm.s32 $0x7C90;
	s24 =	simm.s32 $0x8090;
	vm12 =	vgt.s32 v21, v10;
	vm11 =	veq.s32 v15, v10;
	v20 =	vadd.s32 v16, v13  }
.LBB2_63:
0x4d9: {  	v13 =	vld [tilespmem:s24+$0x0]  }
0x4da: {  	vm0 =	vmand vm3, vm9  }
0x4db: {  	vm1 =	vmand vm13, vm2;
	vm3 =	vlt.s32 v12, v11;
	v15 =	vld [tilespmem:s21+$0x0];
	v12 =	vsel vm8, $0x1, v5  }
0x4dc: {  	v21 =	vsel vm7, $0x1, v5;
	vm0 =	vmor vm4, vm0;
	v12 =	vadd.s32 v12, v20  }
0x4dd: {  	v24 =	vimm.s32 $0x0;
	v16 =	vsel vm0, $0x1, v5;
	v12 =	vadd.s32 v18, v12  }
0x4de: {  	vm1 =	vmor vm12, vm1;
	v16 =	vadd.s32 v16, v12;
	v22 =	vbroadcast v13, $0x0  }
0x4df: {  	v14 =	vadd.s32 v14, v16;
	v12 =	vbroadcast v13, $0xF;
	v16 =	vbroadcast v13, $0x1  }
0x4e0: {  	v23 =	vbroadcast v13, $0xE;
	v14 =	vadd.s32 v19, v14;
	v19 =	vbroadcast v15, $0x1  }
0x4e1: {  	v20 =	vsel vm10, $0x1, v5;
	v61 =	vbroadcast v15, $0xA;
	v25 =	vbroadcast v13, $0x4  }
0x4e2: {  	v18 =	vsel vm1, $0x1, v5;
	v26 =	vbroadcast v13, $0xB;
	v27 =	vbroadcast v15, $0x3  }
0x4e3: {  	vm0 =	vmand vm11, vm3;
	v62 =	vbroadcast v15, $0xD;
	v63 =	vbroadcast v15, $0x7  }
0x4e4: {  	vm0 =	vmor vm5, vm0;
	v28 =	vbroadcast v15, $0xF;
	v30 =	vbroadcast v15, $0x6  }
0x4e5: {  	v14 =	vadd.s32 v20, v14;
	v20 =	vbroadcast v15, $0x5;
	vm10 =	vlt.s32 v22, v11  }
0x4e6: {  	vm1 =	vlt.s32 v16, v11;
	v14 =	vadd.s32 v17, v14;
	v16 =	vbroadcast v13, $0x3  }
0x4e7: {  	vm2 =	vlt.s32 v23, v11;
	v17 =	vimm.s32 $0x0;
	vm4 =	vgt.s32 v19, v10  }
0x4e8: {  	vm5 =	veq.s32 v19, v10;
	v19 =	vbroadcast v15, $0x0;
	v22 =	vimm.s32 $0x0  }
0x4e9: {  	v23 =	vbroadcast v15, $0x4;
	vm13 =	veq.s32 v27, v10;
	v17 =	vsel vm2, $0xFFFFFFFF, v17  }
0x4ea: {  	v14 =	vadd.s32 v21, v14;
	vm2 =	vgt.s32 v27, v10;
	vm12 =	vgt.s32 v20, v10  }
0x4eb: {  	[tilespmem:$0x1FF50] =	vst v17;
	v17 =	vbroadcast v15, $0x8;
	v14 =	vadd.s32 v18, v14;
	vm6 =	vlt.s32 v16, v11  }
0x4ec: {  	v16 =	vsel vm0, $0x1, v5;
	vm0 =	vmand vm5, vm1;
	v18 =	vbroadcast v15, $0x2  }
0x4ed: {  	vm5 =	vlt.s32 v25, v11;
	v14 =	vadd.s32 v16, v14;
	vm0 =	vmor vm4, vm0  }
0x4ee: {  	v16 =	vbroadcast v15, $0xE;
	vm3 =	vmand vm13, vm6;
	vm4 =	veq.s32 v30, v10  }
0x4ef: {  	v21 =	vsel vm0, $0x1, v5;
	vm0 =	veq.s32 v17, v10;
	vm11 =	vgt.s32 v18, v10  }
0x4f0: {  	vm14 =	veq.s32 v18, v10;
	v18 =	vbroadcast v13, $0xC;
	vm9 =	vgt.s32 v17, v10  }
0x4f1: {  	v17 =	vbroadcast v13, $0xA;
	vm2 =	vmor vm2, vm3;
	v22 =	vsel vm0, $0xFFFFFFFF, v22  }
0x4f2: {  	vm0 =	veq.s32 v20, v10;
	v20 =	vbroadcast v15, $0xB;
	[tilespmem:$0x1FF30] =	vst v22;
	v22 =	vbroadcast v13, $0xD  }
0x4f3: {  	v24 =	vsel vm0, $0xFFFFFFFF, v24;
	vm0 =	veq.s32 v19, v10;
	vm8 =	vlt.s32 v18, v11  }
0x4f4: {  	v18 =	vbroadcast v13, $0x7;
	vm6 =	vlt.s32 v17, v11;
	vm0 =	vmand vm0, vm10  }
0x4f5: {  	vm10 =	vgt.s32 v23, v10;
	vm1 =	vlt.s32 v22, v11;
	v22 =	vimm.s32 $0x0  }
0x4f6: {  	vm13 =	veq.s32 v20, v10;
	v22 =	vsel vm1, $0xFFFFFFFF, v22;
	vm1 =	veq.s32 v23, v10  }
0x4f7: {  	vm15 =	vlt.s32 v18, v11;
	[tilespmem:$0x1FF40] =	vst v22;
	v22 =	vbroadcast v13, $0x2;
	vm1 =	vmand vm1, vm5  }
0x4f8: {  	v18 =	vbroadcast v13, $0x5;
	vm1 =	vmor vm10, vm1;
	vm10 =	vgt.s32 v19, v10  }
0x4f9: {  	v19 =	vbroadcast v13, $0x9;
	v23 =	vsel vm1, $0x1, v5;
	vm1 =	vlt.s32 v22, v11  }
0x4fa: {  	v22 =	vbroadcast v15, $0x9;
	vm0 =	vmor vm10, vm0;
	vm10 =	vgt.s32 v20, v10  }
0x4fb: {  	v15 =	vbroadcast v15, $0xC;
	v29 =	vsel vm0, $0x1, v5;
	vm0 =	vlt.s32 v19, v11  }
0x4fc: {  	vm1 =	vmand vm14, vm1;
	v19 =	vbroadcast v13, $0x6;
	v13 =	vbroadcast v13, $0x8  }
0x4fd: {  	v14 =	vadd.s32 v29, v14;
	vm1 =	vmor vm11, vm1;
	vm3 =	veq.s32 v22, v10  }
0x4fe: {  	vm5 =	vgt.s32 v22, v10;
	vm0 =	vmand vm3, vm0;
	v14 =	vadd.s32 v21, v14  }
0x4ff: {  	vm3 =	veq.s32 v63, v10;
	v17 =	vsel vm1, $0x1, v5;
	vm1 =	vgt.s32 v30, v10  }
0x500: {  	vm0 =	vmor vm5, vm0;
	v17 =	vadd.s32 v17, v14;
	vm5 =	vgt.s32 v63, v10  }
0x501: {  	v14 =	vsel vm0, $0x1, v5;
	vm0 =	vlt.s32 v18, v11;
	v18 =	vsel vm2, $0x1, v5  }
0x502: {  	vm2 =	vmand vm3, vm15;
	vm15 =	vlt.s32 v19, v11;
	v20 =	vadd.s32 v18, v17  }
0x503: {  	vm4 =	vmand vm4, vm15;
	vm2 =	vmor vm5, vm2;
	vm5 =	veq.s32 v15, v10  }
0x504: {  	v18 =	vsel vm2, $0x1, v5;
	vm2 =	vmand vm5, vm8;
	vm8 =	vmor vm1, vm4  }
0x505: {  	vm4 =	vmmov vm9;
	vm9 =	vlt.s32 v13, v11;
	v13 =	vadd.s32 v23, v20;
	v20 =	vld [tilespmem:$0x1FF30];
	_ =	sdelay $0x1  }
0x506: {  	vm11 =	veq.s32 v61, v10  }
0x507: {  	[tilespmem:$0x1FF20] =	vst v24;
	vm14 =	vgt.s32 v61, v10;
	vm6 =	vmand vm11, vm6  }
0x508: {  	vm3 =	vlt.s32 v26, v11;
	v17 =	vld [tilespmem:$0x1FF20];
	vm1 =	vmor vm14, vm6  }
0x509: {  	v19 =	vsel vm1, $0x1, v5;
	vm1 =	vmand vm13, vm3;
	vm3 =	vnez.u8 v20;
	v20 =	vld [tilespmem:$0x1FF40];
	_ =	sdelay $0x2  }
0x50a: {  	vm7 =	vgt.s32 v28, v10  }
0x50b: {  	vm5 =	vmmov vm7  }
0x50c: {  	p2 =	sne.s32 s20, $0x1;
	vm13 =	veq.s32 v16, v10;
	vm11 =	vnez.u8 v17;
	vm6 =	vnez.u8 v20;
	v20 =	vld [tilespmem:$0x1FF50]  }
.Ltmp40:
0x50d: {  	vm10 =	vmor vm10, vm1;
	vm0 =	vmand vm11, vm0;
	vm11 =	vgt.s32 v15, v10;
	(pc) =	sbr.rel @p2 .LBB2_63-.Ltmp40, $4  }
0x50e: {  	vm0 =	vmor vm12, vm0;
	vm2 =	vmor vm11, vm2;
	vm12 =	vgt.s32 v16, v10  }
0x50f: {  	vm11 =	veq.s32 v28, v10;
	v15 =	vsel vm0, $0x1, v5;
	vm0 =	veq.s32 v62, v10  }
0x510: {  	v17 =	vsel vm2, $0x1, v5;
	vm2 =	vgt.s32 v62, v10;
	vm0 =	vmand vm0, vm6  }
0x511: {  	s20 =	sadd.s32 $0xFFFFFFFF, s20;
	s21 =	sadd.s32 $0x10, s21;
	s24 =	sadd.s32 $0x10, s24;
	vm7 =	vmor vm2, vm0;
	vm2 =	vnez.u8 v20;
	v20 =	vadd.s32 v15, v13  }
.LBB2_64:
0x512: {  	vm0 =	vmand vm3, vm9;
	v13 =	vsel vm8, $0x1, v5  }
0x513: {  	vm0 =	vmor vm4, vm0;
	v13 =	vadd.s32 v13, v20  }
0x514: {  	v15 =	vsel vm0, $0x1, v5;
	v13 =	vadd.s32 v18, v13  }
0x515: {  	v13 =	vadd.s32 v15, v13  }
0x516: {  	v13 =	vadd.s32 v14, v13  }
0x517: {  	vm1 =	vlt.s32 v12, v11;
	v14 =	vsel vm10, $0x1, v5;
	v13 =	vadd.s32 v19, v13  }
0x518: {  	vm1 =	vmand vm11, vm1;
	vm0 =	vmand vm13, vm2;
	v12 =	vadd.s32 v14, v13  }
0x519: {  	vm0 =	vmor vm12, vm0;
	v13 =	vsel vm7, $0x1, v5;
	v12 =	vadd.s32 v17, v12  }
0x51a: {  	v14 =	vsel vm0, $0x1, v5;
	vm0 =	vmor vm5, vm1;
	v12 =	vadd.s32 v13, v12  }
0x51b: {  	v13 =	vsel vm0, $0x1, v5;
	v12 =	vadd.s32 v14, v12  }
0x51c: {  	v12 =	vadd.s32 v13, v12;
	v13 =	vld [tilespmem:$0x1FF60];
	_ =	sdelay $0x4  }
0x51d: {  	vm1 =	vnez.u8 v13  }
.LBB2_65:
0x51e: {  	vm0 =	vlt.s32 v12, $0x12C  }
0x51f: {  	vm0 =	vmand vm1, vm0;
	_ =	sdelay $0x5  }
0x520: {  	[tilespmem:v12+s2+$0x0] =	vst.idx.msk vm0, v10  }
0x521: {  	s0 =	rddreg [dreg:$0x1d];
	[tilespmem:v12+s3+$0x0] =	vst.idx.msk vm0, v11  }
0x522: {  	v10 =	vld [tilespmem:s0+$0x7C80]  }
0x523: {  	v11 =	vld [tilespmem:s0+$0x8080]  }
.Ltmp41:
0x524: {  	_ = 	snop;
	(pc) =	sbr.rel @p1 .LBB2_66-.Ltmp41, $3  }
0x525: {  	_ =	sdelay $0x1  }
0x526: {  	vm1 =	vlt.s32 v4, v8  }
0x527: {  	v8 =	vnsel vm1, $0x0, v10;
	v10 =	vnsel vm1, $0x0, v11  }
0x528: {  	s0 =	simm.s32 $0x8080  }
0x529: {  	v13 =	vld [tilespmem:s0+$0x0]  }
0x52a: {  	s24 =	simm.s32 $0x7C80  }
0x52b: {  	v14 =	vld [tilespmem:s24+$0x0];
	_ =	sdelay $0x1  }
0x52c: {  	v11 =	vimm.s32 $0x0  }
0x52d: {  	v11 =	vsel vm1, $0xFFFFFFFF, v11;
	v12 =	vbroadcast v13, $0x0;
	v15 =	vbroadcast v13, $0x1  }
0x52e: {  	[tilespmem:$0x1FF10] =	vst v11;
	v11 =	vbroadcast v13, $0xF;
	v16 =	vbroadcast v13, $0xE  }
0x52f: {  	v17 =	vbroadcast v13, $0x3;
	v19 =	vbroadcast v14, $0xE  }
0x530: {  	v20 =	vbroadcast v13, $0xD;
	v21 =	vbroadcast v14, $0x4  }
0x531: {  	v22 =	vbroadcast v13, $0x4;
	v23 =	vbroadcast v14, $0xA  }
0x532: {  	v59 =	vbroadcast v13, $0xB;
	v24 =	vbroadcast v14, $0x3  }
0x533: {  	v60 =	vbroadcast v14, $0xD;
	v61 =	vbroadcast v14, $0x9  }
0x534: {  	v26 =	vbroadcast v14, $0x7;
	v27 =	vbroadcast v14, $0x6  }
0x535: {  	v62 =	vbroadcast v13, $0x5;
	v63 =	vbroadcast v14, $0xC;
	vm5 =	vlt.s32 v12, v10  }
0x536: {  	v12 =	vbroadcast v14, $0x1;
	vm0 =	vlt.s32 v15, v10;
	v15 =	vbroadcast v14, $0x5  }
0x537: {  	vm2 =	vlt.s32 v16, v10;
	v16 =	vbroadcast v14, $0x8;
	vm10 =	vlt.s32 v17, v10  }
0x538: {  	v17 =	vbroadcast v14, $0x0;
	vm7 =	vlt.s32 v20, v10;
	v20 =	vbroadcast v13, $0x2  }
0x539: {  	vm6 =	veq.s32 v21, v8;
	vm11 =	vlt.s32 v22, v10;
	vm13 =	veq.s32 v19, v8  }
0x53a: {  	vm1 =	vgt.s32 v12, v8;
	vm4 =	veq.s32 v12, v8;
	v12 =	vbroadcast v14, $0x2  }
0x53b: {  	vm11 =	vmand vm6, vm11;
	vm3 =	veq.s32 v16, v8;
	vm0 =	vmand vm4, vm0  }
0x53c: {  	vm8 =	veq.s32 v15, v8;
	vm0 =	vmor vm1, vm0;
	vm9 =	vgt.s32 v12, v8  }
0x53d: {  	vm1 =	veq.s32 v17, v8;
	v18 =	vsel vm0, $0x1, v5;
	vm0 =	veq.s32 v12, v8  }
0x53e: {  	v12 =	vbroadcast v13, $0xC;
	vm1 =	vmand vm1, vm5;
	vm5 =	vgt.s32 v21, v8  }
0x53f: {  	vm4 =	vgt.s32 v16, v8;
	v16 =	vbroadcast v13, $0xA;
	vm11 =	vmor vm5, vm11  }
0x540: {  	vm6 =	vlt.s32 v12, v10;
	v25 =	vsel vm11, $0x1, v5;
	vm11 =	vgt.s32 v17, v8  }
0x541: {  	v12 =	vbroadcast v13, $0x7;
	vm1 =	vmor vm11, vm1;
	vm11 =	veq.s32 v24, v8  }
0x542: {  	v17 =	vbroadcast v13, $0x9;
	vm11 =	vmand vm11, vm10;
	vm10 =	vlt.s32 v20, v10  }
0x543: {  	v20 =	vsel vm1, $0x1, v5;
	vm1 =	vgt.s32 v24, v8;
	vm0 =	vmand vm0, vm10  }
0x544: {  	vm10 =	vgt.s32 v15, v8;
	v15 =	vbroadcast v14, $0xB;
	vm1 =	vmor vm1, vm11  }
0x545: {  	vm11 =	vlt.s32 v17, v10;
	v14 =	vbroadcast v14, $0xF;
	v9 =	vadd.s32 v20, v9  }
0x546: {  	vm0 =	vmor vm9, vm0;
	vm9 =	veq.s32 v61, v8;
	v28 =	vsel vm1, $0x1, v5  }
0x547: {  	vm1 =	vlt.s32 v16, v10;
	v16 =	vbroadcast v13, $0x6;
	v9 =	vadd.s32 v18, v9  }
0x548: {  	v13 =	vbroadcast v13, $0x8;
	vm9 =	vmand vm9, vm11;
	vm11 =	vgt.s32 v61, v8  }
0x549: {  	v17 =	vsel vm0, $0x1, v5;
	vm0 =	vlt.s32 v12, v10;
	vm5 =	vgt.s32 v14, v8  }
0x54a: {  	vm9 =	vmor vm11, vm9;
	vm11 =	veq.s32 v23, v8;
	v9 =	vadd.s32 v17, v9  }
0x54b: {  	v12 =	vsel vm9, $0x1, v5;
	vm9 =	veq.s32 v26, v8;
	vm1 =	vmand vm11, vm1  }
0x54c: {  	vm11 =	veq.s32 v27, v8;
	vm0 =	vmand vm9, vm0;
	vm9 =	vlt.s32 v62, v10  }
0x54d: {  	v9 =	vadd.s32 v28, v9;
	vm8 =	vmand vm8, vm9;
	vm9 =	vlt.s32 v16, v10  }
0x54e: {  	v9 =	vadd.s32 v25, v9;
	vm9 =	vmand vm11, vm9;
	vm11 =	vgt.s32 v26, v8  }
0x54f: {  	vm10 =	vmor vm10, vm8;
	vm8 =	veq.s32 v63, v8;
	vm0 =	vmor vm11, vm0  }
0x550: {  	vm11 =	vgt.s32 v15, v8;
	vm12 =	vmand vm8, vm6;
	vm6 =	vgt.s32 v23, v8  }
0x551: {  	v16 =	vsel vm0, $0x1, v5;
	vm0 =	vgt.s32 v27, v8;
	vm1 =	vmor vm6, vm1  }
0x552: {  	p1 =	sne.s32 s19, $0x1;
	vm8 =	vmor vm0, vm9;
	vm0 =	vgt.s32 v63, v8;
	v17 =	vsel vm1, $0x1, v5  }
.Ltmp42:
0x553: {  	vm1 =	vlt.s32 v59, v10;
	vm9 =	vlt.s32 v13, v10;
	v13 =	vsel vm10, $0x1, v5;
	(pc) =	sbr.rel @!p1 .LBB2_69-.Ltmp42, $4  }
0x554: {  	vm0 =	vmor vm0, vm12;
	vm12 =	veq.s32 v15, v8;
	v18 =	vadd.s32 v13, v9  }
0x555: {  	v15 =	vsel vm0, $0x1, v5;
	vm0 =	veq.s32 v60, v8;
	vm1 =	vmand vm12, vm1  }
0x556: {  	vm12 =	vgt.s32 v60, v8;
	vm0 =	vmand vm0, vm7;
	vm10 =	vmor vm11, vm1  }
0x557: {  	s19 =	sadd.s32 $0xFFFFFFFF, s19;
	s20 =	simm.s32 $0x7C90;
	s21 =	simm.s32 $0x8090;
	vm11 =	veq.s32 v14, v8;
	vm7 =	vmor vm12, vm0;
	vm12 =	vgt.s32 v19, v8  }
.LBB2_68:
0x558: {  	v9 =	vld [tilespmem:s21+$0x0]  }
0x559: {  	vm0 =	vmand vm3, vm9  }
0x55a: {  	vm1 =	vmand vm13, vm2;
	vm3 =	vlt.s32 v11, v10;
	v13 =	vld [tilespmem:s20+$0x0];
	v11 =	vsel vm8, $0x1, v5  }
0x55b: {  	v19 =	vsel vm7, $0x1, v5;
	vm0 =	vmor vm4, vm0;
	v11 =	vadd.s32 v11, v18  }
0x55c: {  	v22 =	vimm.s32 $0x0;
	v14 =	vsel vm0, $0x1, v5;
	v11 =	vadd.s32 v16, v11  }
0x55d: {  	vm1 =	vmor vm12, vm1;
	v14 =	vadd.s32 v14, v11;
	v20 =	vbroadcast v9, $0x0  }
0x55e: {  	v12 =	vadd.s32 v12, v14;
	v11 =	vbroadcast v9, $0xF;
	v14 =	vbroadcast v9, $0x1  }
0x55f: {  	v21 =	vbroadcast v9, $0xE;
	v12 =	vadd.s32 v17, v12;
	v17 =	vbroadcast v13, $0x1  }
0x560: {  	v18 =	vsel vm10, $0x1, v5;
	v59 =	vbroadcast v13, $0x4;
	v60 =	vbroadcast v13, $0xA  }
0x561: {  	v16 =	vsel vm1, $0x1, v5;
	v23 =	vbroadcast v9, $0x4;
	v24 =	vbroadcast v9, $0xB  }
0x562: {  	vm0 =	vmand vm11, vm3;
	v25 =	vbroadcast v13, $0x3;
	v61 =	vbroadcast v13, $0xD  }
0x563: {  	vm0 =	vmor vm5, vm0;
	v63 =	vbroadcast v13, $0x7;
	v26 =	vbroadcast v13, $0xF  }
0x564: {  	v28 =	vbroadcast v13, $0x6;
	v12 =	vadd.s32 v18, v12;
	v18 =	vbroadcast v13, $0x5  }
0x565: {  	vm10 =	vlt.s32 v20, v10;
	vm1 =	vlt.s32 v14, v10;
	v12 =	vadd.s32 v15, v12  }
0x566: {  	v14 =	vbroadcast v9, $0x3;
	vm2 =	vlt.s32 v21, v10;
	v15 =	vimm.s32 $0x0  }
0x567: {  	vm4 =	vgt.s32 v17, v8;
	vm5 =	veq.s32 v17, v8;
	v17 =	vbroadcast v13, $0x0  }
0x568: {  	v20 =	vimm.s32 $0x0;
	vm13 =	veq.s32 v25, v8;
	v15 =	vsel vm2, $0xFFFFFFFF, v15  }
0x569: {  	v12 =	vadd.s32 v19, v12;
	vm2 =	vgt.s32 v25, v8;
	vm12 =	vgt.s32 v18, v8  }
0x56a: {  	[tilespmem:$0x1FF00] =	vst v15;
	v15 =	vbroadcast v13, $0x8;
	v12 =	vadd.s32 v16, v12;
	vm6 =	vlt.s32 v14, v10  }
0x56b: {  	v14 =	vsel vm0, $0x1, v5;
	vm0 =	vmand vm5, vm1;
	v16 =	vbroadcast v13, $0x2  }
0x56c: {  	vm5 =	vlt.s32 v23, v10;
	v12 =	vadd.s32 v14, v12;
	vm0 =	vmor vm4, vm0  }
0x56d: {  	v14 =	vbroadcast v13, $0xE;
	vm3 =	vmand vm13, vm6;
	vm4 =	veq.s32 v28, v8  }
0x56e: {  	v19 =	vsel vm0, $0x1, v5;
	vm0 =	veq.s32 v15, v8;
	vm11 =	vgt.s32 v16, v8  }
0x56f: {  	vm14 =	veq.s32 v16, v8;
	v16 =	vbroadcast v9, $0xC;
	vm9 =	vgt.s32 v15, v8  }
0x570: {  	v15 =	vbroadcast v9, $0xA;
	vm2 =	vmor vm2, vm3;
	v20 =	vsel vm0, $0xFFFFFFFF, v20  }
0x571: {  	vm0 =	veq.s32 v18, v8;
	v18 =	vbroadcast v13, $0xB;
	[tilespmem:$0x1FEE0] =	vst v20;
	v20 =	vbroadcast v9, $0xD  }
0x572: {  	v22 =	vsel vm0, $0xFFFFFFFF, v22;
	vm0 =	veq.s32 v17, v8;
	vm8 =	vlt.s32 v16, v10  }
0x573: {  	v16 =	vbroadcast v9, $0x7;
	vm6 =	vlt.s32 v15, v10;
	vm0 =	vmand vm0, vm10  }
0x574: {  	vm10 =	vgt.s32 v59, v8;
	vm1 =	vlt.s32 v20, v10;
	v20 =	vimm.s32 $0x0  }
0x575: {  	vm13 =	veq.s32 v18, v8;
	v20 =	vsel vm1, $0xFFFFFFFF, v20;
	vm1 =	veq.s32 v59, v8  }
0x576: {  	vm15 =	vlt.s32 v16, v10;
	[tilespmem:$0x1FEF0] =	vst v20;
	v20 =	vbroadcast v9, $0x2;
	vm1 =	vmand vm1, vm5  }
0x577: {  	v16 =	vbroadcast v9, $0x5;
	vm1 =	vmor vm10, vm1;
	vm10 =	vgt.s32 v17, v8  }
0x578: {  	v17 =	vbroadcast v9, $0x9;
	v62 =	vsel vm1, $0x1, v5;
	vm1 =	vlt.s32 v20, v10  }
0x579: {  	v20 =	vbroadcast v13, $0x9;
	vm0 =	vmor vm10, vm0;
	vm10 =	vgt.s32 v18, v8  }
0x57a: {  	v13 =	vbroadcast v13, $0xC;
	v27 =	vsel vm0, $0x1, v5;
	vm0 =	vlt.s32 v17, v10  }
0x57b: {  	vm1 =	vmand vm14, vm1;
	v17 =	vbroadcast v9, $0x6;
	v9 =	vbroadcast v9, $0x8  }
0x57c: {  	v12 =	vadd.s32 v27, v12;
	vm1 =	vmor vm11, vm1;
	vm3 =	veq.s32 v20, v8  }
0x57d: {  	vm5 =	vgt.s32 v20, v8;
	vm0 =	vmand vm3, vm0;
	v12 =	vadd.s32 v19, v12  }
0x57e: {  	vm3 =	veq.s32 v63, v8;
	v15 =	vsel vm1, $0x1, v5;
	vm1 =	vgt.s32 v28, v8  }
0x57f: {  	vm0 =	vmor vm5, vm0;
	v15 =	vadd.s32 v15, v12;
	vm5 =	vgt.s32 v63, v8  }
0x580: {  	v12 =	vsel vm0, $0x1, v5;
	vm0 =	vlt.s32 v16, v10;
	v16 =	vsel vm2, $0x1, v5  }
0x581: {  	vm2 =	vmand vm3, vm15;
	vm15 =	vlt.s32 v17, v10;
	v18 =	vadd.s32 v16, v15  }
0x582: {  	vm4 =	vmand vm4, vm15;
	vm2 =	vmor vm5, vm2;
	vm5 =	veq.s32 v13, v8  }
0x583: {  	v16 =	vsel vm2, $0x1, v5;
	vm2 =	vmand vm5, vm8;
	vm8 =	vmor vm1, vm4  }
0x584: {  	vm4 =	vmmov vm9;
	vm9 =	vlt.s32 v9, v10;
	v9 =	vadd.s32 v62, v18;
	v18 =	vld [tilespmem:$0x1FEE0];
	_ =	sdelay $0x1  }
0x585: {  	vm11 =	veq.s32 v60, v8  }
0x586: {  	[tilespmem:$0x1FED0] =	vst v22;
	vm14 =	vgt.s32 v60, v8;
	vm6 =	vmand vm11, vm6  }
0x587: {  	vm3 =	vlt.s32 v24, v10;
	v15 =	vld [tilespmem:$0x1FED0];
	vm1 =	vmor vm14, vm6  }
0x588: {  	v17 =	vsel vm1, $0x1, v5;
	vm1 =	vmand vm13, vm3;
	vm3 =	vnez.u8 v18;
	v18 =	vld [tilespmem:$0x1FEF0];
	_ =	sdelay $0x2  }
0x589: {  	vm7 =	vgt.s32 v26, v8  }
0x58a: {  	vm5 =	vmmov vm7  }
0x58b: {  	p1 =	sne.s32 s19, $0x1;
	vm13 =	veq.s32 v14, v8;
	vm11 =	vnez.u8 v15;
	vm6 =	vnez.u8 v18;
	v18 =	vld [tilespmem:$0x1FF00]  }
.Ltmp43:
0x58c: {  	vm10 =	vmor vm10, vm1;
	vm0 =	vmand vm11, vm0;
	vm11 =	vgt.s32 v13, v8;
	(pc) =	sbr.rel @p1 .LBB2_68-.Ltmp43, $4  }
0x58d: {  	vm0 =	vmor vm12, vm0;
	vm2 =	vmor vm11, vm2;
	vm12 =	vgt.s32 v14, v8  }
0x58e: {  	vm11 =	veq.s32 v26, v8;
	v13 =	vsel vm0, $0x1, v5;
	vm0 =	veq.s32 v61, v8  }
0x58f: {  	v15 =	vsel vm2, $0x1, v5;
	vm2 =	vgt.s32 v61, v8;
	vm0 =	vmand vm0, vm6  }
0x590: {  	s19 =	sadd.s32 $0xFFFFFFFF, s19;
	s20 =	sadd.s32 $0x10, s20;
	s21 =	sadd.s32 $0x10, s21;
	vm7 =	vmor vm2, vm0;
	vm2 =	vnez.u8 v18;
	v18 =	vadd.s32 v13, v9  }
.LBB2_69:
0x591: {  	vm0 =	vmand vm3, vm9;
	v9 =	vsel vm8, $0x1, v5  }
0x592: {  	vm0 =	vmor vm4, vm0;
	v9 =	vadd.s32 v9, v18  }
0x593: {  	v13 =	vsel vm0, $0x1, v5;
	v9 =	vadd.s32 v16, v9  }
0x594: {  	v9 =	vadd.s32 v13, v9  }
0x595: {  	v9 =	vadd.s32 v12, v9  }
0x596: {  	v62 =	vsel vm10, $0x1, v5;
	vm1 =	vlt.s32 v11, v10;
	v9 =	vadd.s32 v17, v9  }
0x597: {  	v11 =	vsel vm7, $0x1, v5;
	vm0 =	vmand vm13, vm2;
	v9 =	vadd.s32 v62, v9  }
0x598: {  	vm1 =	vmand vm11, vm1;
	vm0 =	vmor vm12, vm0;
	v9 =	vadd.s32 v15, v9  }
0x599: {  	v63 =	vsel vm0, $0x1, v5;
	vm0 =	vmor vm5, vm1;
	v9 =	vadd.s32 v11, v9  }
0x59a: {  	v11 =	vsel vm0, $0x1, v5;
	v9 =	vadd.s32 v63, v9  }
0x59b: {  	v9 =	vadd.s32 v11, v9;
	v11 =	vld [tilespmem:$0x1FF10]  }
.Ltmp44:
0x59c: {  	_ = 	snop;
	(pc) =	sbr.rel .LBB2_70-.Ltmp44, $2  }
0x59d: {  	_ =	sdelay $0x2  }
0x59e: {  	s17 =	rddreg [dreg:$0xe];
	vm1 =	vnez.u8 v11  }
.LBB2_35:
.Ltmp45:
0x59f: {  	(pc) =	sbr.rel .LBB2_39-.Ltmp45, $2  }
0x5a0: {  	_ =	sdelay $0x2  }
0x5a1: {  	s6 =	simm.s32 $0x7000  }
.LBB2_37:
.Ltmp46:
0x5a2: {  	(pc) =	sbr.rel .LBB2_39-.Ltmp46, $2  }
0x5a3: {  	_ =	sdelay $0x2  }
0x5a4: {  	s6 =	simm.s32 $0x7000  }
.LBB2_71:
0x5a5: {  	_ =	sfence.sel $0x180000  }
0x5a6: {  	[bflag:$0x0] =	sbarrier.arrive $0xFFFF  }
0x5a7: {  	_ =	strace $0x90000047  }
0x5a8: {  	[bflag:$0x2] =	sbarrier.arrive $0xFFFF  }
0x5a9: {  	s0 =	rddreg [dreg:$0xd]  }
0x5aa: {  	s0 =	sadd.s32 @!p0 $0x100000, s0  }
0x5ab: {  	[sflag:s0] =	ssyncadd.tile.s32 @!p0 $0x1;
	_ =	shalt  }
.Lfunc_end2:
_tile_overlayer_lowered:
.L_overlay_start_2:
0x5ac: {  	(tag) =	ssettag $0x2  }
0x5ad: {  	s0 =	rddreg [dreg:$0x0];
	s2 =	stileid.u32  }
0x5ae: {  	s1 =	rddreg [dreg:$0x1];
	p0 =	sne.s32 s2, $0x0  }
0x5af: {  	s3 =	rddreg [dreg:$0x2];
	[bflag:$0x3] =	sbarrier.arrive $0xFFFF;
	s2 =	simm.s32 @!p0 $0x1C01  }
0x5b0: {  	[timem:s3], [sflag:s2] =	dma.local @!p0 [hbm:s0], s1  }
0x5b1: {  	s0 =	simm.s32 @!p0 $0x1  }
0x5b2: {  	_ =	swait.ge @!p0 [sflag:s0], s1  }
0x5b3: {  	s1 =	ssub.s32 @!p0 $0x0, s1;
	[sflag:s0] =	ssyncset.done @!p0 $0x0  }
0x5b4: {  	[sflag:s0] =	ssyncadd.s32 @!p0 s1  }
0x5b5: {  	[bflag:$0x3] =	sbarrier.arrive $0xFFFF  }
0x5b6: {  	_ =	shalt  }

</sc_bundles>
